<compile_context>
chip_gen: v7x
topology: tpu7x:2x2x1
jax: 0.10.2.dev20260603
libtpu: 0.0.44.dev20260713+nightly
codegen_flags: <defaults>
</compile_context>

<pallas_src>
import functools

import jax
import jax.numpy as jnp
from jax import lax
from jax.experimental import pallas as pl
from jax.experimental.pallas import tpu as pltpu
from jax.experimental.pallas import tpu_sc as plsc

N = 10000
E = 320000
D = 128
HALF = 64
EPS = 1e-7

NSUB = 16
EDGES_PER_SUB = E // NSUB
CHUNK = 80
NCHUNK = EDGES_PER_SUB // CHUNK
ROWS_PER_SUB = N // NSUB
FIN_CHUNK = 125
NFIN = ROWS_PER_SUB // FIN_CHUNK


def _edge_encode_body(attr_ref, w_ref, out_ref):
    out_ref[...] = jnp.dot(attr_ref[...], w_ref[0],
                           preferred_element_type=jnp.float32)[None]


def _edge_encode(edge_attr, W_edge):
    EB = 1000
    attr2 = edge_attr.reshape(E // 2, 32)
    eye2 = jnp.eye(2, dtype=jnp.float32)
    w_bd = jnp.stack([jnp.kron(eye2, W_edge[:, :HALF]),
                      jnp.kron(eye2, W_edge[:, HALF:])])
    return pl.pallas_call(
        _edge_encode_body,
        grid=(2, (E // 2) // EB),
        in_specs=[
            pl.BlockSpec((EB, 32), lambda h, i: (i, 0)),
            pl.BlockSpec((1, 32, D), lambda h, i: (h, 0, 0)),
        ],
        out_specs=pl.BlockSpec((1, EB, D), lambda h, i: (h, i, 0)),
        out_shape=jax.ShapeDtypeStruct((2, E // 2, D), jnp.float32),
    )(attr2, w_bd)


def _sc_aggregate(x2, e2, srcadj, dst, t):
    mesh = plsc.VectorSubcoreMesh(core_axis_name="c", subcore_axis_name="s")

    @functools.partial(
        pl.kernel,
        out_type=jax.ShapeDtypeStruct((N, D), jnp.float32),
        mesh=mesh,
        compiler_params=pltpu.CompilerParams(use_tc_tiling_on_sc=False),
        scratch_types=[
            pltpu.VMEM((2, CHUNK), jnp.int32),
            pltpu.VMEM((2, CHUNK), jnp.int32),
            pltpu.VMEM((2, CHUNK, HALF), jnp.float32),
            pltpu.VMEM((2, CHUNK // 2, D), jnp.float32),
            pltpu.VMEM((2, CHUNK, HALF), jnp.float32),
            pltpu.VMEM((HALF,), jnp.float32),
            pltpu.VMEM((FIN_CHUNK, HALF), jnp.float32),
            pltpu.VMEM((FIN_CHUNK, HALF), jnp.float32),
            pltpu.VMEM_SHARED((N, HALF), jnp.float32),
            pltpu.VMEM_SHARED((N, HALF), jnp.float32),
            [pltpu.SemaphoreType.DMA] * 2,
            [pltpu.SemaphoreType.DMA] * 2,
        ],
    )
    def body(x2_hbm, e2_hbm, srcadj_hbm, dst_hbm, t_hbm, out_hbm,
             sidx, didx, xbuf, ebuf, exb, tbuf, nbuf, dbuf, num_sh, den_sh,
             dsem, isem):
        c = lax.axis_index("c")
        s = lax.axis_index("s")
        row0 = s * ROWS_PER_SUB

        def zero_rb(r, rcarry):
            for j in range(HALF // 16):
                nbuf[r, pl.ds(j * 16, 16)] = jnp.zeros((16,), jnp.float32)
            return rcarry

        lax.fori_loop(0, FIN_CHUNK, zero_rb, 0)
        for k in range(NFIN):
            zrows = pl.ds(row0 + k * FIN_CHUNK, FIN_CHUNK)
            pltpu.sync_copy(nbuf, num_sh.at[zrows, :])
            pltpu.sync_copy(nbuf, den_sh.at[zrows, :])
        pltpu.sync_copy(t_hbm.at[pl.ds(c * HALF, HALF)], tbuf)
        plsc.subcore_barrier()

        ebase = s * EDGES_PER_SUB
        LAST = NCHUNK - 1

        def issue_idx(i, b):
            base = ebase + i * CHUNK
            pltpu.async_copy(srcadj_hbm.at[c, pl.ds(base, CHUNK)],
                             sidx.at[b], isem[b])
            pltpu.async_copy(dst_hbm.at[pl.ds(base, CHUNK)],
                             didx.at[b], isem[b])

        def issue_data(i, b):
            pbase = s * (EDGES_PER_SUB // 2) + i * (CHUNK // 2)
            pltpu.async_copy(x2_hbm.at[sidx.at[b]], xbuf.at[b], dsem[b])
            pltpu.async_copy(e2_hbm.at[c, pl.ds(pbase, CHUNK // 2), :],
                             ebuf.at[b], dsem[b])

        def wait_idx(b):
            pltpu.make_async_copy(dst_hbm.at[pl.ds(0, CHUNK)],
                                  sidx.at[b], isem[b]).wait()
            pltpu.make_async_copy(dst_hbm.at[pl.ds(0, CHUNK)],
                                  didx.at[b], isem[b]).wait()

        def wait_data(b):
            pltpu.make_async_copy(x2_hbm.at[pl.ds(0, CHUNK), :],
                                  xbuf.at[b], dsem[b]).wait()
            pltpu.make_async_copy(e2_hbm.at[0, pl.ds(0, CHUNK // 2), :],
                                  ebuf.at[b], dsem[b]).wait()

        def stage(i, b, nb):
            wait_idx(nb)
            issue_data(jnp.minimum(i + 1, LAST), nb)
            wait_data(b)
            xb = xbuf.at[b]
            eb = ebuf.at[b]
            xx = exb.at[b]

            @plsc.parallel_loop(0, CHUNK // 2, unroll=4)
            def row_body(pr):
                for k in range(2):
                    r = 2 * pr + k
                    for j in range(HALF // 16):
                        sl = pl.ds(j * 16, 16)
                        xv = xb[r, sl]
                        ev = eb[pr, pl.ds(k * HALF + j * 16, 16)]
                        m = jnp.maximum(xv + ev, 0.0) + EPS
                        ex = jnp.exp(m * tbuf[sl])
                        xx[r, sl] = ex
                        xb[r, sl] = ex * m

            pltpu.sync_copy(xb, num_sh.at[didx.at[b]], add=True)
            pltpu.sync_copy(xx, den_sh.at[didx.at[b]], add=True)
            issue_idx(jnp.minimum(i + 2, LAST), b)

        issue_idx(0, 0)
        wait_idx(0)
        issue_data(0, 0)
        issue_idx(jnp.minimum(1, LAST), 1)

        def pair_body(k, carry):
            i = 2 * k
            stage(i, 0, 1)
            stage(i + 1, 1, 0)
            return carry

        lax.fori_loop(0, NCHUNK // 2, pair_body, 0)
        wait_data(0)
        wait_idx(1)
        plsc.subcore_barrier()

        def fin_body(k, carry):
            r0 = row0 + k * FIN_CHUNK
            pltpu.sync_copy(num_sh.at[pl.ds(r0, FIN_CHUNK), :], nbuf)
            pltpu.sync_copy(den_sh.at[pl.ds(r0, FIN_CHUNK), :], dbuf)

            def rb(r, rcarry):
                for j in range(HALF // 16):
                    sl = pl.ds(j * 16, 16)
                    nbuf[r, sl] = nbuf[r, sl] / (dbuf[r, sl] + 1e-16)
                return rcarry

            lax.fori_loop(0, FIN_CHUNK, rb, 0)
            pltpu.sync_copy(
                nbuf, out_hbm.at[pl.ds(r0, FIN_CHUNK), pl.ds(c * HALF, HALF)])
            return carry

        lax.fori_loop(0, NFIN, fin_body, 0)

    return body(x2, e2, srcadj, dst, t)


def _mlp_body(x_ref, a_ref, w1_ref, b1_ref, w2_ref, b2_ref, o_ref):
    h = x_ref[...] + a_ref[...]
    h1 = jnp.maximum(
        jnp.dot(h, w1_ref[...], preferred_element_type=jnp.float32)
        + b1_ref[...], 0.0)
    h2 = jnp.dot(h1, w2_ref[...], preferred_element_type=jnp.float32) \
        + b2_ref[...]
    o_ref[...] = x_ref[...] + jnp.maximum(h2, 0.0)


def _mlp(x, aggr, W1, b1, W2, b2):
    RB = 2000
    return pl.pallas_call(
        _mlp_body,
        grid=(N // RB,),
        in_specs=[
            pl.BlockSpec((RB, D), lambda i: (i, 0)),
            pl.BlockSpec((RB, D), lambda i: (i, 0)),
            pl.BlockSpec((D, 2 * D), lambda i: (0, 0)),
            pl.BlockSpec((1, 2 * D), lambda i: (0, 0)),
            pl.BlockSpec((2 * D, D), lambda i: (0, 0)),
            pl.BlockSpec((1, D), lambda i: (0, 0)),
        ],
        out_specs=pl.BlockSpec((RB, D), lambda i: (i, 0)),
        out_shape=jax.ShapeDtypeStruct((N, D), jnp.float32),
    )(x, aggr, W1, b1, W2, b2)


def kernel(x, edge_index, edge_attr, W_edge, t, W1, b1, W2, b2):
    src = edge_index[0].astype(jnp.int32)
    dst = edge_index[1].astype(jnp.int32)
    srcadj = jnp.stack([src, src + N])
    x2 = jnp.concatenate([x[:, :HALF], x[:, HALF:]], axis=0)
    e2 = _edge_encode(edge_attr, W_edge)
    aggr = _sc_aggregate(x2, e2, srcadj, dst, t)
    return _mlp(x, aggr, W1, b1.reshape(1, -1), W2, b2.reshape(1, -1))

# --- scband reference (transcript-rebuilt; emitter-appended) ---
"""Pipeline reference for scband-genconv-layer-74371653698181 (READ-ONLY COPY).

The authoritative reference and input builder live on the scoring server;
editing this copy changes nothing except your own understanding.
"""

import jax, jax.numpy as jnp
import numpy as np

N = 10000
E = 320000
D = 128
ED = 16
EPS = 1e-7


def setup_inputs(seed: int = 0) -> dict:
    key = jax.random.key(seed)
    ks = jax.random.split(key, 8)
    x = jax.random.normal(ks[0], (N, D), dtype=jnp.float32)
    edge_index = jax.random.randint(ks[1], (2, E), 0, N)
    edge_attr = jax.random.normal(ks[2], (E, ED), dtype=jnp.float32)
    # Learned parameters (GENConv-style: edge encoder, softmax-aggr temperature, 2-layer MLP)
    W_edge = jax.random.normal(ks[3], (ED, D), dtype=jnp.float32) * (1.0 / np.sqrt(ED))
    t = jnp.ones((D,), dtype=jnp.float32)
    W1 = jax.random.normal(ks[4], (D, 2 * D), dtype=jnp.float32) * (1.0 / np.sqrt(D))
    b1 = jnp.zeros((2 * D,), dtype=jnp.float32)
    W2 = jax.random.normal(ks[5], (2 * D, D), dtype=jnp.float32) * (1.0 / np.sqrt(2 * D))
    b2 = jnp.zeros((D,), dtype=jnp.float32)
    return {"x": x, "edge_index": edge_index, "edge_attr": edge_attr,
            "W_edge": W_edge, "t": t, "W1": W1, "b1": b1, "W2": W2, "b2": b2}


def reference(x, edge_index, edge_attr, W_edge, t, W1, b1, W2, b2):
    src = edge_index[0]
    dst = edge_index[1]
    # edge feature encoding
    e = edge_attr @ W_edge
    # GENConv message: relu(x_j + e) + eps
    msg = jax.nn.relu(jnp.take(x, src, axis=0) + e) + EPS
    # softmax aggregation over incoming edges (per-dst, per-channel), temperature t
    logits = msg * t
    seg_max = jax.ops.segment_max(logits, dst, num_segments=N)
    seg_max = jnp.where(jnp.isfinite(seg_max), seg_max, 0.0)
    seg_max = jax.lax.stop_gradient(seg_max)
    ex = jnp.exp(logits - jnp.take(seg_max, dst, axis=0))
    denom = jax.ops.segment_sum(ex, dst, num_segments=N)
    alpha = ex / (jnp.take(denom, dst, axis=0) + 1e-16)
    aggr = jax.ops.segment_sum(alpha * msg, dst, num_segments=N)
    # update MLP on (x_i + aggr)
    h = x + aggr
    h = jax.nn.relu(h @ W1 + b1) @ W2 + b2
    # wrapper: activation (dropout is identity at eval) + residual
    out = jax.nn.relu(h)
    out = x + out
    return out

if __name__ == "__main__":
    import jax
    _d = setup_inputs()
    print(jax.jit(kernel)(*tuple(_d.values())))

</pallas_src>

<mosaic_0001>
#map = affine_map<(d0, d1) -> (0, 0)>
#map1 = affine_map<(d0, d1) -> (0, 0, 0)>
#map2 = affine_map<(d0, d1) -> (0)>
module attributes {stable_mosaic.version = 14 : i64} {
  func.func @body(%arg0: i32, %arg1: i32, %arg2: memref<20000x64xf32, #tpu.memory_space<hbm>>, %arg3: memref<2x160000x128xf32, #tpu.memory_space<hbm>>, %arg4: memref<2x320000xi32, #tpu.memory_space<hbm>>, %arg5: memref<320000xi32, #tpu.memory_space<hbm>>, %arg6: memref<128xf32, #tpu.memory_space<hbm>>, %arg7: memref<10000x128xf32, #tpu.memory_space<hbm>>, %arg8: memref<2x80xi32, #tpu.memory_space<vmem>>, %arg9: memref<2x80xi32, #tpu.memory_space<vmem>>, %arg10: memref<2x80x64xf32, #tpu.memory_space<vmem>>, %arg11: memref<2x40x128xf32, #tpu.memory_space<vmem>>, %arg12: memref<2x80x64xf32, #tpu.memory_space<vmem>>, %arg13: memref<64xf32, #tpu.memory_space<vmem>>, %arg14: memref<125x64xf32, #tpu.memory_space<vmem>>, %arg15: memref<125x64xf32, #tpu.memory_space<vmem>>, %arg16: memref<10000x64xf32, #tpu.memory_space<vmem_shared>>, %arg17: memref<10000x64xf32, #tpu.memory_space<vmem_shared>>, %arg18: memref<!tpu.dma_semaphore, #tpu.memory_space<semaphore_mem>>, %arg19: memref<!tpu.dma_semaphore, #tpu.memory_space<semaphore_mem>>, %arg20: memref<!tpu.dma_semaphore, #tpu.memory_space<semaphore_mem>>, %arg21: memref<!tpu.dma_semaphore, #tpu.memory_space<semaphore_mem>>) attributes {dimension_semantics = [#tpu.dimension_semantics<core_parallel>, #tpu.dimension_semantics<subcore_parallel>], iteration_bounds = array<i64: 2, 16>, scalar_prefetch = 0 : i64, scratch_operands = 14 : i64, tpu.core_type = #tpu.core_type<sc_vector_subcore>, window_params = [{transform_indices = #map}, {transform_indices = #map1}, {transform_indices = #map}, {transform_indices = #map2}, {transform_indices = #map2}, {transform_indices = #map}]} {
    %mul3A = arith.constant 625 : i32
    %mul3A_0 = arith.muli %arg1, %mul3A : i32
    %scan3A = arith.constant 0 : i32
    %scan3A_1 = arith.constant 0 : i32
    %scan3A_2 = arith.constant 125 : i32
    %scan3A_3 = arith.addi %scan3A_1, %scan3A_2 : i32
    %scan3A_4 = arith.constant 1 : i32
    scf.for %scan3A_185 = %scan3A_1 to %scan3A_3 step %scan3A_4  : i32 {
      %broadcast_in_dim3A = arith.constant 0.000000e+00 : f32
      %broadcast_in_dim3A_186 = vector.broadcast %broadcast_in_dim3A : f32 to vector<16xf32>
      %swap3A = arith.index_cast %scan3A_185 : i32 to index
      %swap3A_187 = arith.constant 0 : index
      %swap3A_188 = tpu.vector_load %arg14[%swap3A, %swap3A_187] {strides = array<i32>} : memref<125x64xf32, #tpu.memory_space<vmem>>, vector<1x16xf32>,
      %swap3A_189 = vector.shape_cast %swap3A_188 : vector<1x16xf32> to vector<16xf32>
      %swap3A_190 = vector.shape_cast %broadcast_in_dim3A_186 : vector<16xf32> to vector<1x16xf32>
      tpu.vector_store %arg14[%swap3A, %swap3A_187], %swap3A_190 {strides = array<i32>} : memref<125x64xf32, #tpu.memory_space<vmem>>, vector<1x16xf32>,
      %broadcast_in_dim3A_191 = arith.constant 0.000000e+00 : f32
      %broadcast_in_dim3A_192 = vector.broadcast %broadcast_in_dim3A_191 : f32 to vector<16xf32>
      %swap3A_193 = arith.index_cast %scan3A_185 : i32 to index
      %swap3A_194 = arith.constant 16 : index
      %swap3A_195 = tpu.vector_load %arg14[%swap3A_193, %swap3A_194] {strides = array<i32>} : memref<125x64xf32, #tpu.memory_space<vmem>>, vector<1x16xf32>,
      %swap3A_196 = vector.shape_cast %swap3A_195 : vector<1x16xf32> to vector<16xf32>
      %swap3A_197 = vector.shape_cast %broadcast_in_dim3A_192 : vector<16xf32> to vector<1x16xf32>
      tpu.vector_store %arg14[%swap3A_193, %swap3A_194], %swap3A_197 {strides = array<i32>} : memref<125x64xf32, #tpu.memory_space<vmem>>, vector<1x16xf32>,
      %broadcast_in_dim3A_198 = arith.constant 0.000000e+00 : f32
      %broadcast_in_dim3A_199 = vector.broadcast %broadcast_in_dim3A_198 : f32 to vector<16xf32>
      %swap3A_200 = arith.index_cast %scan3A_185 : i32 to index
      %swap3A_201 = arith.constant 32 : index
      %swap3A_202 = tpu.vector_load %arg14[%swap3A_200, %swap3A_201] {strides = array<i32>} : memref<125x64xf32, #tpu.memory_space<vmem>>, vector<1x16xf32>,
      %swap3A_203 = vector.shape_cast %swap3A_202 : vector<1x16xf32> to vector<16xf32>
      %swap3A_204 = vector.shape_cast %broadcast_in_dim3A_199 : vector<16xf32> to vector<1x16xf32>
      tpu.vector_store %arg14[%swap3A_200, %swap3A_201], %swap3A_204 {strides = array<i32>} : memref<125x64xf32, #tpu.memory_space<vmem>>, vector<1x16xf32>,
      %broadcast_in_dim3A_205 = arith.constant 0.000000e+00 : f32
      %broadcast_in_dim3A_206 = vector.broadcast %broadcast_in_dim3A_205 : f32 to vector<16xf32>
      %swap3A_207 = arith.index_cast %scan3A_185 : i32 to index
      %swap3A_208 = arith.constant 48 : index
      %swap3A_209 = tpu.vector_load %arg14[%swap3A_207, %swap3A_208] {strides = array<i32>} : memref<125x64xf32, #tpu.memory_space<vmem>>, vector<1x16xf32>,
      %swap3A_210 = vector.shape_cast %swap3A_209 : vector<1x16xf32> to vector<16xf32>
      %swap3A_211 = vector.shape_cast %broadcast_in_dim3A_206 : vector<16xf32> to vector<1x16xf32>
      tpu.vector_store %arg14[%swap3A_207, %swap3A_208], %swap3A_211 {strides = array<i32>} : memref<125x64xf32, #tpu.memory_space<vmem>>, vector<1x16xf32>,
    }
    %scan3A_5 = arith.constant 125 : i32
    %add3A = arith.constant 0 : i32
    %add3A_6 = arith.addi %mul3A_0, %add3A : i32
    "tpu.region"() ({
      %run_scoped3A = tpu.sem_alloc : memref<!tpu.dma_semaphore, #tpu.memory_space<semaphore_mem>>
      %dma_start3A_185 = arith.constant 0 : i32
      %dma_start3A_186 = tpu.memref_slice %arg16[%add3A_6, %dma_start3A_185] : memref<10000x64xf32, #tpu.memory_space<vmem_shared>> -> memref<125x64xf32, #tpu.memory_space<vmem_shared>>
      %dma_start3A_187 = arith.constant 0 : i32
      %dma_start3A_188 = tpu.memref_slice %arg16[%add3A_6, %dma_start3A_187] : memref<10000x64xf32, #tpu.memory_space<vmem_shared>> -> memref<125x64xf32, #tpu.memory_space<vmem_shared>>
      tpu.enqueue_dma source(%arg14 : memref<125x64xf32, #tpu.memory_space<vmem>>) target(%dma_start3A_188 : memref<125x64xf32, #tpu.memory_space<vmem_shared>>) target_semaphore(%run_scoped3A : memref<!tpu.dma_semaphore, #tpu.memory_space<semaphore_mem>>)
      %dma_wait3A_189 = arith.constant 0 : i32
      %dma_wait3A_190 = tpu.memref_slice %arg16[%add3A_6, %dma_wait3A_189] : memref<10000x64xf32, #tpu.memory_space<vmem_shared>> -> memref<125x64xf32, #tpu.memory_space<vmem_shared>>
      %dma_wait3A_191 = arith.constant 0 : i32
      %dma_wait3A_192 = tpu.memref_slice %arg16[%add3A_6, %dma_wait3A_191] : memref<10000x64xf32, #tpu.memory_space<vmem_shared>> -> memref<125x64xf32, #tpu.memory_space<vmem_shared>>
      tpu.wait_dma2 semaphore(%run_scoped3A : memref<!tpu.dma_semaphore, #tpu.memory_space<semaphore_mem>>) src(%arg14 : memref<125x64xf32, #tpu.memory_space<vmem>>) dst(%dma_wait3A_192 : memref<125x64xf32, #tpu.memory_space<vmem_shared>>)
      tpu.yield
    }) : () -> ()
    "tpu.region"() ({
      %run_scoped3A = tpu.sem_alloc : memref<!tpu.dma_semaphore, #tpu.memory_space<semaphore_mem>>
      %dma_start3A_185 = arith.constant 0 : i32
      %dma_start3A_186 = tpu.memref_slice %arg17[%add3A_6, %dma_start3A_185] : memref<10000x64xf32, #tpu.memory_space<vmem_shared>> -> memref<125x64xf32, #tpu.memory_space<vmem_shared>>
      %dma_start3A_187 = arith.constant 0 : i32
      %dma_start3A_188 = tpu.memref_slice %arg17[%add3A_6, %dma_start3A_187] : memref<10000x64xf32, #tpu.memory_space<vmem_shared>> -> memref<125x64xf32, #tpu.memory_space<vmem_shared>>
      tpu.enqueue_dma source(%arg14 : memref<125x64xf32, #tpu.memory_space<vmem>>) target(%dma_start3A_188 : memref<125x64xf32, #tpu.memory_space<vmem_shared>>) target_semaphore(%run_scoped3A : memref<!tpu.dma_semaphore, #tpu.memory_space<semaphore_mem>>)
      %dma_wait3A_189 = arith.constant 0 : i32
      %dma_wait3A_190 = tpu.memref_slice %arg17[%add3A_6, %dma_wait3A_189] : memref<10000x64xf32, #tpu.memory_space<vmem_shared>> -> memref<125x64xf32, #tpu.memory_space<vmem_shared>>
      %dma_wait3A_191 = arith.constant 0 : i32
      %dma_wait3A_192 = tpu.memref_slice %arg17[%add3A_6, %dma_wait3A_191] : memref<10000x64xf32, #tpu.memory_space<vmem_shared>> -> memref<125x64xf32, #tpu.memory_space<vmem_shared>>
      tpu.wait_dma2 semaphore(%run_scoped3A : memref<!tpu.dma_semaphore, #tpu.memory_space<semaphore_mem>>) src(%arg14 : memref<125x64xf32, #tpu.memory_space<vmem>>) dst(%dma_wait3A_192 : memref<125x64xf32, #tpu.memory_space<vmem_shared>>)
      tpu.yield
    }) : () -> ()
    %add3A_7 = arith.constant 125 : i32
    %add3A_8 = arith.addi %mul3A_0, %add3A_7 : i32
    "tpu.region"() ({
      %run_scoped3A = tpu.sem_alloc : memref<!tpu.dma_semaphore, #tpu.memory_space<semaphore_mem>>
      %dma_start3A_185 = arith.constant 0 : i32
      %dma_start3A_186 = tpu.memref_slice %arg16[%add3A_8, %dma_start3A_185] : memref<10000x64xf32, #tpu.memory_space<vmem_shared>> -> memref<125x64xf32, #tpu.memory_space<vmem_shared>>
      %dma_start3A_187 = arith.constant 0 : i32
      %dma_start3A_188 = tpu.memref_slice %arg16[%add3A_8, %dma_start3A_187] : memref<10000x64xf32, #tpu.memory_space<vmem_shared>> -> memref<125x64xf32, #tpu.memory_space<vmem_shared>>
      tpu.enqueue_dma source(%arg14 : memref<125x64xf32, #tpu.memory_space<vmem>>) target(%dma_start3A_188 : memref<125x64xf32, #tpu.memory_space<vmem_shared>>) target_semaphore(%run_scoped3A : memref<!tpu.dma_semaphore, #tpu.memory_space<semaphore_mem>>)
      %dma_wait3A_189 = arith.constant 0 : i32
      %dma_wait3A_190 = tpu.memref_slice %arg16[%add3A_8, %dma_wait3A_189] : memref<10000x64xf32, #tpu.memory_space<vmem_shared>> -> memref<125x64xf32, #tpu.memory_space<vmem_shared>>
      %dma_wait3A_191 = arith.constant 0 : i32
      %dma_wait3A_192 = tpu.memref_slice %arg16[%add3A_8, %dma_wait3A_191] : memref<10000x64xf32, #tpu.memory_space<vmem_shared>> -> memref<125x64xf32, #tpu.memory_space<vmem_shared>>
      tpu.wait_dma2 semaphore(%run_scoped3A : memref<!tpu.dma_semaphore, #tpu.memory_space<semaphore_mem>>) src(%arg14 : memref<125x64xf32, #tpu.memory_space<vmem>>) dst(%dma_wait3A_192 : memref<125x64xf32, #tpu.memory_space<vmem_shared>>)
      tpu.yield
    }) : () -> ()
    "tpu.region"() ({
      %run_scoped3A = tpu.sem_alloc : memref<!tpu.dma_semaphore, #tpu.memory_space<semaphore_mem>>
      %dma_start3A_185 = arith.constant 0 : i32
      %dma_start3A_186 = tpu.memref_slice %arg17[%add3A_8, %dma_start3A_185] : memref<10000x64xf32, #tpu.memory_space<vmem_shared>> -> memref<125x64xf32, #tpu.memory_space<vmem_shared>>
      %dma_start3A_187 = arith.constant 0 : i32
      %dma_start3A_188 = tpu.memref_slice %arg17[%add3A_8, %dma_start3A_187] : memref<10000x64xf32, #tpu.memory_space<vmem_shared>> -> memref<125x64xf32, #tpu.memory_space<vmem_shared>>
      tpu.enqueue_dma source(%arg14 : memref<125x64xf32, #tpu.memory_space<vmem>>) target(%dma_start3A_188 : memref<125x64xf32, #tpu.memory_space<vmem_shared>>) target_semaphore(%run_scoped3A : memref<!tpu.dma_semaphore, #tpu.memory_space<semaphore_mem>>)
      %dma_wait3A_189 = arith.constant 0 : i32
      %dma_wait3A_190 = tpu.memref_slice %arg17[%add3A_8, %dma_wait3A_189] : memref<10000x64xf32, #tpu.memory_space<vmem_shared>> -> memref<125x64xf32, #tpu.memory_space<vmem_shared>>
      %dma_wait3A_191 = arith.constant 0 : i32
      %dma_wait3A_192 = tpu.memref_slice %arg17[%add3A_8, %dma_wait3A_191] : memref<10000x64xf32, #tpu.memory_space<vmem_shared>> -> memref<125x64xf32, #tpu.memory_space<vmem_shared>>
      tpu.wait_dma2 semaphore(%run_scoped3A : memref<!tpu.dma_semaphore, #tpu.memory_space<semaphore_mem>>) src(%arg14 : memref<125x64xf32, #tpu.memory_space<vmem>>) dst(%dma_wait3A_192 : memref<125x64xf32, #tpu.memory_space<vmem_shared>>)
      tpu.yield
    }) : () -> ()
    %add3A_9 = arith.constant 250 : i32
    %add3A_10 = arith.addi %mul3A_0, %add3A_9 : i32
    "tpu.region"() ({
      %run_scoped3A = tpu.sem_alloc : memref<!tpu.dma_semaphore, #tpu.memory_space<semaphore_mem>>
      %dma_start3A_185 = arith.constant 0 : i32
      %dma_start3A_186 = tpu.memref_slice %arg16[%add3A_10, %dma_start3A_185] : memref<10000x64xf32, #tpu.memory_space<vmem_shared>> -> memref<125x64xf32, #tpu.memory_space<vmem_shared>>
      %dma_start3A_187 = arith.constant 0 : i32
      %dma_start3A_188 = tpu.memref_slice %arg16[%add3A_10, %dma_start3A_187] : memref<10000x64xf32, #tpu.memory_space<vmem_shared>> -> memref<125x64xf32, #tpu.memory_space<vmem_shared>>
      tpu.enqueue_dma source(%arg14 : memref<125x64xf32, #tpu.memory_space<vmem>>) target(%dma_start3A_188 : memref<125x64xf32, #tpu.memory_space<vmem_shared>>) target_semaphore(%run_scoped3A : memref<!tpu.dma_semaphore, #tpu.memory_space<semaphore_mem>>)
      %dma_wait3A_189 = arith.constant 0 : i32
      %dma_wait3A_190 = tpu.memref_slice %arg16[%add3A_10, %dma_wait3A_189] : memref<10000x64xf32, #tpu.memory_space<vmem_shared>> -> memref<125x64xf32, #tpu.memory_space<vmem_shared>>
      %dma_wait3A_191 = arith.constant 0 : i32
      %dma_wait3A_192 = tpu.memref_slice %arg16[%add3A_10, %dma_wait3A_191] : memref<10000x64xf32, #tpu.memory_space<vmem_shared>> -> memref<125x64xf32, #tpu.memory_space<vmem_shared>>
      tpu.wait_dma2 semaphore(%run_scoped3A : memref<!tpu.dma_semaphore, #tpu.memory_space<semaphore_mem>>) src(%arg14 : memref<125x64xf32, #tpu.memory_space<vmem>>) dst(%dma_wait3A_192 : memref<125x64xf32, #tpu.memory_space<vmem_shared>>)
      tpu.yield
    }) : () -> ()
    "tpu.region"() ({
      %run_scoped3A = tpu.sem_alloc : memref<!tpu.dma_semaphore, #tpu.memory_space<semaphore_mem>>
      %dma_start3A_185 = arith.constant 0 : i32
      %dma_start3A_186 = tpu.memref_slice %arg17[%add3A_10, %dma_start3A_185] : memref<10000x64xf32, #tpu.memory_space<vmem_shared>> -> memref<125x64xf32, #tpu.memory_space<vmem_shared>>
      %dma_start3A_187 = arith.constant 0 : i32
      %dma_start3A_188 = tpu.memref_slice %arg17[%add3A_10, %dma_start3A_187] : memref<10000x64xf32, #tpu.memory_space<vmem_shared>> -> memref<125x64xf32, #tpu.memory_space<vmem_shared>>
      tpu.enqueue_dma source(%arg14 : memref<125x64xf32, #tpu.memory_space<vmem>>) target(%dma_start3A_188 : memref<125x64xf32, #tpu.memory_space<vmem_shared>>) target_semaphore(%run_scoped3A : memref<!tpu.dma_semaphore, #tpu.memory_space<semaphore_mem>>)
      %dma_wait3A_189 = arith.constant 0 : i32
      %dma_wait3A_190 = tpu.memref_slice %arg17[%add3A_10, %dma_wait3A_189] : memref<10000x64xf32, #tpu.memory_space<vmem_shared>> -> memref<125x64xf32, #tpu.memory_space<vmem_shared>>
      %dma_wait3A_191 = arith.constant 0 : i32
      %dma_wait3A_192 = tpu.memref_slice %arg17[%add3A_10, %dma_wait3A_191] : memref<10000x64xf32, #tpu.memory_space<vmem_shared>> -> memref<125x64xf32, #tpu.memory_space<vmem_shared>>
      tpu.wait_dma2 semaphore(%run_scoped3A : memref<!tpu.dma_semaphore, #tpu.memory_space<semaphore_mem>>) src(%arg14 : memref<125x64xf32, #tpu.memory_space<vmem>>) dst(%dma_wait3A_192 : memref<125x64xf32, #tpu.memory_space<vmem_shared>>)
      tpu.yield
    }) : () -> ()
    %add3A_11 = arith.constant 375 : i32
    %add3A_12 = arith.addi %mul3A_0, %add3A_11 : i32
    "tpu.region"() ({
      %run_scoped3A = tpu.sem_alloc : memref<!tpu.dma_semaphore, #tpu.memory_space<semaphore_mem>>
      %dma_start3A_185 = arith.constant 0 : i32
      %dma_start3A_186 = tpu.memref_slice %arg16[%add3A_12, %dma_start3A_185] : memref<10000x64xf32, #tpu.memory_space<vmem_shared>> -> memref<125x64xf32, #tpu.memory_space<vmem_shared>>
      %dma_start3A_187 = arith.constant 0 : i32
      %dma_start3A_188 = tpu.memref_slice %arg16[%add3A_12, %dma_start3A_187] : memref<10000x64xf32, #tpu.memory_space<vmem_shared>> -> memref<125x64xf32, #tpu.memory_space<vmem_shared>>
      tpu.enqueue_dma source(%arg14 : memref<125x64xf32, #tpu.memory_space<vmem>>) target(%dma_start3A_188 : memref<125x64xf32, #tpu.memory_space<vmem_shared>>) target_semaphore(%run_scoped3A : memref<!tpu.dma_semaphore, #tpu.memory_space<semaphore_mem>>)
      %dma_wait3A_189 = arith.constant 0 : i32
      %dma_wait3A_190 = tpu.memref_slice %arg16[%add3A_12, %dma_wait3A_189] : memref<10000x64xf32, #tpu.memory_space<vmem_shared>> -> memref<125x64xf32, #tpu.memory_space<vmem_shared>>
      %dma_wait3A_191 = arith.constant 0 : i32
      %dma_wait3A_192 = tpu.memref_slice %arg16[%add3A_12, %dma_wait3A_191] : memref<10000x64xf32, #tpu.memory_space<vmem_shared>> -> memref<125x64xf32, #tpu.memory_space<vmem_shared>>
      tpu.wait_dma2 semaphore(%run_scoped3A : memref<!tpu.dma_semaphore, #tpu.memory_space<semaphore_mem>>) src(%arg14 : memref<125x64xf32, #tpu.memory_space<vmem>>) dst(%dma_wait3A_192 : memref<125x64xf32, #tpu.memory_space<vmem_shared>>)
      tpu.yield
    }) : () -> ()
    "tpu.region"() ({
      %run_scoped3A = tpu.sem_alloc : memref<!tpu.dma_semaphore, #tpu.memory_space<semaphore_mem>>
      %dma_start3A_185 = arith.constant 0 : i32
      %dma_start3A_186 = tpu.memref_slice %arg17[%add3A_12, %dma_start3A_185] : memref<10000x64xf32, #tpu.memory_space<vmem_shared>> -> memref<125x64xf32, #tpu.memory_space<vmem_shared>>
      %dma_start3A_187 = arith.constant 0 : i32
      %dma_start3A_188 = tpu.memref_slice %arg17[%add3A_12, %dma_start3A_187] : memref<10000x64xf32, #tpu.memory_space<vmem_shared>> -> memref<125x64xf32, #tpu.memory_space<vmem_shared>>
      tpu.enqueue_dma source(%arg14 : memref<125x64xf32, #tpu.memory_space<vmem>>) target(%dma_start3A_188 : memref<125x64xf32, #tpu.memory_space<vmem_shared>>) target_semaphore(%run_scoped3A : memref<!tpu.dma_semaphore, #tpu.memory_space<semaphore_mem>>)
      %dma_wait3A_189 = arith.constant 0 : i32
      %dma_wait3A_190 = tpu.memref_slice %arg17[%add3A_12, %dma_wait3A_189] : memref<10000x64xf32, #tpu.memory_space<vmem_shared>> -> memref<125x64xf32, #tpu.memory_space<vmem_shared>>
      %dma_wait3A_191 = arith.constant 0 : i32
      %dma_wait3A_192 = tpu.memref_slice %arg17[%add3A_12, %dma_wait3A_191] : memref<10000x64xf32, #tpu.memory_space<vmem_shared>> -> memref<125x64xf32, #tpu.memory_space<vmem_shared>>
      tpu.wait_dma2 semaphore(%run_scoped3A : memref<!tpu.dma_semaphore, #tpu.memory_space<semaphore_mem>>) src(%arg14 : memref<125x64xf32, #tpu.memory_space<vmem>>) dst(%dma_wait3A_192 : memref<125x64xf32, #tpu.memory_space<vmem_shared>>)
      tpu.yield
    }) : () -> ()
    %add3A_13 = arith.constant 500 : i32
    %add3A_14 = arith.addi %mul3A_0, %add3A_13 : i32
    "tpu.region"() ({
      %run_scoped3A = tpu.sem_alloc : memref<!tpu.dma_semaphore, #tpu.memory_space<semaphore_mem>>
      %dma_start3A_185 = arith.constant 0 : i32
      %dma_start3A_186 = tpu.memref_slice %arg16[%add3A_14, %dma_start3A_185] : memref<10000x64xf32, #tpu.memory_space<vmem_shared>> -> memref<125x64xf32, #tpu.memory_space<vmem_shared>>
      %dma_start3A_187 = arith.constant 0 : i32
      %dma_start3A_188 = tpu.memref_slice %arg16[%add3A_14, %dma_start3A_187] : memref<10000x64xf32, #tpu.memory_space<vmem_shared>> -> memref<125x64xf32, #tpu.memory_space<vmem_shared>>
      tpu.enqueue_dma source(%arg14 : memref<125x64xf32, #tpu.memory_space<vmem>>) target(%dma_start3A_188 : memref<125x64xf32, #tpu.memory_space<vmem_shared>>) target_semaphore(%run_scoped3A : memref<!tpu.dma_semaphore, #tpu.memory_space<semaphore_mem>>)
      %dma_wait3A_189 = arith.constant 0 : i32
      %dma_wait3A_190 = tpu.memref_slice %arg16[%add3A_14, %dma_wait3A_189] : memref<10000x64xf32, #tpu.memory_space<vmem_shared>> -> memref<125x64xf32, #tpu.memory_space<vmem_shared>>
      %dma_wait3A_191 = arith.constant 0 : i32
      %dma_wait3A_192 = tpu.memref_slice %arg16[%add3A_14, %dma_wait3A_191] : memref<10000x64xf32, #tpu.memory_space<vmem_shared>> -> memref<125x64xf32, #tpu.memory_space<vmem_shared>>
      tpu.wait_dma2 semaphore(%run_scoped3A : memref<!tpu.dma_semaphore, #tpu.memory_space<semaphore_mem>>) src(%arg14 : memref<125x64xf32, #tpu.memory_space<vmem>>) dst(%dma_wait3A_192 : memref<125x64xf32, #tpu.memory_space<vmem_shared>>)
      tpu.yield
    }) : () -> ()
    "tpu.region"() ({
      %run_scoped3A = tpu.sem_alloc : memref<!tpu.dma_semaphore, #tpu.memory_space<semaphore_mem>>
      %dma_start3A_185 = arith.constant 0 : i32
      %dma_start3A_186 = tpu.memref_slice %arg17[%add3A_14, %dma_start3A_185] : memref<10000x64xf32, #tpu.memory_space<vmem_shared>> -> memref<125x64xf32, #tpu.memory_space<vmem_shared>>
      %dma_start3A_187 = arith.constant 0 : i32
      %dma_start3A_188 = tpu.memref_slice %arg17[%add3A_14, %dma_start3A_187] : memref<10000x64xf32, #tpu.memory_space<vmem_shared>> -> memref<125x64xf32, #tpu.memory_space<vmem_shared>>
      tpu.enqueue_dma source(%arg14 : memref<125x64xf32, #tpu.memory_space<vmem>>) target(%dma_start3A_188 : memref<125x64xf32, #tpu.memory_space<vmem_shared>>) target_semaphore(%run_scoped3A : memref<!tpu.dma_semaphore, #tpu.memory_space<semaphore_mem>>)
      %dma_wait3A_189 = arith.constant 0 : i32
      %dma_wait3A_190 = tpu.memref_slice %arg17[%add3A_14, %dma_wait3A_189] : memref<10000x64xf32, #tpu.memory_space<vmem_shared>> -> memref<125x64xf32, #tpu.memory_space<vmem_shared>>
      %dma_wait3A_191 = arith.constant 0 : i32
      %dma_wait3A_192 = tpu.memref_slice %arg17[%add3A_14, %dma_wait3A_191] : memref<10000x64xf32, #tpu.memory_space<vmem_shared>> -> memref<125x64xf32, #tpu.memory_space<vmem_shared>>
      tpu.wait_dma2 semaphore(%run_scoped3A : memref<!tpu.dma_semaphore, #tpu.memory_space<semaphore_mem>>) src(%arg14 : memref<125x64xf32, #tpu.memory_space<vmem>>) dst(%dma_wait3A_192 : memref<125x64xf32, #tpu.memory_space<vmem_shared>>)
      tpu.yield
    }) : () -> ()
    %mul3A_15 = arith.constant 64 : i32
    %mul3A_16 = arith.muli %arg0, %mul3A_15 : i32
    "tpu.region"() ({
      %run_scoped3A = tpu.sem_alloc : memref<!tpu.dma_semaphore, #tpu.memory_space<semaphore_mem>>
      %dma_start3A_185 = tpu.memref_slice %arg6[%mul3A_16] : memref<128xf32, #tpu.memory_space<hbm>> -> memref<64xf32, #tpu.memory_space<hbm>>
      %dma_start3A_186 = tpu.memref_slice %arg6[%mul3A_16] : memref<128xf32, #tpu.memory_space<hbm>> -> memref<64xf32, #tpu.memory_space<hbm>>
      tpu.enqueue_dma source(%dma_start3A_186 : memref<64xf32, #tpu.memory_space<hbm>>) target(%arg13 : memref<64xf32, #tpu.memory_space<vmem>>) target_semaphore(%run_scoped3A : memref<!tpu.dma_semaphore, #tpu.memory_space<semaphore_mem>>)
      %dma_wait3A_187 = tpu.memref_slice %arg6[%mul3A_16] : memref<128xf32, #tpu.memory_space<hbm>> -> memref<64xf32, #tpu.memory_space<hbm>>
      %dma_wait3A_188 = tpu.memref_slice %arg6[%mul3A_16] : memref<128xf32, #tpu.memory_space<hbm>> -> memref<64xf32, #tpu.memory_space<hbm>>
      tpu.wait_dma2 semaphore(%run_scoped3A : memref<!tpu.dma_semaphore, #tpu.memory_space<semaphore_mem>>) src(%dma_wait3A_188 : memref<64xf32, #tpu.memory_space<hbm>>) dst(%arg13 : memref<64xf32, #tpu.memory_space<vmem>>)
      tpu.yield
    }) : () -> ()
    %barrier3A = arith.constant 0 : index
    tpu.barrier barrier_id(%barrier3A)
    %mul3A_17 = arith.constant 20000 : i32
    %mul3A_18 = arith.muli %arg1, %mul3A_17 : i32
    %add3A_19 = arith.constant 0 : i32
    %add3A_20 = arith.addi %mul3A_18, %add3A_19 : i32
    %dma_start3A = arith.constant 0 : i32
    %dma_start3A_21 = arith.constant 0 : i32
    %dma_start3A_22 = tpu.memref_slice %arg8[%dma_start3A, %dma_start3A_21] : memref<2x80xi32, #tpu.memory_space<vmem>> -> memref<1x80xi32, #tpu.memory_space<vmem>>
    %dma_start3A_23 = tpu.memref_squeeze %dma_start3A_22 : memref<1x80xi32, #tpu.memory_space<vmem>> -> memref<80xi32, #tpu.memory_space<vmem>>
    %dma_start3A_24 = tpu.memref_slice %arg4[%arg0, %add3A_20] : memref<2x320000xi32, #tpu.memory_space<hbm>> -> memref<1x80xi32, #tpu.memory_space<hbm>>
    %dma_start3A_25 = tpu.memref_squeeze %dma_start3A_24 : memref<1x80xi32, #tpu.memory_space<hbm>> -> memref<80xi32, #tpu.memory_space<hbm>>
    %dma_start3A_26 = arith.constant 0 : i32
    %dma_start3A_27 = tpu.memref_slice %arg8[%dma_start3A, %dma_start3A_26] : memref<2x80xi32, #tpu.memory_space<vmem>> -> memref<1x80xi32, #tpu.memory_space<vmem>>
    %dma_start3A_28 = tpu.memref_squeeze %dma_start3A_27 : memref<1x80xi32, #tpu.memory_space<vmem>> -> memref<80xi32, #tpu.memory_space<vmem>>
    %dma_start3A_29 = tpu.memref_slice %arg4[%arg0, %add3A_20] : memref<2x320000xi32, #tpu.memory_space<hbm>> -> memref<1x80xi32, #tpu.memory_space<hbm>>
    %dma_start3A_30 = tpu.memref_squeeze %dma_start3A_29 : memref<1x80xi32, #tpu.memory_space<hbm>> -> memref<80xi32, #tpu.memory_space<hbm>>
    tpu.enqueue_dma source(%dma_start3A_30 : memref<80xi32, #tpu.memory_space<hbm>>) target(%dma_start3A_28 : memref<80xi32, #tpu.memory_space<vmem>>) target_semaphore(%arg20 : memref<!tpu.dma_semaphore, #tpu.memory_space<semaphore_mem>>)
    %dma_start3A_31 = arith.constant 0 : i32
    %dma_start3A_32 = arith.constant 0 : i32
    %dma_start3A_33 = tpu.memref_slice %arg9[%dma_start3A_31, %dma_start3A_32] : memref<2x80xi32, #tpu.memory_space<vmem>> -> memref<1x80xi32, #tpu.memory_space<vmem>>
    %dma_start3A_34 = tpu.memref_squeeze %dma_start3A_33 : memref<1x80xi32, #tpu.memory_space<vmem>> -> memref<80xi32, #tpu.memory_space<vmem>>
    %dma_start3A_35 = tpu.memref_slice %arg5[%add3A_20] : memref<320000xi32, #tpu.memory_space<hbm>> -> memref<80xi32, #tpu.memory_space<hbm>>
    %dma_start3A_36 = arith.constant 0 : i32
    %dma_start3A_37 = tpu.memref_slice %arg9[%dma_start3A_31, %dma_start3A_36] : memref<2x80xi32, #tpu.memory_space<vmem>> -> memref<1x80xi32, #tpu.memory_space<vmem>>
    %dma_start3A_38 = tpu.memref_squeeze %dma_start3A_37 : memref<1x80xi32, #tpu.memory_space<vmem>> -> memref<80xi32, #tpu.memory_space<vmem>>
    %dma_start3A_39 = tpu.memref_slice %arg5[%add3A_20] : memref<320000xi32, #tpu.memory_space<hbm>> -> memref<80xi32, #tpu.memory_space<hbm>>
    tpu.enqueue_dma source(%dma_start3A_39 : memref<80xi32, #tpu.memory_space<hbm>>) target(%dma_start3A_38 : memref<80xi32, #tpu.memory_space<vmem>>) target_semaphore(%arg20 : memref<!tpu.dma_semaphore, #tpu.memory_space<semaphore_mem>>)
    %dma_wait3A = arith.constant 0 : i32
    %dma_wait3A_40 = arith.constant 0 : i32
    %dma_wait3A_41 = tpu.memref_slice %arg8[%dma_wait3A, %dma_wait3A_40] : memref<2x80xi32, #tpu.memory_space<vmem>> -> memref<1x80xi32, #tpu.memory_space<vmem>>
    %dma_wait3A_42 = tpu.memref_squeeze %dma_wait3A_41 : memref<1x80xi32, #tpu.memory_space<vmem>> -> memref<80xi32, #tpu.memory_space<vmem>>
    %dma_wait3A_43 = arith.constant 0 : i32
    %dma_wait3A_44 = tpu.memref_slice %arg5[%dma_wait3A_43] : memref<320000xi32, #tpu.memory_space<hbm>> -> memref<80xi32, #tpu.memory_space<hbm>>
    %dma_wait3A_45 = arith.constant 0 : i32
    %dma_wait3A_46 = tpu.memref_slice %arg8[%dma_wait3A, %dma_wait3A_45] : memref<2x80xi32, #tpu.memory_space<vmem>> -> memref<1x80xi32, #tpu.memory_space<vmem>>
    %dma_wait3A_47 = tpu.memref_squeeze %dma_wait3A_46 : memref<1x80xi32, #tpu.memory_space<vmem>> -> memref<80xi32, #tpu.memory_space<vmem>>
    %dma_wait3A_48 = arith.constant 0 : i32
    %dma_wait3A_49 = tpu.memref_slice %arg5[%dma_wait3A_48] : memref<320000xi32, #tpu.memory_space<hbm>> -> memref<80xi32, #tpu.memory_space<hbm>>
    tpu.wait_dma2 semaphore(%arg20 : memref<!tpu.dma_semaphore, #tpu.memory_space<semaphore_mem>>) src(%dma_wait3A_49 : memref<80xi32, #tpu.memory_space<hbm>>) dst(%dma_wait3A_47 : memref<80xi32, #tpu.memory_space<vmem>>)
    %dma_wait3A_50 = arith.constant 0 : i32
    %dma_wait3A_51 = arith.constant 0 : i32
    %dma_wait3A_52 = tpu.memref_slice %arg9[%dma_wait3A_50, %dma_wait3A_51] : memref<2x80xi32, #tpu.memory_space<vmem>> -> memref<1x80xi32, #tpu.memory_space<vmem>>
    %dma_wait3A_53 = tpu.memref_squeeze %dma_wait3A_52 : memref<1x80xi32, #tpu.memory_space<vmem>> -> memref<80xi32, #tpu.memory_space<vmem>>
    %dma_wait3A_54 = arith.constant 0 : i32
    %dma_wait3A_55 = tpu.memref_slice %arg5[%dma_wait3A_54] : memref<320000xi32, #tpu.memory_space<hbm>> -> memref<80xi32, #tpu.memory_space<hbm>>
    %dma_wait3A_56 = arith.constant 0 : i32
    %dma_wait3A_57 = tpu.memref_slice %arg9[%dma_wait3A_50, %dma_wait3A_56] : memref<2x80xi32, #tpu.memory_space<vmem>> -> memref<1x80xi32, #tpu.memory_space<vmem>>
    %dma_wait3A_58 = tpu.memref_squeeze %dma_wait3A_57 : memref<1x80xi32, #tpu.memory_space<vmem>> -> memref<80xi32, #tpu.memory_space<vmem>>
    %dma_wait3A_59 = arith.constant 0 : i32
    %dma_wait3A_60 = tpu.memref_slice %arg5[%dma_wait3A_59] : memref<320000xi32, #tpu.memory_space<hbm>> -> memref<80xi32, #tpu.memory_space<hbm>>
    tpu.wait_dma2 semaphore(%arg20 : memref<!tpu.dma_semaphore, #tpu.memory_space<semaphore_mem>>) src(%dma_wait3A_60 : memref<80xi32, #tpu.memory_space<hbm>>) dst(%dma_wait3A_58 : memref<80xi32, #tpu.memory_space<vmem>>)
    %mul3A_61 = arith.constant 10000 : i32
    %mul3A_62 = arith.muli %arg1, %mul3A_61 : i32
    %add3A_63 = arith.constant 0 : i32
    %add3A_64 = arith.addi %mul3A_62, %add3A_63 : i32
    %dma_start3A_65 = arith.constant 0 : i32
    %dma_start3A_66 = arith.constant 0 : i32
    %dma_start3A_67 = arith.constant 0 : i32
    %dma_start3A_68 = arith.constant 0 : i32
    %dma_start3A_69 = tpu.memref_slice %arg10[%dma_start3A_66, %dma_start3A_67, %dma_start3A_68] : memref<2x80x64xf32, #tpu.memory_space<vmem>> -> memref<1x80x64xf32, #tpu.memory_space<vmem>>
    %dma_start3A_70 = tpu.memref_squeeze %dma_start3A_69 : memref<1x80x64xf32, #tpu.memory_space<vmem>> -> memref<80x64xf32, #tpu.memory_space<vmem>>
    %dma_start3A_71 = arith.constant 0 : i32
    %dma_start3A_72 = tpu.memref_slice %arg8[%dma_start3A_65, %dma_start3A_71] : memref<2x80xi32, #tpu.memory_space<vmem>> -> memref<1x80xi32, #tpu.memory_space<vmem>>
    %dma_start3A_73 = tpu.memref_squeeze %dma_start3A_72 : memref<1x80xi32, #tpu.memory_space<vmem>> -> memref<80xi32, #tpu.memory_space<vmem>>
    %dma_start3A_74 = arith.constant 0 : i32
    %dma_start3A_75 = arith.constant 0 : i32
    %dma_start3A_76 = tpu.memref_slice %arg2[%dma_start3A_74, %dma_start3A_75] : memref<20000x64xf32, #tpu.memory_space<hbm>> -> memref<20000x64xf32, #tpu.memory_space<hbm>>
    tpu.enqueue_indirect_dma source(%dma_start3A_76 : memref<20000x64xf32, #tpu.memory_space<hbm>>) target(%dma_start3A_70 : memref<80x64xf32, #tpu.memory_space<vmem>>) offsets(%dma_start3A_73 : memref<80xi32, #tpu.memory_space<vmem>>) semaphore(%arg18 : memref<!tpu.dma_semaphore, #tpu.memory_space<semaphore_mem>>)
    %dma_start3A_77 = arith.constant 0 : i32
    %dma_start3A_78 = arith.constant 0 : i32
    %dma_start3A_79 = arith.constant 0 : i32
    %dma_start3A_80 = tpu.memref_slice %arg11[%dma_start3A_77, %dma_start3A_78, %dma_start3A_79] : memref<2x40x128xf32, #tpu.memory_space<vmem>> -> memref<1x40x128xf32, #tpu.memory_space<vmem>>
    %dma_start3A_81 = tpu.memref_squeeze %dma_start3A_80 : memref<1x40x128xf32, #tpu.memory_space<vmem>> -> memref<40x128xf32, #tpu.memory_space<vmem>>
    %dma_start3A_82 = arith.constant 0 : i32
    %dma_start3A_83 = tpu.memref_slice %arg3[%arg0, %add3A_64, %dma_start3A_82] : memref<2x160000x128xf32, #tpu.memory_space<hbm>> -> memref<1x40x128xf32, #tpu.memory_space<hbm>>
    %dma_start3A_84 = tpu.memref_squeeze %dma_start3A_83 : memref<1x40x128xf32, #tpu.memory_space<hbm>> -> memref<40x128xf32, #tpu.memory_space<hbm>>
    %dma_start3A_85 = arith.constant 0 : i32
    %dma_start3A_86 = arith.constant 0 : i32
    %dma_start3A_87 = tpu.memref_slice %arg11[%dma_start3A_77, %dma_start3A_85, %dma_start3A_86] : memref<2x40x128xf32, #tpu.memory_space<vmem>> -> memref<1x40x128xf32, #tpu.memory_space<vmem>>
    %dma_start3A_88 = tpu.memref_squeeze %dma_start3A_87 : memref<1x40x128xf32, #tpu.memory_space<vmem>> -> memref<40x128xf32, #tpu.memory_space<vmem>>
    %dma_start3A_89 = arith.constant 0 : i32
    %dma_start3A_90 = tpu.memref_slice %arg3[%arg0, %add3A_64, %dma_start3A_89] : memref<2x160000x128xf32, #tpu.memory_space<hbm>> -> memref<1x40x128xf32, #tpu.memory_space<hbm>>
    %dma_start3A_91 = tpu.memref_squeeze %dma_start3A_90 : memref<1x40x128xf32, #tpu.memory_space<hbm>> -> memref<40x128xf32, #tpu.memory_space<hbm>>
    tpu.enqueue_dma source(%dma_start3A_91 : memref<40x128xf32, #tpu.memory_space<hbm>>) target(%dma_start3A_88 : memref<40x128xf32, #tpu.memory_space<vmem>>) target_semaphore(%arg18 : memref<!tpu.dma_semaphore, #tpu.memory_space<semaphore_mem>>)
    %min3A = arith.constant 1 : i32
    %min3A_92 = arith.constant 249 : i32
    %min3A_93 = arith.minsi %min3A, %min3A_92 : i32
    %mul3A_94 = arith.constant 80 : i32
    %mul3A_95 = arith.muli %min3A_93, %mul3A_94 : i32
    %add3A_96 = arith.addi %mul3A_18, %mul3A_95 : i32
    %dma_start3A_97 = arith.constant 1 : i32
    %dma_start3A_98 = arith.constant 0 : i32
    %dma_start3A_99 = tpu.memref_slice %arg8[%dma_start3A_97, %dma_start3A_98] : memref<2x80xi32, #tpu.memory_space<vmem>> -> memref<1x80xi32, #tpu.memory_space<vmem>>
    %dma_start3A_100 = tpu.memref_squeeze %dma_start3A_99 : memref<1x80xi32, #tpu.memory_space<vmem>> -> memref<80xi32, #tpu.memory_space<vmem>>
    %dma_start3A_101 = tpu.memref_slice %arg4[%arg0, %add3A_96] : memref<2x320000xi32, #tpu.memory_space<hbm>> -> memref<1x80xi32, #tpu.memory_space<hbm>>
    %dma_start3A_102 = tpu.memref_squeeze %dma_start3A_101 : memref<1x80xi32, #tpu.memory_space<hbm>> -> memref<80xi32, #tpu.memory_space<hbm>>
    %dma_start3A_103 = arith.constant 0 : i32
    %dma_start3A_104 = tpu.memref_slice %arg8[%dma_start3A_97, %dma_start3A_103] : memref<2x80xi32, #tpu.memory_space<vmem>> -> memref<1x80xi32, #tpu.memory_space<vmem>>
    %dma_start3A_105 = tpu.memref_squeeze %dma_start3A_104 : memref<1x80xi32, #tpu.memory_space<vmem>> -> memref<80xi32, #tpu.memory_space<vmem>>
    %dma_start3A_106 = tpu.memref_slice %arg4[%arg0, %add3A_96] : memref<2x320000xi32, #tpu.memory_space<hbm>> -> memref<1x80xi32, #tpu.memory_space<hbm>>
    %dma_start3A_107 = tpu.memref_squeeze %dma_start3A_106 : memref<1x80xi32, #tpu.memory_space<hbm>> -> memref<80xi32, #tpu.memory_space<hbm>>
    tpu.enqueue_dma source(%dma_start3A_107 : memref<80xi32, #tpu.memory_space<hbm>>) target(%dma_start3A_105 : memref<80xi32, #tpu.memory_space<vmem>>) target_semaphore(%arg21 : memref<!tpu.dma_semaphore, #tpu.memory_space<semaphore_mem>>)
    %dma_start3A_108 = arith.constant 1 : i32
    %dma_start3A_109 = arith.constant 0 : i32
    %dma_start3A_110 = tpu.memref_slice %arg9[%dma_start3A_108, %dma_start3A_109] : memref<2x80xi32, #tpu.memory_space<vmem>> -> memref<1x80xi32, #tpu.memory_space<vmem>>
    %dma_start3A_111 = tpu.memref_squeeze %dma_start3A_110 : memref<1x80xi32, #tpu.memory_space<vmem>> -> memref<80xi32, #tpu.memory_space<vmem>>
    %dma_start3A_112 = tpu.memref_slice %arg5[%add3A_96] : memref<320000xi32, #tpu.memory_space<hbm>> -> memref<80xi32, #tpu.memory_space<hbm>>
    %dma_start3A_113 = arith.constant 0 : i32
    %dma_start3A_114 = tpu.memref_slice %arg9[%dma_start3A_108, %dma_start3A_113] : memref<2x80xi32, #tpu.memory_space<vmem>> -> memref<1x80xi32, #tpu.memory_space<vmem>>
    %dma_start3A_115 = tpu.memref_squeeze %dma_start3A_114 : memref<1x80xi32, #tpu.memory_space<vmem>> -> memref<80xi32, #tpu.memory_space<vmem>>
    %dma_start3A_116 = tpu.memref_slice %arg5[%add3A_96] : memref<320000xi32, #tpu.memory_space<hbm>> -> memref<80xi32, #tpu.memory_space<hbm>>
    tpu.enqueue_dma source(%dma_start3A_116 : memref<80xi32, #tpu.memory_space<hbm>>) target(%dma_start3A_115 : memref<80xi32, #tpu.memory_space<vmem>>) target_semaphore(%arg21 : memref<!tpu.dma_semaphore, #tpu.memory_space<semaphore_mem>>)
    %scan3A_117 = arith.constant 0 : i32
    %scan3A_118 = arith.constant 0 : i32
    %scan3A_119 = arith.constant 125 : i32
    %scan3A_120 = arith.addi %scan3A_118, %scan3A_119 : i32
    %scan3A_121 = arith.constant 1 : i32
    scf.for %scan3A_185 = %scan3A_118 to %scan3A_120 step %scan3A_121  : i32 {
      %mul3A_186 = arith.constant 2 : i32
      %mul3A_187 = arith.muli %mul3A_186, %scan3A_185 : i32
      %dma_wait3A_188 = arith.constant 1 : i32
      %dma_wait3A_189 = arith.constant 0 : i32
      %dma_wait3A_190 = tpu.memref_slice %arg8[%dma_wait3A_188, %dma_wait3A_189] : memref<2x80xi32, #tpu.memory_space<vmem>> -> memref<1x80xi32, #tpu.memory_space<vmem>>
      %dma_wait3A_191 = tpu.memref_squeeze %dma_wait3A_190 : memref<1x80xi32, #tpu.memory_space<vmem>> -> memref<80xi32, #tpu.memory_space<vmem>>
      %dma_wait3A_192 = arith.constant 0 : i32
      %dma_wait3A_193 = tpu.memref_slice %arg5[%dma_wait3A_192] : memref<320000xi32, #tpu.memory_space<hbm>> -> memref<80xi32, #tpu.memory_space<hbm>>
      %dma_wait3A_194 = arith.constant 0 : i32
      %dma_wait3A_195 = tpu.memref_slice %arg8[%dma_wait3A_188, %dma_wait3A_194] : memref<2x80xi32, #tpu.memory_space<vmem>> -> memref<1x80xi32, #tpu.memory_space<vmem>>
      %dma_wait3A_196 = tpu.memref_squeeze %dma_wait3A_195 : memref<1x80xi32, #tpu.memory_space<vmem>> -> memref<80xi32, #tpu.memory_space<vmem>>
      %dma_wait3A_197 = arith.constant 0 : i32
      %dma_wait3A_198 = tpu.memref_slice %arg5[%dma_wait3A_197] : memref<320000xi32, #tpu.memory_space<hbm>> -> memref<80xi32, #tpu.memory_space<hbm>>
      tpu.wait_dma2 semaphore(%arg21 : memref<!tpu.dma_semaphore, #tpu.memory_space<semaphore_mem>>) src(%dma_wait3A_198 : memref<80xi32, #tpu.memory_space<hbm>>) dst(%dma_wait3A_196 : memref<80xi32, #tpu.memory_space<vmem>>)
      %dma_wait3A_199 = arith.constant 1 : i32
      %dma_wait3A_200 = arith.constant 0 : i32
      %dma_wait3A_201 = tpu.memref_slice %arg9[%dma_wait3A_199, %dma_wait3A_200] : memref<2x80xi32, #tpu.memory_space<vmem>> -> memref<1x80xi32, #tpu.memory_space<vmem>>
      %dma_wait3A_202 = tpu.memref_squeeze %dma_wait3A_201 : memref<1x80xi32, #tpu.memory_space<vmem>> -> memref<80xi32, #tpu.memory_space<vmem>>
      %dma_wait3A_203 = arith.constant 0 : i32
      %dma_wait3A_204 = tpu.memref_slice %arg5[%dma_wait3A_203] : memref<320000xi32, #tpu.memory_space<hbm>> -> memref<80xi32, #tpu.memory_space<hbm>>
      %dma_wait3A_205 = arith.constant 0 : i32
      %dma_wait3A_206 = tpu.memref_slice %arg9[%dma_wait3A_199, %dma_wait3A_205] : memref<2x80xi32, #tpu.memory_space<vmem>> -> memref<1x80xi32, #tpu.memory_space<vmem>>
      %dma_wait3A_207 = tpu.memref_squeeze %dma_wait3A_206 : memref<1x80xi32, #tpu.memory_space<vmem>> -> memref<80xi32, #tpu.memory_space<vmem>>
      %dma_wait3A_208 = arith.constant 0 : i32
      %dma_wait3A_209 = tpu.memref_slice %arg5[%dma_wait3A_208] : memref<320000xi32, #tpu.memory_space<hbm>> -> memref<80xi32, #tpu.memory_space<hbm>>
      tpu.wait_dma2 semaphore(%arg21 : memref<!tpu.dma_semaphore, #tpu.memory_space<semaphore_mem>>) src(%dma_wait3A_209 : memref<80xi32, #tpu.memory_space<hbm>>) dst(%dma_wait3A_207 : memref<80xi32, #tpu.memory_space<vmem>>)
      %add3A_210 = arith.constant 1 : i32
      %add3A_211 = arith.addi %mul3A_187, %add3A_210 : i32
      %min3A_212 = arith.constant 249 : i32
      %min3A_213 = arith.minsi %add3A_211, %min3A_212 : i32
      %mul3A_214 = arith.constant 10000 : i32
      %mul3A_215 = arith.muli %arg1, %mul3A_214 : i32
      %mul3A_216 = arith.constant 40 : i32
      %mul3A_217 = arith.muli %min3A_213, %mul3A_216 : i32
      %add3A_218 = arith.addi %mul3A_215, %mul3A_217 : i32
      %dma_start3A_219 = arith.constant 1 : i32
      %dma_start3A_220 = arith.constant 1 : i32
      %dma_start3A_221 = arith.constant 0 : i32
      %dma_start3A_222 = arith.constant 0 : i32
      %dma_start3A_223 = tpu.memref_slice %arg10[%dma_start3A_220, %dma_start3A_221, %dma_start3A_222] : memref<2x80x64xf32, #tpu.memory_space<vmem>> -> memref<1x80x64xf32, #tpu.memory_space<vmem>>
      %dma_start3A_224 = tpu.memref_squeeze %dma_start3A_223 : memref<1x80x64xf32, #tpu.memory_space<vmem>> -> memref<80x64xf32, #tpu.memory_space<vmem>>
      %dma_start3A_225 = arith.constant 0 : i32
      %dma_start3A_226 = tpu.memref_slice %arg8[%dma_start3A_219, %dma_start3A_225] : memref<2x80xi32, #tpu.memory_space<vmem>> -> memref<1x80xi32, #tpu.memory_space<vmem>>
      %dma_start3A_227 = tpu.memref_squeeze %dma_start3A_226 : memref<1x80xi32, #tpu.memory_space<vmem>> -> memref<80xi32, #tpu.memory_space<vmem>>
      %dma_start3A_228 = arith.constant 0 : i32
      %dma_start3A_229 = arith.constant 0 : i32
      %dma_start3A_230 = tpu.memref_slice %arg2[%dma_start3A_228, %dma_start3A_229] : memref<20000x64xf32, #tpu.memory_space<hbm>> -> memref<20000x64xf32, #tpu.memory_space<hbm>>
      tpu.enqueue_indirect_dma source(%dma_start3A_230 : memref<20000x64xf32, #tpu.memory_space<hbm>>) target(%dma_start3A_224 : memref<80x64xf32, #tpu.memory_space<vmem>>) offsets(%dma_start3A_227 : memref<80xi32, #tpu.memory_space<vmem>>) semaphore(%arg19 : memref<!tpu.dma_semaphore, #tpu.memory_space<semaphore_mem>>)
      %dma_start3A_231 = arith.constant 1 : i32
      %dma_start3A_232 = arith.constant 0 : i32
      %dma_start3A_233 = arith.constant 0 : i32
      %dma_start3A_234 = tpu.memref_slice %arg11[%dma_start3A_231, %dma_start3A_232, %dma_start3A_233] : memref<2x40x128xf32, #tpu.memory_space<vmem>> -> memref<1x40x128xf32, #tpu.memory_space<vmem>>
      %dma_start3A_235 = tpu.memref_squeeze %dma_start3A_234 : memref<1x40x128xf32, #tpu.memory_space<vmem>> -> memref<40x128xf32, #tpu.memory_space<vmem>>
      %dma_start3A_236 = arith.constant 0 : i32
      %dma_start3A_237 = tpu.memref_slice %arg3[%arg0, %add3A_218, %dma_start3A_236] : memref<2x160000x128xf32, #tpu.memory_space<hbm>> -> memref<1x40x128xf32, #tpu.memory_space<hbm>>
      %dma_start3A_238 = tpu.memref_squeeze %dma_start3A_237 : memref<1x40x128xf32, #tpu.memory_space<hbm>> -> memref<40x128xf32, #tpu.memory_space<hbm>>
      %dma_start3A_239 = arith.constant 0 : i32
      %dma_start3A_240 = arith.constant 0 : i32
      %dma_start3A_241 = tpu.memref_slice %arg11[%dma_start3A_231, %dma_start3A_239, %dma_start3A_240] : memref<2x40x128xf32, #tpu.memory_space<vmem>> -> memref<1x40x128xf32, #tpu.memory_space<vmem>>
      %dma_start3A_242 = tpu.memref_squeeze %dma_start3A_241 : memref<1x40x128xf32, #tpu.memory_space<vmem>> -> memref<40x128xf32, #tpu.memory_space<vmem>>
      %dma_start3A_243 = arith.constant 0 : i32
      %dma_start3A_244 = tpu.memref_slice %arg3[%arg0, %add3A_218, %dma_start3A_243] : memref<2x160000x128xf32, #tpu.memory_space<hbm>> -> memref<1x40x128xf32, #tpu.memory_space<hbm>>
      %dma_start3A_245 = tpu.memref_squeeze %dma_start3A_244 : memref<1x40x128xf32, #tpu.memory_space<hbm>> -> memref<40x128xf32, #tpu.memory_space<hbm>>
      tpu.enqueue_dma source(%dma_start3A_245 : memref<40x128xf32, #tpu.memory_space<hbm>>) target(%dma_start3A_242 : memref<40x128xf32, #tpu.memory_space<vmem>>) target_semaphore(%arg19 : memref<!tpu.dma_semaphore, #tpu.memory_space<semaphore_mem>>)
      %dma_wait3A_246 = arith.constant 0 : i32
      %dma_wait3A_247 = arith.constant 0 : i32
      %dma_wait3A_248 = arith.constant 0 : i32
      %dma_wait3A_249 = tpu.memref_slice %arg10[%dma_wait3A_246, %dma_wait3A_247, %dma_wait3A_248] : memref<2x80x64xf32, #tpu.memory_space<vmem>> -> memref<1x80x64xf32, #tpu.memory_space<vmem>>
      %dma_wait3A_250 = tpu.memref_squeeze %dma_wait3A_249 : memref<1x80x64xf32, #tpu.memory_space<vmem>> -> memref<80x64xf32, #tpu.memory_space<vmem>>
      %dma_wait3A_251 = arith.constant 0 : i32
      %dma_wait3A_252 = arith.constant 0 : i32
      %dma_wait3A_253 = tpu.memref_slice %arg2[%dma_wait3A_251, %dma_wait3A_252] : memref<20000x64xf32, #tpu.memory_space<hbm>> -> memref<80x64xf32, #tpu.memory_space<hbm>>
      %dma_wait3A_254 = arith.constant 0 : i32
      %dma_wait3A_255 = arith.constant 0 : i32
      %dma_wait3A_256 = tpu.memref_slice %arg10[%dma_wait3A_246, %dma_wait3A_254, %dma_wait3A_255] : memref<2x80x64xf32, #tpu.memory_space<vmem>> -> memref<1x80x64xf32, #tpu.memory_space<vmem>>
      %dma_wait3A_257 = tpu.memref_squeeze %dma_wait3A_256 : memref<1x80x64xf32, #tpu.memory_space<vmem>> -> memref<80x64xf32, #tpu.memory_space<vmem>>
      %dma_wait3A_258 = arith.constant 0 : i32
      %dma_wait3A_259 = arith.constant 0 : i32
      %dma_wait3A_260 = tpu.memref_slice %arg2[%dma_wait3A_258, %dma_wait3A_259] : memref<20000x64xf32, #tpu.memory_space<hbm>> -> memref<80x64xf32, #tpu.memory_space<hbm>>
      tpu.wait_dma2 semaphore(%arg18 : memref<!tpu.dma_semaphore, #tpu.memory_space<semaphore_mem>>) src(%dma_wait3A_260 : memref<80x64xf32, #tpu.memory_space<hbm>>) dst(%dma_wait3A_257 : memref<80x64xf32, #tpu.memory_space<vmem>>)
      %dma_wait3A_261 = arith.constant 0 : i32
      %dma_wait3A_262 = arith.constant 0 : i32
      %dma_wait3A_263 = arith.constant 0 : i32
      %dma_wait3A_264 = arith.constant 0 : i32
      %dma_wait3A_265 = tpu.memref_slice %arg11[%dma_wait3A_262, %dma_wait3A_263, %dma_wait3A_264] : memref<2x40x128xf32, #tpu.memory_space<vmem>> -> memref<1x40x128xf32, #tpu.memory_space<vmem>>
      %dma_wait3A_266 = tpu.memref_squeeze %dma_wait3A_265 : memref<1x40x128xf32, #tpu.memory_space<vmem>> -> memref<40x128xf32, #tpu.memory_space<vmem>>
      %dma_wait3A_267 = arith.constant 0 : i32
      %dma_wait3A_268 = arith.constant 0 : i32
      %dma_wait3A_269 = tpu.memref_slice %arg3[%dma_wait3A_261, %dma_wait3A_267, %dma_wait3A_268] : memref<2x160000x128xf32, #tpu.memory_space<hbm>> -> memref<1x40x128xf32, #tpu.memory_space<hbm>>
      %dma_wait3A_270 = tpu.memref_squeeze %dma_wait3A_269 : memref<1x40x128xf32, #tpu.memory_space<hbm>> -> memref<40x128xf32, #tpu.memory_space<hbm>>
      %dma_wait3A_271 = arith.constant 0 : i32
      %dma_wait3A_272 = arith.constant 0 : i32
      %dma_wait3A_273 = tpu.memref_slice %arg11[%dma_wait3A_262, %dma_wait3A_271, %dma_wait3A_272] : memref<2x40x128xf32, #tpu.memory_space<vmem>> -> memref<1x40x128xf32, #tpu.memory_space<vmem>>
      %dma_wait3A_274 = tpu.memref_squeeze %dma_wait3A_273 : memref<1x40x128xf32, #tpu.memory_space<vmem>> -> memref<40x128xf32, #tpu.memory_space<vmem>>
      %dma_wait3A_275 = arith.constant 0 : i32
      %dma_wait3A_276 = arith.constant 0 : i32
      %dma_wait3A_277 = tpu.memref_slice %arg3[%dma_wait3A_261, %dma_wait3A_275, %dma_wait3A_276] : memref<2x160000x128xf32, #tpu.memory_space<hbm>> -> memref<1x40x128xf32, #tpu.memory_space<hbm>>
      %dma_wait3A_278 = tpu.memref_squeeze %dma_wait3A_277 : memref<1x40x128xf32, #tpu.memory_space<hbm>> -> memref<40x128xf32, #tpu.memory_space<hbm>>
      tpu.wait_dma2 semaphore(%arg18 : memref<!tpu.dma_semaphore, #tpu.memory_space<semaphore_mem>>) src(%dma_wait3A_278 : memref<40x128xf32, #tpu.memory_space<hbm>>) dst(%dma_wait3A_274 : memref<40x128xf32, #tpu.memory_space<vmem>>)
      %parallel_loop3A = arith.constant 0 : i32
      %parallel_loop3A_279 = arith.constant 40 : i32
      %parallel_loop3A_280 = arith.constant 1 : i32
      %parallel_loop3A_281 = arith.constant 0 : i32
      %parallel_loop3A_282 = arith.constant 0 : i32
      %parallel_loop3A_283 = arith.constant 0 : i32
      scf.for %parallel_loop3A_444 = %parallel_loop3A to %parallel_loop3A_279 step %parallel_loop3A_280  : i32 {
        %parallel_loop3A_445 = arith.constant 2 : i32
        %parallel_loop3A_446 = arith.muli %parallel_loop3A_445, %parallel_loop3A_444 : i32
        %parallel_loop3A_447 = arith.constant 0 : i32
        %parallel_loop3A_448 = arith.addi %parallel_loop3A_446, %parallel_loop3A_447 : i32
        %parallel_loop3A_449 = arith.constant 0 : i32
        %parallel_loop3A_450 = arith.constant 0 : i32
        %parallel_loop3A_451 = tpu.memref_slice %arg10[%parallel_loop3A_281, %parallel_loop3A_449, %parallel_loop3A_450] : memref<2x80x64xf32, #tpu.memory_space<vmem>> -> memref<1x80x64xf32, #tpu.memory_space<vmem>>
        %parallel_loop3A_452 = tpu.memref_squeeze %parallel_loop3A_451 : memref<1x80x64xf32, #tpu.memory_space<vmem>> -> memref<80x64xf32, #tpu.memory_space<vmem>>
        %parallel_loop3A_453 = arith.index_cast %parallel_loop3A_448 : i32 to index
        %parallel_loop3A_454 = arith.constant 0 : index
        %parallel_loop3A_455 = tpu.vector_load %parallel_loop3A_452[%parallel_loop3A_453, %parallel_loop3A_454] {strides = array<i32>} : memref<80x64xf32, #tpu.memory_space<vmem>>, vector<1x16xf32>,
        %parallel_loop3A_456 = vector.shape_cast %parallel_loop3A_455 : vector<1x16xf32> to vector<16xf32>
        %parallel_loop3A_457 = arith.constant 0 : i32
        %parallel_loop3A_458 = arith.constant 0 : i32
        %parallel_loop3A_459 = tpu.memref_slice %arg11[%parallel_loop3A_282, %parallel_loop3A_457, %parallel_loop3A_458] : memref<2x40x128xf32, #tpu.memory_space<vmem>> -> memref<1x40x128xf32, #tpu.memory_space<vmem>>
        %parallel_loop3A_460 = tpu.memref_squeeze %parallel_loop3A_459 : memref<1x40x128xf32, #tpu.memory_space<vmem>> -> memref<40x128xf32, #tpu.memory_space<vmem>>
        %parallel_loop3A_461 = arith.index_cast %parallel_loop3A_444 : i32 to index
        %parallel_loop3A_462 = arith.constant 0 : index
        %parallel_loop3A_463 = tpu.vector_load %parallel_loop3A_460[%parallel_loop3A_461, %parallel_loop3A_462] {strides = array<i32>} : memref<40x128xf32, #tpu.memory_space<vmem>>, vector<1x16xf32>,
        %parallel_loop3A_464 = vector.shape_cast %parallel_loop3A_463 : vector<1x16xf32> to vector<16xf32>
        %parallel_loop3A_465 = arith.addf %parallel_loop3A_456, %parallel_loop3A_464 : vector<16xf32>
        %parallel_loop3A_466 = arith.constant 0.000000e+00 : f32
        %parallel_loop3A_467 = vector.broadcast %parallel_loop3A_466 : f32 to vector<16xf32>
        %parallel_loop3A_468 = arith.maximumf %parallel_loop3A_465, %parallel_loop3A_467 : vector<16xf32>
        %parallel_loop3A_469 = arith.constant 1.000000e-07 : f32
        %parallel_loop3A_470 = vector.broadcast %parallel_loop3A_469 : f32 to vector<16xf32>
        %parallel_loop3A_471 = arith.addf %parallel_loop3A_468, %parallel_loop3A_470 : vector<16xf32>
        %parallel_loop3A_472 = arith.constant 0 : index
        %parallel_loop3A_473 = tpu.vector_load %arg13[%parallel_loop3A_472] {strides = array<i32>} : memref<64xf32, #tpu.memory_space<vmem>>, vector<16xf32>,
        %parallel_loop3A_474 = vector.shape_cast %parallel_loop3A_473 : vector<16xf32> to vector<16xf32>
        %parallel_loop3A_475 = arith.mulf %parallel_loop3A_471, %parallel_loop3A_474 : vector<16xf32>
        %parallel_loop3A_476 = math.exp %parallel_loop3A_475 : vector<16xf32>
        %parallel_loop3A_477 = arith.constant 0 : i32
        %parallel_loop3A_478 = arith.constant 0 : i32
        %parallel_loop3A_479 = tpu.memref_slice %arg12[%parallel_loop3A_283, %parallel_loop3A_477, %parallel_loop3A_478] : memref<2x80x64xf32, #tpu.memory_space<vmem>> -> memref<1x80x64xf32, #tpu.memory_space<vmem>>
        %parallel_loop3A_480 = tpu.memref_squeeze %parallel_loop3A_479 : memref<1x80x64xf32, #tpu.memory_space<vmem>> -> memref<80x64xf32, #tpu.memory_space<vmem>>
        %parallel_loop3A_481 = arith.index_cast %parallel_loop3A_448 : i32 to index
        %parallel_loop3A_482 = arith.constant 0 : index
        %parallel_loop3A_483 = tpu.vector_load %parallel_loop3A_480[%parallel_loop3A_481, %parallel_loop3A_482] {strides = array<i32>} : memref<80x64xf32, #tpu.memory_space<vmem>>, vector<1x16xf32>,
        %parallel_loop3A_484 = vector.shape_cast %parallel_loop3A_483 : vector<1x16xf32> to vector<16xf32>
        %parallel_loop3A_485 = vector.shape_cast %parallel_loop3A_476 : vector<16xf32> to vector<1x16xf32>
        tpu.vector_store %parallel_loop3A_480[%parallel_loop3A_481, %parallel_loop3A_482], %parallel_loop3A_485 {strides = array<i32>} : memref<80x64xf32, #tpu.memory_space<vmem>>, vector<1x16xf32>,
        %parallel_loop3A_486 = arith.mulf %parallel_loop3A_476, %parallel_loop3A_471 : vector<16xf32>
        %parallel_loop3A_487 = arith.constant 0 : i32
        %parallel_loop3A_488 = arith.constant 0 : i32
        %parallel_loop3A_489 = tpu.memref_slice %arg10[%parallel_loop3A_281, %parallel_loop3A_487, %parallel_loop3A_488] : memref<2x80x64xf32, #tpu.memory_space<vmem>> -> memref<1x80x64xf32, #tpu.memory_space<vmem>>
        %parallel_loop3A_490 = tpu.memref_squeeze %parallel_loop3A_489 : memref<1x80x64xf32, #tpu.memory_space<vmem>> -> memref<80x64xf32, #tpu.memory_space<vmem>>
        %parallel_loop3A_491 = arith.index_cast %parallel_loop3A_448 : i32 to index
        %parallel_loop3A_492 = arith.constant 0 : index
        %parallel_loop3A_493 = tpu.vector_load %parallel_loop3A_490[%parallel_loop3A_491, %parallel_loop3A_492] {strides = array<i32>} : memref<80x64xf32, #tpu.memory_space<vmem>>, vector<1x16xf32>,
        %parallel_loop3A_494 = vector.shape_cast %parallel_loop3A_493 : vector<1x16xf32> to vector<16xf32>
        %parallel_loop3A_495 = vector.shape_cast %parallel_loop3A_486 : vector<16xf32> to vector<1x16xf32>
        tpu.vector_store %parallel_loop3A_490[%parallel_loop3A_491, %parallel_loop3A_492], %parallel_loop3A_495 {strides = array<i32>} : memref<80x64xf32, #tpu.memory_space<vmem>>, vector<1x16xf32>,
        %parallel_loop3A_496 = arith.constant 0 : i32
        %parallel_loop3A_497 = arith.constant 0 : i32
        %parallel_loop3A_498 = tpu.memref_slice %arg10[%parallel_loop3A_281, %parallel_loop3A_496, %parallel_loop3A_497] : memref<2x80x64xf32, #tpu.memory_space<vmem>> -> memref<1x80x64xf32, #tpu.memory_space<vmem>>
        %parallel_loop3A_499 = tpu.memref_squeeze %parallel_loop3A_498 : memref<1x80x64xf32, #tpu.memory_space<vmem>> -> memref<80x64xf32, #tpu.memory_space<vmem>>
        %parallel_loop3A_500 = arith.index_cast %parallel_loop3A_448 : i32 to index
        %parallel_loop3A_501 = arith.constant 16 : index
        %parallel_loop3A_502 = tpu.vector_load %parallel_loop3A_499[%parallel_loop3A_500, %parallel_loop3A_501] {strides = array<i32>} : memref<80x64xf32, #tpu.memory_space<vmem>>, vector<1x16xf32>,
        %parallel_loop3A_503 = vector.shape_cast %parallel_loop3A_502 : vector<1x16xf32> to vector<16xf32>
        %parallel_loop3A_504 = arith.constant 0 : i32
        %parallel_loop3A_505 = arith.constant 0 : i32
        %parallel_loop3A_506 = tpu.memref_slice %arg11[%parallel_loop3A_282, %parallel_loop3A_504, %parallel_loop3A_505] : memref<2x40x128xf32, #tpu.memory_space<vmem>> -> memref<1x40x128xf32, #tpu.memory_space<vmem>>
        %parallel_loop3A_507 = tpu.memref_squeeze %parallel_loop3A_506 : memref<1x40x128xf32, #tpu.memory_space<vmem>> -> memref<40x128xf32, #tpu.memory_space<vmem>>
        %parallel_loop3A_508 = arith.index_cast %parallel_loop3A_444 : i32 to index
        %parallel_loop3A_509 = arith.constant 16 : index
        %parallel_loop3A_510 = tpu.vector_load %parallel_loop3A_507[%parallel_loop3A_508, %parallel_loop3A_509] {strides = array<i32>} : memref<40x128xf32, #tpu.memory_space<vmem>>, vector<1x16xf32>,
        %parallel_loop3A_511 = vector.shape_cast %parallel_loop3A_510 : vector<1x16xf32> to vector<16xf32>
        %parallel_loop3A_512 = arith.addf %parallel_loop3A_503, %parallel_loop3A_511 : vector<16xf32>
        %parallel_loop3A_513 = arith.constant 0.000000e+00 : f32
        %parallel_loop3A_514 = vector.broadcast %parallel_loop3A_513 : f32 to vector<16xf32>
        %parallel_loop3A_515 = arith.maximumf %parallel_loop3A_512, %parallel_loop3A_514 : vector<16xf32>
        %parallel_loop3A_516 = arith.constant 1.000000e-07 : f32
        %parallel_loop3A_517 = vector.broadcast %parallel_loop3A_516 : f32 to vector<16xf32>
        %parallel_loop3A_518 = arith.addf %parallel_loop3A_515, %parallel_loop3A_517 : vector<16xf32>
        %parallel_loop3A_519 = arith.constant 16 : index
        %parallel_loop3A_520 = tpu.vector_load %arg13[%parallel_loop3A_519] {strides = array<i32>} : memref<64xf32, #tpu.memory_space<vmem>>, vector<16xf32>,
        %parallel_loop3A_521 = vector.shape_cast %parallel_loop3A_520 : vector<16xf32> to vector<16xf32>
        %parallel_loop3A_522 = arith.mulf %parallel_loop3A_518, %parallel_loop3A_521 : vector<16xf32>
        %parallel_loop3A_523 = math.exp %parallel_loop3A_522 : vector<16xf32>
        %parallel_loop3A_524 = arith.constant 0 : i32
        %parallel_loop3A_525 = arith.constant 0 : i32
        %parallel_loop3A_526 = tpu.memref_slice %arg12[%parallel_loop3A_283, %parallel_loop3A_524, %parallel_loop3A_525] : memref<2x80x64xf32, #tpu.memory_space<vmem>> -> memref<1x80x64xf32, #tpu.memory_space<vmem>>
        %parallel_loop3A_527 = tpu.memref_squeeze %parallel_loop3A_526 : memref<1x80x64xf32, #tpu.memory_space<vmem>> -> memref<80x64xf32, #tpu.memory_space<vmem>>
        %parallel_loop3A_528 = arith.index_cast %parallel_loop3A_448 : i32 to index
        %parallel_loop3A_529 = arith.constant 16 : index
        %parallel_loop3A_530 = tpu.vector_load %parallel_loop3A_527[%parallel_loop3A_528, %parallel_loop3A_529] {strides = array<i32>} : memref<80x64xf32, #tpu.memory_space<vmem>>, vector<1x16xf32>,
        %parallel_loop3A_531 = vector.shape_cast %parallel_loop3A_530 : vector<1x16xf32> to vector<16xf32>
        %parallel_loop3A_532 = vector.shape_cast %parallel_loop3A_523 : vector<16xf32> to vector<1x16xf32>
        tpu.vector_store %parallel_loop3A_527[%parallel_loop3A_528, %parallel_loop3A_529], %parallel_loop3A_532 {strides = array<i32>} : memref<80x64xf32, #tpu.memory_space<vmem>>, vector<1x16xf32>,
        %parallel_loop3A_533 = arith.mulf %parallel_loop3A_523, %parallel_loop3A_518 : vector<16xf32>
        %parallel_loop3A_534 = arith.constant 0 : i32
        %parallel_loop3A_535 = arith.constant 0 : i32
        %parallel_loop3A_536 = tpu.memref_slice %arg10[%parallel_loop3A_281, %parallel_loop3A_534, %parallel_loop3A_535] : memref<2x80x64xf32, #tpu.memory_space<vmem>> -> memref<1x80x64xf32, #tpu.memory_space<vmem>>
        %parallel_loop3A_537 = tpu.memref_squeeze %parallel_loop3A_536 : memref<1x80x64xf32, #tpu.memory_space<vmem>> -> memref<80x64xf32, #tpu.memory_space<vmem>>
        %parallel_loop3A_538 = arith.index_cast %parallel_loop3A_448 : i32 to index
        %parallel_loop3A_539 = arith.constant 16 : index
        %parallel_loop3A_540 = tpu.vector_load %parallel_loop3A_537[%parallel_loop3A_538, %parallel_loop3A_539] {strides = array<i32>} : memref<80x64xf32, #tpu.memory_space<vmem>>, vector<1x16xf32>,
        %parallel_loop3A_541 = vector.shape_cast %parallel_loop3A_540 : vector<1x16xf32> to vector<16xf32>
        %parallel_loop3A_542 = vector.shape_cast %parallel_loop3A_533 : vector<16xf32> to vector<1x16xf32>
        tpu.vector_store %parallel_loop3A_537[%parallel_loop3A_538, %parallel_loop3A_539], %parallel_loop3A_542 {strides = array<i32>} : memref<80x64xf32, #tpu.memory_space<vmem>>, vector<1x16xf32>,
        %parallel_loop3A_543 = arith.constant 0 : i32
        %parallel_loop3A_544 = arith.constant 0 : i32
        %parallel_loop3A_545 = tpu.memref_slice %arg10[%parallel_loop3A_281, %parallel_loop3A_543, %parallel_loop3A_544] : memref<2x80x64xf32, #tpu.memory_space<vmem>> -> memref<1x80x64xf32, #tpu.memory_space<vmem>>
        %parallel_loop3A_546 = tpu.memref_squeeze %parallel_loop3A_545 : memref<1x80x64xf32, #tpu.memory_space<vmem>> -> memref<80x64xf32, #tpu.memory_space<vmem>>
        %parallel_loop3A_547 = arith.index_cast %parallel_loop3A_448 : i32 to index
        %parallel_loop3A_548 = arith.constant 32 : index
        %parallel_loop3A_549 = tpu.vector_load %parallel_loop3A_546[%parallel_loop3A_547, %parallel_loop3A_548] {strides = array<i32>} : memref<80x64xf32, #tpu.memory_space<vmem>>, vector<1x16xf32>,
        %parallel_loop3A_550 = vector.shape_cast %parallel_loop3A_549 : vector<1x16xf32> to vector<16xf32>
        %parallel_loop3A_551 = arith.constant 0 : i32
        %parallel_loop3A_552 = arith.constant 0 : i32
        %parallel_loop3A_553 = tpu.memref_slice %arg11[%parallel_loop3A_282, %parallel_loop3A_551, %parallel_loop3A_552] : memref<2x40x128xf32, #tpu.memory_space<vmem>> -> memref<1x40x128xf32, #tpu.memory_space<vmem>>
        %parallel_loop3A_554 = tpu.memref_squeeze %parallel_loop3A_553 : memref<1x40x128xf32, #tpu.memory_space<vmem>> -> memref<40x128xf32, #tpu.memory_space<vmem>>
        %parallel_loop3A_555 = arith.index_cast %parallel_loop3A_444 : i32 to index
        %parallel_loop3A_556 = arith.constant 32 : index
        %parallel_loop3A_557 = tpu.vector_load %parallel_loop3A_554[%parallel_loop3A_555, %parallel_loop3A_556] {strides = array<i32>} : memref<40x128xf32, #tpu.memory_space<vmem>>, vector<1x16xf32>,
        %parallel_loop3A_558 = vector.shape_cast %parallel_loop3A_557 : vector<1x16xf32> to vector<16xf32>
        %parallel_loop3A_559 = arith.addf %parallel_loop3A_550, %parallel_loop3A_558 : vector<16xf32>
        %parallel_loop3A_560 = arith.constant 0.000000e+00 : f32
        %parallel_loop3A_561 = vector.broadcast %parallel_loop3A_560 : f32 to vector<16xf32>
        %parallel_loop3A_562 = arith.maximumf %parallel_loop3A_559, %parallel_loop3A_561 : vector<16xf32>
        %parallel_loop3A_563 = arith.constant 1.000000e-07 : f32
        %parallel_loop3A_564 = vector.broadcast %parallel_loop3A_563 : f32 to vector<16xf32>
        %parallel_loop3A_565 = arith.addf %parallel_loop3A_562, %parallel_loop3A_564 : vector<16xf32>
        %parallel_loop3A_566 = arith.constant 32 : index
        %parallel_loop3A_567 = tpu.vector_load %arg13[%parallel_loop3A_566] {strides = array<i32>} : memref<64xf32, #tpu.memory_space<vmem>>, vector<16xf32>,
        %parallel_loop3A_568 = vector.shape_cast %parallel_loop3A_567 : vector<16xf32> to vector<16xf32>
        %parallel_loop3A_569 = arith.mulf %parallel_loop3A_565, %parallel_loop3A_568 : vector<16xf32>
        %parallel_loop3A_570 = math.exp %parallel_loop3A_569 : vector<16xf32>
        %parallel_loop3A_571 = arith.constant 0 : i32
        %parallel_loop3A_572 = arith.constant 0 : i32
        %parallel_loop3A_573 = tpu.memref_slice %arg12[%parallel_loop3A_283, %parallel_loop3A_571, %parallel_loop3A_572] : memref<2x80x64xf32, #tpu.memory_space<vmem>> -> memref<1x80x64xf32, #tpu.memory_space<vmem>>
        %parallel_loop3A_574 = tpu.memref_squeeze %parallel_loop3A_573 : memref<1x80x64xf32, #tpu.memory_space<vmem>> -> memref<80x64xf32, #tpu.memory_space<vmem>>
        %parallel_loop3A_575 = arith.index_cast %parallel_loop3A_448 : i32 to index
        %parallel_loop3A_576 = arith.constant 32 : index
        %parallel_loop3A_577 = tpu.vector_load %parallel_loop3A_574[%parallel_loop3A_575, %parallel_loop3A_576] {strides = array<i32>} : memref<80x64xf32, #tpu.memory_space<vmem>>, vector<1x16xf32>,
        %parallel_loop3A_578 = vector.shape_cast %parallel_loop3A_577 : vector<1x16xf32> to vector<16xf32>
        %parallel_loop3A_579 = vector.shape_cast %parallel_loop3A_570 : vector<16xf32> to vector<1x16xf32>
        tpu.vector_store %parallel_loop3A_574[%parallel_loop3A_575, %parallel_loop3A_576], %parallel_loop3A_579 {strides = array<i32>} : memref<80x64xf32, #tpu.memory_space<vmem>>, vector<1x16xf32>,
        %parallel_loop3A_580 = arith.mulf %parallel_loop3A_570, %parallel_loop3A_565 : vector<16xf32>
        %parallel_loop3A_581 = arith.constant 0 : i32
        %parallel_loop3A_582 = arith.constant 0 : i32
        %parallel_loop3A_583 = tpu.memref_slice %arg10[%parallel_loop3A_281, %parallel_loop3A_581, %parallel_loop3A_582] : memref<2x80x64xf32, #tpu.memory_space<vmem>> -> memref<1x80x64xf32, #tpu.memory_space<vmem>>
        %parallel_loop3A_584 = tpu.memref_squeeze %parallel_loop3A_583 : memref<1x80x64xf32, #tpu.memory_space<vmem>> -> memref<80x64xf32, #tpu.memory_space<vmem>>
        %parallel_loop3A_585 = arith.index_cast %parallel_loop3A_448 : i32 to index
        %parallel_loop3A_586 = arith.constant 32 : index
        %parallel_loop3A_587 = tpu.vector_load %parallel_loop3A_584[%parallel_loop3A_585, %parallel_loop3A_586] {strides = array<i32>} : memref<80x64xf32, #tpu.memory_space<vmem>>, vector<1x16xf32>,
        %parallel_loop3A_588 = vector.shape_cast %parallel_loop3A_587 : vector<1x16xf32> to vector<16xf32>
        %parallel_loop3A_589 = vector.shape_cast %parallel_loop3A_580 : vector<16xf32> to vector<1x16xf32>
        tpu.vector_store %parallel_loop3A_584[%parallel_loop3A_585, %parallel_loop3A_586], %parallel_loop3A_589 {strides = array<i32>} : memref<80x64xf32, #tpu.memory_space<vmem>>, vector<1x16xf32>,
        %parallel_loop3A_590 = arith.constant 0 : i32
        %parallel_loop3A_591 = arith.constant 0 : i32
        %parallel_loop3A_592 = tpu.memref_slice %arg10[%parallel_loop3A_281, %parallel_loop3A_590, %parallel_loop3A_591] : memref<2x80x64xf32, #tpu.memory_space<vmem>> -> memref<1x80x64xf32, #tpu.memory_space<vmem>>
        %parallel_loop3A_593 = tpu.memref_squeeze %parallel_loop3A_592 : memref<1x80x64xf32, #tpu.memory_space<vmem>> -> memref<80x64xf32, #tpu.memory_space<vmem>>
        %parallel_loop3A_594 = arith.index_cast %parallel_loop3A_448 : i32 to index
        %parallel_loop3A_595 = arith.constant 48 : index
        %parallel_loop3A_596 = tpu.vector_load %parallel_loop3A_593[%parallel_loop3A_594, %parallel_loop3A_595] {strides = array<i32>} : memref<80x64xf32, #tpu.memory_space<vmem>>, vector<1x16xf32>,
        %parallel_loop3A_597 = vector.shape_cast %parallel_loop3A_596 : vector<1x16xf32> to vector<16xf32>
        %parallel_loop3A_598 = arith.constant 0 : i32
        %parallel_loop3A_599 = arith.constant 0 : i32
        %parallel_loop3A_600 = tpu.memref_slice %arg11[%parallel_loop3A_282, %parallel_loop3A_598, %parallel_loop3A_599] : memref<2x40x128xf32, #tpu.memory_space<vmem>> -> memref<1x40x128xf32, #tpu.memory_space<vmem>>
        %parallel_loop3A_601 = tpu.memref_squeeze %parallel_loop3A_600 : memref<1x40x128xf32, #tpu.memory_space<vmem>> -> memref<40x128xf32, #tpu.memory_space<vmem>>
        %parallel_loop3A_602 = arith.index_cast %parallel_loop3A_444 : i32 to index
        %parallel_loop3A_603 = arith.constant 48 : index
        %parallel_loop3A_604 = tpu.vector_load %parallel_loop3A_601[%parallel_loop3A_602, %parallel_loop3A_603] {strides = array<i32>} : memref<40x128xf32, #tpu.memory_space<vmem>>, vector<1x16xf32>,
        %parallel_loop3A_605 = vector.shape_cast %parallel_loop3A_604 : vector<1x16xf32> to vector<16xf32>
        %parallel_loop3A_606 = arith.addf %parallel_loop3A_597, %parallel_loop3A_605 : vector<16xf32>
        %parallel_loop3A_607 = arith.constant 0.000000e+00 : f32
        %parallel_loop3A_608 = vector.broadcast %parallel_loop3A_607 : f32 to vector<16xf32>
        %parallel_loop3A_609 = arith.maximumf %parallel_loop3A_606, %parallel_loop3A_608 : vector<16xf32>
        %parallel_loop3A_610 = arith.constant 1.000000e-07 : f32
        %parallel_loop3A_611 = vector.broadcast %parallel_loop3A_610 : f32 to vector<16xf32>
        %parallel_loop3A_612 = arith.addf %parallel_loop3A_609, %parallel_loop3A_611 : vector<16xf32>
        %parallel_loop3A_613 = arith.constant 48 : index
        %parallel_loop3A_614 = tpu.vector_load %arg13[%parallel_loop3A_613] {strides = array<i32>} : memref<64xf32, #tpu.memory_space<vmem>>, vector<16xf32>,
        %parallel_loop3A_615 = vector.shape_cast %parallel_loop3A_614 : vector<16xf32> to vector<16xf32>
        %parallel_loop3A_616 = arith.mulf %parallel_loop3A_612, %parallel_loop3A_615 : vector<16xf32>
        %parallel_loop3A_617 = math.exp %parallel_loop3A_616 : vector<16xf32>
        %parallel_loop3A_618 = arith.constant 0 : i32
        %parallel_loop3A_619 = arith.constant 0 : i32
        %parallel_loop3A_620 = tpu.memref_slice %arg12[%parallel_loop3A_283, %parallel_loop3A_618, %parallel_loop3A_619] : memref<2x80x64xf32, #tpu.memory_space<vmem>> -> memref<1x80x64xf32, #tpu.memory_space<vmem>>
        %parallel_loop3A_621 = tpu.memref_squeeze %parallel_loop3A_620 : memref<1x80x64xf32, #tpu.memory_space<vmem>> -> memref<80x64xf32, #tpu.memory_space<vmem>>
        %parallel_loop3A_622 = arith.index_cast %parallel_loop3A_448 : i32 to index
        %parallel_loop3A_623 = arith.constant 48 : index
        %parallel_loop3A_624 = tpu.vector_load %parallel_loop3A_621[%parallel_loop3A_622, %parallel_loop3A_623] {strides = array<i32>} : memref<80x64xf32, #tpu.memory_space<vmem>>, vector<1x16xf32>,
        %parallel_loop3A_625 = vector.shape_cast %parallel_loop3A_624 : vector<1x16xf32> to vector<16xf32>
        %parallel_loop3A_626 = vector.shape_cast %parallel_loop3A_617 : vector<16xf32> to vector<1x16xf32>
        tpu.vector_store %parallel_loop3A_621[%parallel_loop3A_622, %parallel_loop3A_623], %parallel_loop3A_626 {strides = array<i32>} : memref<80x64xf32, #tpu.memory_space<vmem>>, vector<1x16xf32>,
        %parallel_loop3A_627 = arith.mulf %parallel_loop3A_617, %parallel_loop3A_612 : vector<16xf32>
        %parallel_loop3A_628 = arith.constant 0 : i32
        %parallel_loop3A_629 = arith.constant 0 : i32
        %parallel_loop3A_630 = tpu.memref_slice %arg10[%parallel_loop3A_281, %parallel_loop3A_628, %parallel_loop3A_629] : memref<2x80x64xf32, #tpu.memory_space<vmem>> -> memref<1x80x64xf32, #tpu.memory_space<vmem>>
        %parallel_loop3A_631 = tpu.memref_squeeze %parallel_loop3A_630 : memref<1x80x64xf32, #tpu.memory_space<vmem>> -> memref<80x64xf32, #tpu.memory_space<vmem>>
        %parallel_loop3A_632 = arith.index_cast %parallel_loop3A_448 : i32 to index
        %parallel_loop3A_633 = arith.constant 48 : index
        %parallel_loop3A_634 = tpu.vector_load %parallel_loop3A_631[%parallel_loop3A_632, %parallel_loop3A_633] {strides = array<i32>} : memref<80x64xf32, #tpu.memory_space<vmem>>, vector<1x16xf32>,
        %parallel_loop3A_635 = vector.shape_cast %parallel_loop3A_634 : vector<1x16xf32> to vector<16xf32>
        %parallel_loop3A_636 = vector.shape_cast %parallel_loop3A_627 : vector<16xf32> to vector<1x16xf32>
        tpu.vector_store %parallel_loop3A_631[%parallel_loop3A_632, %parallel_loop3A_633], %parallel_loop3A_636 {strides = array<i32>} : memref<80x64xf32, #tpu.memory_space<vmem>>, vector<1x16xf32>,
        %parallel_loop3A_637 = arith.constant 2 : i32
        %parallel_loop3A_638 = arith.muli %parallel_loop3A_637, %parallel_loop3A_444 : i32
        %parallel_loop3A_639 = arith.constant 1 : i32
        %parallel_loop3A_640 = arith.addi %parallel_loop3A_638, %parallel_loop3A_639 : i32
        %parallel_loop3A_641 = arith.constant 0 : i32
        %parallel_loop3A_642 = arith.constant 0 : i32
        %parallel_loop3A_643 = tpu.memref_slice %arg10[%parallel_loop3A_281, %parallel_loop3A_641, %parallel_loop3A_642] : memref<2x80x64xf32, #tpu.memory_space<vmem>> -> memref<1x80x64xf32, #tpu.memory_space<vmem>>
        %parallel_loop3A_644 = tpu.memref_squeeze %parallel_loop3A_643 : memref<1x80x64xf32, #tpu.memory_space<vmem>> -> memref<80x64xf32, #tpu.memory_space<vmem>>
        %parallel_loop3A_645 = arith.index_cast %parallel_loop3A_640 : i32 to index
        %parallel_loop3A_646 = arith.constant 0 : index
        %parallel_loop3A_647 = tpu.vector_load %parallel_loop3A_644[%parallel_loop3A_645, %parallel_loop3A_646] {strides = array<i32>} : memref<80x64xf32, #tpu.memory_space<vmem>>, vector<1x16xf32>,
        %parallel_loop3A_648 = vector.shape_cast %parallel_loop3A_647 : vector<1x16xf32> to vector<16xf32>
        %parallel_loop3A_649 = arith.constant 0 : i32
        %parallel_loop3A_650 = arith.constant 0 : i32
        %parallel_loop3A_651 = tpu.memref_slice %arg11[%parallel_loop3A_282, %parallel_loop3A_649, %parallel_loop3A_650] : memref<2x40x128xf32, #tpu.memory_space<vmem>> -> memref<1x40x128xf32, #tpu.memory_space<vmem>>
        %parallel_loop3A_652 = tpu.memref_squeeze %parallel_loop3A_651 : memref<1x40x128xf32, #tpu.memory_space<vmem>> -> memref<40x128xf32, #tpu.memory_space<vmem>>
        %parallel_loop3A_653 = arith.index_cast %parallel_loop3A_444 : i32 to index
        %parallel_loop3A_654 = arith.constant 64 : index
        %parallel_loop3A_655 = tpu.vector_load %parallel_loop3A_652[%parallel_loop3A_653, %parallel_loop3A_654] {strides = array<i32>} : memref<40x128xf32, #tpu.memory_space<vmem>>, vector<1x16xf32>,
        %parallel_loop3A_656 = vector.shape_cast %parallel_loop3A_655 : vector<1x16xf32> to vector<16xf32>
        %parallel_loop3A_657 = arith.addf %parallel_loop3A_648, %parallel_loop3A_656 : vector<16xf32>
        %parallel_loop3A_658 = arith.constant 0.000000e+00 : f32
        %parallel_loop3A_659 = vector.broadcast %parallel_loop3A_658 : f32 to vector<16xf32>
        %parallel_loop3A_660 = arith.maximumf %parallel_loop3A_657, %parallel_loop3A_659 : vector<16xf32>
        %parallel_loop3A_661 = arith.constant 1.000000e-07 : f32
        %parallel_loop3A_662 = vector.broadcast %parallel_loop3A_661 : f32 to vector<16xf32>
        %parallel_loop3A_663 = arith.addf %parallel_loop3A_660, %parallel_loop3A_662 : vector<16xf32>
        %parallel_loop3A_664 = arith.constant 0 : index
        %parallel_loop3A_665 = tpu.vector_load %arg13[%parallel_loop3A_664] {strides = array<i32>} : memref<64xf32, #tpu.memory_space<vmem>>, vector<16xf32>,
        %parallel_loop3A_666 = vector.shape_cast %parallel_loop3A_665 : vector<16xf32> to vector<16xf32>
        %parallel_loop3A_667 = arith.mulf %parallel_loop3A_663, %parallel_loop3A_666 : vector<16xf32>
        %parallel_loop3A_668 = math.exp %parallel_loop3A_667 : vector<16xf32>
        %parallel_loop3A_669 = arith.constant 0 : i32
        %parallel_loop3A_670 = arith.constant 0 : i32
        %parallel_loop3A_671 = tpu.memref_slice %arg12[%parallel_loop3A_283, %parallel_loop3A_669, %parallel_loop3A_670] : memref<2x80x64xf32, #tpu.memory_space<vmem>> -> memref<1x80x64xf32, #tpu.memory_space<vmem>>
        %parallel_loop3A_672 = tpu.memref_squeeze %parallel_loop3A_671 : memref<1x80x64xf32, #tpu.memory_space<vmem>> -> memref<80x64xf32, #tpu.memory_space<vmem>>
        %parallel_loop3A_673 = arith.index_cast %parallel_loop3A_640 : i32 to index
        %parallel_loop3A_674 = arith.constant 0 : index
        %parallel_loop3A_675 = tpu.vector_load %parallel_loop3A_672[%parallel_loop3A_673, %parallel_loop3A_674] {strides = array<i32>} : memref<80x64xf32, #tpu.memory_space<vmem>>, vector<1x16xf32>,
        %parallel_loop3A_676 = vector.shape_cast %parallel_loop3A_675 : vector<1x16xf32> to vector<16xf32>
        %parallel_loop3A_677 = vector.shape_cast %parallel_loop3A_668 : vector<16xf32> to vector<1x16xf32>
        tpu.vector_store %parallel_loop3A_672[%parallel_loop3A_673, %parallel_loop3A_674], %parallel_loop3A_677 {strides = array<i32>} : memref<80x64xf32, #tpu.memory_space<vmem>>, vector<1x16xf32>,
        %parallel_loop3A_678 = arith.mulf %parallel_loop3A_668, %parallel_loop3A_663 : vector<16xf32>
        %parallel_loop3A_679 = arith.constant 0 : i32
        %parallel_loop3A_680 = arith.constant 0 : i32
        %parallel_loop3A_681 = tpu.memref_slice %arg10[%parallel_loop3A_281, %parallel_loop3A_679, %parallel_loop3A_680] : memref<2x80x64xf32, #tpu.memory_space<vmem>> -> memref<1x80x64xf32, #tpu.memory_space<vmem>>
        %parallel_loop3A_682 = tpu.memref_squeeze %parallel_loop3A_681 : memref<1x80x64xf32, #tpu.memory_space<vmem>> -> memref<80x64xf32, #tpu.memory_space<vmem>>
        %parallel_loop3A_683 = arith.index_cast %parallel_loop3A_640 : i32 to index
        %parallel_loop3A_684 = arith.constant 0 : index
        %parallel_loop3A_685 = tpu.vector_load %parallel_loop3A_682[%parallel_loop3A_683, %parallel_loop3A_684] {strides = array<i32>} : memref<80x64xf32, #tpu.memory_space<vmem>>, vector<1x16xf32>,
        %parallel_loop3A_686 = vector.shape_cast %parallel_loop3A_685 : vector<1x16xf32> to vector<16xf32>
        %parallel_loop3A_687 = vector.shape_cast %parallel_loop3A_678 : vector<16xf32> to vector<1x16xf32>
        tpu.vector_store %parallel_loop3A_682[%parallel_loop3A_683, %parallel_loop3A_684], %parallel_loop3A_687 {strides = array<i32>} : memref<80x64xf32, #tpu.memory_space<vmem>>, vector<1x16xf32>,
        %parallel_loop3A_688 = arith.constant 0 : i32
        %parallel_loop3A_689 = arith.constant 0 : i32
        %parallel_loop3A_690 = tpu.memref_slice %arg10[%parallel_loop3A_281, %parallel_loop3A_688, %parallel_loop3A_689] : memref<2x80x64xf32, #tpu.memory_space<vmem>> -> memref<1x80x64xf32, #tpu.memory_space<vmem>>
        %parallel_loop3A_691 = tpu.memref_squeeze %parallel_loop3A_690 : memref<1x80x64xf32, #tpu.memory_space<vmem>> -> memref<80x64xf32, #tpu.memory_space<vmem>>
        %parallel_loop3A_692 = arith.index_cast %parallel_loop3A_640 : i32 to index
        %parallel_loop3A_693 = arith.constant 16 : index
        %parallel_loop3A_694 = tpu.vector_load %parallel_loop3A_691[%parallel_loop3A_692, %parallel_loop3A_693] {strides = array<i32>} : memref<80x64xf32, #tpu.memory_space<vmem>>, vector<1x16xf32>,
        %parallel_loop3A_695 = vector.shape_cast %parallel_loop3A_694 : vector<1x16xf32> to vector<16xf32>
        %parallel_loop3A_696 = arith.constant 0 : i32
        %parallel_loop3A_697 = arith.constant 0 : i32
        %parallel_loop3A_698 = tpu.memref_slice %arg11[%parallel_loop3A_282, %parallel_loop3A_696, %parallel_loop3A_697] : memref<2x40x128xf32, #tpu.memory_space<vmem>> -> memref<1x40x128xf32, #tpu.memory_space<vmem>>
        %parallel_loop3A_699 = tpu.memref_squeeze %parallel_loop3A_698 : memref<1x40x128xf32, #tpu.memory_space<vmem>> -> memref<40x128xf32, #tpu.memory_space<vmem>>
        %parallel_loop3A_700 = arith.index_cast %parallel_loop3A_444 : i32 to index
        %parallel_loop3A_701 = arith.constant 80 : index
        %parallel_loop3A_702 = tpu.vector_load %parallel_loop3A_699[%parallel_loop3A_700, %parallel_loop3A_701] {strides = array<i32>} : memref<40x128xf32, #tpu.memory_space<vmem>>, vector<1x16xf32>,
        %parallel_loop3A_703 = vector.shape_cast %parallel_loop3A_702 : vector<1x16xf32> to vector<16xf32>
        %parallel_loop3A_704 = arith.addf %parallel_loop3A_695, %parallel_loop3A_703 : vector<16xf32>
        %parallel_loop3A_705 = arith.constant 0.000000e+00 : f32
        %parallel_loop3A_706 = vector.broadcast %parallel_loop3A_705 : f32 to vector<16xf32>
        %parallel_loop3A_707 = arith.maximumf %parallel_loop3A_704, %parallel_loop3A_706 : vector<16xf32>
        %parallel_loop3A_708 = arith.constant 1.000000e-07 : f32
        %parallel_loop3A_709 = vector.broadcast %parallel_loop3A_708 : f32 to vector<16xf32>
        %parallel_loop3A_710 = arith.addf %parallel_loop3A_707, %parallel_loop3A_709 : vector<16xf32>
        %parallel_loop3A_711 = arith.constant 16 : index
        %parallel_loop3A_712 = tpu.vector_load %arg13[%parallel_loop3A_711] {strides = array<i32>} : memref<64xf32, #tpu.memory_space<vmem>>, vector<16xf32>,
        %parallel_loop3A_713 = vector.shape_cast %parallel_loop3A_712 : vector<16xf32> to vector<16xf32>
        %parallel_loop3A_714 = arith.mulf %parallel_loop3A_710, %parallel_loop3A_713 : vector<16xf32>
        %parallel_loop3A_715 = math.exp %parallel_loop3A_714 : vector<16xf32>
        %parallel_loop3A_716 = arith.constant 0 : i32
        %parallel_loop3A_717 = arith.constant 0 : i32
        %parallel_loop3A_718 = tpu.memref_slice %arg12[%parallel_loop3A_283, %parallel_loop3A_716, %parallel_loop3A_717] : memref<2x80x64xf32, #tpu.memory_space<vmem>> -> memref<1x80x64xf32, #tpu.memory_space<vmem>>
        %parallel_loop3A_719 = tpu.memref_squeeze %parallel_loop3A_718 : memref<1x80x64xf32, #tpu.memory_space<vmem>> -> memref<80x64xf32, #tpu.memory_space<vmem>>
        %parallel_loop3A_720 = arith.index_cast %parallel_loop3A_640 : i32 to index
        %parallel_loop3A_721 = arith.constant 16 : index
        %parallel_loop3A_722 = tpu.vector_load %parallel_loop3A_719[%parallel_loop3A_720, %parallel_loop3A_721] {strides = array<i32>} : memref<80x64xf32, #tpu.memory_space<vmem>>, vector<1x16xf32>,
        %parallel_loop3A_723 = vector.shape_cast %parallel_loop3A_722 : vector<1x16xf32> to vector<16xf32>
        %parallel_loop3A_724 = vector.shape_cast %parallel_loop3A_715 : vector<16xf32> to vector<1x16xf32>
        tpu.vector_store %parallel_loop3A_719[%parallel_loop3A_720, %parallel_loop3A_721], %parallel_loop3A_724 {strides = array<i32>} : memref<80x64xf32, #tpu.memory_space<vmem>>, vector<1x16xf32>,
        %parallel_loop3A_725 = arith.mulf %parallel_loop3A_715, %parallel_loop3A_710 : vector<16xf32>
        %parallel_loop3A_726 = arith.constant 0 : i32
        %parallel_loop3A_727 = arith.constant 0 : i32
        %parallel_loop3A_728 = tpu.memref_slice %arg10[%parallel_loop3A_281, %parallel_loop3A_726, %parallel_loop3A_727] : memref<2x80x64xf32, #tpu.memory_space<vmem>> -> memref<1x80x64xf32, #tpu.memory_space<vmem>>
        %parallel_loop3A_729 = tpu.memref_squeeze %parallel_loop3A_728 : memref<1x80x64xf32, #tpu.memory_space<vmem>> -> memref<80x64xf32, #tpu.memory_space<vmem>>
        %parallel_loop3A_730 = arith.index_cast %parallel_loop3A_640 : i32 to index
        %parallel_loop3A_731 = arith.constant 16 : index
        %parallel_loop3A_732 = tpu.vector_load %parallel_loop3A_729[%parallel_loop3A_730, %parallel_loop3A_731] {strides = array<i32>} : memref<80x64xf32, #tpu.memory_space<vmem>>, vector<1x16xf32>,
        %parallel_loop3A_733 = vector.shape_cast %parallel_loop3A_732 : vector<1x16xf32> to vector<16xf32>
        %parallel_loop3A_734 = vector.shape_cast %parallel_loop3A_725 : vector<16xf32> to vector<1x16xf32>
        tpu.vector_store %parallel_loop3A_729[%parallel_loop3A_730, %parallel_loop3A_731], %parallel_loop3A_734 {strides = array<i32>} : memref<80x64xf32, #tpu.memory_space<vmem>>, vector<1x16xf32>,
        %parallel_loop3A_735 = arith.constant 0 : i32
        %parallel_loop3A_736 = arith.constant 0 : i32
        %parallel_loop3A_737 = tpu.memref_slice %arg10[%parallel_loop3A_281, %parallel_loop3A_735, %parallel_loop3A_736] : memref<2x80x64xf32, #tpu.memory_space<vmem>> -> memref<1x80x64xf32, #tpu.memory_space<vmem>>
        %parallel_loop3A_738 = tpu.memref_squeeze %parallel_loop3A_737 : memref<1x80x64xf32, #tpu.memory_space<vmem>> -> memref<80x64xf32, #tpu.memory_space<vmem>>
        %parallel_loop3A_739 = arith.index_cast %parallel_loop3A_640 : i32 to index
        %parallel_loop3A_740 = arith.constant 32 : index
        %parallel_loop3A_741 = tpu.vector_load %parallel_loop3A_738[%parallel_loop3A_739, %parallel_loop3A_740] {strides = array<i32>} : memref<80x64xf32, #tpu.memory_space<vmem>>, vector<1x16xf32>,
        %parallel_loop3A_742 = vector.shape_cast %parallel_loop3A_741 : vector<1x16xf32> to vector<16xf32>
        %parallel_loop3A_743 = arith.constant 0 : i32
        %parallel_loop3A_744 = arith.constant 0 : i32
        %parallel_loop3A_745 = tpu.memref_slice %arg11[%parallel_loop3A_282, %parallel_loop3A_743, %parallel_loop3A_744] : memref<2x40x128xf32, #tpu.memory_space<vmem>> -> memref<1x40x128xf32, #tpu.memory_space<vmem>>
        %parallel_loop3A_746 = tpu.memref_squeeze %parallel_loop3A_745 : memref<1x40x128xf32, #tpu.memory_space<vmem>> -> memref<40x128xf32, #tpu.memory_space<vmem>>
        %parallel_loop3A_747 = arith.index_cast %parallel_loop3A_444 : i32 to index
        %parallel_loop3A_748 = arith.constant 96 : index
        %parallel_loop3A_749 = tpu.vector_load %parallel_loop3A_746[%parallel_loop3A_747, %parallel_loop3A_748] {strides = array<i32>} : memref<40x128xf32, #tpu.memory_space<vmem>>, vector<1x16xf32>,
        %parallel_loop3A_750 = vector.shape_cast %parallel_loop3A_749 : vector<1x16xf32> to vector<16xf32>
        %parallel_loop3A_751 = arith.addf %parallel_loop3A_742, %parallel_loop3A_750 : vector<16xf32>
        %parallel_loop3A_752 = arith.constant 0.000000e+00 : f32
        %parallel_loop3A_753 = vector.broadcast %parallel_loop3A_752 : f32 to vector<16xf32>
        %parallel_loop3A_754 = arith.maximumf %parallel_loop3A_751, %parallel_loop3A_753 : vector<16xf32>
        %parallel_loop3A_755 = arith.constant 1.000000e-07 : f32
        %parallel_loop3A_756 = vector.broadcast %parallel_loop3A_755 : f32 to vector<16xf32>
        %parallel_loop3A_757 = arith.addf %parallel_loop3A_754, %parallel_loop3A_756 : vector<16xf32>
        %parallel_loop3A_758 = arith.constant 32 : index
        %parallel_loop3A_759 = tpu.vector_load %arg13[%parallel_loop3A_758] {strides = array<i32>} : memref<64xf32, #tpu.memory_space<vmem>>, vector<16xf32>,
        %parallel_loop3A_760 = vector.shape_cast %parallel_loop3A_759 : vector<16xf32> to vector<16xf32>
        %parallel_loop3A_761 = arith.mulf %parallel_loop3A_757, %parallel_loop3A_760 : vector<16xf32>
        %parallel_loop3A_762 = math.exp %parallel_loop3A_761 : vector<16xf32>
        %parallel_loop3A_763 = arith.constant 0 : i32
        %parallel_loop3A_764 = arith.constant 0 : i32
        %parallel_loop3A_765 = tpu.memref_slice %arg12[%parallel_loop3A_283, %parallel_loop3A_763, %parallel_loop3A_764] : memref<2x80x64xf32, #tpu.memory_space<vmem>> -> memref<1x80x64xf32, #tpu.memory_space<vmem>>
        %parallel_loop3A_766 = tpu.memref_squeeze %parallel_loop3A_765 : memref<1x80x64xf32, #tpu.memory_space<vmem>> -> memref<80x64xf32, #tpu.memory_space<vmem>>
        %parallel_loop3A_767 = arith.index_cast %parallel_loop3A_640 : i32 to index
        %parallel_loop3A_768 = arith.constant 32 : index
        %parallel_loop3A_769 = tpu.vector_load %parallel_loop3A_766[%parallel_loop3A_767, %parallel_loop3A_768] {strides = array<i32>} : memref<80x64xf32, #tpu.memory_space<vmem>>, vector<1x16xf32>,
        %parallel_loop3A_770 = vector.shape_cast %parallel_loop3A_769 : vector<1x16xf32> to vector<16xf32>
        %parallel_loop3A_771 = vector.shape_cast %parallel_loop3A_762 : vector<16xf32> to vector<1x16xf32>
        tpu.vector_store %parallel_loop3A_766[%parallel_loop3A_767, %parallel_loop3A_768], %parallel_loop3A_771 {strides = array<i32>} : memref<80x64xf32, #tpu.memory_space<vmem>>, vector<1x16xf32>,
        %parallel_loop3A_772 = arith.mulf %parallel_loop3A_762, %parallel_loop3A_757 : vector<16xf32>
        %parallel_loop3A_773 = arith.constant 0 : i32
        %parallel_loop3A_774 = arith.constant 0 : i32
        %parallel_loop3A_775 = tpu.memref_slice %arg10[%parallel_loop3A_281, %parallel_loop3A_773, %parallel_loop3A_774] : memref<2x80x64xf32, #tpu.memory_space<vmem>> -> memref<1x80x64xf32, #tpu.memory_space<vmem>>
        %parallel_loop3A_776 = tpu.memref_squeeze %parallel_loop3A_775 : memref<1x80x64xf32, #tpu.memory_space<vmem>> -> memref<80x64xf32, #tpu.memory_space<vmem>>
        %parallel_loop3A_777 = arith.index_cast %parallel_loop3A_640 : i32 to index
        %parallel_loop3A_778 = arith.constant 32 : index
        %parallel_loop3A_779 = tpu.vector_load %parallel_loop3A_776[%parallel_loop3A_777, %parallel_loop3A_778] {strides = array<i32>} : memref<80x64xf32, #tpu.memory_space<vmem>>, vector<1x16xf32>,
        %parallel_loop3A_780 = vector.shape_cast %parallel_loop3A_779 : vector<1x16xf32> to vector<16xf32>
        %parallel_loop3A_781 = vector.shape_cast %parallel_loop3A_772 : vector<16xf32> to vector<1x16xf32>
        tpu.vector_store %parallel_loop3A_776[%parallel_loop3A_777, %parallel_loop3A_778], %parallel_loop3A_781 {strides = array<i32>} : memref<80x64xf32, #tpu.memory_space<vmem>>, vector<1x16xf32>,
        %parallel_loop3A_782 = arith.constant 0 : i32
        %parallel_loop3A_783 = arith.constant 0 : i32
        %parallel_loop3A_784 = tpu.memref_slice %arg10[%parallel_loop3A_281, %parallel_loop3A_782, %parallel_loop3A_783] : memref<2x80x64xf32, #tpu.memory_space<vmem>> -> memref<1x80x64xf32, #tpu.memory_space<vmem>>
        %parallel_loop3A_785 = tpu.memref_squeeze %parallel_loop3A_784 : memref<1x80x64xf32, #tpu.memory_space<vmem>> -> memref<80x64xf32, #tpu.memory_space<vmem>>
        %parallel_loop3A_786 = arith.index_cast %parallel_loop3A_640 : i32 to index
        %parallel_loop3A_787 = arith.constant 48 : index
        %parallel_loop3A_788 = tpu.vector_load %parallel_loop3A_785[%parallel_loop3A_786, %parallel_loop3A_787] {strides = array<i32>} : memref<80x64xf32, #tpu.memory_space<vmem>>, vector<1x16xf32>,
        %parallel_loop3A_789 = vector.shape_cast %parallel_loop3A_788 : vector<1x16xf32> to vector<16xf32>
        %parallel_loop3A_790 = arith.constant 0 : i32
        %parallel_loop3A_791 = arith.constant 0 : i32
        %parallel_loop3A_792 = tpu.memref_slice %arg11[%parallel_loop3A_282, %parallel_loop3A_790, %parallel_loop3A_791] : memref<2x40x128xf32, #tpu.memory_space<vmem>> -> memref<1x40x128xf32, #tpu.memory_space<vmem>>
        %parallel_loop3A_793 = tpu.memref_squeeze %parallel_loop3A_792 : memref<1x40x128xf32, #tpu.memory_space<vmem>> -> memref<40x128xf32, #tpu.memory_space<vmem>>
        %parallel_loop3A_794 = arith.index_cast %parallel_loop3A_444 : i32 to index
        %parallel_loop3A_795 = arith.constant 112 : index
        %parallel_loop3A_796 = tpu.vector_load %parallel_loop3A_793[%parallel_loop3A_794, %parallel_loop3A_795] {strides = array<i32>} : memref<40x128xf32, #tpu.memory_space<vmem>>, vector<1x16xf32>,
        %parallel_loop3A_797 = vector.shape_cast %parallel_loop3A_796 : vector<1x16xf32> to vector<16xf32>
        %parallel_loop3A_798 = arith.addf %parallel_loop3A_789, %parallel_loop3A_797 : vector<16xf32>
        %parallel_loop3A_799 = arith.constant 0.000000e+00 : f32
        %parallel_loop3A_800 = vector.broadcast %parallel_loop3A_799 : f32 to vector<16xf32>
        %parallel_loop3A_801 = arith.maximumf %parallel_loop3A_798, %parallel_loop3A_800 : vector<16xf32>
        %parallel_loop3A_802 = arith.constant 1.000000e-07 : f32
        %parallel_loop3A_803 = vector.broadcast %parallel_loop3A_802 : f32 to vector<16xf32>
        %parallel_loop3A_804 = arith.addf %parallel_loop3A_801, %parallel_loop3A_803 : vector<16xf32>
        %parallel_loop3A_805 = arith.constant 48 : index
        %parallel_loop3A_806 = tpu.vector_load %arg13[%parallel_loop3A_805] {strides = array<i32>} : memref<64xf32, #tpu.memory_space<vmem>>, vector<16xf32>,
        %parallel_loop3A_807 = vector.shape_cast %parallel_loop3A_806 : vector<16xf32> to vector<16xf32>
        %parallel_loop3A_808 = arith.mulf %parallel_loop3A_804, %parallel_loop3A_807 : vector<16xf32>
        %parallel_loop3A_809 = math.exp %parallel_loop3A_808 : vector<16xf32>
        %parallel_loop3A_810 = arith.constant 0 : i32
        %parallel_loop3A_811 = arith.constant 0 : i32
        %parallel_loop3A_812 = tpu.memref_slice %arg12[%parallel_loop3A_283, %parallel_loop3A_810, %parallel_loop3A_811] : memref<2x80x64xf32, #tpu.memory_space<vmem>> -> memref<1x80x64xf32, #tpu.memory_space<vmem>>
        %parallel_loop3A_813 = tpu.memref_squeeze %parallel_loop3A_812 : memref<1x80x64xf32, #tpu.memory_space<vmem>> -> memref<80x64xf32, #tpu.memory_space<vmem>>
        %parallel_loop3A_814 = arith.index_cast %parallel_loop3A_640 : i32 to index
        %parallel_loop3A_815 = arith.constant 48 : index
        %parallel_loop3A_816 = tpu.vector_load %parallel_loop3A_813[%parallel_loop3A_814, %parallel_loop3A_815] {strides = array<i32>} : memref<80x64xf32, #tpu.memory_space<vmem>>, vector<1x16xf32>,
        %parallel_loop3A_817 = vector.shape_cast %parallel_loop3A_816 : vector<1x16xf32> to vector<16xf32>
        %parallel_loop3A_818 = vector.shape_cast %parallel_loop3A_809 : vector<16xf32> to vector<1x16xf32>
        tpu.vector_store %parallel_loop3A_813[%parallel_loop3A_814, %parallel_loop3A_815], %parallel_loop3A_818 {strides = array<i32>} : memref<80x64xf32, #tpu.memory_space<vmem>>, vector<1x16xf32>,
        %parallel_loop3A_819 = arith.mulf %parallel_loop3A_809, %parallel_loop3A_804 : vector<16xf32>
        %parallel_loop3A_820 = arith.constant 0 : i32
        %parallel_loop3A_821 = arith.constant 0 : i32
        %parallel_loop3A_822 = tpu.memref_slice %arg10[%parallel_loop3A_281, %parallel_loop3A_820, %parallel_loop3A_821] : memref<2x80x64xf32, #tpu.memory_space<vmem>> -> memref<1x80x64xf32, #tpu.memory_space<vmem>>
        %parallel_loop3A_823 = tpu.memref_squeeze %parallel_loop3A_822 : memref<1x80x64xf32, #tpu.memory_space<vmem>> -> memref<80x64xf32, #tpu.memory_space<vmem>>
        %parallel_loop3A_824 = arith.index_cast %parallel_loop3A_640 : i32 to index
        %parallel_loop3A_825 = arith.constant 48 : index
        %parallel_loop3A_826 = tpu.vector_load %parallel_loop3A_823[%parallel_loop3A_824, %parallel_loop3A_825] {strides = array<i32>} : memref<80x64xf32, #tpu.memory_space<vmem>>, vector<1x16xf32>,
        %parallel_loop3A_827 = vector.shape_cast %parallel_loop3A_826 : vector<1x16xf32> to vector<16xf32>
        %parallel_loop3A_828 = vector.shape_cast %parallel_loop3A_819 : vector<16xf32> to vector<1x16xf32>
        tpu.vector_store %parallel_loop3A_823[%parallel_loop3A_824, %parallel_loop3A_825], %parallel_loop3A_828 {strides = array<i32>} : memref<80x64xf32, #tpu.memory_space<vmem>>, vector<1x16xf32>,
      } {sc.loop_unroll_factor = 4 : i64, sc.parallel_access}
      %run_scoped3A = arith.constant 0 : i32
      %run_scoped3A_284 = arith.constant 0 : i32
      "tpu.region"() ({
        %run_scoped3A_444 = tpu.sem_alloc : memref<!tpu.dma_semaphore, #tpu.memory_space<semaphore_mem>>
        %dma_start3A_445 = arith.constant 0 : i32
        %dma_start3A_446 = arith.constant 0 : i32
        %dma_start3A_447 = tpu.memref_slice %arg10[%run_scoped3A, %dma_start3A_445, %dma_start3A_446] : memref<2x80x64xf32, #tpu.memory_space<vmem>> -> memref<1x80x64xf32, #tpu.memory_space<vmem>>
        %dma_start3A_448 = tpu.memref_squeeze %dma_start3A_447 : memref<1x80x64xf32, #tpu.memory_space<vmem>> -> memref<80x64xf32, #tpu.memory_space<vmem>>
        %dma_start3A_449 = arith.constant 0 : i32
        %dma_start3A_450 = tpu.memref_slice %arg9[%run_scoped3A_284, %dma_start3A_449] : memref<2x80xi32, #tpu.memory_space<vmem>> -> memref<1x80xi32, #tpu.memory_space<vmem>>
        %dma_start3A_451 = tpu.memref_squeeze %dma_start3A_450 : memref<1x80xi32, #tpu.memory_space<vmem>> -> memref<80xi32, #tpu.memory_space<vmem>>
        %dma_start3A_452 = arith.constant 0 : i32
        %dma_start3A_453 = arith.constant 0 : i32
        %dma_start3A_454 = tpu.memref_slice %arg16[%dma_start3A_452, %dma_start3A_453] : memref<10000x64xf32, #tpu.memory_space<vmem_shared>> -> memref<10000x64xf32, #tpu.memory_space<vmem_shared>>
        tpu.enqueue_indirect_dma source(%dma_start3A_448 : memref<80x64xf32, #tpu.memory_space<vmem>>) target(%dma_start3A_454 : memref<10000x64xf32, #tpu.memory_space<vmem_shared>>) offsets(%dma_start3A_451 : memref<80xi32, #tpu.memory_space<vmem>>) semaphore(%run_scoped3A_444 : memref<!tpu.dma_semaphore, #tpu.memory_space<semaphore_mem>>) {add = true}
        %dma_wait3A_455 = arith.constant 0 : i32
        %dma_wait3A_456 = arith.constant 0 : i32
        %dma_wait3A_457 = tpu.memref_slice %arg10[%run_scoped3A, %dma_wait3A_455, %dma_wait3A_456] : memref<2x80x64xf32, #tpu.memory_space<vmem>> -> memref<1x80x64xf32, #tpu.memory_space<vmem>>
        %dma_wait3A_458 = tpu.memref_squeeze %dma_wait3A_457 : memref<1x80x64xf32, #tpu.memory_space<vmem>> -> memref<80x64xf32, #tpu.memory_space<vmem>>
        %dma_wait3A_459 = arith.constant 0 : i32
        %dma_wait3A_460 = tpu.memref_slice %arg9[%run_scoped3A_284, %dma_wait3A_459] : memref<2x80xi32, #tpu.memory_space<vmem>> -> memref<1x80xi32, #tpu.memory_space<vmem>>
        %dma_wait3A_461 = tpu.memref_squeeze %dma_wait3A_460 : memref<1x80xi32, #tpu.memory_space<vmem>> -> memref<80xi32, #tpu.memory_space<vmem>>
        %dma_wait3A_462 = arith.constant 0 : i32
        %dma_wait3A_463 = arith.constant 0 : i32
        %dma_wait3A_464 = tpu.memref_slice %arg16[%dma_wait3A_462, %dma_wait3A_463] : memref<10000x64xf32, #tpu.memory_space<vmem_shared>> -> memref<10000x64xf32, #tpu.memory_space<vmem_shared>>
        tpu.wait_indirect_dma semaphore(%run_scoped3A_444 : memref<!tpu.dma_semaphore, #tpu.memory_space<semaphore_mem>>) src(%dma_wait3A_458 : memref<80x64xf32, #tpu.memory_space<vmem>>) dst(%dma_wait3A_464 : memref<10000x64xf32, #tpu.memory_space<vmem_shared>>)
        tpu.yield
      }) : () -> ()
      %run_scoped3A_285 = arith.constant 0 : i32
      %run_scoped3A_286 = arith.constant 0 : i32
      "tpu.region"() ({
        %run_scoped3A_444 = tpu.sem_alloc : memref<!tpu.dma_semaphore, #tpu.memory_space<semaphore_mem>>
        %dma_start3A_445 = arith.constant 0 : i32
        %dma_start3A_446 = arith.constant 0 : i32
        %dma_start3A_447 = tpu.memref_slice %arg12[%run_scoped3A_285, %dma_start3A_445, %dma_start3A_446] : memref<2x80x64xf32, #tpu.memory_space<vmem>> -> memref<1x80x64xf32, #tpu.memory_space<vmem>>
        %dma_start3A_448 = tpu.memref_squeeze %dma_start3A_447 : memref<1x80x64xf32, #tpu.memory_space<vmem>> -> memref<80x64xf32, #tpu.memory_space<vmem>>
        %dma_start3A_449 = arith.constant 0 : i32
        %dma_start3A_450 = tpu.memref_slice %arg9[%run_scoped3A_286, %dma_start3A_449] : memref<2x80xi32, #tpu.memory_space<vmem>> -> memref<1x80xi32, #tpu.memory_space<vmem>>
        %dma_start3A_451 = tpu.memref_squeeze %dma_start3A_450 : memref<1x80xi32, #tpu.memory_space<vmem>> -> memref<80xi32, #tpu.memory_space<vmem>>
        %dma_start3A_452 = arith.constant 0 : i32
        %dma_start3A_453 = arith.constant 0 : i32
        %dma_start3A_454 = tpu.memref_slice %arg17[%dma_start3A_452, %dma_start3A_453] : memref<10000x64xf32, #tpu.memory_space<vmem_shared>> -> memref<10000x64xf32, #tpu.memory_space<vmem_shared>>
        tpu.enqueue_indirect_dma source(%dma_start3A_448 : memref<80x64xf32, #tpu.memory_space<vmem>>) target(%dma_start3A_454 : memref<10000x64xf32, #tpu.memory_space<vmem_shared>>) offsets(%dma_start3A_451 : memref<80xi32, #tpu.memory_space<vmem>>) semaphore(%run_scoped3A_444 : memref<!tpu.dma_semaphore, #tpu.memory_space<semaphore_mem>>) {add = true}
        %dma_wait3A_455 = arith.constant 0 : i32
        %dma_wait3A_456 = arith.constant 0 : i32
        %dma_wait3A_457 = tpu.memref_slice %arg12[%run_scoped3A_285, %dma_wait3A_455, %dma_wait3A_456] : memref<2x80x64xf32, #tpu.memory_space<vmem>> -> memref<1x80x64xf32, #tpu.memory_space<vmem>>
        %dma_wait3A_458 = tpu.memref_squeeze %dma_wait3A_457 : memref<1x80x64xf32, #tpu.memory_space<vmem>> -> memref<80x64xf32, #tpu.memory_space<vmem>>
        %dma_wait3A_459 = arith.constant 0 : i32
        %dma_wait3A_460 = tpu.memref_slice %arg9[%run_scoped3A_286, %dma_wait3A_459] : memref<2x80xi32, #tpu.memory_space<vmem>> -> memref<1x80xi32, #tpu.memory_space<vmem>>
        %dma_wait3A_461 = tpu.memref_squeeze %dma_wait3A_460 : memref<1x80xi32, #tpu.memory_space<vmem>> -> memref<80xi32, #tpu.memory_space<vmem>>
        %dma_wait3A_462 = arith.constant 0 : i32
        %dma_wait3A_463 = arith.constant 0 : i32
        %dma_wait3A_464 = tpu.memref_slice %arg17[%dma_wait3A_462, %dma_wait3A_463] : memref<10000x64xf32, #tpu.memory_space<vmem_shared>> -> memref<10000x64xf32, #tpu.memory_space<vmem_shared>>
        tpu.wait_indirect_dma semaphore(%run_scoped3A_444 : memref<!tpu.dma_semaphore, #tpu.memory_space<semaphore_mem>>) src(%dma_wait3A_458 : memref<80x64xf32, #tpu.memory_space<vmem>>) dst(%dma_wait3A_464 : memref<10000x64xf32, #tpu.memory_space<vmem_shared>>)
        tpu.yield
      }) : () -> ()
      %add3A_287 = arith.constant 2 : i32
      %add3A_288 = arith.addi %mul3A_187, %add3A_287 : i32
      %min3A_289 = arith.constant 249 : i32
      %min3A_290 = arith.minsi %add3A_288, %min3A_289 : i32
      %mul3A_291 = arith.constant 80 : i32
      %mul3A_292 = arith.muli %min3A_290, %mul3A_291 : i32
      %add3A_293 = arith.addi %mul3A_18, %mul3A_292 : i32
      %dma_start3A_294 = arith.constant 0 : i32
      %dma_start3A_295 = arith.constant 0 : i32
      %dma_start3A_296 = tpu.memref_slice %arg8[%dma_start3A_294, %dma_start3A_295] : memref<2x80xi32, #tpu.memory_space<vmem>> -> memref<1x80xi32, #tpu.memory_space<vmem>>
      %dma_start3A_297 = tpu.memref_squeeze %dma_start3A_296 : memref<1x80xi32, #tpu.memory_space<vmem>> -> memref<80xi32, #tpu.memory_space<vmem>>
      %dma_start3A_298 = tpu.memref_slice %arg4[%arg0, %add3A_293] : memref<2x320000xi32, #tpu.memory_space<hbm>> -> memref<1x80xi32, #tpu.memory_space<hbm>>
      %dma_start3A_299 = tpu.memref_squeeze %dma_start3A_298 : memref<1x80xi32, #tpu.memory_space<hbm>> -> memref<80xi32, #tpu.memory_space<hbm>>
      %dma_start3A_300 = arith.constant 0 : i32
      %dma_start3A_301 = tpu.memref_slice %arg8[%dma_start3A_294, %dma_start3A_300] : memref<2x80xi32, #tpu.memory_space<vmem>> -> memref<1x80xi32, #tpu.memory_space<vmem>>
      %dma_start3A_302 = tpu.memref_squeeze %dma_start3A_301 : memref<1x80xi32, #tpu.memory_space<vmem>> -> memref<80xi32, #tpu.memory_space<vmem>>
      %dma_start3A_303 = tpu.memref_slice %arg4[%arg0, %add3A_293] : memref<2x320000xi32, #tpu.memory_space<hbm>> -> memref<1x80xi32, #tpu.memory_space<hbm>>
      %dma_start3A_304 = tpu.memref_squeeze %dma_start3A_303 : memref<1x80xi32, #tpu.memory_space<hbm>> -> memref<80xi32, #tpu.memory_space<hbm>>
      tpu.enqueue_dma source(%dma_start3A_304 : memref<80xi32, #tpu.memory_space<hbm>>) target(%dma_start3A_302 : memref<80xi32, #tpu.memory_space<vmem>>) target_semaphore(%arg20 : memref<!tpu.dma_semaphore, #tpu.memory_space<semaphore_mem>>)
      %dma_start3A_305 = arith.constant 0 : i32
      %dma_start3A_306 = arith.constant 0 : i32
      %dma_start3A_307 = tpu.memref_slice %arg9[%dma_start3A_305, %dma_start3A_306] : memref<2x80xi32, #tpu.memory_space<vmem>> -> memref<1x80xi32, #tpu.memory_space<vmem>>
      %dma_start3A_308 = tpu.memref_squeeze %dma_start3A_307 : memref<1x80xi32, #tpu.memory_space<vmem>> -> memref<80xi32, #tpu.memory_space<vmem>>
      %dma_start3A_309 = tpu.memref_slice %arg5[%add3A_293] : memref<320000xi32, #tpu.memory_space<hbm>> -> memref<80xi32, #tpu.memory_space<hbm>>
      %dma_start3A_310 = arith.constant 0 : i32
      %dma_start3A_311 = tpu.memref_slice %arg9[%dma_start3A_305, %dma_start3A_310] : memref<2x80xi32, #tpu.memory_space<vmem>> -> memref<1x80xi32, #tpu.memory_space<vmem>>
      %dma_start3A_312 = tpu.memref_squeeze %dma_start3A_311 : memref<1x80xi32, #tpu.memory_space<vmem>> -> memref<80xi32, #tpu.memory_space<vmem>>
      %dma_start3A_313 = tpu.memref_slice %arg5[%add3A_293] : memref<320000xi32, #tpu.memory_space<hbm>> -> memref<80xi32, #tpu.memory_space<hbm>>
      tpu.enqueue_dma source(%dma_start3A_313 : memref<80xi32, #tpu.memory_space<hbm>>) target(%dma_start3A_312 : memref<80xi32, #tpu.memory_space<vmem>>) target_semaphore(%arg20 : memref<!tpu.dma_semaphore, #tpu.memory_space<semaphore_mem>>)
      %add3A_314 = arith.constant 1 : i32
      %add3A_315 = arith.addi %mul3A_187, %add3A_314 : i32
      %dma_wait3A_316 = arith.constant 0 : i32
      %dma_wait3A_317 = arith.constant 0 : i32
      %dma_wait3A_318 = tpu.memref_slice %arg8[%dma_wait3A_316, %dma_wait3A_317] : memref<2x80xi32, #tpu.memory_space<vmem>> -> memref<1x80xi32, #tpu.memory_space<vmem>>
      %dma_wait3A_319 = tpu.memref_squeeze %dma_wait3A_318 : memref<1x80xi32, #tpu.memory_space<vmem>> -> memref<80xi32, #tpu.memory_space<vmem>>
      %dma_wait3A_320 = arith.constant 0 : i32
      %dma_wait3A_321 = tpu.memref_slice %arg5[%dma_wait3A_320] : memref<320000xi32, #tpu.memory_space<hbm>> -> memref<80xi32, #tpu.memory_space<hbm>>
      %dma_wait3A_322 = arith.constant 0 : i32
      %dma_wait3A_323 = tpu.memref_slice %arg8[%dma_wait3A_316, %dma_wait3A_322] : memref<2x80xi32, #tpu.memory_space<vmem>> -> memref<1x80xi32, #tpu.memory_space<vmem>>
      %dma_wait3A_324 = tpu.memref_squeeze %dma_wait3A_323 : memref<1x80xi32, #tpu.memory_space<vmem>> -> memref<80xi32, #tpu.memory_space<vmem>>
      %dma_wait3A_325 = arith.constant 0 : i32
      %dma_wait3A_326 = tpu.memref_slice %arg5[%dma_wait3A_325] : memref<320000xi32, #tpu.memory_space<hbm>> -> memref<80xi32, #tpu.memory_space<hbm>>
      tpu.wait_dma2 semaphore(%arg20 : memref<!tpu.dma_semaphore, #tpu.memory_space<semaphore_mem>>) src(%dma_wait3A_326 : memref<80xi32, #tpu.memory_space<hbm>>) dst(%dma_wait3A_324 : memref<80xi32, #tpu.memory_space<vmem>>)
      %dma_wait3A_327 = arith.constant 0 : i32
      %dma_wait3A_328 = arith.constant 0 : i32
      %dma_wait3A_329 = tpu.memref_slice %arg9[%dma_wait3A_327, %dma_wait3A_328] : memref<2x80xi32, #tpu.memory_space<vmem>> -> memref<1x80xi32, #tpu.memory_space<vmem>>
      %dma_wait3A_330 = tpu.memref_squeeze %dma_wait3A_329 : memref<1x80xi32, #tpu.memory_space<vmem>> -> memref<80xi32, #tpu.memory_space<vmem>>
      %dma_wait3A_331 = arith.constant 0 : i32
      %dma_wait3A_332 = tpu.memref_slice %arg5[%dma_wait3A_331] : memref<320000xi32, #tpu.memory_space<hbm>> -> memref<80xi32, #tpu.memory_space<hbm>>
      %dma_wait3A_333 = arith.constant 0 : i32
      %dma_wait3A_334 = tpu.memref_slice %arg9[%dma_wait3A_327, %dma_wait3A_333] : memref<2x80xi32, #tpu.memory_space<vmem>> -> memref<1x80xi32, #tpu.memory_space<vmem>>
      %dma_wait3A_335 = tpu.memref_squeeze %dma_wait3A_334 : memref<1x80xi32, #tpu.memory_space<vmem>> -> memref<80xi32, #tpu.memory_space<vmem>>
      %dma_wait3A_336 = arith.constant 0 : i32
      %dma_wait3A_337 = tpu.memref_slice %arg5[%dma_wait3A_336] : memref<320000xi32, #tpu.memory_space<hbm>> -> memref<80xi32, #tpu.memory_space<hbm>>
      tpu.wait_dma2 semaphore(%arg20 : memref<!tpu.dma_semaphore, #tpu.memory_space<semaphore_mem>>) src(%dma_wait3A_337 : memref<80xi32, #tpu.memory_space<hbm>>) dst(%dma_wait3A_335 : memref<80xi32, #tpu.memory_space<vmem>>)
      %add3A_338 = arith.constant 1 : i32
      %add3A_339 = arith.addi %add3A_315, %add3A_338 : i32
      %min3A_340 = arith.constant 249 : i32
      %min3A_341 = arith.minsi %add3A_339, %min3A_340 : i32
      %mul3A_342 = arith.constant 10000 : i32
      %mul3A_343 = arith.muli %arg1, %mul3A_342 : i32
      %mul3A_344 = arith.constant 40 : i32
      %mul3A_345 = arith.muli %min3A_341, %mul3A_344 : i32
      %add3A_346 = arith.addi %mul3A_343, %mul3A_345 : i32
      %dma_start3A_347 = arith.constant 0 : i32
      %dma_start3A_348 = arith.constant 0 : i32
      %dma_start3A_349 = arith.constant 0 : i32
      %dma_start3A_350 = arith.constant 0 : i32
      %dma_start3A_351 = tpu.memref_slice %arg10[%dma_start3A_348, %dma_start3A_349, %dma_start3A_350] : memref<2x80x64xf32, #tpu.memory_space<vmem>> -> memref<1x80x64xf32, #tpu.memory_space<vmem>>
      %dma_start3A_352 = tpu.memref_squeeze %dma_start3A_351 : memref<1x80x64xf32, #tpu.memory_space<vmem>> -> memref<80x64xf32, #tpu.memory_space<vmem>>
      %dma_start3A_353 = arith.constant 0 : i32
      %dma_start3A_354 = tpu.memref_slice %arg8[%dma_start3A_347, %dma_start3A_353] : memref<2x80xi32, #tpu.memory_space<vmem>> -> memref<1x80xi32, #tpu.memory_space<vmem>>
      %dma_start3A_355 = tpu.memref_squeeze %dma_start3A_354 : memref<1x80xi32, #tpu.memory_space<vmem>> -> memref<80xi32, #tpu.memory_space<vmem>>
      %dma_start3A_356 = arith.constant 0 : i32
      %dma_start3A_357 = arith.constant 0 : i32
      %dma_start3A_358 = tpu.memref_slice %arg2[%dma_start3A_356, %dma_start3A_357] : memref<20000x64xf32, #tpu.memory_space<hbm>> -> memref<20000x64xf32, #tpu.memory_space<hbm>>
      tpu.enqueue_indirect_dma source(%dma_start3A_358 : memref<20000x64xf32, #tpu.memory_space<hbm>>) target(%dma_start3A_352 : memref<80x64xf32, #tpu.memory_space<vmem>>) offsets(%dma_start3A_355 : memref<80xi32, #tpu.memory_space<vmem>>) semaphore(%arg18 : memref<!tpu.dma_semaphore, #tpu.memory_space<semaphore_mem>>)
      %dma_start3A_359 = arith.constant 0 : i32
      %dma_start3A_360 = arith.constant 0 : i32
      %dma_start3A_361 = arith.constant 0 : i32
      %dma_start3A_362 = tpu.memref_slice %arg11[%dma_start3A_359, %dma_start3A_360, %dma_start3A_361] : memref<2x40x128xf32, #tpu.memory_space<vmem>> -> memref<1x40x128xf32, #tpu.memory_space<vmem>>
      %dma_start3A_363 = tpu.memref_squeeze %dma_start3A_362 : memref<1x40x128xf32, #tpu.memory_space<vmem>> -> memref<40x128xf32, #tpu.memory_space<vmem>>
      %dma_start3A_364 = arith.constant 0 : i32
      %dma_start3A_365 = tpu.memref_slice %arg3[%arg0, %add3A_346, %dma_start3A_364] : memref<2x160000x128xf32, #tpu.memory_space<hbm>> -> memref<1x40x128xf32, #tpu.memory_space<hbm>>
      %dma_start3A_366 = tpu.memref_squeeze %dma_start3A_365 : memref<1x40x128xf32, #tpu.memory_space<hbm>> -> memref<40x128xf32, #tpu.memory_space<hbm>>
      %dma_start3A_367 = arith.constant 0 : i32
      %dma_start3A_368 = arith.constant 0 : i32
      %dma_start3A_369 = tpu.memref_slice %arg11[%dma_start3A_359, %dma_start3A_367, %dma_start3A_368] : memref<2x40x128xf32, #tpu.memory_space<vmem>> -> memref<1x40x128xf32, #tpu.memory_space<vmem>>
      %dma_start3A_370 = tpu.memref_squeeze %dma_start3A_369 : memref<1x40x128xf32, #tpu.memory_space<vmem>> -> memref<40x128xf32, #tpu.memory_space<vmem>>
      %dma_start3A_371 = arith.constant 0 : i32
      %dma_start3A_372 = tpu.memref_slice %arg3[%arg0, %add3A_346, %dma_start3A_371] : memref<2x160000x128xf32, #tpu.memory_space<hbm>> -> memref<1x40x128xf32, #tpu.memory_space<hbm>>
      %dma_start3A_373 = tpu.memref_squeeze %dma_start3A_372 : memref<1x40x128xf32, #tpu.memory_space<hbm>> -> memref<40x128xf32, #tpu.memory_space<hbm>>
      tpu.enqueue_dma source(%dma_start3A_373 : memref<40x128xf32, #tpu.memory_space<hbm>>) target(%dma_start3A_370 : memref<40x128xf32, #tpu.memory_space<vmem>>) target_semaphore(%arg18 : memref<!tpu.dma_semaphore, #tpu.memory_space<semaphore_mem>>)
      %dma_wait3A_374 = arith.constant 1 : i32
      %dma_wait3A_375 = arith.constant 0 : i32
      %dma_wait3A_376 = arith.constant 0 : i32
      %dma_wait3A_377 = tpu.memref_slice %arg10[%dma_wait3A_374, %dma_wait3A_375, %dma_wait3A_376] : memref<2x80x64xf32, #tpu.memory_space<vmem>> -> memref<1x80x64xf32, #tpu.memory_space<vmem>>
      %dma_wait3A_378 = tpu.memref_squeeze %dma_wait3A_377 : memref<1x80x64xf32, #tpu.memory_space<vmem>> -> memref<80x64xf32, #tpu.memory_space<vmem>>
      %dma_wait3A_379 = arith.constant 0 : i32
      %dma_wait3A_380 = arith.constant 0 : i32
      %dma_wait3A_381 = tpu.memref_slice %arg2[%dma_wait3A_379, %dma_wait3A_380] : memref<20000x64xf32, #tpu.memory_space<hbm>> -> memref<80x64xf32, #tpu.memory_space<hbm>>
      %dma_wait3A_382 = arith.constant 0 : i32
      %dma_wait3A_383 = arith.constant 0 : i32
      %dma_wait3A_384 = tpu.memref_slice %arg10[%dma_wait3A_374, %dma_wait3A_382, %dma_wait3A_383] : memref<2x80x64xf32, #tpu.memory_space<vmem>> -> memref<1x80x64xf32, #tpu.memory_space<vmem>>
      %dma_wait3A_385 = tpu.memref_squeeze %dma_wait3A_384 : memref<1x80x64xf32, #tpu.memory_space<vmem>> -> memref<80x64xf32, #tpu.memory_space<vmem>>
      %dma_wait3A_386 = arith.constant 0 : i32
      %dma_wait3A_387 = arith.constant 0 : i32
      %dma_wait3A_388 = tpu.memref_slice %arg2[%dma_wait3A_386, %dma_wait3A_387] : memref<20000x64xf32, #tpu.memory_space<hbm>> -> memref<80x64xf32, #tpu.memory_space<hbm>>
      tpu.wait_dma2 semaphore(%arg19 : memref<!tpu.dma_semaphore, #tpu.memory_space<semaphore_mem>>) src(%dma_wait3A_388 : memref<80x64xf32, #tpu.memory_space<hbm>>) dst(%dma_wait3A_385 : memref<80x64xf32, #tpu.memory_space<vmem>>)
      %dma_wait3A_389 = arith.constant 0 : i32
      %dma_wait3A_390 = arith.constant 1 : i32
      %dma_wait3A_391 = arith.constant 0 : i32
      %dma_wait3A_392 = arith.constant 0 : i32
      %dma_wait3A_393 = tpu.memref_slice %arg11[%dma_wait3A_390, %dma_wait3A_391, %dma_wait3A_392] : memref<2x40x128xf32, #tpu.memory_space<vmem>> -> memref<1x40x128xf32, #tpu.memory_space<vmem>>
      %dma_wait3A_394 = tpu.memref_squeeze %dma_wait3A_393 : memref<1x40x128xf32, #tpu.memory_space<vmem>> -> memref<40x128xf32, #tpu.memory_space<vmem>>
      %dma_wait3A_395 = arith.constant 0 : i32
      %dma_wait3A_396 = arith.constant 0 : i32
      %dma_wait3A_397 = tpu.memref_slice %arg3[%dma_wait3A_389, %dma_wait3A_395, %dma_wait3A_396] : memref<2x160000x128xf32, #tpu.memory_space<hbm>> -> memref<1x40x128xf32, #tpu.memory_space<hbm>>
      %dma_wait3A_398 = tpu.memref_squeeze %dma_wait3A_397 : memref<1x40x128xf32, #tpu.memory_space<hbm>> -> memref<40x128xf32, #tpu.memory_space<hbm>>
      %dma_wait3A_399 = arith.constant 0 : i32
      %dma_wait3A_400 = arith.constant 0 : i32
      %dma_wait3A_401 = tpu.memref_slice %arg11[%dma_wait3A_390, %dma_wait3A_399, %dma_wait3A_400] : memref<2x40x128xf32, #tpu.memory_space<vmem>> -> memref<1x40x128xf32, #tpu.memory_space<vmem>>
      %dma_wait3A_402 = tpu.memref_squeeze %dma_wait3A_401 : memref<1x40x128xf32, #tpu.memory_space<vmem>> -> memref<40x128xf32, #tpu.memory_space<vmem>>
      %dma_wait3A_403 = arith.constant 0 : i32
      %dma_wait3A_404 = arith.constant 0 : i32
      %dma_wait3A_405 = tpu.memref_slice %arg3[%dma_wait3A_389, %dma_wait3A_403, %dma_wait3A_404] : memref<2x160000x128xf32, #tpu.memory_space<hbm>> -> memref<1x40x128xf32, #tpu.memory_space<hbm>>
      %dma_wait3A_406 = tpu.memref_squeeze %dma_wait3A_405 : memref<1x40x128xf32, #tpu.memory_space<hbm>> -> memref<40x128xf32, #tpu.memory_space<hbm>>
      tpu.wait_dma2 semaphore(%arg19 : memref<!tpu.dma_semaphore, #tpu.memory_space<semaphore_mem>>) src(%dma_wait3A_406 : memref<40x128xf32, #tpu.memory_space<hbm>>) dst(%dma_wait3A_402 : memref<40x128xf32, #tpu.memory_space<vmem>>)
      %parallel_loop3A_407 = arith.constant 0 : i32
      %parallel_loop3A_408 = arith.constant 40 : i32
      %parallel_loop3A_409 = arith.constant 1 : i32
      %parallel_loop3A_410 = arith.constant 1 : i32
      %parallel_loop3A_411 = arith.constant 1 : i32
      %parallel_loop3A_412 = arith.constant 1 : i32
      scf.for %parallel_loop3A_444 = %parallel_loop3A_407 to %parallel_loop3A_408 step %parallel_loop3A_409  : i32 {
        %parallel_loop3A_445 = arith.constant 2 : i32
        %parallel_loop3A_446 = arith.muli %parallel_loop3A_445, %parallel_loop3A_444 : i32
        %parallel_loop3A_447 = arith.constant 0 : i32
        %parallel_loop3A_448 = arith.addi %parallel_loop3A_446, %parallel_loop3A_447 : i32
        %parallel_loop3A_449 = arith.constant 0 : i32
        %parallel_loop3A_450 = arith.constant 0 : i32
        %parallel_loop3A_451 = tpu.memref_slice %arg10[%parallel_loop3A_410, %parallel_loop3A_449, %parallel_loop3A_450] : memref<2x80x64xf32, #tpu.memory_space<vmem>> -> memref<1x80x64xf32, #tpu.memory_space<vmem>>
        %parallel_loop3A_452 = tpu.memref_squeeze %parallel_loop3A_451 : memref<1x80x64xf32, #tpu.memory_space<vmem>> -> memref<80x64xf32, #tpu.memory_space<vmem>>
        %parallel_loop3A_453 = arith.index_cast %parallel_loop3A_448 : i32 to index
        %parallel_loop3A_454 = arith.constant 0 : index
        %parallel_loop3A_455 = tpu.vector_load %parallel_loop3A_452[%parallel_loop3A_453, %parallel_loop3A_454] {strides = array<i32>} : memref<80x64xf32, #tpu.memory_space<vmem>>, vector<1x16xf32>,
        %parallel_loop3A_456 = vector.shape_cast %parallel_loop3A_455 : vector<1x16xf32> to vector<16xf32>
        %parallel_loop3A_457 = arith.constant 0 : i32
        %parallel_loop3A_458 = arith.constant 0 : i32
        %parallel_loop3A_459 = tpu.memref_slice %arg11[%parallel_loop3A_411, %parallel_loop3A_457, %parallel_loop3A_458] : memref<2x40x128xf32, #tpu.memory_space<vmem>> -> memref<1x40x128xf32, #tpu.memory_space<vmem>>
        %parallel_loop3A_460 = tpu.memref_squeeze %parallel_loop3A_459 : memref<1x40x128xf32, #tpu.memory_space<vmem>> -> memref<40x128xf32, #tpu.memory_space<vmem>>
        %parallel_loop3A_461 = arith.index_cast %parallel_loop3A_444 : i32 to index
        %parallel_loop3A_462 = arith.constant 0 : index
        %parallel_loop3A_463 = tpu.vector_load %parallel_loop3A_460[%parallel_loop3A_461, %parallel_loop3A_462] {strides = array<i32>} : memref<40x128xf32, #tpu.memory_space<vmem>>, vector<1x16xf32>,
        %parallel_loop3A_464 = vector.shape_cast %parallel_loop3A_463 : vector<1x16xf32> to vector<16xf32>
        %parallel_loop3A_465 = arith.addf %parallel_loop3A_456, %parallel_loop3A_464 : vector<16xf32>
        %parallel_loop3A_466 = arith.constant 0.000000e+00 : f32
        %parallel_loop3A_467 = vector.broadcast %parallel_loop3A_466 : f32 to vector<16xf32>
        %parallel_loop3A_468 = arith.maximumf %parallel_loop3A_465, %parallel_loop3A_467 : vector<16xf32>
        %parallel_loop3A_469 = arith.constant 1.000000e-07 : f32
        %parallel_loop3A_470 = vector.broadcast %parallel_loop3A_469 : f32 to vector<16xf32>
        %parallel_loop3A_471 = arith.addf %parallel_loop3A_468, %parallel_loop3A_470 : vector<16xf32>
        %parallel_loop3A_472 = arith.constant 0 : index
        %parallel_loop3A_473 = tpu.vector_load %arg13[%parallel_loop3A_472] {strides = array<i32>} : memref<64xf32, #tpu.memory_space<vmem>>, vector<16xf32>,
        %parallel_loop3A_474 = vector.shape_cast %parallel_loop3A_473 : vector<16xf32> to vector<16xf32>
        %parallel_loop3A_475 = arith.mulf %parallel_loop3A_471, %parallel_loop3A_474 : vector<16xf32>
        %parallel_loop3A_476 = math.exp %parallel_loop3A_475 : vector<16xf32>
        %parallel_loop3A_477 = arith.constant 0 : i32
        %parallel_loop3A_478 = arith.constant 0 : i32
        %parallel_loop3A_479 = tpu.memref_slice %arg12[%parallel_loop3A_412, %parallel_loop3A_477, %parallel_loop3A_478] : memref<2x80x64xf32, #tpu.memory_space<vmem>> -> memref<1x80x64xf32, #tpu.memory_space<vmem>>
        %parallel_loop3A_480 = tpu.memref_squeeze %parallel_loop3A_479 : memref<1x80x64xf32, #tpu.memory_space<vmem>> -> memref<80x64xf32, #tpu.memory_space<vmem>>
        %parallel_loop3A_481 = arith.index_cast %parallel_loop3A_448 : i32 to index
        %parallel_loop3A_482 = arith.constant 0 : index
        %parallel_loop3A_483 = tpu.vector_load %parallel_loop3A_480[%parallel_loop3A_481, %parallel_loop3A_482] {strides = array<i32>} : memref<80x64xf32, #tpu.memory_space<vmem>>, vector<1x16xf32>,
        %parallel_loop3A_484 = vector.shape_cast %parallel_loop3A_483 : vector<1x16xf32> to vector<16xf32>
        %parallel_loop3A_485 = vector.shape_cast %parallel_loop3A_476 : vector<16xf32> to vector<1x16xf32>
        tpu.vector_store %parallel_loop3A_480[%parallel_loop3A_481, %parallel_loop3A_482], %parallel_loop3A_485 {strides = array<i32>} : memref<80x64xf32, #tpu.memory_space<vmem>>, vector<1x16xf32>,
        %parallel_loop3A_486 = arith.mulf %parallel_loop3A_476, %parallel_loop3A_471 : vector<16xf32>
        %parallel_loop3A_487 = arith.constant 0 : i32
        %parallel_loop3A_488 = arith.constant 0 : i32
        %parallel_loop3A_489 = tpu.memref_slice %arg10[%parallel_loop3A_410, %parallel_loop3A_487, %parallel_loop3A_488] : memref<2x80x64xf32, #tpu.memory_space<vmem>> -> memref<1x80x64xf32, #tpu.memory_space<vmem>>
        %parallel_loop3A_490 = tpu.memref_squeeze %parallel_loop3A_489 : memref<1x80x64xf32, #tpu.memory_space<vmem>> -> memref<80x64xf32, #tpu.memory_space<vmem>>
        %parallel_loop3A_491 = arith.index_cast %parallel_loop3A_448 : i32 to index
        %parallel_loop3A_492 = arith.constant 0 : index
        %parallel_loop3A_493 = tpu.vector_load %parallel_loop3A_490[%parallel_loop3A_491, %parallel_loop3A_492] {strides = array<i32>} : memref<80x64xf32, #tpu.memory_space<vmem>>, vector<1x16xf32>,
        %parallel_loop3A_494 = vector.shape_cast %parallel_loop3A_493 : vector<1x16xf32> to vector<16xf32>
        %parallel_loop3A_495 = vector.shape_cast %parallel_loop3A_486 : vector<16xf32> to vector<1x16xf32>
        tpu.vector_store %parallel_loop3A_490[%parallel_loop3A_491, %parallel_loop3A_492], %parallel_loop3A_495 {strides = array<i32>} : memref<80x64xf32, #tpu.memory_space<vmem>>, vector<1x16xf32>,
        %parallel_loop3A_496 = arith.constant 0 : i32
        %parallel_loop3A_497 = arith.constant 0 : i32
        %parallel_loop3A_498 = tpu.memref_slice %arg10[%parallel_loop3A_410, %parallel_loop3A_496, %parallel_loop3A_497] : memref<2x80x64xf32, #tpu.memory_space<vmem>> -> memref<1x80x64xf32, #tpu.memory_space<vmem>>
        %parallel_loop3A_499 = tpu.memref_squeeze %parallel_loop3A_498 : memref<1x80x64xf32, #tpu.memory_space<vmem>> -> memref<80x64xf32, #tpu.memory_space<vmem>>
        %parallel_loop3A_500 = arith.index_cast %parallel_loop3A_448 : i32 to index
        %parallel_loop3A_501 = arith.constant 16 : index
        %parallel_loop3A_502 = tpu.vector_load %parallel_loop3A_499[%parallel_loop3A_500, %parallel_loop3A_501] {strides = array<i32>} : memref<80x64xf32, #tpu.memory_space<vmem>>, vector<1x16xf32>,
        %parallel_loop3A_503 = vector.shape_cast %parallel_loop3A_502 : vector<1x16xf32> to vector<16xf32>
        %parallel_loop3A_504 = arith.constant 0 : i32
        %parallel_loop3A_505 = arith.constant 0 : i32
        %parallel_loop3A_506 = tpu.memref_slice %arg11[%parallel_loop3A_411, %parallel_loop3A_504, %parallel_loop3A_505] : memref<2x40x128xf32, #tpu.memory_space<vmem>> -> memref<1x40x128xf32, #tpu.memory_space<vmem>>
        %parallel_loop3A_507 = tpu.memref_squeeze %parallel_loop3A_506 : memref<1x40x128xf32, #tpu.memory_space<vmem>> -> memref<40x128xf32, #tpu.memory_space<vmem>>
        %parallel_loop3A_508 = arith.index_cast %parallel_loop3A_444 : i32 to index
        %parallel_loop3A_509 = arith.constant 16 : index
        %parallel_loop3A_510 = tpu.vector_load %parallel_loop3A_507[%parallel_loop3A_508, %parallel_loop3A_509] {strides = array<i32>} : memref<40x128xf32, #tpu.memory_space<vmem>>, vector<1x16xf32>,
        %parallel_loop3A_511 = vector.shape_cast %parallel_loop3A_510 : vector<1x16xf32> to vector<16xf32>
        %parallel_loop3A_512 = arith.addf %parallel_loop3A_503, %parallel_loop3A_511 : vector<16xf32>
        %parallel_loop3A_513 = arith.constant 0.000000e+00 : f32
        %parallel_loop3A_514 = vector.broadcast %parallel_loop3A_513 : f32 to vector<16xf32>
        %parallel_loop3A_515 = arith.maximumf %parallel_loop3A_512, %parallel_loop3A_514 : vector<16xf32>
        %parallel_loop3A_516 = arith.constant 1.000000e-07 : f32
        %parallel_loop3A_517 = vector.broadcast %parallel_loop3A_516 : f32 to vector<16xf32>
        %parallel_loop3A_518 = arith.addf %parallel_loop3A_515, %parallel_loop3A_517 : vector<16xf32>
        %parallel_loop3A_519 = arith.constant 16 : index
        %parallel_loop3A_520 = tpu.vector_load %arg13[%parallel_loop3A_519] {strides = array<i32>} : memref<64xf32, #tpu.memory_space<vmem>>, vector<16xf32>,
        %parallel_loop3A_521 = vector.shape_cast %parallel_loop3A_520 : vector<16xf32> to vector<16xf32>
        %parallel_loop3A_522 = arith.mulf %parallel_loop3A_518, %parallel_loop3A_521 : vector<16xf32>
        %parallel_loop3A_523 = math.exp %parallel_loop3A_522 : vector<16xf32>
        %parallel_loop3A_524 = arith.constant 0 : i32
        %parallel_loop3A_525 = arith.constant 0 : i32
        %parallel_loop3A_526 = tpu.memref_slice %arg12[%parallel_loop3A_412, %parallel_loop3A_524, %parallel_loop3A_525] : memref<2x80x64xf32, #tpu.memory_space<vmem>> -> memref<1x80x64xf32, #tpu.memory_space<vmem>>
        %parallel_loop3A_527 = tpu.memref_squeeze %parallel_loop3A_526 : memref<1x80x64xf32, #tpu.memory_space<vmem>> -> memref<80x64xf32, #tpu.memory_space<vmem>>
        %parallel_loop3A_528 = arith.index_cast %parallel_loop3A_448 : i32 to index
        %parallel_loop3A_529 = arith.constant 16 : index
        %parallel_loop3A_530 = tpu.vector_load %parallel_loop3A_527[%parallel_loop3A_528, %parallel_loop3A_529] {strides = array<i32>} : memref<80x64xf32, #tpu.memory_space<vmem>>, vector<1x16xf32>,
        %parallel_loop3A_531 = vector.shape_cast %parallel_loop3A_530 : vector<1x16xf32> to vector<16xf32>
        %parallel_loop3A_532 = vector.shape_cast %parallel_loop3A_523 : vector<16xf32> to vector<1x16xf32>
        tpu.vector_store %parallel_loop3A_527[%parallel_loop3A_528, %parallel_loop3A_529], %parallel_loop3A_532 {strides = array<i32>} : memref<80x64xf32, #tpu.memory_space<vmem>>, vector<1x16xf32>,
        %parallel_loop3A_533 = arith.mulf %parallel_loop3A_523, %parallel_loop3A_518 : vector<16xf32>
        %parallel_loop3A_534 = arith.constant 0 : i32
        %parallel_loop3A_535 = arith.constant 0 : i32
        %parallel_loop3A_536 = tpu.memref_slice %arg10[%parallel_loop3A_410, %parallel_loop3A_534, %parallel_loop3A_535] : memref<2x80x64xf32, #tpu.memory_space<vmem>> -> memref<1x80x64xf32, #tpu.memory_space<vmem>>
        %parallel_loop3A_537 = tpu.memref_squeeze %parallel_loop3A_536 : memref<1x80x64xf32, #tpu.memory_space<vmem>> -> memref<80x64xf32, #tpu.memory_space<vmem>>
        %parallel_loop3A_538 = arith.index_cast %parallel_loop3A_448 : i32 to index
        %parallel_loop3A_539 = arith.constant 16 : index
        %parallel_loop3A_540 = tpu.vector_load %parallel_loop3A_537[%parallel_loop3A_538, %parallel_loop3A_539] {strides = array<i32>} : memref<80x64xf32, #tpu.memory_space<vmem>>, vector<1x16xf32>,
        %parallel_loop3A_541 = vector.shape_cast %parallel_loop3A_540 : vector<1x16xf32> to vector<16xf32>
        %parallel_loop3A_542 = vector.shape_cast %parallel_loop3A_533 : vector<16xf32> to vector<1x16xf32>
        tpu.vector_store %parallel_loop3A_537[%parallel_loop3A_538, %parallel_loop3A_539], %parallel_loop3A_542 {strides = array<i32>} : memref<80x64xf32, #tpu.memory_space<vmem>>, vector<1x16xf32>,
        %parallel_loop3A_543 = arith.constant 0 : i32
        %parallel_loop3A_544 = arith.constant 0 : i32
        %parallel_loop3A_545 = tpu.memref_slice %arg10[%parallel_loop3A_410, %parallel_loop3A_543, %parallel_loop3A_544] : memref<2x80x64xf32, #tpu.memory_space<vmem>> -> memref<1x80x64xf32, #tpu.memory_space<vmem>>
        %parallel_loop3A_546 = tpu.memref_squeeze %parallel_loop3A_545 : memref<1x80x64xf32, #tpu.memory_space<vmem>> -> memref<80x64xf32, #tpu.memory_space<vmem>>
        %parallel_loop3A_547 = arith.index_cast %parallel_loop3A_448 : i32 to index
        %parallel_loop3A_548 = arith.constant 32 : index
        %parallel_loop3A_549 = tpu.vector_load %parallel_loop3A_546[%parallel_loop3A_547, %parallel_loop3A_548] {strides = array<i32>} : memref<80x64xf32, #tpu.memory_space<vmem>>, vector<1x16xf32>,
        %parallel_loop3A_550 = vector.shape_cast %parallel_loop3A_549 : vector<1x16xf32> to vector<16xf32>
        %parallel_loop3A_551 = arith.constant 0 : i32
        %parallel_loop3A_552 = arith.constant 0 : i32
        %parallel_loop3A_553 = tpu.memref_slice %arg11[%parallel_loop3A_411, %parallel_loop3A_551, %parallel_loop3A_552] : memref<2x40x128xf32, #tpu.memory_space<vmem>> -> memref<1x40x128xf32, #tpu.memory_space<vmem>>
        %parallel_loop3A_554 = tpu.memref_squeeze %parallel_loop3A_553 : memref<1x40x128xf32, #tpu.memory_space<vmem>> -> memref<40x128xf32, #tpu.memory_space<vmem>>
        %parallel_loop3A_555 = arith.index_cast %parallel_loop3A_444 : i32 to index
        %parallel_loop3A_556 = arith.constant 32 : index
        %parallel_loop3A_557 = tpu.vector_load %parallel_loop3A_554[%parallel_loop3A_555, %parallel_loop3A_556] {strides = array<i32>} : memref<40x128xf32, #tpu.memory_space<vmem>>, vector<1x16xf32>,
        %parallel_loop3A_558 = vector.shape_cast %parallel_loop3A_557 : vector<1x16xf32> to vector<16xf32>
        %parallel_loop3A_559 = arith.addf %parallel_loop3A_550, %parallel_loop3A_558 : vector<16xf32>
        %parallel_loop3A_560 = arith.constant 0.000000e+00 : f32
        %parallel_loop3A_561 = vector.broadcast %parallel_loop3A_560 : f32 to vector<16xf32>
        %parallel_loop3A_562 = arith.maximumf %parallel_loop3A_559, %parallel_loop3A_561 : vector<16xf32>
        %parallel_loop3A_563 = arith.constant 1.000000e-07 : f32
        %parallel_loop3A_564 = vector.broadcast %parallel_loop3A_563 : f32 to vector<16xf32>
        %parallel_loop3A_565 = arith.addf %parallel_loop3A_562, %parallel_loop3A_564 : vector<16xf32>
        %parallel_loop3A_566 = arith.constant 32 : index
        %parallel_loop3A_567 = tpu.vector_load %arg13[%parallel_loop3A_566] {strides = array<i32>} : memref<64xf32, #tpu.memory_space<vmem>>, vector<16xf32>,
        %parallel_loop3A_568 = vector.shape_cast %parallel_loop3A_567 : vector<16xf32> to vector<16xf32>
        %parallel_loop3A_569 = arith.mulf %parallel_loop3A_565, %parallel_loop3A_568 : vector<16xf32>
        %parallel_loop3A_570 = math.exp %parallel_loop3A_569 : vector<16xf32>
        %parallel_loop3A_571 = arith.constant 0 : i32
        %parallel_loop3A_572 = arith.constant 0 : i32
        %parallel_loop3A_573 = tpu.memref_slice %arg12[%parallel_loop3A_412, %parallel_loop3A_571, %parallel_loop3A_572] : memref<2x80x64xf32, #tpu.memory_space<vmem>> -> memref<1x80x64xf32, #tpu.memory_space<vmem>>
        %parallel_loop3A_574 = tpu.memref_squeeze %parallel_loop3A_573 : memref<1x80x64xf32, #tpu.memory_space<vmem>> -> memref<80x64xf32, #tpu.memory_space<vmem>>
        %parallel_loop3A_575 = arith.index_cast %parallel_loop3A_448 : i32 to index
        %parallel_loop3A_576 = arith.constant 32 : index
        %parallel_loop3A_577 = tpu.vector_load %parallel_loop3A_574[%parallel_loop3A_575, %parallel_loop3A_576] {strides = array<i32>} : memref<80x64xf32, #tpu.memory_space<vmem>>, vector<1x16xf32>,
        %parallel_loop3A_578 = vector.shape_cast %parallel_loop3A_577 : vector<1x16xf32> to vector<16xf32>
        %parallel_loop3A_579 = vector.shape_cast %parallel_loop3A_570 : vector<16xf32> to vector<1x16xf32>
        tpu.vector_store %parallel_loop3A_574[%parallel_loop3A_575, %parallel_loop3A_576], %parallel_loop3A_579 {strides = array<i32>} : memref<80x64xf32, #tpu.memory_space<vmem>>, vector<1x16xf32>,
        %parallel_loop3A_580 = arith.mulf %parallel_loop3A_570, %parallel_loop3A_565 : vector<16xf32>
        %parallel_loop3A_581 = arith.constant 0 : i32
        %parallel_loop3A_582 = arith.constant 0 : i32
        %parallel_loop3A_583 = tpu.memref_slice %arg10[%parallel_loop3A_410, %parallel_loop3A_581, %parallel_loop3A_582] : memref<2x80x64xf32, #tpu.memory_space<vmem>> -> memref<1x80x64xf32, #tpu.memory_space<vmem>>
        %parallel_loop3A_584 = tpu.memref_squeeze %parallel_loop3A_583 : memref<1x80x64xf32, #tpu.memory_space<vmem>> -> memref<80x64xf32, #tpu.memory_space<vmem>>
        %parallel_loop3A_585 = arith.index_cast %parallel_loop3A_448 : i32 to index
        %parallel_loop3A_586 = arith.constant 32 : index
        %parallel_loop3A_587 = tpu.vector_load %parallel_loop3A_584[%parallel_loop3A_585, %parallel_loop3A_586] {strides = array<i32>} : memref<80x64xf32, #tpu.memory_space<vmem>>, vector<1x16xf32>,
        %parallel_loop3A_588 = vector.shape_cast %parallel_loop3A_587 : vector<1x16xf32> to vector<16xf32>
        %parallel_loop3A_589 = vector.shape_cast %parallel_loop3A_580 : vector<16xf32> to vector<1x16xf32>
        tpu.vector_store %parallel_loop3A_584[%parallel_loop3A_585, %parallel_loop3A_586], %parallel_loop3A_589 {strides = array<i32>} : memref<80x64xf32, #tpu.memory_space<vmem>>, vector<1x16xf32>,
        %parallel_loop3A_590 = arith.constant 0 : i32
        %parallel_loop3A_591 = arith.constant 0 : i32
        %parallel_loop3A_592 = tpu.memref_slice %arg10[%parallel_loop3A_410, %parallel_loop3A_590, %parallel_loop3A_591] : memref<2x80x64xf32, #tpu.memory_space<vmem>> -> memref<1x80x64xf32, #tpu.memory_space<vmem>>
        %parallel_loop3A_593 = tpu.memref_squeeze %parallel_loop3A_592 : memref<1x80x64xf32, #tpu.memory_space<vmem>> -> memref<80x64xf32, #tpu.memory_space<vmem>>
        %parallel_loop3A_594 = arith.index_cast %parallel_loop3A_448 : i32 to index
        %parallel_loop3A_595 = arith.constant 48 : index
        %parallel_loop3A_596 = tpu.vector_load %parallel_loop3A_593[%parallel_loop3A_594, %parallel_loop3A_595] {strides = array<i32>} : memref<80x64xf32, #tpu.memory_space<vmem>>, vector<1x16xf32>,
        %parallel_loop3A_597 = vector.shape_cast %parallel_loop3A_596 : vector<1x16xf32> to vector<16xf32>
        %parallel_loop3A_598 = arith.constant 0 : i32
        %parallel_loop3A_599 = arith.constant 0 : i32
        %parallel_loop3A_600 = tpu.memref_slice %arg11[%parallel_loop3A_411, %parallel_loop3A_598, %parallel_loop3A_599] : memref<2x40x128xf32, #tpu.memory_space<vmem>> -> memref<1x40x128xf32, #tpu.memory_space<vmem>>
        %parallel_loop3A_601 = tpu.memref_squeeze %parallel_loop3A_600 : memref<1x40x128xf32, #tpu.memory_space<vmem>> -> memref<40x128xf32, #tpu.memory_space<vmem>>
        %parallel_loop3A_602 = arith.index_cast %parallel_loop3A_444 : i32 to index
        %parallel_loop3A_603 = arith.constant 48 : index
        %parallel_loop3A_604 = tpu.vector_load %parallel_loop3A_601[%parallel_loop3A_602, %parallel_loop3A_603] {strides = array<i32>} : memref<40x128xf32, #tpu.memory_space<vmem>>, vector<1x16xf32>,
        %parallel_loop3A_605 = vector.shape_cast %parallel_loop3A_604 : vector<1x16xf32> to vector<16xf32>
        %parallel_loop3A_606 = arith.addf %parallel_loop3A_597, %parallel_loop3A_605 : vector<16xf32>
        %parallel_loop3A_607 = arith.constant 0.000000e+00 : f32
        %parallel_loop3A_608 = vector.broadcast %parallel_loop3A_607 : f32 to vector<16xf32>
        %parallel_loop3A_609 = arith.maximumf %parallel_loop3A_606, %parallel_loop3A_608 : vector<16xf32>
        %parallel_loop3A_610 = arith.constant 1.000000e-07 : f32
        %parallel_loop3A_611 = vector.broadcast %parallel_loop3A_610 : f32 to vector<16xf32>
        %parallel_loop3A_612 = arith.addf %parallel_loop3A_609, %parallel_loop3A_611 : vector<16xf32>
        %parallel_loop3A_613 = arith.constant 48 : index
        %parallel_loop3A_614 = tpu.vector_load %arg13[%parallel_loop3A_613] {strides = array<i32>} : memref<64xf32, #tpu.memory_space<vmem>>, vector<16xf32>,
        %parallel_loop3A_615 = vector.shape_cast %parallel_loop3A_614 : vector<16xf32> to vector<16xf32>
        %parallel_loop3A_616 = arith.mulf %parallel_loop3A_612, %parallel_loop3A_615 : vector<16xf32>
        %parallel_loop3A_617 = math.exp %parallel_loop3A_616 : vector<16xf32>
        %parallel_loop3A_618 = arith.constant 0 : i32
        %parallel_loop3A_619 = arith.constant 0 : i32
        %parallel_loop3A_620 = tpu.memref_slice %arg12[%parallel_loop3A_412, %parallel_loop3A_618, %parallel_loop3A_619] : memref<2x80x64xf32, #tpu.memory_space<vmem>> -> memref<1x80x64xf32, #tpu.memory_space<vmem>>
        %parallel_loop3A_621 = tpu.memref_squeeze %parallel_loop3A_620 : memref<1x80x64xf32, #tpu.memory_space<vmem>> -> memref<80x64xf32, #tpu.memory_space<vmem>>
        %parallel_loop3A_622 = arith.index_cast %parallel_loop3A_448 : i32 to index
        %parallel_loop3A_623 = arith.constant 48 : index
        %parallel_loop3A_624 = tpu.vector_load %parallel_loop3A_621[%parallel_loop3A_622, %parallel_loop3A_623] {strides = array<i32>} : memref<80x64xf32, #tpu.memory_space<vmem>>, vector<1x16xf32>,
        %parallel_loop3A_625 = vector.shape_cast %parallel_loop3A_624 : vector<1x16xf32> to vector<16xf32>
        %parallel_loop3A_626 = vector.shape_cast %parallel_loop3A_617 : vector<16xf32> to vector<1x16xf32>
        tpu.vector_store %parallel_loop3A_621[%parallel_loop3A_622, %parallel_loop3A_623], %parallel_loop3A_626 {strides = array<i32>} : memref<80x64xf32, #tpu.memory_space<vmem>>, vector<1x16xf32>,
        %parallel_loop3A_627 = arith.mulf %parallel_loop3A_617, %parallel_loop3A_612 : vector<16xf32>
        %parallel_loop3A_628 = arith.constant 0 : i32
        %parallel_loop3A_629 = arith.constant 0 : i32
        %parallel_loop3A_630 = tpu.memref_slice %arg10[%parallel_loop3A_410, %parallel_loop3A_628, %parallel_loop3A_629] : memref<2x80x64xf32, #tpu.memory_space<vmem>> -> memref<1x80x64xf32, #tpu.memory_space<vmem>>
        %parallel_loop3A_631 = tpu.memref_squeeze %parallel_loop3A_630 : memref<1x80x64xf32, #tpu.memory_space<vmem>> -> memref<80x64xf32, #tpu.memory_space<vmem>>
        %parallel_loop3A_632 = arith.index_cast %parallel_loop3A_448 : i32 to index
        %parallel_loop3A_633 = arith.constant 48 : index
        %parallel_loop3A_634 = tpu.vector_load %parallel_loop3A_631[%parallel_loop3A_632, %parallel_loop3A_633] {strides = array<i32>} : memref<80x64xf32, #tpu.memory_space<vmem>>, vector<1x16xf32>,
        %parallel_loop3A_635 = vector.shape_cast %parallel_loop3A_634 : vector<1x16xf32> to vector<16xf32>
        %parallel_loop3A_636 = vector.shape_cast %parallel_loop3A_627 : vector<16xf32> to vector<1x16xf32>
        tpu.vector_store %parallel_loop3A_631[%parallel_loop3A_632, %parallel_loop3A_633], %parallel_loop3A_636 {strides = array<i32>} : memref<80x64xf32, #tpu.memory_space<vmem>>, vector<1x16xf32>,
        %parallel_loop3A_637 = arith.constant 2 : i32
        %parallel_loop3A_638 = arith.muli %parallel_loop3A_637, %parallel_loop3A_444 : i32
        %parallel_loop3A_639 = arith.constant 1 : i32
        %parallel_loop3A_640 = arith.addi %parallel_loop3A_638, %parallel_loop3A_639 : i32
        %parallel_loop3A_641 = arith.constant 0 : i32
        %parallel_loop3A_642 = arith.constant 0 : i32
        %parallel_loop3A_643 = tpu.memref_slice %arg10[%parallel_loop3A_410, %parallel_loop3A_641, %parallel_loop3A_642] : memref<2x80x64xf32, #tpu.memory_space<vmem>> -> memref<1x80x64xf32, #tpu.memory_space<vmem>>
        %parallel_loop3A_644 = tpu.memref_squeeze %parallel_loop3A_643 : memref<1x80x64xf32, #tpu.memory_space<vmem>> -> memref<80x64xf32, #tpu.memory_space<vmem>>
        %parallel_loop3A_645 = arith.index_cast %parallel_loop3A_640 : i32 to index
        %parallel_loop3A_646 = arith.constant 0 : index
        %parallel_loop3A_647 = tpu.vector_load %parallel_loop3A_644[%parallel_loop3A_645, %parallel_loop3A_646] {strides = array<i32>} : memref<80x64xf32, #tpu.memory_space<vmem>>, vector<1x16xf32>,
        %parallel_loop3A_648 = vector.shape_cast %parallel_loop3A_647 : vector<1x16xf32> to vector<16xf32>
        %parallel_loop3A_649 = arith.constant 0 : i32
        %parallel_loop3A_650 = arith.constant 0 : i32
        %parallel_loop3A_651 = tpu.memref_slice %arg11[%parallel_loop3A_411, %parallel_loop3A_649, %parallel_loop3A_650] : memref<2x40x128xf32, #tpu.memory_space<vmem>> -> memref<1x40x128xf32, #tpu.memory_space<vmem>>
        %parallel_loop3A_652 = tpu.memref_squeeze %parallel_loop3A_651 : memref<1x40x128xf32, #tpu.memory_space<vmem>> -> memref<40x128xf32, #tpu.memory_space<vmem>>
        %parallel_loop3A_653 = arith.index_cast %parallel_loop3A_444 : i32 to index
        %parallel_loop3A_654 = arith.constant 64 : index
        %parallel_loop3A_655 = tpu.vector_load %parallel_loop3A_652[%parallel_loop3A_653, %parallel_loop3A_654] {strides = array<i32>} : memref<40x128xf32, #tpu.memory_space<vmem>>, vector<1x16xf32>,
        %parallel_loop3A_656 = vector.shape_cast %parallel_loop3A_655 : vector<1x16xf32> to vector<16xf32>
        %parallel_loop3A_657 = arith.addf %parallel_loop3A_648, %parallel_loop3A_656 : vector<16xf32>
        %parallel_loop3A_658 = arith.constant 0.000000e+00 : f32
        %parallel_loop3A_659 = vector.broadcast %parallel_loop3A_658 : f32 to vector<16xf32>
        %parallel_loop3A_660 = arith.maximumf %parallel_loop3A_657, %parallel_loop3A_659 : vector<16xf32>
        %parallel_loop3A_661 = arith.constant 1.000000e-07 : f32
        %parallel_loop3A_662 = vector.broadcast %parallel_loop3A_661 : f32 to vector<16xf32>
        %parallel_loop3A_663 = arith.addf %parallel_loop3A_660, %parallel_loop3A_662 : vector<16xf32>
        %parallel_loop3A_664 = arith.constant 0 : index
        %parallel_loop3A_665 = tpu.vector_load %arg13[%parallel_loop3A_664] {strides = array<i32>} : memref<64xf32, #tpu.memory_space<vmem>>, vector<16xf32>,
        %parallel_loop3A_666 = vector.shape_cast %parallel_loop3A_665 : vector<16xf32> to vector<16xf32>
        %parallel_loop3A_667 = arith.mulf %parallel_loop3A_663, %parallel_loop3A_666 : vector<16xf32>
        %parallel_loop3A_668 = math.exp %parallel_loop3A_667 : vector<16xf32>
        %parallel_loop3A_669 = arith.constant 0 : i32
        %parallel_loop3A_670 = arith.constant 0 : i32
        %parallel_loop3A_671 = tpu.memref_slice %arg12[%parallel_loop3A_412, %parallel_loop3A_669, %parallel_loop3A_670] : memref<2x80x64xf32, #tpu.memory_space<vmem>> -> memref<1x80x64xf32, #tpu.memory_space<vmem>>
        %parallel_loop3A_672 = tpu.memref_squeeze %parallel_loop3A_671 : memref<1x80x64xf32, #tpu.memory_space<vmem>> -> memref<80x64xf32, #tpu.memory_space<vmem>>
        %parallel_loop3A_673 = arith.index_cast %parallel_loop3A_640 : i32 to index
        %parallel_loop3A_674 = arith.constant 0 : index
        %parallel_loop3A_675 = tpu.vector_load %parallel_loop3A_672[%parallel_loop3A_673, %parallel_loop3A_674] {strides = array<i32>} : memref<80x64xf32, #tpu.memory_space<vmem>>, vector<1x16xf32>,
        %parallel_loop3A_676 = vector.shape_cast %parallel_loop3A_675 : vector<1x16xf32> to vector<16xf32>
        %parallel_loop3A_677 = vector.shape_cast %parallel_loop3A_668 : vector<16xf32> to vector<1x16xf32>
        tpu.vector_store %parallel_loop3A_672[%parallel_loop3A_673, %parallel_loop3A_674], %parallel_loop3A_677 {strides = array<i32>} : memref<80x64xf32, #tpu.memory_space<vmem>>, vector<1x16xf32>,
        %parallel_loop3A_678 = arith.mulf %parallel_loop3A_668, %parallel_loop3A_663 : vector<16xf32>
        %parallel_loop3A_679 = arith.constant 0 : i32
        %parallel_loop3A_680 = arith.constant 0 : i32
        %parallel_loop3A_681 = tpu.memref_slice %arg10[%parallel_loop3A_410, %parallel_loop3A_679, %parallel_loop3A_680] : memref<2x80x64xf32, #tpu.memory_space<vmem>> -> memref<1x80x64xf32, #tpu.memory_space<vmem>>
        %parallel_loop3A_682 = tpu.memref_squeeze %parallel_loop3A_681 : memref<1x80x64xf32, #tpu.memory_space<vmem>> -> memref<80x64xf32, #tpu.memory_space<vmem>>
        %parallel_loop3A_683 = arith.index_cast %parallel_loop3A_640 : i32 to index
        %parallel_loop3A_684 = arith.constant 0 : index
        %parallel_loop3A_685 = tpu.vector_load %parallel_loop3A_682[%parallel_loop3A_683, %parallel_loop3A_684] {strides = array<i32>} : memref<80x64xf32, #tpu.memory_space<vmem>>, vector<1x16xf32>,
        %parallel_loop3A_686 = vector.shape_cast %parallel_loop3A_685 : vector<1x16xf32> to vector<16xf32>
        %parallel_loop3A_687 = vector.shape_cast %parallel_loop3A_678 : vector<16xf32> to vector<1x16xf32>
        tpu.vector_store %parallel_loop3A_682[%parallel_loop3A_683, %parallel_loop3A_684], %parallel_loop3A_687 {strides = array<i32>} : memref<80x64xf32, #tpu.memory_space<vmem>>, vector<1x16xf32>,
        %parallel_loop3A_688 = arith.constant 0 : i32
        %parallel_loop3A_689 = arith.constant 0 : i32
        %parallel_loop3A_690 = tpu.memref_slice %arg10[%parallel_loop3A_410, %parallel_loop3A_688, %parallel_loop3A_689] : memref<2x80x64xf32, #tpu.memory_space<vmem>> -> memref<1x80x64xf32, #tpu.memory_space<vmem>>
        %parallel_loop3A_691 = tpu.memref_squeeze %parallel_loop3A_690 : memref<1x80x64xf32, #tpu.memory_space<vmem>> -> memref<80x64xf32, #tpu.memory_space<vmem>>
        %parallel_loop3A_692 = arith.index_cast %parallel_loop3A_640 : i32 to index
        %parallel_loop3A_693 = arith.constant 16 : index
        %parallel_loop3A_694 = tpu.vector_load %parallel_loop3A_691[%parallel_loop3A_692, %parallel_loop3A_693] {strides = array<i32>} : memref<80x64xf32, #tpu.memory_space<vmem>>, vector<1x16xf32>,
        %parallel_loop3A_695 = vector.shape_cast %parallel_loop3A_694 : vector<1x16xf32> to vector<16xf32>
        %parallel_loop3A_696 = arith.constant 0 : i32
        %parallel_loop3A_697 = arith.constant 0 : i32
        %parallel_loop3A_698 = tpu.memref_slice %arg11[%parallel_loop3A_411, %parallel_loop3A_696, %parallel_loop3A_697] : memref<2x40x128xf32, #tpu.memory_space<vmem>> -> memref<1x40x128xf32, #tpu.memory_space<vmem>>
        %parallel_loop3A_699 = tpu.memref_squeeze %parallel_loop3A_698 : memref<1x40x128xf32, #tpu.memory_space<vmem>> -> memref<40x128xf32, #tpu.memory_space<vmem>>
        %parallel_loop3A_700 = arith.index_cast %parallel_loop3A_444 : i32 to index
        %parallel_loop3A_701 = arith.constant 80 : index
        %parallel_loop3A_702 = tpu.vector_load %parallel_loop3A_699[%parallel_loop3A_700, %parallel_loop3A_701] {strides = array<i32>} : memref<40x128xf32, #tpu.memory_space<vmem>>, vector<1x16xf32>,
        %parallel_loop3A_703 = vector.shape_cast %parallel_loop3A_702 : vector<1x16xf32> to vector<16xf32>
        %parallel_loop3A_704 = arith.addf %parallel_loop3A_695, %parallel_loop3A_703 : vector<16xf32>
        %parallel_loop3A_705 = arith.constant 0.000000e+00 : f32
        %parallel_loop3A_706 = vector.broadcast %parallel_loop3A_705 : f32 to vector<16xf32>
        %parallel_loop3A_707 = arith.maximumf %parallel_loop3A_704, %parallel_loop3A_706 : vector<16xf32>
        %parallel_loop3A_708 = arith.constant 1.000000e-07 : f32
        %parallel_loop3A_709 = vector.broadcast %parallel_loop3A_708 : f32 to vector<16xf32>
        %parallel_loop3A_710 = arith.addf %parallel_loop3A_707, %parallel_loop3A_709 : vector<16xf32>
        %parallel_loop3A_711 = arith.constant 16 : index
        %parallel_loop3A_712 = tpu.vector_load %arg13[%parallel_loop3A_711] {strides = array<i32>} : memref<64xf32, #tpu.memory_space<vmem>>, vector<16xf32>,
        %parallel_loop3A_713 = vector.shape_cast %parallel_loop3A_712 : vector<16xf32> to vector<16xf32>
        %parallel_loop3A_714 = arith.mulf %parallel_loop3A_710, %parallel_loop3A_713 : vector<16xf32>
        %parallel_loop3A_715 = math.exp %parallel_loop3A_714 : vector<16xf32>
        %parallel_loop3A_716 = arith.constant 0 : i32
        %parallel_loop3A_717 = arith.constant 0 : i32
        %parallel_loop3A_718 = tpu.memref_slice %arg12[%parallel_loop3A_412, %parallel_loop3A_716, %parallel_loop3A_717] : memref<2x80x64xf32, #tpu.memory_space<vmem>> -> memref<1x80x64xf32, #tpu.memory_space<vmem>>
        %parallel_loop3A_719 = tpu.memref_squeeze %parallel_loop3A_718 : memref<1x80x64xf32, #tpu.memory_space<vmem>> -> memref<80x64xf32, #tpu.memory_space<vmem>>
        %parallel_loop3A_720 = arith.index_cast %parallel_loop3A_640 : i32 to index
        %parallel_loop3A_721 = arith.constant 16 : index
        %parallel_loop3A_722 = tpu.vector_load %parallel_loop3A_719[%parallel_loop3A_720, %parallel_loop3A_721] {strides = array<i32>} : memref<80x64xf32, #tpu.memory_space<vmem>>, vector<1x16xf32>,
        %parallel_loop3A_723 = vector.shape_cast %parallel_loop3A_722 : vector<1x16xf32> to vector<16xf32>
        %parallel_loop3A_724 = vector.shape_cast %parallel_loop3A_715 : vector<16xf32> to vector<1x16xf32>
        tpu.vector_store %parallel_loop3A_719[%parallel_loop3A_720, %parallel_loop3A_721], %parallel_loop3A_724 {strides = array<i32>} : memref<80x64xf32, #tpu.memory_space<vmem>>, vector<1x16xf32>,
        %parallel_loop3A_725 = arith.mulf %parallel_loop3A_715, %parallel_loop3A_710 : vector<16xf32>
        %parallel_loop3A_726 = arith.constant 0 : i32
        %parallel_loop3A_727 = arith.constant 0 : i32
        %parallel_loop3A_728 = tpu.memref_slice %arg10[%parallel_loop3A_410, %parallel_loop3A_726, %parallel_loop3A_727] : memref<2x80x64xf32, #tpu.memory_space<vmem>> -> memref<1x80x64xf32, #tpu.memory_space<vmem>>
        %parallel_loop3A_729 = tpu.memref_squeeze %parallel_loop3A_728 : memref<1x80x64xf32, #tpu.memory_space<vmem>> -> memref<80x64xf32, #tpu.memory_space<vmem>>
        %parallel_loop3A_730 = arith.index_cast %parallel_loop3A_640 : i32 to index
        %parallel_loop3A_731 = arith.constant 16 : index
        %parallel_loop3A_732 = tpu.vector_load %parallel_loop3A_729[%parallel_loop3A_730, %parallel_loop3A_731] {strides = array<i32>} : memref<80x64xf32, #tpu.memory_space<vmem>>, vector<1x16xf32>,
        %parallel_loop3A_733 = vector.shape_cast %parallel_loop3A_732 : vector<1x16xf32> to vector<16xf32>
        %parallel_loop3A_734 = vector.shape_cast %parallel_loop3A_725 : vector<16xf32> to vector<1x16xf32>
        tpu.vector_store %parallel_loop3A_729[%parallel_loop3A_730, %parallel_loop3A_731], %parallel_loop3A_734 {strides = array<i32>} : memref<80x64xf32, #tpu.memory_space<vmem>>, vector<1x16xf32>,
        %parallel_loop3A_735 = arith.constant 0 : i32
        %parallel_loop3A_736 = arith.constant 0 : i32
        %parallel_loop3A_737 = tpu.memref_slice %arg10[%parallel_loop3A_410, %parallel_loop3A_735, %parallel_loop3A_736] : memref<2x80x64xf32, #tpu.memory_space<vmem>> -> memref<1x80x64xf32, #tpu.memory_space<vmem>>
        %parallel_loop3A_738 = tpu.memref_squeeze %parallel_loop3A_737 : memref<1x80x64xf32, #tpu.memory_space<vmem>> -> memref<80x64xf32, #tpu.memory_space<vmem>>
        %parallel_loop3A_739 = arith.index_cast %parallel_loop3A_640 : i32 to index
        %parallel_loop3A_740 = arith.constant 32 : index
        %parallel_loop3A_741 = tpu.vector_load %parallel_loop3A_738[%parallel_loop3A_739, %parallel_loop3A_740] {strides = array<i32>} : memref<80x64xf32, #tpu.memory_space<vmem>>, vector<1x16xf32>,
        %parallel_loop3A_742 = vector.shape_cast %parallel_loop3A_741 : vector<1x16xf32> to vector<16xf32>
        %parallel_loop3A_743 = arith.constant 0 : i32
        %parallel_loop3A_744 = arith.constant 0 : i32
        %parallel_loop3A_745 = tpu.memref_slice %arg11[%parallel_loop3A_411, %parallel_loop3A_743, %parallel_loop3A_744] : memref<2x40x128xf32, #tpu.memory_space<vmem>> -> memref<1x40x128xf32, #tpu.memory_space<vmem>>
        %parallel_loop3A_746 = tpu.memref_squeeze %parallel_loop3A_745 : memref<1x40x128xf32, #tpu.memory_space<vmem>> -> memref<40x128xf32, #tpu.memory_space<vmem>>
        %parallel_loop3A_747 = arith.index_cast %parallel_loop3A_444 : i32 to index
        %parallel_loop3A_748 = arith.constant 96 : index
        %parallel_loop3A_749 = tpu.vector_load %parallel_loop3A_746[%parallel_loop3A_747, %parallel_loop3A_748] {strides = array<i32>} : memref<40x128xf32, #tpu.memory_space<vmem>>, vector<1x16xf32>,
        %parallel_loop3A_750 = vector.shape_cast %parallel_loop3A_749 : vector<1x16xf32> to vector<16xf32>
        %parallel_loop3A_751 = arith.addf %parallel_loop3A_742, %parallel_loop3A_750 : vector<16xf32>
        %parallel_loop3A_752 = arith.constant 0.000000e+00 : f32
        %parallel_loop3A_753 = vector.broadcast %parallel_loop3A_752 : f32 to vector<16xf32>
        %parallel_loop3A_754 = arith.maximumf %parallel_loop3A_751, %parallel_loop3A_753 : vector<16xf32>
        %parallel_loop3A_755 = arith.constant 1.000000e-07 : f32
        %parallel_loop3A_756 = vector.broadcast %parallel_loop3A_755 : f32 to vector<16xf32>
        %parallel_loop3A_757 = arith.addf %parallel_loop3A_754, %parallel_loop3A_756 : vector<16xf32>
        %parallel_loop3A_758 = arith.constant 32 : index
        %parallel_loop3A_759 = tpu.vector_load %arg13[%parallel_loop3A_758] {strides = array<i32>} : memref<64xf32, #tpu.memory_space<vmem>>, vector<16xf32>,
        %parallel_loop3A_760 = vector.shape_cast %parallel_loop3A_759 : vector<16xf32> to vector<16xf32>
        %parallel_loop3A_761 = arith.mulf %parallel_loop3A_757, %parallel_loop3A_760 : vector<16xf32>
        %parallel_loop3A_762 = math.exp %parallel_loop3A_761 : vector<16xf32>
        %parallel_loop3A_763 = arith.constant 0 : i32
        %parallel_loop3A_764 = arith.constant 0 : i32
        %parallel_loop3A_765 = tpu.memref_slice %arg12[%parallel_loop3A_412, %parallel_loop3A_763, %parallel_loop3A_764] : memref<2x80x64xf32, #tpu.memory_space<vmem>> -> memref<1x80x64xf32, #tpu.memory_space<vmem>>
        %parallel_loop3A_766 = tpu.memref_squeeze %parallel_loop3A_765 : memref<1x80x64xf32, #tpu.memory_space<vmem>> -> memref<80x64xf32, #tpu.memory_space<vmem>>
        %parallel_loop3A_767 = arith.index_cast %parallel_loop3A_640 : i32 to index
        %parallel_loop3A_768 = arith.constant 32 : index
        %parallel_loop3A_769 = tpu.vector_load %parallel_loop3A_766[%parallel_loop3A_767, %parallel_loop3A_768] {strides = array<i32>} : memref<80x64xf32, #tpu.memory_space<vmem>>, vector<1x16xf32>,
        %parallel_loop3A_770 = vector.shape_cast %parallel_loop3A_769 : vector<1x16xf32> to vector<16xf32>
        %parallel_loop3A_771 = vector.shape_cast %parallel_loop3A_762 : vector<16xf32> to vector<1x16xf32>
        tpu.vector_store %parallel_loop3A_766[%parallel_loop3A_767, %parallel_loop3A_768], %parallel_loop3A_771 {strides = array<i32>} : memref<80x64xf32, #tpu.memory_space<vmem>>, vector<1x16xf32>,
        %parallel_loop3A_772 = arith.mulf %parallel_loop3A_762, %parallel_loop3A_757 : vector<16xf32>
        %parallel_loop3A_773 = arith.constant 0 : i32
        %parallel_loop3A_774 = arith.constant 0 : i32
        %parallel_loop3A_775 = tpu.memref_slice %arg10[%parallel_loop3A_410, %parallel_loop3A_773, %parallel_loop3A_774] : memref<2x80x64xf32, #tpu.memory_space<vmem>> -> memref<1x80x64xf32, #tpu.memory_space<vmem>>
        %parallel_loop3A_776 = tpu.memref_squeeze %parallel_loop3A_775 : memref<1x80x64xf32, #tpu.memory_space<vmem>> -> memref<80x64xf32, #tpu.memory_space<vmem>>
        %parallel_loop3A_777 = arith.index_cast %parallel_loop3A_640 : i32 to index
        %parallel_loop3A_778 = arith.constant 32 : index
        %parallel_loop3A_779 = tpu.vector_load %parallel_loop3A_776[%parallel_loop3A_777, %parallel_loop3A_778] {strides = array<i32>} : memref<80x64xf32, #tpu.memory_space<vmem>>, vector<1x16xf32>,
        %parallel_loop3A_780 = vector.shape_cast %parallel_loop3A_779 : vector<1x16xf32> to vector<16xf32>
        %parallel_loop3A_781 = vector.shape_cast %parallel_loop3A_772 : vector<16xf32> to vector<1x16xf32>
        tpu.vector_store %parallel_loop3A_776[%parallel_loop3A_777, %parallel_loop3A_778], %parallel_loop3A_781 {strides = array<i32>} : memref<80x64xf32, #tpu.memory_space<vmem>>, vector<1x16xf32>,
        %parallel_loop3A_782 = arith.constant 0 : i32
        %parallel_loop3A_783 = arith.constant 0 : i32
        %parallel_loop3A_784 = tpu.memref_slice %arg10[%parallel_loop3A_410, %parallel_loop3A_782, %parallel_loop3A_783] : memref<2x80x64xf32, #tpu.memory_space<vmem>> -> memref<1x80x64xf32, #tpu.memory_space<vmem>>
        %parallel_loop3A_785 = tpu.memref_squeeze %parallel_loop3A_784 : memref<1x80x64xf32, #tpu.memory_space<vmem>> -> memref<80x64xf32, #tpu.memory_space<vmem>>
        %parallel_loop3A_786 = arith.index_cast %parallel_loop3A_640 : i32 to index
        %parallel_loop3A_787 = arith.constant 48 : index
        %parallel_loop3A_788 = tpu.vector_load %parallel_loop3A_785[%parallel_loop3A_786, %parallel_loop3A_787] {strides = array<i32>} : memref<80x64xf32, #tpu.memory_space<vmem>>, vector<1x16xf32>,
        %parallel_loop3A_789 = vector.shape_cast %parallel_loop3A_788 : vector<1x16xf32> to vector<16xf32>
        %parallel_loop3A_790 = arith.constant 0 : i32
        %parallel_loop3A_791 = arith.constant 0 : i32
        %parallel_loop3A_792 = tpu.memref_slice %arg11[%parallel_loop3A_411, %parallel_loop3A_790, %parallel_loop3A_791] : memref<2x40x128xf32, #tpu.memory_space<vmem>> -> memref<1x40x128xf32, #tpu.memory_space<vmem>>
        %parallel_loop3A_793 = tpu.memref_squeeze %parallel_loop3A_792 : memref<1x40x128xf32, #tpu.memory_space<vmem>> -> memref<40x128xf32, #tpu.memory_space<vmem>>
        %parallel_loop3A_794 = arith.index_cast %parallel_loop3A_444 : i32 to index
        %parallel_loop3A_795 = arith.constant 112 : index
        %parallel_loop3A_796 = tpu.vector_load %parallel_loop3A_793[%parallel_loop3A_794, %parallel_loop3A_795] {strides = array<i32>} : memref<40x128xf32, #tpu.memory_space<vmem>>, vector<1x16xf32>,
        %parallel_loop3A_797 = vector.shape_cast %parallel_loop3A_796 : vector<1x16xf32> to vector<16xf32>
        %parallel_loop3A_798 = arith.addf %parallel_loop3A_789, %parallel_loop3A_797 : vector<16xf32>
        %parallel_loop3A_799 = arith.constant 0.000000e+00 : f32
        %parallel_loop3A_800 = vector.broadcast %parallel_loop3A_799 : f32 to vector<16xf32>
        %parallel_loop3A_801 = arith.maximumf %parallel_loop3A_798, %parallel_loop3A_800 : vector<16xf32>
        %parallel_loop3A_802 = arith.constant 1.000000e-07 : f32
        %parallel_loop3A_803 = vector.broadcast %parallel_loop3A_802 : f32 to vector<16xf32>
        %parallel_loop3A_804 = arith.addf %parallel_loop3A_801, %parallel_loop3A_803 : vector<16xf32>
        %parallel_loop3A_805 = arith.constant 48 : index
        %parallel_loop3A_806 = tpu.vector_load %arg13[%parallel_loop3A_805] {strides = array<i32>} : memref<64xf32, #tpu.memory_space<vmem>>, vector<16xf32>,
        %parallel_loop3A_807 = vector.shape_cast %parallel_loop3A_806 : vector<16xf32> to vector<16xf32>
        %parallel_loop3A_808 = arith.mulf %parallel_loop3A_804, %parallel_loop3A_807 : vector<16xf32>
        %parallel_loop3A_809 = math.exp %parallel_loop3A_808 : vector<16xf32>
        %parallel_loop3A_810 = arith.constant 0 : i32
        %parallel_loop3A_811 = arith.constant 0 : i32
        %parallel_loop3A_812 = tpu.memref_slice %arg12[%parallel_loop3A_412, %parallel_loop3A_810, %parallel_loop3A_811] : memref<2x80x64xf32, #tpu.memory_space<vmem>> -> memref<1x80x64xf32, #tpu.memory_space<vmem>>
        %parallel_loop3A_813 = tpu.memref_squeeze %parallel_loop3A_812 : memref<1x80x64xf32, #tpu.memory_space<vmem>> -> memref<80x64xf32, #tpu.memory_space<vmem>>
        %parallel_loop3A_814 = arith.index_cast %parallel_loop3A_640 : i32 to index
        %parallel_loop3A_815 = arith.constant 48 : index
        %parallel_loop3A_816 = tpu.vector_load %parallel_loop3A_813[%parallel_loop3A_814, %parallel_loop3A_815] {strides = array<i32>} : memref<80x64xf32, #tpu.memory_space<vmem>>, vector<1x16xf32>,
        %parallel_loop3A_817 = vector.shape_cast %parallel_loop3A_816 : vector<1x16xf32> to vector<16xf32>
        %parallel_loop3A_818 = vector.shape_cast %parallel_loop3A_809 : vector<16xf32> to vector<1x16xf32>
        tpu.vector_store %parallel_loop3A_813[%parallel_loop3A_814, %parallel_loop3A_815], %parallel_loop3A_818 {strides = array<i32>} : memref<80x64xf32, #tpu.memory_space<vmem>>, vector<1x16xf32>,
        %parallel_loop3A_819 = arith.mulf %parallel_loop3A_809, %parallel_loop3A_804 : vector<16xf32>
        %parallel_loop3A_820 = arith.constant 0 : i32
        %parallel_loop3A_821 = arith.constant 0 : i32
        %parallel_loop3A_822 = tpu.memref_slice %arg10[%parallel_loop3A_410, %parallel_loop3A_820, %parallel_loop3A_821] : memref<2x80x64xf32, #tpu.memory_space<vmem>> -> memref<1x80x64xf32, #tpu.memory_space<vmem>>
        %parallel_loop3A_823 = tpu.memref_squeeze %parallel_loop3A_822 : memref<1x80x64xf32, #tpu.memory_space<vmem>> -> memref<80x64xf32, #tpu.memory_space<vmem>>
        %parallel_loop3A_824 = arith.index_cast %parallel_loop3A_640 : i32 to index
        %parallel_loop3A_825 = arith.constant 48 : index
        %parallel_loop3A_826 = tpu.vector_load %parallel_loop3A_823[%parallel_loop3A_824, %parallel_loop3A_825] {strides = array<i32>} : memref<80x64xf32, #tpu.memory_space<vmem>>, vector<1x16xf32>,
        %parallel_loop3A_827 = vector.shape_cast %parallel_loop3A_826 : vector<1x16xf32> to vector<16xf32>
        %parallel_loop3A_828 = vector.shape_cast %parallel_loop3A_819 : vector<16xf32> to vector<1x16xf32>
        tpu.vector_store %parallel_loop3A_823[%parallel_loop3A_824, %parallel_loop3A_825], %parallel_loop3A_828 {strides = array<i32>} : memref<80x64xf32, #tpu.memory_space<vmem>>, vector<1x16xf32>,
      } {sc.loop_unroll_factor = 4 : i64, sc.parallel_access}
      %run_scoped3A_413 = arith.constant 1 : i32
      %run_scoped3A_414 = arith.constant 1 : i32
      "tpu.region"() ({
        %run_scoped3A_444 = tpu.sem_alloc : memref<!tpu.dma_semaphore, #tpu.memory_space<semaphore_mem>>
        %dma_start3A_445 = arith.constant 0 : i32
        %dma_start3A_446 = arith.constant 0 : i32
        %dma_start3A_447 = tpu.memref_slice %arg10[%run_scoped3A_413, %dma_start3A_445, %dma_start3A_446] : memref<2x80x64xf32, #tpu.memory_space<vmem>> -> memref<1x80x64xf32, #tpu.memory_space<vmem>>
        %dma_start3A_448 = tpu.memref_squeeze %dma_start3A_447 : memref<1x80x64xf32, #tpu.memory_space<vmem>> -> memref<80x64xf32, #tpu.memory_space<vmem>>
        %dma_start3A_449 = arith.constant 0 : i32
        %dma_start3A_450 = tpu.memref_slice %arg9[%run_scoped3A_414, %dma_start3A_449] : memref<2x80xi32, #tpu.memory_space<vmem>> -> memref<1x80xi32, #tpu.memory_space<vmem>>
        %dma_start3A_451 = tpu.memref_squeeze %dma_start3A_450 : memref<1x80xi32, #tpu.memory_space<vmem>> -> memref<80xi32, #tpu.memory_space<vmem>>
        %dma_start3A_452 = arith.constant 0 : i32
        %dma_start3A_453 = arith.constant 0 : i32
        %dma_start3A_454 = tpu.memref_slice %arg16[%dma_start3A_452, %dma_start3A_453] : memref<10000x64xf32, #tpu.memory_space<vmem_shared>> -> memref<10000x64xf32, #tpu.memory_space<vmem_shared>>
        tpu.enqueue_indirect_dma source(%dma_start3A_448 : memref<80x64xf32, #tpu.memory_space<vmem>>) target(%dma_start3A_454 : memref<10000x64xf32, #tpu.memory_space<vmem_shared>>) offsets(%dma_start3A_451 : memref<80xi32, #tpu.memory_space<vmem>>) semaphore(%run_scoped3A_444 : memref<!tpu.dma_semaphore, #tpu.memory_space<semaphore_mem>>) {add = true}
        %dma_wait3A_455 = arith.constant 0 : i32
        %dma_wait3A_456 = arith.constant 0 : i32
        %dma_wait3A_457 = tpu.memref_slice %arg10[%run_scoped3A_413, %dma_wait3A_455, %dma_wait3A_456] : memref<2x80x64xf32, #tpu.memory_space<vmem>> -> memref<1x80x64xf32, #tpu.memory_space<vmem>>
        %dma_wait3A_458 = tpu.memref_squeeze %dma_wait3A_457 : memref<1x80x64xf32, #tpu.memory_space<vmem>> -> memref<80x64xf32, #tpu.memory_space<vmem>>
        %dma_wait3A_459 = arith.constant 0 : i32
        %dma_wait3A_460 = tpu.memref_slice %arg9[%run_scoped3A_414, %dma_wait3A_459] : memref<2x80xi32, #tpu.memory_space<vmem>> -> memref<1x80xi32, #tpu.memory_space<vmem>>
        %dma_wait3A_461 = tpu.memref_squeeze %dma_wait3A_460 : memref<1x80xi32, #tpu.memory_space<vmem>> -> memref<80xi32, #tpu.memory_space<vmem>>
        %dma_wait3A_462 = arith.constant 0 : i32
        %dma_wait3A_463 = arith.constant 0 : i32
        %dma_wait3A_464 = tpu.memref_slice %arg16[%dma_wait3A_462, %dma_wait3A_463] : memref<10000x64xf32, #tpu.memory_space<vmem_shared>> -> memref<10000x64xf32, #tpu.memory_space<vmem_shared>>
        tpu.wait_indirect_dma semaphore(%run_scoped3A_444 : memref<!tpu.dma_semaphore, #tpu.memory_space<semaphore_mem>>) src(%dma_wait3A_458 : memref<80x64xf32, #tpu.memory_space<vmem>>) dst(%dma_wait3A_464 : memref<10000x64xf32, #tpu.memory_space<vmem_shared>>)
        tpu.yield
      }) : () -> ()
      %run_scoped3A_415 = arith.constant 1 : i32
      %run_scoped3A_416 = arith.constant 1 : i32
      "tpu.region"() ({
        %run_scoped3A_444 = tpu.sem_alloc : memref<!tpu.dma_semaphore, #tpu.memory_space<semaphore_mem>>
        %dma_start3A_445 = arith.constant 0 : i32
        %dma_start3A_446 = arith.constant 0 : i32
        %dma_start3A_447 = tpu.memref_slice %arg12[%run_scoped3A_415, %dma_start3A_445, %dma_start3A_446] : memref<2x80x64xf32, #tpu.memory_space<vmem>> -> memref<1x80x64xf32, #tpu.memory_space<vmem>>
        %dma_start3A_448 = tpu.memref_squeeze %dma_start3A_447 : memref<1x80x64xf32, #tpu.memory_space<vmem>> -> memref<80x64xf32, #tpu.memory_space<vmem>>
        %dma_start3A_449 = arith.constant 0 : i32
        %dma_start3A_450 = tpu.memref_slice %arg9[%run_scoped3A_416, %dma_start3A_449] : memref<2x80xi32, #tpu.memory_space<vmem>> -> memref<1x80xi32, #tpu.memory_space<vmem>>
        %dma_start3A_451 = tpu.memref_squeeze %dma_start3A_450 : memref<1x80xi32, #tpu.memory_space<vmem>> -> memref<80xi32, #tpu.memory_space<vmem>>
        %dma_start3A_452 = arith.constant 0 : i32
        %dma_start3A_453 = arith.constant 0 : i32
        %dma_start3A_454 = tpu.memref_slice %arg17[%dma_start3A_452, %dma_start3A_453] : memref<10000x64xf32, #tpu.memory_space<vmem_shared>> -> memref<10000x64xf32, #tpu.memory_space<vmem_shared>>
        tpu.enqueue_indirect_dma source(%dma_start3A_448 : memref<80x64xf32, #tpu.memory_space<vmem>>) target(%dma_start3A_454 : memref<10000x64xf32, #tpu.memory_space<vmem_shared>>) offsets(%dma_start3A_451 : memref<80xi32, #tpu.memory_space<vmem>>) semaphore(%run_scoped3A_444 : memref<!tpu.dma_semaphore, #tpu.memory_space<semaphore_mem>>) {add = true}
        %dma_wait3A_455 = arith.constant 0 : i32
        %dma_wait3A_456 = arith.constant 0 : i32
        %dma_wait3A_457 = tpu.memref_slice %arg12[%run_scoped3A_415, %dma_wait3A_455, %dma_wait3A_456] : memref<2x80x64xf32, #tpu.memory_space<vmem>> -> memref<1x80x64xf32, #tpu.memory_space<vmem>>
        %dma_wait3A_458 = tpu.memref_squeeze %dma_wait3A_457 : memref<1x80x64xf32, #tpu.memory_space<vmem>> -> memref<80x64xf32, #tpu.memory_space<vmem>>
        %dma_wait3A_459 = arith.constant 0 : i32
        %dma_wait3A_460 = tpu.memref_slice %arg9[%run_scoped3A_416, %dma_wait3A_459] : memref<2x80xi32, #tpu.memory_space<vmem>> -> memref<1x80xi32, #tpu.memory_space<vmem>>
        %dma_wait3A_461 = tpu.memref_squeeze %dma_wait3A_460 : memref<1x80xi32, #tpu.memory_space<vmem>> -> memref<80xi32, #tpu.memory_space<vmem>>
        %dma_wait3A_462 = arith.constant 0 : i32
        %dma_wait3A_463 = arith.constant 0 : i32
        %dma_wait3A_464 = tpu.memref_slice %arg17[%dma_wait3A_462, %dma_wait3A_463] : memref<10000x64xf32, #tpu.memory_space<vmem_shared>> -> memref<10000x64xf32, #tpu.memory_space<vmem_shared>>
        tpu.wait_indirect_dma semaphore(%run_scoped3A_444 : memref<!tpu.dma_semaphore, #tpu.memory_space<semaphore_mem>>) src(%dma_wait3A_458 : memref<80x64xf32, #tpu.memory_space<vmem>>) dst(%dma_wait3A_464 : memref<10000x64xf32, #tpu.memory_space<vmem_shared>>)
        tpu.yield
      }) : () -> ()
      %add3A_417 = arith.constant 2 : i32
      %add3A_418 = arith.addi %add3A_315, %add3A_417 : i32
      %min3A_419 = arith.constant 249 : i32
      %min3A_420 = arith.minsi %add3A_418, %min3A_419 : i32
      %mul3A_421 = arith.constant 80 : i32
      %mul3A_422 = arith.muli %min3A_420, %mul3A_421 : i32
      %add3A_423 = arith.addi %mul3A_18, %mul3A_422 : i32
      %dma_start3A_424 = arith.constant 1 : i32
      %dma_start3A_425 = arith.constant 0 : i32
      %dma_start3A_426 = tpu.memref_slice %arg8[%dma_start3A_424, %dma_start3A_425] : memref<2x80xi32, #tpu.memory_space<vmem>> -> memref<1x80xi32, #tpu.memory_space<vmem>>
      %dma_start3A_427 = tpu.memref_squeeze %dma_start3A_426 : memref<1x80xi32, #tpu.memory_space<vmem>> -> memref<80xi32, #tpu.memory_space<vmem>>
      %dma_start3A_428 = tpu.memref_slice %arg4[%arg0, %add3A_423] : memref<2x320000xi32, #tpu.memory_space<hbm>> -> memref<1x80xi32, #tpu.memory_space<hbm>>
      %dma_start3A_429 = tpu.memref_squeeze %dma_start3A_428 : memref<1x80xi32, #tpu.memory_space<hbm>> -> memref<80xi32, #tpu.memory_space<hbm>>
      %dma_start3A_430 = arith.constant 0 : i32
      %dma_start3A_431 = tpu.memref_slice %arg8[%dma_start3A_424, %dma_start3A_430] : memref<2x80xi32, #tpu.memory_space<vmem>> -> memref<1x80xi32, #tpu.memory_space<vmem>>
      %dma_start3A_432 = tpu.memref_squeeze %dma_start3A_431 : memref<1x80xi32, #tpu.memory_space<vmem>> -> memref<80xi32, #tpu.memory_space<vmem>>
      %dma_start3A_433 = tpu.memref_slice %arg4[%arg0, %add3A_423] : memref<2x320000xi32, #tpu.memory_space<hbm>> -> memref<1x80xi32, #tpu.memory_space<hbm>>
      %dma_start3A_434 = tpu.memref_squeeze %dma_start3A_433 : memref<1x80xi32, #tpu.memory_space<hbm>> -> memref<80xi32, #tpu.memory_space<hbm>>
      tpu.enqueue_dma source(%dma_start3A_434 : memref<80xi32, #tpu.memory_space<hbm>>) target(%dma_start3A_432 : memref<80xi32, #tpu.memory_space<vmem>>) target_semaphore(%arg21 : memref<!tpu.dma_semaphore, #tpu.memory_space<semaphore_mem>>)
      %dma_start3A_435 = arith.constant 1 : i32
      %dma_start3A_436 = arith.constant 0 : i32
      %dma_start3A_437 = tpu.memref_slice %arg9[%dma_start3A_435, %dma_start3A_436] : memref<2x80xi32, #tpu.memory_space<vmem>> -> memref<1x80xi32, #tpu.memory_space<vmem>>
      %dma_start3A_438 = tpu.memref_squeeze %dma_start3A_437 : memref<1x80xi32, #tpu.memory_space<vmem>> -> memref<80xi32, #tpu.memory_space<vmem>>
      %dma_start3A_439 = tpu.memref_slice %arg5[%add3A_423] : memref<320000xi32, #tpu.memory_space<hbm>> -> memref<80xi32, #tpu.memory_space<hbm>>
      %dma_start3A_440 = arith.constant 0 : i32
      %dma_start3A_441 = tpu.memref_slice %arg9[%dma_start3A_435, %dma_start3A_440] : memref<2x80xi32, #tpu.memory_space<vmem>> -> memref<1x80xi32, #tpu.memory_space<vmem>>
      %dma_start3A_442 = tpu.memref_squeeze %dma_start3A_441 : memref<1x80xi32, #tpu.memory_space<vmem>> -> memref<80xi32, #tpu.memory_space<vmem>>
      %dma_start3A_443 = tpu.memref_slice %arg5[%add3A_423] : memref<320000xi32, #tpu.memory_space<hbm>> -> memref<80xi32, #tpu.memory_space<hbm>>
      tpu.enqueue_dma source(%dma_start3A_443 : memref<80xi32, #tpu.memory_space<hbm>>) target(%dma_start3A_442 : memref<80xi32, #tpu.memory_space<vmem>>) target_semaphore(%arg21 : memref<!tpu.dma_semaphore, #tpu.memory_space<semaphore_mem>>)
    }
    %scan3A_122 = arith.constant 125 : i32
    %dma_wait3A_123 = arith.constant 0 : i32
    %dma_wait3A_124 = arith.constant 0 : i32
    %dma_wait3A_125 = arith.constant 0 : i32
    %dma_wait3A_126 = tpu.memref_slice %arg10[%dma_wait3A_123, %dma_wait3A_124, %dma_wait3A_125] : memref<2x80x64xf32, #tpu.memory_space<vmem>> -> memref<1x80x64xf32, #tpu.memory_space<vmem>>
    %dma_wait3A_127 = tpu.memref_squeeze %dma_wait3A_126 : memref<1x80x64xf32, #tpu.memory_space<vmem>> -> memref<80x64xf32, #tpu.memory_space<vmem>>
    %dma_wait3A_128 = arith.constant 0 : i32
    %dma_wait3A_129 = arith.constant 0 : i32
    %dma_wait3A_130 = tpu.memref_slice %arg2[%dma_wait3A_128, %dma_wait3A_129] : memref<20000x64xf32, #tpu.memory_space<hbm>> -> memref<80x64xf32, #tpu.memory_space<hbm>>
    %dma_wait3A_131 = arith.constant 0 : i32
    %dma_wait3A_132 = arith.constant 0 : i32
    %dma_wait3A_133 = tpu.memref_slice %arg10[%dma_wait3A_123, %dma_wait3A_131, %dma_wait3A_132] : memref<2x80x64xf32, #tpu.memory_space<vmem>> -> memref<1x80x64xf32, #tpu.memory_space<vmem>>
    %dma_wait3A_134 = tpu.memref_squeeze %dma_wait3A_133 : memref<1x80x64xf32, #tpu.memory_space<vmem>> -> memref<80x64xf32, #tpu.memory_space<vmem>>
    %dma_wait3A_135 = arith.constant 0 : i32
    %dma_wait3A_136 = arith.constant 0 : i32
    %dma_wait3A_137 = tpu.memref_slice %arg2[%dma_wait3A_135, %dma_wait3A_136] : memref<20000x64xf32, #tpu.memory_space<hbm>> -> memref<80x64xf32, #tpu.memory_space<hbm>>
    tpu.wait_dma2 semaphore(%arg18 : memref<!tpu.dma_semaphore, #tpu.memory_space<semaphore_mem>>) src(%dma_wait3A_137 : memref<80x64xf32, #tpu.memory_space<hbm>>) dst(%dma_wait3A_134 : memref<80x64xf32, #tpu.memory_space<vmem>>)
    %dma_wait3A_138 = arith.constant 0 : i32
    %dma_wait3A_139 = arith.constant 0 : i32
    %dma_wait3A_140 = arith.constant 0 : i32
    %dma_wait3A_141 = arith.constant 0 : i32
    %dma_wait3A_142 = tpu.memref_slice %arg11[%dma_wait3A_139, %dma_wait3A_140, %dma_wait3A_141] : memref<2x40x128xf32, #tpu.memory_space<vmem>> -> memref<1x40x128xf32, #tpu.memory_space<vmem>>
    %dma_wait3A_143 = tpu.memref_squeeze %dma_wait3A_142 : memref<1x40x128xf32, #tpu.memory_space<vmem>> -> memref<40x128xf32, #tpu.memory_space<vmem>>
    %dma_wait3A_144 = arith.constant 0 : i32
    %dma_wait3A_145 = arith.constant 0 : i32
    %dma_wait3A_146 = tpu.memref_slice %arg3[%dma_wait3A_138, %dma_wait3A_144, %dma_wait3A_145] : memref<2x160000x128xf32, #tpu.memory_space<hbm>> -> memref<1x40x128xf32, #tpu.memory_space<hbm>>
    %dma_wait3A_147 = tpu.memref_squeeze %dma_wait3A_146 : memref<1x40x128xf32, #tpu.memory_space<hbm>> -> memref<40x128xf32, #tpu.memory_space<hbm>>
    %dma_wait3A_148 = arith.constant 0 : i32
    %dma_wait3A_149 = arith.constant 0 : i32
    %dma_wait3A_150 = tpu.memref_slice %arg11[%dma_wait3A_139, %dma_wait3A_148, %dma_wait3A_149] : memref<2x40x128xf32, #tpu.memory_space<vmem>> -> memref<1x40x128xf32, #tpu.memory_space<vmem>>
    %dma_wait3A_151 = tpu.memref_squeeze %dma_wait3A_150 : memref<1x40x128xf32, #tpu.memory_space<vmem>> -> memref<40x128xf32, #tpu.memory_space<vmem>>
    %dma_wait3A_152 = arith.constant 0 : i32
    %dma_wait3A_153 = arith.constant 0 : i32
    %dma_wait3A_154 = tpu.memref_slice %arg3[%dma_wait3A_138, %dma_wait3A_152, %dma_wait3A_153] : memref<2x160000x128xf32, #tpu.memory_space<hbm>> -> memref<1x40x128xf32, #tpu.memory_space<hbm>>
    %dma_wait3A_155 = tpu.memref_squeeze %dma_wait3A_154 : memref<1x40x128xf32, #tpu.memory_space<hbm>> -> memref<40x128xf32, #tpu.memory_space<hbm>>
    tpu.wait_dma2 semaphore(%arg18 : memref<!tpu.dma_semaphore, #tpu.memory_space<semaphore_mem>>) src(%dma_wait3A_155 : memref<40x128xf32, #tpu.memory_space<hbm>>) dst(%dma_wait3A_151 : memref<40x128xf32, #tpu.memory_space<vmem>>)
    %dma_wait3A_156 = arith.constant 1 : i32
    %dma_wait3A_157 = arith.constant 0 : i32
    %dma_wait3A_158 = tpu.memref_slice %arg8[%dma_wait3A_156, %dma_wait3A_157] : memref<2x80xi32, #tpu.memory_space<vmem>> -> memref<1x80xi32, #tpu.memory_space<vmem>>
    %dma_wait3A_159 = tpu.memref_squeeze %dma_wait3A_158 : memref<1x80xi32, #tpu.memory_space<vmem>> -> memref<80xi32, #tpu.memory_space<vmem>>
    %dma_wait3A_160 = arith.constant 0 : i32
    %dma_wait3A_161 = tpu.memref_slice %arg5[%dma_wait3A_160] : memref<320000xi32, #tpu.memory_space<hbm>> -> memref<80xi32, #tpu.memory_space<hbm>>
    %dma_wait3A_162 = arith.constant 0 : i32
    %dma_wait3A_163 = tpu.memref_slice %arg8[%dma_wait3A_156, %dma_wait3A_162] : memref<2x80xi32, #tpu.memory_space<vmem>> -> memref<1x80xi32, #tpu.memory_space<vmem>>
    %dma_wait3A_164 = tpu.memref_squeeze %dma_wait3A_163 : memref<1x80xi32, #tpu.memory_space<vmem>> -> memref<80xi32, #tpu.memory_space<vmem>>
    %dma_wait3A_165 = arith.constant 0 : i32
    %dma_wait3A_166 = tpu.memref_slice %arg5[%dma_wait3A_165] : memref<320000xi32, #tpu.memory_space<hbm>> -> memref<80xi32, #tpu.memory_space<hbm>>
    tpu.wait_dma2 semaphore(%arg21 : memref<!tpu.dma_semaphore, #tpu.memory_space<semaphore_mem>>) src(%dma_wait3A_166 : memref<80xi32, #tpu.memory_space<hbm>>) dst(%dma_wait3A_164 : memref<80xi32, #tpu.memory_space<vmem>>)
    %dma_wait3A_167 = arith.constant 1 : i32
    %dma_wait3A_168 = arith.constant 0 : i32
    %dma_wait3A_169 = tpu.memref_slice %arg9[%dma_wait3A_167, %dma_wait3A_168] : memref<2x80xi32, #tpu.memory_space<vmem>> -> memref<1x80xi32, #tpu.memory_space<vmem>>
    %dma_wait3A_170 = tpu.memref_squeeze %dma_wait3A_169 : memref<1x80xi32, #tpu.memory_space<vmem>> -> memref<80xi32, #tpu.memory_space<vmem>>
    %dma_wait3A_171 = arith.constant 0 : i32
    %dma_wait3A_172 = tpu.memref_slice %arg5[%dma_wait3A_171] : memref<320000xi32, #tpu.memory_space<hbm>> -> memref<80xi32, #tpu.memory_space<hbm>>
    %dma_wait3A_173 = arith.constant 0 : i32
    %dma_wait3A_174 = tpu.memref_slice %arg9[%dma_wait3A_167, %dma_wait3A_173] : memref<2x80xi32, #tpu.memory_space<vmem>> -> memref<1x80xi32, #tpu.memory_space<vmem>>
    %dma_wait3A_175 = tpu.memref_squeeze %dma_wait3A_174 : memref<1x80xi32, #tpu.memory_space<vmem>> -> memref<80xi32, #tpu.memory_space<vmem>>
    %dma_wait3A_176 = arith.constant 0 : i32
    %dma_wait3A_177 = tpu.memref_slice %arg5[%dma_wait3A_176] : memref<320000xi32, #tpu.memory_space<hbm>> -> memref<80xi32, #tpu.memory_space<hbm>>
    tpu.wait_dma2 semaphore(%arg21 : memref<!tpu.dma_semaphore, #tpu.memory_space<semaphore_mem>>) src(%dma_wait3A_177 : memref<80xi32, #tpu.memory_space<hbm>>) dst(%dma_wait3A_175 : memref<80xi32, #tpu.memory_space<vmem>>)
    %barrier3A_178 = arith.constant 0 : index
    tpu.barrier barrier_id(%barrier3A_178)
    %scan3A_179 = arith.constant 0 : i32
    %scan3A_180 = arith.constant 0 : i32
    %scan3A_181 = arith.constant 5 : i32
    %scan3A_182 = arith.addi %scan3A_180, %scan3A_181 : i32
    %scan3A_183 = arith.constant 1 : i32
    scf.for %scan3A_185 = %scan3A_180 to %scan3A_182 step %scan3A_183  : i32 {
      %mul3A_186 = arith.constant 125 : i32
      %mul3A_187 = arith.muli %scan3A_185, %mul3A_186 : i32
      %add3A_188 = arith.addi %mul3A_0, %mul3A_187 : i32
      "tpu.region"() ({
        %run_scoped3A = tpu.sem_alloc : memref<!tpu.dma_semaphore, #tpu.memory_space<semaphore_mem>>
        %dma_start3A_197 = arith.constant 0 : i32
        %dma_start3A_198 = tpu.memref_slice %arg16[%add3A_188, %dma_start3A_197] : memref<10000x64xf32, #tpu.memory_space<vmem_shared>> -> memref<125x64xf32, #tpu.memory_space<vmem_shared>>
        %dma_start3A_199 = arith.constant 0 : i32
        %dma_start3A_200 = tpu.memref_slice %arg16[%add3A_188, %dma_start3A_199] : memref<10000x64xf32, #tpu.memory_space<vmem_shared>> -> memref<125x64xf32, #tpu.memory_space<vmem_shared>>
        tpu.enqueue_dma source(%dma_start3A_200 : memref<125x64xf32, #tpu.memory_space<vmem_shared>>) target(%arg14 : memref<125x64xf32, #tpu.memory_space<vmem>>) target_semaphore(%run_scoped3A : memref<!tpu.dma_semaphore, #tpu.memory_space<semaphore_mem>>)
        %dma_wait3A_201 = arith.constant 0 : i32
        %dma_wait3A_202 = tpu.memref_slice %arg16[%add3A_188, %dma_wait3A_201] : memref<10000x64xf32, #tpu.memory_space<vmem_shared>> -> memref<125x64xf32, #tpu.memory_space<vmem_shared>>
        %dma_wait3A_203 = arith.constant 0 : i32
        %dma_wait3A_204 = tpu.memref_slice %arg16[%add3A_188, %dma_wait3A_203] : memref<10000x64xf32, #tpu.memory_space<vmem_shared>> -> memref<125x64xf32, #tpu.memory_space<vmem_shared>>
        tpu.wait_dma2 semaphore(%run_scoped3A : memref<!tpu.dma_semaphore, #tpu.memory_space<semaphore_mem>>) src(%dma_wait3A_204 : memref<125x64xf32, #tpu.memory_space<vmem_shared>>) dst(%arg14 : memref<125x64xf32, #tpu.memory_space<vmem>>)
        tpu.yield
      }) : () -> ()
      "tpu.region"() ({
        %run_scoped3A = tpu.sem_alloc : memref<!tpu.dma_semaphore, #tpu.memory_space<semaphore_mem>>
        %dma_start3A_197 = arith.constant 0 : i32
        %dma_start3A_198 = tpu.memref_slice %arg17[%add3A_188, %dma_start3A_197] : memref<10000x64xf32, #tpu.memory_space<vmem_shared>> -> memref<125x64xf32, #tpu.memory_space<vmem_shared>>
        %dma_start3A_199 = arith.constant 0 : i32
        %dma_start3A_200 = tpu.memref_slice %arg17[%add3A_188, %dma_start3A_199] : memref<10000x64xf32, #tpu.memory_space<vmem_shared>> -> memref<125x64xf32, #tpu.memory_space<vmem_shared>>
        tpu.enqueue_dma source(%dma_start3A_200 : memref<125x64xf32, #tpu.memory_space<vmem_shared>>) target(%arg15 : memref<125x64xf32, #tpu.memory_space<vmem>>) target_semaphore(%run_scoped3A : memref<!tpu.dma_semaphore, #tpu.memory_space<semaphore_mem>>)
        %dma_wait3A_201 = arith.constant 0 : i32
        %dma_wait3A_202 = tpu.memref_slice %arg17[%add3A_188, %dma_wait3A_201] : memref<10000x64xf32, #tpu.memory_space<vmem_shared>> -> memref<125x64xf32, #tpu.memory_space<vmem_shared>>
        %dma_wait3A_203 = arith.constant 0 : i32
        %dma_wait3A_204 = tpu.memref_slice %arg17[%add3A_188, %dma_wait3A_203] : memref<10000x64xf32, #tpu.memory_space<vmem_shared>> -> memref<125x64xf32, #tpu.memory_space<vmem_shared>>
        tpu.wait_dma2 semaphore(%run_scoped3A : memref<!tpu.dma_semaphore, #tpu.memory_space<semaphore_mem>>) src(%dma_wait3A_204 : memref<125x64xf32, #tpu.memory_space<vmem_shared>>) dst(%arg15 : memref<125x64xf32, #tpu.memory_space<vmem>>)
        tpu.yield
      }) : () -> ()
      %scan3A_189 = arith.constant 0 : i32
      %scan3A_190 = arith.constant 0 : i32
      %scan3A_191 = arith.constant 125 : i32
      %scan3A_192 = arith.addi %scan3A_190, %scan3A_191 : i32
      %scan3A_193 = arith.constant 1 : i32
      scf.for %scan3A_197 = %scan3A_190 to %scan3A_192 step %scan3A_193  : i32 {
        %get3A = arith.index_cast %scan3A_197 : i32 to index
        %get3A_198 = arith.constant 0 : index
        %get3A_199 = tpu.vector_load %arg14[%get3A, %get3A_198] {strides = array<i32>} : memref<125x64xf32, #tpu.memory_space<vmem>>, vector<1x16xf32>,
        %get3A_200 = vector.shape_cast %get3A_199 : vector<1x16xf32> to vector<16xf32>
        %get3A_201 = arith.index_cast %scan3A_197 : i32 to index
        %get3A_202 = arith.constant 0 : index
        %get3A_203 = tpu.vector_load %arg15[%get3A_201, %get3A_202] {strides = array<i32>} : memref<125x64xf32, #tpu.memory_space<vmem>>, vector<1x16xf32>,
        %get3A_204 = vector.shape_cast %get3A_203 : vector<1x16xf32> to vector<16xf32>
        %add3A_205 = arith.constant 1.000000e-16 : f32
        %add3A_206 = vector.broadcast %add3A_205 : f32 to vector<16xf32>
        %add3A_207 = arith.addf %get3A_204, %add3A_206 : vector<16xf32>
        %div3A = arith.divf %get3A_200, %add3A_207 : vector<16xf32>
        %swap3A = arith.index_cast %scan3A_197 : i32 to index
        %swap3A_208 = arith.constant 0 : index
        %swap3A_209 = tpu.vector_load %arg14[%swap3A, %swap3A_208] {strides = array<i32>} : memref<125x64xf32, #tpu.memory_space<vmem>>, vector<1x16xf32>,
        %swap3A_210 = vector.shape_cast %swap3A_209 : vector<1x16xf32> to vector<16xf32>
        %swap3A_211 = vector.shape_cast %div3A : vector<16xf32> to vector<1x16xf32>
        tpu.vector_store %arg14[%swap3A, %swap3A_208], %swap3A_211 {strides = array<i32>} : memref<125x64xf32, #tpu.memory_space<vmem>>, vector<1x16xf32>,
        %get3A_212 = arith.index_cast %scan3A_197 : i32 to index
        %get3A_213 = arith.constant 16 : index
        %get3A_214 = tpu.vector_load %arg14[%get3A_212, %get3A_213] {strides = array<i32>} : memref<125x64xf32, #tpu.memory_space<vmem>>, vector<1x16xf32>,
        %get3A_215 = vector.shape_cast %get3A_214 : vector<1x16xf32> to vector<16xf32>
        %get3A_216 = arith.index_cast %scan3A_197 : i32 to index
        %get3A_217 = arith.constant 16 : index
        %get3A_218 = tpu.vector_load %arg15[%get3A_216, %get3A_217] {strides = array<i32>} : memref<125x64xf32, #tpu.memory_space<vmem>>, vector<1x16xf32>,
        %get3A_219 = vector.shape_cast %get3A_218 : vector<1x16xf32> to vector<16xf32>
        %add3A_220 = arith.constant 1.000000e-16 : f32
        %add3A_221 = vector.broadcast %add3A_220 : f32 to vector<16xf32>
        %add3A_222 = arith.addf %get3A_219, %add3A_221 : vector<16xf32>
        %div3A_223 = arith.divf %get3A_215, %add3A_222 : vector<16xf32>
        %swap3A_224 = arith.index_cast %scan3A_197 : i32 to index
        %swap3A_225 = arith.constant 16 : index
        %swap3A_226 = tpu.vector_load %arg14[%swap3A_224, %swap3A_225] {strides = array<i32>} : memref<125x64xf32, #tpu.memory_space<vmem>>, vector<1x16xf32>,
        %swap3A_227 = vector.shape_cast %swap3A_226 : vector<1x16xf32> to vector<16xf32>
        %swap3A_228 = vector.shape_cast %div3A_223 : vector<16xf32> to vector<1x16xf32>
        tpu.vector_store %arg14[%swap3A_224, %swap3A_225], %swap3A_228 {strides = array<i32>} : memref<125x64xf32, #tpu.memory_space<vmem>>, vector<1x16xf32>,
        %get3A_229 = arith.index_cast %scan3A_197 : i32 to index
        %get3A_230 = arith.constant 32 : index
        %get3A_231 = tpu.vector_load %arg14[%get3A_229, %get3A_230] {strides = array<i32>} : memref<125x64xf32, #tpu.memory_space<vmem>>, vector<1x16xf32>,
        %get3A_232 = vector.shape_cast %get3A_231 : vector<1x16xf32> to vector<16xf32>
        %get3A_233 = arith.index_cast %scan3A_197 : i32 to index
        %get3A_234 = arith.constant 32 : index
        %get3A_235 = tpu.vector_load %arg15[%get3A_233, %get3A_234] {strides = array<i32>} : memref<125x64xf32, #tpu.memory_space<vmem>>, vector<1x16xf32>,
        %get3A_236 = vector.shape_cast %get3A_235 : vector<1x16xf32> to vector<16xf32>
        %add3A_237 = arith.constant 1.000000e-16 : f32
        %add3A_238 = vector.broadcast %add3A_237 : f32 to vector<16xf32>
        %add3A_239 = arith.addf %get3A_236, %add3A_238 : vector<16xf32>
        %div3A_240 = arith.divf %get3A_232, %add3A_239 : vector<16xf32>
        %swap3A_241 = arith.index_cast %scan3A_197 : i32 to index
        %swap3A_242 = arith.constant 32 : index
        %swap3A_243 = tpu.vector_load %arg14[%swap3A_241, %swap3A_242] {strides = array<i32>} : memref<125x64xf32, #tpu.memory_space<vmem>>, vector<1x16xf32>,
        %swap3A_244 = vector.shape_cast %swap3A_243 : vector<1x16xf32> to vector<16xf32>
        %swap3A_245 = vector.shape_cast %div3A_240 : vector<16xf32> to vector<1x16xf32>
        tpu.vector_store %arg14[%swap3A_241, %swap3A_242], %swap3A_245 {strides = array<i32>} : memref<125x64xf32, #tpu.memory_space<vmem>>, vector<1x16xf32>,
        %get3A_246 = arith.index_cast %scan3A_197 : i32 to index
        %get3A_247 = arith.constant 48 : index
        %get3A_248 = tpu.vector_load %arg14[%get3A_246, %get3A_247] {strides = array<i32>} : memref<125x64xf32, #tpu.memory_space<vmem>>, vector<1x16xf32>,
        %get3A_249 = vector.shape_cast %get3A_248 : vector<1x16xf32> to vector<16xf32>
        %get3A_250 = arith.index_cast %scan3A_197 : i32 to index
        %get3A_251 = arith.constant 48 : index
        %get3A_252 = tpu.vector_load %arg15[%get3A_250, %get3A_251] {strides = array<i32>} : memref<125x64xf32, #tpu.memory_space<vmem>>, vector<1x16xf32>,
        %get3A_253 = vector.shape_cast %get3A_252 : vector<1x16xf32> to vector<16xf32>
        %add3A_254 = arith.constant 1.000000e-16 : f32
        %add3A_255 = vector.broadcast %add3A_254 : f32 to vector<16xf32>
        %add3A_256 = arith.addf %get3A_253, %add3A_255 : vector<16xf32>
        %div3A_257 = arith.divf %get3A_249, %add3A_256 : vector<16xf32>
        %swap3A_258 = arith.index_cast %scan3A_197 : i32 to index
        %swap3A_259 = arith.constant 48 : index
        %swap3A_260 = tpu.vector_load %arg14[%swap3A_258, %swap3A_259] {strides = array<i32>} : memref<125x64xf32, #tpu.memory_space<vmem>>, vector<1x16xf32>,
        %swap3A_261 = vector.shape_cast %swap3A_260 : vector<1x16xf32> to vector<16xf32>
        %swap3A_262 = vector.shape_cast %div3A_257 : vector<16xf32> to vector<1x16xf32>
        tpu.vector_store %arg14[%swap3A_258, %swap3A_259], %swap3A_262 {strides = array<i32>} : memref<125x64xf32, #tpu.memory_space<vmem>>, vector<1x16xf32>,
      }
      %scan3A_194 = arith.constant 125 : i32
      %mul3A_195 = arith.constant 64 : i32
      %mul3A_196 = arith.muli %arg0, %mul3A_195 : i32
      "tpu.region"() ({
        %run_scoped3A = tpu.sem_alloc : memref<!tpu.dma_semaphore, #tpu.memory_space<semaphore_mem>>
        %dma_start3A_197 = tpu.memref_slice %arg7[%add3A_188, %mul3A_196] : memref<10000x128xf32, #tpu.memory_space<hbm>> -> memref<125x64xf32, #tpu.memory_space<hbm>>
        %dma_start3A_198 = tpu.memref_slice %arg7[%add3A_188, %mul3A_196] : memref<10000x128xf32, #tpu.memory_space<hbm>> -> memref<125x64xf32, #tpu.memory_space<hbm>>
        tpu.enqueue_dma source(%arg14 : memref<125x64xf32, #tpu.memory_space<vmem>>) target(%dma_start3A_198 : memref<125x64xf32, #tpu.memory_space<hbm>>) target_semaphore(%run_scoped3A : memref<!tpu.dma_semaphore, #tpu.memory_space<semaphore_mem>>)
        %dma_wait3A_199 = tpu.memref_slice %arg7[%add3A_188, %mul3A_196] : memref<10000x128xf32, #tpu.memory_space<hbm>> -> memref<125x64xf32, #tpu.memory_space<hbm>>
        %dma_wait3A_200 = tpu.memref_slice %arg7[%add3A_188, %mul3A_196] : memref<10000x128xf32, #tpu.memory_space<hbm>> -> memref<125x64xf32, #tpu.memory_space<hbm>>
        tpu.wait_dma2 semaphore(%run_scoped3A : memref<!tpu.dma_semaphore, #tpu.memory_space<semaphore_mem>>) src(%arg14 : memref<125x64xf32, #tpu.memory_space<vmem>>) dst(%dma_wait3A_200 : memref<125x64xf32, #tpu.memory_space<hbm>>)
        tpu.yield
      }) : () -> ()
    }
    %scan3A_184 = arith.constant 5 : i32
    return
  }
}

module attributes {stable_mosaic.version = 14 : i64} {
  func.func @_edge_encode_body(%arg0: i32, %arg1: i32, %arg2: memref<1000x32xf32, #tpu.memory_space<vmem>>, %arg3: memref<1x32x128xf32, #tpu.memory_space<vmem>>, %arg4: memref<1x1000x128xf32, #tpu.memory_space<vmem>>) attributes {dimension_semantics = [#tpu.dimension_semantics<arbitrary>, #tpu.dimension_semantics<arbitrary>], iteration_bounds = array<i64: 2, 160>, scalar_prefetch = 0 : i64, scratch_operands = 0 : i64, tpu.core_type = #tpu.core_type<tc>, window_params = [{transform_indices = @transform_0, window_bounds = array<i64: 1000, 32>}, {transform_indices = @transform_1, window_bounds = array<i64: 1, 32, 128>}, {transform_indices = @transform_2, window_bounds = array<i64: 1, 1000, 128>}]} {
    %get3A = arith.constant 0 : index
    %get3A_0 = arith.constant 0 : index
    %get3A_1 = vector.load %arg2[%get3A, %get3A_0] : memref<1000x32xf32, #tpu.memory_space<vmem>>, vector<1000x32xf32>
    %get3A_2 = arith.constant 0 : index
    %get3A_3 = arith.constant 0 : index
    %get3A_4 = arith.constant 0 : index
    %get3A_5 = vector.load %arg3[%get3A_2, %get3A_3, %get3A_4] : memref<1x32x128xf32, #tpu.memory_space<vmem>>, vector<1x32x128xf32>
    %get3A_6 = vector.shape_cast %get3A_5 : vector<1x32x128xf32> to vector<32x128xf32>
    %dot_general3A = arith.constant dense<0.000000e+00> : vector<1000x128xf32>
    %dot_general3A_7 = tpu.matmul %get3A_1, %get3A_6, %dot_general3A {dimension_numbers = #tpu.dot_dimension_numbers<[1], [0], [0], [1], [0, 0, 1, 1], [], []>, transpose_lhs_hint = false} : vector<1000x32xf32>, vector<32x128xf32>, vector<1000x128xf32> -> vector<1000x128xf32>
    %broadcast_in_dim3A = vector.shape_cast %dot_general3A_7 : vector<1000x128xf32> to vector<1x1000x128xf32>
    %swap3A = arith.constant 0 : index
    %swap3A_8 = arith.constant 0 : index
    %swap3A_9 = arith.constant 0 : index
    %swap3A_10 = vector.load %arg4[%swap3A, %swap3A_8, %swap3A_9] : memref<1x1000x128xf32, #tpu.memory_space<vmem>>, vector<1x1000x128xf32>
    tpu.vector_store %arg4[%swap3A, %swap3A_8, %swap3A_9], %broadcast_in_dim3A {strides = array<i32>} : memref<1x1000x128xf32, #tpu.memory_space<vmem>>, vector<1x1000x128xf32>,
    return
  }
  func.func @transform_0(%arg0: i32, %arg1: i32) -> (i32, i32) {
    %c0_i32 = arith.constant 0 : i32
    %c0_i32_0 = arith.constant 0 : i32
    return %arg1, %c0_i32 : i32, i32
  }
  func.func @transform_1(%arg0: i32, %arg1: i32) -> (i32, i32, i32) {
    %c0_i32 = arith.constant 0 : i32
    %c0_i32_0 = arith.constant 0 : i32
    %c0_i32_1 = arith.constant 0 : i32
    return %arg0, %c0_i32, %c0_i32_0 : i32, i32, i32
  }
  func.func @transform_2(%arg0: i32, %arg1: i32) -> (i32, i32, i32) {
    %c0_i32 = arith.constant 0 : i32
    %c0_i32_0 = arith.constant 0 : i32
    return %arg0, %arg1, %c0_i32 : i32, i32, i32
  }
}

module attributes {stable_mosaic.version = 14 : i64} {
  func.func @_mlp_body(%arg0: i32, %arg1: memref<2000x128xf32, #tpu.memory_space<vmem>>, %arg2: memref<2000x128xf32, #tpu.memory_space<vmem>>, %arg3: memref<128x256xf32, #tpu.memory_space<vmem>>, %arg4: memref<1x256xf32, #tpu.memory_space<vmem>>, %arg5: memref<256x128xf32, #tpu.memory_space<vmem>>, %arg6: memref<1x128xf32, #tpu.memory_space<vmem>>, %arg7: memref<2000x128xf32, #tpu.memory_space<vmem>>) attributes {dimension_semantics = [#tpu.dimension_semantics<arbitrary>], iteration_bounds = array<i64: 5>, scalar_prefetch = 0 : i64, scratch_operands = 0 : i64, tpu.core_type = #tpu.core_type<tc>, window_params = [{transform_indices = @transform_0, window_bounds = array<i64: 2000, 128>}, {transform_indices = @transform_1, window_bounds = array<i64: 2000, 128>}, {pipeline_mode = #tpu.pipeline_mode<synchronous>, transform_indices = @transform_2, window_bounds = array<i64: 128, 256>}, {pipeline_mode = #tpu.pipeline_mode<synchronous>, transform_indices = @transform_3, window_bounds = array<i64: 1, 256>}, {pipeline_mode = #tpu.pipeline_mode<synchronous>, transform_indices = @transform_4, window_bounds = array<i64: 256, 128>}, {pipeline_mode = #tpu.pipeline_mode<synchronous>, transform_indices = @transform_5, window_bounds = array<i64: 1, 128>}, {transform_indices = @transform_6, window_bounds = array<i64: 2000, 128>}]} {
    %get3A = arith.constant 0 : index
    %get3A_0 = arith.constant 0 : index
    %get3A_1 = vector.load %arg1[%get3A, %get3A_0] : memref<2000x128xf32, #tpu.memory_space<vmem>>, vector<2000x128xf32>
    %get3A_2 = arith.constant 0 : index
    %get3A_3 = arith.constant 0 : index
    %get3A_4 = vector.load %arg2[%get3A_2, %get3A_3] : memref<2000x128xf32, #tpu.memory_space<vmem>>, vector<2000x128xf32>
    %add3A = arith.addf %get3A_1, %get3A_4 : vector<2000x128xf32>
    %get3A_5 = arith.constant 0 : index
    %get3A_6 = arith.constant 0 : index
    %get3A_7 = vector.load %arg3[%get3A_5, %get3A_6] : memref<128x256xf32, #tpu.memory_space<vmem>>, vector<128x256xf32>
    %dot_general3A = arith.constant dense<0.000000e+00> : vector<2000x256xf32>
    %dot_general3A_8 = tpu.matmul %add3A, %get3A_7, %dot_general3A {dimension_numbers = #tpu.dot_dimension_numbers<[1], [0], [0], [1], [0, 0, 1, 1], [], []>, transpose_lhs_hint = false} : vector<2000x128xf32>, vector<128x256xf32>, vector<2000x256xf32> -> vector<2000x256xf32>
    %get3A_9 = arith.constant 0 : index
    %get3A_10 = arith.constant 0 : index
    %get3A_11 = vector.load %arg4[%get3A_9, %get3A_10] : memref<1x256xf32, #tpu.memory_space<vmem>>, vector<1x256xf32>
    %add3A_12 = vector.broadcast %get3A_11 : vector<1x256xf32> to vector<2000x256xf32>
    %add3A_13 = arith.addf %dot_general3A_8, %add3A_12 : vector<2000x256xf32>
    %max3A = arith.constant 0.000000e+00 : f32
    %max3A_14 = vector.broadcast %max3A : f32 to vector<2000x256xf32>
    %max3A_15 = arith.maximumf %add3A_13, %max3A_14 : vector<2000x256xf32>
    %get3A_16 = arith.constant 0 : index
    %get3A_17 = arith.constant 0 : index
    %get3A_18 = vector.load %arg5[%get3A_16, %get3A_17] : memref<256x128xf32, #tpu.memory_space<vmem>>, vector<256x128xf32>
    %dot_general3A_19 = arith.constant dense<0.000000e+00> : vector<2000x128xf32>
    %dot_general3A_20 = tpu.matmul %max3A_15, %get3A_18, %dot_general3A_19 {dimension_numbers = #tpu.dot_dimension_numbers<[1], [0], [0], [1], [0, 0, 1, 1], [], []>, transpose_lhs_hint = false} : vector<2000x256xf32>, vector<256x128xf32>, vector<2000x128xf32> -> vector<2000x128xf32>
    %get3A_21 = arith.constant 0 : index
    %get3A_22 = arith.constant 0 : index
    %get3A_23 = vector.load %arg6[%get3A_21, %get3A_22] : memref<1x128xf32, #tpu.memory_space<vmem>>, vector<1x128xf32>
    %add3A_24 = vector.broadcast %get3A_23 : vector<1x128xf32> to vector<2000x128xf32>
    %add3A_25 = arith.addf %dot_general3A_20, %add3A_24 : vector<2000x128xf32>
    %get3A_26 = arith.constant 0 : index
    %get3A_27 = arith.constant 0 : index
    %get3A_28 = vector.load %arg1[%get3A_26, %get3A_27] : memref<2000x128xf32, #tpu.memory_space<vmem>>, vector<2000x128xf32>
    %max3A_29 = arith.constant 0.000000e+00 : f32
    %max3A_30 = vector.broadcast %max3A_29 : f32 to vector<2000x128xf32>
    %max3A_31 = arith.maximumf %add3A_25, %max3A_30 : vector<2000x128xf32>
    %add3A_32 = arith.addf %get3A_28, %max3A_31 : vector<2000x128xf32>
    %swap3A = arith.constant 0 : index
    %swap3A_33 = arith.constant 0 : index
    %swap3A_34 = vector.load %arg7[%swap3A, %swap3A_33] : memref<2000x128xf32, #tpu.memory_space<vmem>>, vector<2000x128xf32>
    tpu.vector_store %arg7[%swap3A, %swap3A_33], %add3A_32 {strides = array<i32>} : memref<2000x128xf32, #tpu.memory_space<vmem>>, vector<2000x128xf32>,
    return
  }
  func.func @transform_0(%arg0: i32) -> (i32, i32) {
    %c0_i32 = arith.constant 0 : i32
    %c0_i32_0 = arith.constant 0 : i32
    return %arg0, %c0_i32 : i32, i32
  }
  func.func @transform_1(%arg0: i32) -> (i32, i32) {
    %c0_i32 = arith.constant 0 : i32
    %c0_i32_0 = arith.constant 0 : i32
    return %arg0, %c0_i32 : i32, i32
  }
  func.func @transform_2(%arg0: i32) -> (i32, i32) {
    %c0_i32 = arith.constant 0 : i32
    %c0_i32_0 = arith.constant 0 : i32
    %c0_i32_1 = arith.constant 0 : i32
    return %c0_i32, %c0_i32_0 : i32, i32
  }
  func.func @transform_3(%arg0: i32) -> (i32, i32) {
    %c0_i32 = arith.constant 0 : i32
    %c0_i32_0 = arith.constant 0 : i32
    %c0_i32_1 = arith.constant 0 : i32
    return %c0_i32, %c0_i32_0 : i32, i32
  }
  func.func @transform_4(%arg0: i32) -> (i32, i32) {
    %c0_i32 = arith.constant 0 : i32
    %c0_i32_0 = arith.constant 0 : i32
    %c0_i32_1 = arith.constant 0 : i32
    return %c0_i32, %c0_i32_0 : i32, i32
  }
  func.func @transform_5(%arg0: i32) -> (i32, i32) {
    %c0_i32 = arith.constant 0 : i32
    %c0_i32_0 = arith.constant 0 : i32
    %c0_i32_1 = arith.constant 0 : i32
    return %c0_i32, %c0_i32_0 : i32, i32
  }
  func.func @transform_6(%arg0: i32) -> (i32, i32) {
    %c0_i32 = arith.constant 0 : i32
    %c0_i32_0 = arith.constant 0 : i32
    return %arg0, %c0_i32 : i32, i32
  }
}

</mosaic_0001>

<sc_bundles>
// kernel: kernel.5.cloned.1.call-start
scs
__scs_entry_jumppad:
0x0: {  	(pc) =	sbr.rel $0x88, $3  }
0x1: {  	(tag) =	ssettag $0x0;
	lr =	simm.s32 $0x1  }
0x2: {  	[smem:$0x3F98] =	sst lr;
	_ =	strace $0xD0000000  }
0x3: {  	_ = 	snop  }
0x4: {  	_ = 	snop  }
0x5: {  	_ = 	snop  }
0x6: {  	_ = 	snop  }
0x7: {  	_ = 	snop  }
__scs_overlays_trampoline_lowered:
0x8: {  	[smem:$0x3FA7] =	sst s0  }
0x9: {  	[smem:$0x3FA8] =	sst s1  }
0xa: {  	[smem:$0x3FA9] =	sst s2  }
0xb: {  	[smem:$0x3FAA] =	sst s3  }
0xc: {  	[smem:$0x3FAB] =	sst s4  }
0xd: {  	[smem:$0x3FAC] =	sst s5  }
0xe: {  	[smem:$0x3FAD] =	sst s6  }
0xf: {  	[smem:$0x3FAE] =	sst s7  }
0x10: {  	[smem:$0x3FAF] =	sst s8  }
0x11: {  	[smem:$0x3FB0] =	sst s9;
	s0 =	simm.s32 @!p0 $0x0  }
0x12: {  	s1 =	sld [smem:$0x3F96];
	s0 =	simm.s32 @p0 $0x1  }
0x13: {  	[smem:$0x3FB1] =	sst s0;
	s0 =	simm.s32 @!p1 $0x0  }
0x14: {  	s2 =	sld [smem:$0x3F95];
	s0 =	simm.s32 @p1 $0x1  }
0x15: {  	[smem:$0x3FB2] =	sst s0;
	s0 =	simm.s32 @!p2 $0x0  }
0x16: {  	s3 =	sld [smem:$0x3FDB];
	s0 =	simm.s32 @p2 $0x1  }
0x17: {  	s4 =	simm.s32 $0x1BF5;
	[smem:$0x3FB4] =	sst s0  }
0x18: {  	s0 =	sld [smem:$0x3F97];
	_ =	swait.ge [sflag:s4], $0x0  }
0x19: {  	s7 =	sld [smem:$0x3F98]  }
0x1a: {  	s8 =	sadd.s32 $0xFFFFE003, lr  }
0x1b: {  	s9 =	sadd.s32 $0xFFFFFEF7, lr;
	s5 =	simm.s32 $0xFFFFFFFF;
	p2 =	slt.u32 s8, $0xFFFFF086  }
0x1c: {  	p1 =	slt.u32 s9, $0xF7A;
	s5 =	simm.s32 @!p2 $0x0  }
0x1d: {  	s5 =	simm.s32 @p1 $0x1;
	p0 =	seq.s32 s7, s2  }
0x1e: {  	s7 =	smul.u32 @!p0 $0xF7A, s2;
	p2 =	seq.s32 @!p0 s5, $0x0  }
0x1f: {  	s9 =	smul.u32 $0xF7A, s1;
	s8 =	simm.s32 @!p0 $0x1BF5;
	p2 =	por !p2, p0  }
0x20: {  	[sflag:s8] =	ssyncset.s32 @!p0 $0xFFFFF086;
	s6 =	sadd.s32 @!p0 s3, s7;
	s7 =	simm.s32 @!p0 $0x108  }
0x21: {  	s3 =	sadd.s32 s3, s9;
	s6 =	sadd.s32 @!p0 $0x88, s6;
	s7 =	simm.s32 @p2 $0x1082  }
0x22: {  	[simem:s7], [sflag:s8] =	dma.local @!p0 [hbm:s6], $0xF7A  }
0x23: {  	s9 =	sor.u32 $0xD0000000, s2;
	s6 =	simm.s32 $0x108;
	_ =	swait.ge @!p0 [sflag:s8], $0x0  }
0x24: {  	s3 =	sadd.s32 $0x88, s3;
	s6 =	simm.s32 @!p1 $0x1082;
	[sflag:s4] =	ssyncset.s32 $0xFFFFF086  }
0x25: {  	[simem:s6], [sflag:s4] =	dma.local [hbm:s3], $0xF7A  }
0x26: {  	[smem:$0x3F98] =	sst s1;
	(tag) =	ssettag s2;
	_ =	strace s9  }
0x27: {  	s1 =	sld [smem:$0x3FA8]  }
0x28: {  	s2 =	sld [smem:$0x3FA9]  }
0x29: {  	s4 =	sld [smem:$0x3FAB]  }
0x2a: {  	p0 =	seq.s32 s5, $0x0;
	s5 =	sld [smem:$0x3FAC]  }
0x2b: {  	s6 =	sld [smem:$0x3FAD]  }
0x2c: {  	s7 =	sld [smem:$0x3FAE]  }
0x2d: {  	s3 =	simm.s32 $0x108;
	s8 =	sld [smem:$0x3FAF]  }
0x2e: {  	s3 =	simm.s32 @!p0 $0x1082;
	s9 =	sld [smem:$0x3FB0]  }
0x2f: {  	lr =	sadd.s32 s0, s3;
	s0 =	sld [smem:$0x3FA7]  }
0x30: {  	s3 =	sld [smem:$0x3FAA]  }
0x31: {  	[smem:$0x3FB3] =	sst s10  }
0x32: {  	s10 =	sld [smem:$0x3FB1];
	_ =	sdelay $0x3  }
0x33: {  	p0 =	seq.s32 s10, $0x1;
	s10 =	sld [smem:$0x3FB3];
	_ =	sdelay $0x3  }
0x34: {  	[smem:$0x3FB3] =	sst s10  }
0x35: {  	s10 =	sld [smem:$0x3FB2];
	_ =	sdelay $0x3  }
0x36: {  	p1 =	seq.s32 s10, $0x1;
	s10 =	sld [smem:$0x3FB3];
	_ =	sdelay $0x3  }
0x37: {  	[smem:$0x3FB3] =	sst s10  }
0x38: {  	s10 =	sld [smem:$0x3FB4]  }
0x39: {  	_ = 	snop;
	(pc) =	sbr.ind lr, $3  }
0x3a: {  	_ = 	snop  }
0x3b: {  	_ = 	snop  }
0x3c: {  	p2 =	seq.s32 s10, $0x1;
	s10 =	sld [smem:$0x3FB3]  }
0x3d: {  	_ =	shalt  }
0x3e: {  	_ =	shalt  }
0x3f: {  	_ =	shalt  }
0x40: {  	_ =	shalt  }
0x41: {  	_ =	shalt  }
0x42: {  	_ =	shalt  }
0x43: {  	_ =	shalt  }
0x44: {  	_ =	shalt  }
0x45: {  	_ =	shalt  }
0x46: {  	_ =	shalt  }
0x47: {  	_ =	shalt  }
0x48: {  	_ =	shalt  }
0x49: {  	_ =	shalt  }
0x4a: {  	_ =	shalt  }
0x4b: {  	_ =	shalt  }
0x4c: {  	_ =	shalt  }
0x4d: {  	_ =	shalt  }
0x4e: {  	_ =	shalt  }
0x4f: {  	_ =	shalt  }
0x50: {  	_ =	shalt  }
0x51: {  	_ =	shalt  }
0x52: {  	_ =	shalt  }
0x53: {  	_ =	shalt  }
0x54: {  	_ =	shalt  }
0x55: {  	_ =	shalt  }
0x56: {  	_ =	shalt  }
0x57: {  	_ =	shalt  }
0x58: {  	_ =	shalt  }
0x59: {  	_ =	shalt  }
0x5a: {  	_ =	shalt  }
0x5b: {  	_ =	shalt  }
0x5c: {  	_ =	shalt  }
0x5d: {  	_ =	shalt  }
0x5e: {  	_ =	shalt  }
0x5f: {  	_ =	shalt  }
0x60: {  	_ =	shalt  }
0x61: {  	_ =	shalt  }
0x62: {  	_ =	shalt  }
0x63: {  	_ =	shalt  }
0x64: {  	_ =	shalt  }
0x65: {  	_ =	shalt  }
0x66: {  	_ =	shalt  }
0x67: {  	_ =	shalt  }
0x68: {  	_ =	shalt  }
0x69: {  	_ =	shalt  }
0x6a: {  	_ =	shalt  }
0x6b: {  	_ =	shalt  }
0x6c: {  	_ =	shalt  }
0x6d: {  	_ =	shalt  }
0x6e: {  	_ =	shalt  }
0x6f: {  	_ =	shalt  }
0x70: {  	_ =	shalt  }
0x71: {  	_ =	shalt  }
0x72: {  	_ =	shalt  }
0x73: {  	_ =	shalt  }
0x74: {  	_ =	shalt  }
0x75: {  	_ =	shalt  }
0x76: {  	_ =	shalt  }
0x77: {  	_ =	shalt  }
0x78: {  	_ =	shalt  }
0x79: {  	_ =	shalt  }
0x7a: {  	_ =	shalt  }
0x7b: {  	_ =	shalt  }
0x7c: {  	_ =	shalt  }
0x7d: {  	_ =	shalt  }
0x7e: {  	_ =	shalt  }
0x7f: {  	_ =	shalt  }
0x80: {  	_ =	shalt  }
0x81: {  	_ =	shalt  }
0x82: {  	_ =	shalt  }
0x83: {  	_ =	shalt  }
0x84: {  	_ =	shalt  }
0x85: {  	_ =	shalt  }
0x86: {  	_ =	shalt  }
0x87: {  	_ =	shalt  }
.Lfunc_end0:
.L_simem_size_0:
called_computation_lowered:
.L_overlay_start_0:
0x88: {  	s2 =	sld [smem:$0x3FD9]  }
0x89: {  	s3 =	sld [smem:$0x3FFE];
	_ =	sdelay $0x1  }
0x8a: {  	s1 =	srdreg.scid  }
0x8b: {  	s0 =	sand.u32 $0x1, s1  }
0x8c: {  	s17 =	sshll.u32 s0, $0xA;
	s2 =	sadd.s32 s3, s2  }
0x8d: {  	s2 =	sadd.s32 s2, s17  }
0x8e: {  	[smem:$0x3FBF] =	sst s2  }
0x8f: {  	_ = 	snop  }
0x90: {  	s2 =	sld [smem:$0x3FC5]  }
0x91: {  	s18 =	sld [smem:$0x3FD0];
	(tm) =	ssettm $0x1  }
0x92: {  	s4 =	sld [smem:$0x3FFB];
	_ =	sdelay $0x3  }
0x93: {  	_ =	strace s4  }
0x94: {  	s4 =	sld [smem:$0x3FFC];
	_ =	sdelay $0x3  }
0x95: {  	_ =	strace s4  }
0x96: {  	s4 =	sld [smem:$0x3FFD];
	_ =	sdelay $0x3  }
0x97: {  	_ =	strace s4  }
0x98: {  	_ =	strace $0x8FFFFFFF  }
0x99: {  	s19 =	sld [smem:$0x3FDB];
	_ =	sdelay $0x1  }
0x9a: {  	s5 =	simm.s32 $_scs_section_size  }
0x9b: {  	s6 =	simm.s32 $_size__tile_overlayer_lowered;
	s7 =	simm.s32 $_tile_overlayer_lowered  }
0x9c: {  	s22 =	simm.s32 $0x1BFF;
	s21 =	sshll.u32 s7, $0x1;
	s4 =	sadd.s32 s5, s19  }
0x9d: {  	s8 =	simm.s32 $0x0;
	s20 =	sshll.u32 s6, $0x1;
	s6 =	sadd.s32 s21, s4  }
0x9e: {  	[timem:s8], [sflag:s22] =	dma.local [hbm:s6], s20  }
0x9f: {  	_ =	swait.ge [sflag:s22], s20  }
0xa0: {  	s5 =	ssub.s32 $0x0, s20;
	[sflag:s22] =	ssyncset.done $0x0  }
0xa1: {  	[sflag:s22] =	ssyncadd.s32 s5;
	_ =	sdelay $0x1  }
0xa2: {  	s23 =	simm.s32 $0x1B8B  }
0xa3: {  	_ =	swait.ge [sflag:s23], $0x1  }
0xa4: {  	[sflag:s23] =	ssyncset.done $0x0  }
0xa5: {  	s25 =	simm.s32 $0x1B8E;
	s24 =	sld [smem:$0x3FFE];
	[sflag:s23] =	ssyncadd.s32 $0xFFFFFFFF  }
0xa6: {  	s26 =	simm.s32 $execute0_lowered;
	[smem:$0x3FD2] =	sst s25  }
0xa7: {  	s6 =	sshll.u32 s26, $0x1;
	_ =	strace $0x80000046;
	[dreg:$0x1] =	wrdreg $0xFFFFFFFF  }
0xa8: {  	s28 =	simm.s32 $_size_execute0_lowered;
	s4 =	sadd.s32 s4, s6;
	[dreg:$0x0] =	wrdreg $0x0  }
0xa9: {  	s6 =	sshll.u32 s28, $0x1;
	[dreg:$0x2] =	wrdreg s4  }
0xaa: {  	[dreg:$0x3] =	wrdreg s6  }
0xab: {  	[dreg:$0x4] =	wrdreg $0xC0  }
0xac: {  	_ =	task [dreg:s8], $0x5FFFF  }
0xad: {  	[dreg:$0x1] =	wrdreg $0xFFFFFFFF  }
0xae: {  	[dreg:$0x0] =	wrdreg $0x60  }
0xaf: {  	[dreg:$0x2] =	wrdreg s18  }
0xb0: {  	[dreg:$0x3] =	wrdreg s24  }
0xb1: {  	[dreg:$0x4] =	wrdreg s2  }
0xb2: {  	[dreg:$0x5] =	wrdreg $0xB8000  }
0xb3: {  	[dreg:$0x6] =	wrdreg $0x154400  }
0xb4: {  	[dreg:$0x7] =	wrdreg $0x9  }
0xb5: {  	_ =	task.clear_ibuf [dreg:s8], $0x8FFFF;
	_ =	strace $0x90000046  }
0xb6: {  	s29 =	simm.s32 $0x9;
	_ =	strace $0x80000048  }
0xb7: {  	_ =	swait.ge [sflag:s29], $0x1  }
0xb8: {  	[sflag:s29] =	ssyncadd.s32 $0xFFFFFFFF  }
0xb9: {  	_ =	strace $0x90000048  }
0xba: {  	_ =	sfence  }
0xbb: {  	s30 =	sld [smem:$0x0];
	_ =	sdelay $0x2  }
0xbc: {  	s31 =	sshll.u32 s1, $0xD;
	s1 =	sshrl.u32 s1, $0x2  }
0xbd: {  	s3 =	sand.u32 $0x4000, s31;
	s1 =	sadd.s32 s1, s30  }
0xbe: {  	s0 =	sor.u32 s3, s0;
	s1 =	sshll.u32 s1, $0x11  }
0xbf: {  	s0 =	sor.u32 s1, s0  }
0xc0: {  	s0 =	sadd.s32 $0x8F2B, s0  }
0xc1: {  	[sflag:s0] =	ssyncadd.remote.s32 $0x1  }
0xc2: {  	_ =	sfence.sel $0xFFFF  }
0xc3: {  	[dreg:$0x0] =	wrdreg $0xFFFFFFFF;
	(pc) =	sbr.abs _section_cstart, $3  }
0xc4: {  	[dreg:$0x1] =	wrdreg $0xFFFFFFFF  }
0xc5: {  	_ =	task.clear_ibuf [dreg:s8], $0x2FFFF;
	_ =	strace $0x9FFFFFFF  }
0xc6: {  	(tm) =	ssettm $0x7FFFFFFF  }
0xc7: {  	_ =	shalt  }
tec
execute0_lowered:
.L_overlay_start_1:
0x0: {  	(tag) =	ssettag $0x1  }
0x1: {  	s8 =	rddreg [dreg:$0x0]  }
0x2: {  	s0 =	rddreg [dreg:$0x1]  }
0x3: {  	s1 =	rddreg [dreg:$0x2]  }
0x4: {  	s10 =	rddreg [dreg:$0x3]  }
0x5: {  	s11 =	rddreg [dreg:$0x4]  }
0x6: {  	s4 =	simm.s32 $0x0;
	s2 =	srdreg.scid;
	s12 =	stileid.u32  }
0x7: {  	s28 =	simm.s32 $0x2;
	[smem:$0x7FF] =	sst s4;
	s6 =	smul.u32 $0x9C40, s12  }
0x8: {  	s13 =	sadd.s32 $0x754E00, s0;
	s14 =	sadd.s32 $0xBC00, s0;
	s17 =	smul.u32 $0x4E20, s12  }
0x9: {  	s2 =	sand.u32 $0x1, s2;
	s15 =	sadd.s32 $0x1E00, s0;
	s31 =	smul.u32 $0x138800, s12  }
0xa: {  	_ =	strace $0x80000047;
	s3 =	sshll.u32 s2, $0x3;
	[dreg:$0x6] =	wrdreg s13  }
0xb: {  	s5 =	ssub.s32 $0x2, s2;
	s19 =	sadd.s32 s6, s10;
	[dreg:$0xc] =	wrdreg s17  }
0xc: {  	s26 =	smul.u32 $0x4E200, s2;
	s9 =	sadd.s32 s6, s11;
	[dreg:$0x7] =	wrdreg s19  }
0xd: {  	s29 =	smul.u32 $0x1388000, s2;
	s1 =	sadd.s32 s1, s3;
	[dreg:$0x8] =	wrdreg s9  }
0xe: {  	s0 =	sadd.s32 s3, s0;
	s7 =	sshrl.u32 s5, $0x1;
	[dreg:$0x11] =	wrdreg s1  }
0xf: {  	s20 =	sadd.s32 $0x1F40, s6;
	s22 =	sadd.s32 $0x3E80, s6;
	[dreg:$0x10] =	wrdreg s29  }
0x10: {  	s25 =	sadd.s32 $0x5DC0, s6;
	s21 =	sadd.s32 s20, s10;
	[dreg:$0xe] =	wrdreg s26  }
0x11: {  	s5 =	ssub.s32 s5, s7;
	s7 =	sadd.s32 s20, s11;
	[dreg:$0x9] =	wrdreg s21  }
0x12: {  	s6 =	sadd.s32 $0x7D00, s6;
	s23 =	sadd.s32 s22, s10;
	[dreg:$0xa] =	wrdreg s7  }
0x13: {  	s24 =	sadd.s32 s22, s11;
	s16 =	sadd.s32 s25, s10;
	[dreg:$0xb] =	wrdreg s23  }
0x14: {  	s30 =	sadd.s32 s17, s26;
	s10 =	sadd.s32 s6, s10;
	[dreg:$0xd] =	wrdreg s24  }
0x15: {  	s18 =	sadd.s32 s31, s29;
	s19 =	sshrl.u32 s17, $0x3;
	[dreg:$0xf] =	wrdreg s16  }
0x16: {  	s20 =	sadd.s32 $0x50, s17;
	s31 =	sadd.s32 $0xF0, s17;
	[dreg:$0x13] =	wrdreg s10  }
0x17: {  	s29 =	smul.u32 $0x271, s12;
	s7 =	sadd.s32 s25, s11;
	[dreg:$0x1f] =	wrdreg s31  }
0x18: {  	s1 =	sshrl.u32 s30, $0x3;
	s11 =	sadd.s32 s6, s11;
	[dreg:$0x12] =	wrdreg s7  }
0x19: {  	s2 =	sadd.s32 s15, s19;
	s21 =	sadd.s32 s26, s20;
	[dreg:$0x14] =	wrdreg s11  }
0x1a: {  	s22 =	sshrl.u32 s20, $0x3;
	s26 =	smax.u32 s5, $0x1;
	[dreg:$0x16] =	wrdreg s2  }
0x1b: {  	s23 =	smul.u32 $0x2710, s12;
	s25 =	sadd.s32 $0x1F600, s0;
	[dreg:$0x1c] =	wrdreg s26  }
0x1c: {  	s16 =	smov.u32 s15;
	s10 =	simm.s32 $0x7980;
	[dreg:$0x1b] =	wrdreg s25  }
0x1d: {  	s12 =	simm.s32 $0xF0;
	s1 =	sadd.s32 s14, s1;
	[dreg:$0x1d] =	wrdreg s29  }
0x1e: {  	s7 =	smov.u32 s8;
	s24 =	sadd.s32 s15, s22;
	[dreg:$0x15] =	wrdreg s1  }
0x1f: {  	s11 =	simm.s32 $0x5;
	s15 =	simm.s32 $0x50;
	[dreg:$0x1a] =	wrdreg s24  }
0x20: {  	s1 =	sshrl.u32 s18, $0x3;
	[dreg:$0x18] =	wrdreg s23;
	s30 =	sadd.s32 $0x28, s23  }
0x21: {  	s18 =	smov.u32 s14;
	s1 =	sadd.s32 s13, s1;
	[dreg:$0x1e] =	wrdreg s30  }
0x22: {  	s24 =	simm.s32 $0x1;
	[dreg:$0x17] =	wrdreg s1;
	s1 =	sshrl.u32 s21, $0x3  }
0x23: {  	s13 =	simm.s32 $0x3;
	s21 =	simm.s32 $0x4;
	s1 =	sadd.s32 s14, s1  }
0x24: {  	v0 =	vimm.f32 $0.0e+00;
	s14 =	simm.s32 $0x1540;
	[dreg:$0x19] =	wrdreg s1;
	s1 =	simm.s32 $0x0  }
.LBB2_1:
0x25: {  	[smem:$0x7FD] =	sst s1;
	s1 =	simm.s32 $0x100;
	s0 =	simm.s32 $0x0  }
.LBB2_2:
0x26: {  	p0 =	sne.s32 s1, $0x7C00;
	[tilespmem:s0+$0x79B0] =	vst v0;
	s2 =	smov.u32 s1;
	s1 =	sadd.s32 $0x100, s1  }
.Ltmp0:
0x27: {  	[tilespmem:s0+$0x79A0] =	vst v0;
	(pc) =	sbr.rel @p0 .LBB2_2-.Ltmp0, $3  }
0x28: {  	[tilespmem:s0+$0x7980] =	vst v0  }
0x29: {  	[tilespmem:s0+$0x7990] =	vst v0;
	_ =	sdelay $0x1  }
0x2a: {  	s0 =	sshra.s32 s2, $0x2  }
0x2b: {  	[tilespmem:s0+$0x79B0] =	vst v0  }
0x2c: {  	[tilespmem:s0+$0x79A0] =	vst v0  }
0x2d: {  	[tilespmem:s0+$0x7980] =	vst v0  }
0x2e: {  	[tilespmem:s0+$0x7990] =	vst v0;
	s26 =	rddreg [dreg:$0x7]  }
0x2f: {  	[spmem:s26] =	stream.linear.scatter [tilespmem:s10], [sflag:$0x5], $0x1F40, $0x38;
	[tilespmem:$0x1F080] =	vst v63  }
0x30: {  	_ =	swait.ge [sflag:s11], $0x1F40  }
0x31: {  	[sflag:s11] =	ssyncset.done $0x0  }
0x32: {  	s30 =	rddreg [dreg:$0x8];
	[sflag:s11] =	ssyncadd.s32 $0xFFFFE0C0  }
0x33: {  	[spmem:s30] =	stream.linear.scatter [tilespmem:s10], [sflag:$0x5], $0x1F40, $0x38;
	[tilespmem:$0x1F080] =	vst v63  }
0x34: {  	_ =	swait.ge [sflag:s11], $0x1F40  }
0x35: {  	[sflag:s11] =	ssyncset.done $0x0  }
0x36: {  	s31 =	rddreg [dreg:$0x9];
	[sflag:s11] =	ssyncadd.s32 $0xFFFFE0C0  }
0x37: {  	[spmem:s31] =	stream.linear.scatter [tilespmem:s10], [sflag:$0x5], $0x1F40, $0x38;
	[tilespmem:$0x1F080] =	vst v63  }
0x38: {  	_ =	swait.ge [sflag:s11], $0x1F40  }
0x39: {  	[sflag:s11] =	ssyncset.done $0x0  }
0x3a: {  	s1 =	rddreg [dreg:$0xa];
	[sflag:s11] =	ssyncadd.s32 $0xFFFFE0C0  }
0x3b: {  	[spmem:s1] =	stream.linear.scatter [tilespmem:s10], [sflag:$0x5], $0x1F40, $0x38;
	[tilespmem:$0x1F080] =	vst v63  }
0x3c: {  	_ =	swait.ge [sflag:s11], $0x1F40  }
0x3d: {  	[sflag:s11] =	ssyncset.done $0x0  }
0x3e: {  	s2 =	rddreg [dreg:$0xb];
	[sflag:s11] =	ssyncadd.s32 $0xFFFFE0C0  }
0x3f: {  	[spmem:s2] =	stream.linear.scatter [tilespmem:s10], [sflag:$0x5], $0x1F40, $0x38;
	[tilespmem:$0x1F080] =	vst v63  }
0x40: {  	_ =	swait.ge [sflag:s11], $0x1F40  }
0x41: {  	[sflag:s11] =	ssyncset.done $0x0  }
0x42: {  	s3 =	rddreg [dreg:$0xd];
	[sflag:s11] =	ssyncadd.s32 $0xFFFFE0C0  }
0x43: {  	[spmem:s3] =	stream.linear.scatter [tilespmem:s10], [sflag:$0x5], $0x1F40, $0x38;
	[tilespmem:$0x1F080] =	vst v63  }
0x44: {  	_ =	swait.ge [sflag:s11], $0x1F40  }
0x45: {  	[sflag:s11] =	ssyncset.done $0x0  }
0x46: {  	s5 =	rddreg [dreg:$0xf];
	[sflag:s11] =	ssyncadd.s32 $0xFFFFE0C0  }
0x47: {  	[spmem:s5] =	stream.linear.scatter [tilespmem:s10], [sflag:$0x5], $0x1F40, $0x38;
	[tilespmem:$0x1F080] =	vst v63  }
0x48: {  	_ =	swait.ge [sflag:s11], $0x1F40  }
0x49: {  	[sflag:s11] =	ssyncset.done $0x0  }
0x4a: {  	s6 =	rddreg [dreg:$0x12];
	[sflag:s11] =	ssyncadd.s32 $0xFFFFE0C0  }
0x4b: {  	[spmem:s6] =	stream.linear.scatter [tilespmem:s10], [sflag:$0x5], $0x1F40, $0x38;
	[tilespmem:$0x1F080] =	vst v63  }
0x4c: {  	_ =	swait.ge [sflag:s11], $0x1F40  }
0x4d: {  	[sflag:s11] =	ssyncset.done $0x0  }
0x4e: {  	s8 =	rddreg [dreg:$0x13];
	[sflag:s11] =	ssyncadd.s32 $0xFFFFE0C0  }
0x4f: {  	[spmem:s8] =	stream.linear.scatter [tilespmem:s10], [sflag:$0x5], $0x1F40, $0x38;
	[tilespmem:$0x1F080] =	vst v63  }
0x50: {  	_ =	swait.ge [sflag:s11], $0x1F40  }
0x51: {  	[sflag:s11] =	ssyncset.done $0x0  }
0x52: {  	s9 =	rddreg [dreg:$0x14];
	[sflag:s11] =	ssyncadd.s32 $0xFFFFE0C0  }
0x53: {  	[spmem:s9] =	stream.linear.scatter [tilespmem:s10], [sflag:$0x5], $0x1F40, $0x38;
	[tilespmem:$0x1F080] =	vst v63  }
0x54: {  	_ =	swait.ge [sflag:s11], $0x1F40  }
0x55: {  	s29 =	simm.s32 $0x0;
	[sflag:s11] =	ssyncset.done $0x0  }
0x56: {  	s1 =	simm.s32 $0x7940;
	s17 =	rddreg [dreg:$0x11];
	[sflag:s11] =	ssyncadd.s32 $0xFFFFE0C0  }
0x57: {  	[tilespmem:s1], [sflag:$0x5] =	stream.linear.gather [hbm4b:s17+s29], $0x40, $0x38;
	[tilespmem:$0x1F080] =	vst v63  }
0x58: {  	_ =	swait.ge [sflag:s11], $0x40  }
0x59: {  	[sflag:s11] =	ssyncset.done $0x0  }
0x5a: {  	[sflag:s11] =	ssyncadd.s32 $0xFFFFFFC0  }
0x5b: {  	[bflag:$0x0] =	sbarrier.arrive $0xFFFF  }
0x5c: {  	s19 =	rddreg [dreg:$0x15]  }
0x5d: {  	[tilespmem:s29], [sflag:$0x3] =	stream.linear.gather [hbm4b:s19+s29], $0x50, $0x38;
	[tilespmem:$0x1F080] =	vst v63  }
0x5e: {  	s22 =	simm.s32 $0xA0;
	s20 =	rddreg [dreg:$0x16]  }
0x5f: {  	[tilespmem:s22], [sflag:$0x3] =	stream.linear.gather [hbm4b:s20+s29], $0x50, $0x38;
	[tilespmem:$0x1F080] =	vst v63  }
0x60: {  	_ =	swait.ge [sflag:s13], $0x50  }
0x61: {  	[sflag:s13] =	ssyncset.done $0x0  }
0x62: {  	[sflag:s13] =	ssyncadd.s32 $0xFFFFFFB0  }
0x63: {  	_ =	swait.ge [sflag:s13], $0x50  }
0x64: {  	[sflag:s13] =	ssyncset.done $0x0  }
0x65: {  	s23 =	simm.s32 $0x140;
	[sflag:s13] =	ssyncadd.s32 $0xFFFFFFB0  }
0x66: {  	[tilespmem:s23], [sflag:$0x1] =	stream.indirect.gather [hbm4b:s7+s15], $0x40, s29, s15, $0xb8;
	[tilespmem:$0x1F080] =	vst v63  }
0x67: {  	s26 =	simm.s32 $0x2940;
	s25 =	rddreg [dreg:$0x17]  }
0x68: {  	[tilespmem:s26], [sflag:$0x1] =	stream.linear.gather [hbm4b:s25+s29], $0x1400, $0x38;
	[tilespmem:$0x1F080] =	vst v63  }
0x69: {  	s30 =	rddreg [dreg:$0x19]  }
0x6a: {  	[tilespmem:s15], [sflag:$0x4] =	stream.linear.gather [hbm4b:s30+s29], $0x50, $0x38;
	[tilespmem:$0x1F080] =	vst v63  }
0x6b: {  	s31 =	rddreg [dreg:$0x1a]  }
0x6c: {  	[tilespmem:s12], [sflag:$0x4] =	stream.linear.gather [hbm4b:s31+s29], $0x50, $0x38;
	[tilespmem:$0x1F080] =	vst v63  }
.LBB2_4:
0x6d: {  	_ =	swait.ge [sflag:s21], $0x50  }
0x6e: {  	[sflag:s21] =	ssyncset.done $0x0  }
0x6f: {  	[sflag:s21] =	ssyncadd.s32 $0xFFFFFFB0  }
0x70: {  	s0 =	smul.u32 $0x50, s29;
	_ =	swait.ge [sflag:s21], $0x50  }
0x71: {  	[sflag:s21] =	ssyncset.done $0x0;
	s1 =	rddreg [dreg:$0x1e]  }
0x72: {  	[sflag:s21] =	ssyncadd.s32 $0xFFFFFFB0;
	s0 =	sadd.s32 s0, s1  }
0x73: {  	[tilespmem:s14], [sflag:$0x2] =	stream.indirect.gather [hbm4b:s7+s15], $0x40, s15, s15, $0xb8;
	[tilespmem:$0x1F080] =	vst v63  }
0x74: {  	s23 =	rddreg [dreg:$0x10];
	s0 =	sshll.u32 s0, $0x7  }
0x75: {  	s0 =	sadd.s32 s23, s0  }
0x76: {  	s25 =	rddreg [dreg:$0x6];
	s0 =	sshrl.u32 s0, $0x3  }
0x77: {  	s26 =	simm.s32 $0x3D40;
	s0 =	sadd.s32 s25, s0  }
0x78: {  	[tilespmem:s26], [sflag:$0x2] =	stream.linear.gather [hbm4b:s0+s4], $0x1400, $0x38;
	[tilespmem:$0x1F080] =	vst v63  }
0x79: {  	_ =	swait.ge [sflag:s24], $0x1400  }
0x7a: {  	[sflag:s24] =	ssyncset.done $0x0  }
0x7b: {  	[sflag:s24] =	ssyncadd.s32 $0xFFFFEC00  }
0x7c: {  	_ =	swait.ge [sflag:s24], $0x1400  }
0x7d: {  	[sflag:s24] =	ssyncset.done $0x0  }
0x7e: {  	s23 =	simm.s32 $0x240;
	[sflag:s24] =	ssyncadd.s32 $0xFFFFEC00  }
0x7f: {  	s17 =	simm.s32 $0x2A40;
	v1 =	vld [tilespmem:s23+$0xFFFFFF00]  }
0x80: {  	v2 =	vld [tilespmem:s17+$0xFFFFFF00];
	_ =	sdelay $0x4  }
0x81: {  	v3 =	vld [tilespmem:$0x7940];
	v1 =	vadd.f32 v2, v1;
	_ =	sdelay $0x1  }
0x82: {  	v1 =	vmax.f32 v1, $0.0e+00  }
0x83: {  	v1 =	vadd.f32 $1.000000010e-07, v1;
	_ =	sdelay $0x1  }
0x84: {  	v2 =	vmul.f32 v1, v3;
	_ =	sdelay $0x1  }
0x85: {  	v2 =	vmul.f32 $1.442695020e+00, v2;
	_ =	sdelay $0x1  }
0x86: {  	(erf) = vpow2.f32 v2;
	_ =	sdelay $0x8  }
0x87: {  	v2 =	vpop (erf)  }
0x88: {  	s25 =	simm.s32 $0x5240;
	v1 =	vmul.f32 v2, v1  }
0x89: {  	[tilespmem:s25+$0xFFFFFF00] =	vst v2  }
0x8a: {  	[tilespmem:s23+$0xFFFFFF00] =	vst v1;
	v1 =	vld [tilespmem:s23+$0xFFFFFF10]  }
0x8b: {  	v2 =	vld [tilespmem:s17+$0xFFFFFF10];
	_ =	sdelay $0x4  }
0x8c: {  	v1 =	vadd.f32 v2, v1;
	v2 =	vld [tilespmem:$0x7950];
	_ =	sdelay $0x1  }
0x8d: {  	v1 =	vmax.f32 v1, $0.0e+00  }
0x8e: {  	v1 =	vadd.f32 $1.000000010e-07, v1;
	_ =	sdelay $0x1  }
0x8f: {  	v2 =	vmul.f32 v1, v2;
	_ =	sdelay $0x1  }
0x90: {  	v2 =	vmul.f32 $1.442695020e+00, v2;
	_ =	sdelay $0x1  }
0x91: {  	(erf) = vpow2.f32 v2;
	_ =	sdelay $0x8  }
0x92: {  	v2 =	vpop (erf)  }
0x93: {  	v1 =	vmul.f32 v2, v1  }
0x94: {  	[tilespmem:s25+$0xFFFFFF10] =	vst v2  }
0x95: {  	[tilespmem:s23+$0xFFFFFF10] =	vst v1;
	v1 =	vld [tilespmem:s23+$0xFFFFFF20]  }
0x96: {  	v2 =	vld [tilespmem:s17+$0xFFFFFF20];
	_ =	sdelay $0x4  }
0x97: {  	v1 =	vadd.f32 v2, v1;
	v2 =	vld [tilespmem:$0x7960];
	_ =	sdelay $0x1  }
0x98: {  	v1 =	vmax.f32 v1, $0.0e+00  }
0x99: {  	v1 =	vadd.f32 $1.000000010e-07, v1;
	_ =	sdelay $0x1  }
0x9a: {  	v2 =	vmul.f32 v1, v2;
	_ =	sdelay $0x1  }
0x9b: {  	v2 =	vmul.f32 $1.442695020e+00, v2;
	_ =	sdelay $0x1  }
0x9c: {  	(erf) = vpow2.f32 v2;
	_ =	sdelay $0x8  }
0x9d: {  	v2 =	vpop (erf)  }
0x9e: {  	v1 =	vmul.f32 v2, v1  }
0x9f: {  	[tilespmem:s25+$0xFFFFFF20] =	vst v2  }
0xa0: {  	[tilespmem:s23+$0xFFFFFF20] =	vst v1;
	v1 =	vld [tilespmem:s23+$0xFFFFFF30]  }
0xa1: {  	v2 =	vld [tilespmem:s17+$0xFFFFFF30];
	_ =	sdelay $0x4  }
0xa2: {  	v3 =	vld [tilespmem:$0x7970];
	v1 =	vadd.f32 v2, v1;
	_ =	sdelay $0x1  }
0xa3: {  	v1 =	vmax.f32 v1, $0.0e+00  }
0xa4: {  	s22 =	simm.s32 $0x2C40;
	v1 =	vadd.f32 $1.000000010e-07, v1  }
0xa5: {  	s31 =	simm.s32 $0x440;
	v4 =	vld [tilespmem:s22+$0xFFFFFF00]  }
0xa6: {  	v2 =	vld [tilespmem:s31+$0xFFFFFF00];
	v3 =	vmul.f32 v1, v3;
	_ =	sdelay $0x1  }
0xa7: {  	v3 =	vmul.f32 $1.442695020e+00, v3;
	_ =	sdelay $0x1  }
0xa8: {  	(erf) = vpow2.f32 v3  }
0xa9: {  	v2 =	vadd.f32 v4, v2;
	v3 =	vld [tilespmem:$0x7940];
	_ =	sdelay $0x1  }
0xaa: {  	v2 =	vmax.f32 v2, $0.0e+00  }
0xab: {  	v2 =	vadd.f32 $1.000000010e-07, v2;
	_ =	sdelay $0x1  }
0xac: {  	v3 =	vmul.f32 v2, v3  }
0xad: {  	v5 =	vld [tilespmem:s17+$0xFFFFFF80]  }
0xae: {  	v4 =	vld [tilespmem:s23+$0xFFFFFF80];
	v3 =	vmul.f32 $1.442695020e+00, v3  }
0xaf: {  	v6 =	vpop (erf)  }
0xb0: {  	(erf) = vpow2.f32 v3;
	v1 =	vmul.f32 v6, v1  }
0xb1: {  	[tilespmem:s25+$0xFFFFFF30] =	vst v6  }
0xb2: {  	[tilespmem:s23+$0xFFFFFF30] =	vst v1  }
0xb3: {  	v3 =	vadd.f32 v5, v4;
	v1 =	vld [tilespmem:$0x7940];
	_ =	sdelay $0x1  }
0xb4: {  	v3 =	vmax.f32 v3, $0.0e+00  }
0xb5: {  	v3 =	vadd.f32 $1.000000010e-07, v3;
	_ =	sdelay $0x1  }
0xb6: {  	v4 =	vmul.f32 v3, v1  }
0xb7: {  	v6 =	vld [tilespmem:s23+$0xFFFFFF40];
	v5 =	vpop (erf)  }
0xb8: {  	s19 =	simm.s32 $0x5440;
	v7 =	vld [tilespmem:s17+$0xFFFFFF40];
	v2 =	vmul.f32 v5, v2;
	v4 =	vmul.f32 $1.442695020e+00, v4  }
0xb9: {  	[tilespmem:s19+$0xFFFFFF00] =	vst v5  }
0xba: {  	[tilespmem:s31+$0xFFFFFF00] =	vst v2;
	v2 =	vld [tilespmem:s31+$0xFFFFFF10];
	(erf) = vpow2.f32 v4  }
0xbb: {  	v4 =	vld [tilespmem:s22+$0xFFFFFF10];
	_ =	sdelay $0x1  }
0xbc: {  	v5 =	vadd.f32 v7, v6;
	_ =	sdelay $0x1  }
0xbd: {  	v5 =	vmax.f32 v5, $0.0e+00  }
0xbe: {  	v5 =	vadd.f32 $1.000000010e-07, v5;
	v2 =	vadd.f32 v4, v2;
	v4 =	vld [tilespmem:$0x7950];
	_ =	sdelay $0x1  }
0xbf: {  	v1 =	vmul.f32 v5, v1;
	v2 =	vmax.f32 v2, $0.0e+00  }
0xc0: {  	v2 =	vadd.f32 $1.000000010e-07, v2;
	v6 =	vpop (erf)  }
0xc1: {  	v1 =	vmul.f32 $1.442695020e+00, v1;
	v3 =	vmul.f32 v6, v3  }
0xc2: {  	v4 =	vmul.f32 v2, v4;
	[tilespmem:s25+$0xFFFFFF80] =	vst v6  }
0xc3: {  	(erf) = vpow2.f32 v1;
	v1 =	vld [tilespmem:s23+$0xFFFFFF90];
	[tilespmem:s23+$0xFFFFFF80] =	vst v3  }
0xc4: {  	v3 =	vmul.f32 $1.442695020e+00, v4;
	v4 =	vld [tilespmem:s17+$0xFFFFFF90];
	_ =	sdelay $0x1  }
0xc5: {  	(erf) = vpow2.f32 v3;
	_ =	sdelay $0x2  }
0xc6: {  	v3 =	vld [tilespmem:$0x7950];
	v1 =	vadd.f32 v4, v1;
	_ =	sdelay $0x1  }
0xc7: {  	v1 =	vmax.f32 v1, $0.0e+00  }
0xc8: {  	v1 =	vadd.f32 $1.000000010e-07, v1  }
0xc9: {  	v4 =	vpop (erf)  }
0xca: {  	v5 =	vmul.f32 v4, v5;
	v3 =	vmul.f32 v1, v3  }
0xcb: {  	[tilespmem:s25+$0xFFFFFF40] =	vst v4;
	v4 =	vpop (erf)  }
0xcc: {  	v6 =	vld [tilespmem:s23+$0xFFFFFF50];
	[tilespmem:s23+$0xFFFFFF40] =	vst v5;
	v2 =	vmul.f32 v4, v2;
	v3 =	vmul.f32 $1.442695020e+00, v3  }
0xcd: {  	v5 =	vld [tilespmem:s17+$0xFFFFFF50];
	[tilespmem:s19+$0xFFFFFF10] =	vst v4  }
0xce: {  	[tilespmem:s31+$0xFFFFFF10] =	vst v2;
	v2 =	vld [tilespmem:s31+$0xFFFFFF20];
	(erf) = vpow2.f32 v3  }
0xcf: {  	v3 =	vld [tilespmem:s22+$0xFFFFFF20];
	_ =	sdelay $0x3  }
0xd0: {  	v4 =	vld [tilespmem:$0x7950];
	v5 =	vadd.f32 v5, v6  }
0xd1: {  	v2 =	vadd.f32 v3, v2;
	v3 =	vld [tilespmem:$0x7960]  }
0xd2: {  	v5 =	vmax.f32 v5, $0.0e+00  }
0xd3: {  	v5 =	vadd.f32 $1.000000010e-07, v5;
	v2 =	vmax.f32 v2, $0.0e+00  }
0xd4: {  	v2 =	vadd.f32 $1.000000010e-07, v2;
	v6 =	vpop (erf)  }
0xd5: {  	v4 =	vmul.f32 v5, v4;
	v1 =	vmul.f32 v6, v1  }
0xd6: {  	v3 =	vmul.f32 v2, v3;
	[tilespmem:s25+$0xFFFFFF90] =	vst v6  }
0xd7: {  	v4 =	vmul.f32 $1.442695020e+00, v4;
	v6 =	vld [tilespmem:s23+$0xFFFFFFA0];
	[tilespmem:s23+$0xFFFFFF90] =	vst v1  }
0xd8: {  	v3 =	vmul.f32 $1.442695020e+00, v3;
	v1 =	vld [tilespmem:s17+$0xFFFFFFA0]  }
0xd9: {  	(erf) = vpow2.f32 v4  }
0xda: {  	(erf) = vpow2.f32 v3;
	_ =	sdelay $0x2  }
0xdb: {  	v3 =	vld [tilespmem:$0x7960];
	v1 =	vadd.f32 v1, v6;
	_ =	sdelay $0x1  }
0xdc: {  	v1 =	vmax.f32 v1, $0.0e+00  }
0xdd: {  	v1 =	vadd.f32 $1.000000010e-07, v1;
	_ =	sdelay $0x1  }
0xde: {  	v4 =	vpop (erf);
	v3 =	vmul.f32 v1, v3  }
0xdf: {  	v5 =	vmul.f32 v4, v5;
	[tilespmem:s25+$0xFFFFFF50] =	vst v4;
	v4 =	vpop (erf)  }
0xe0: {  	s26 =	simm.s32 $0x2E40;
	v2 =	vmul.f32 v4, v2;
	v3 =	vmul.f32 $1.442695020e+00, v3  }
0xe1: {  	v7 =	vld [tilespmem:s26+$0xFFFFFF00];
	[tilespmem:s19+$0xFFFFFF20] =	vst v4  }
0xe2: {  	[tilespmem:s31+$0xFFFFFF20] =	vst v2;
	v2 =	vld [tilespmem:s31+$0xFFFFFF30];
	(erf) = vpow2.f32 v3  }
0xe3: {  	v3 =	vld [tilespmem:s22+$0xFFFFFF30]  }
0xe4: {  	[tilespmem:s23+$0xFFFFFF50] =	vst v5;
	v5 =	vld [tilespmem:s23+$0xFFFFFF60]  }
0xe5: {  	s14 =	simm.s32 $0x640;
	v4 =	vld [tilespmem:s17+$0xFFFFFF60]  }
0xe6: {  	v6 =	vld [tilespmem:s14+$0xFFFFFF00];
	_ =	sdelay $0x1  }
0xe7: {  	v8 =	vld [tilespmem:$0x7970];
	v2 =	vadd.f32 v3, v2;
	_ =	sdelay $0x1  }
0xe8: {  	v3 =	vadd.f32 v4, v5;
	v4 =	vld [tilespmem:$0x7960];
	v2 =	vmax.f32 v2, $0.0e+00  }
0xe9: {  	v9 =	vld [tilespmem:$0x7940];
	v6 =	vadd.f32 v7, v6;
	v2 =	vadd.f32 $1.000000010e-07, v2;
	v5 =	vpop (erf)  }
0xea: {  	v3 =	vmax.f32 v3, $0.0e+00;
	v7 =	vmul.f32 v5, v1  }
0xeb: {  	v1 =	vadd.f32 $1.000000010e-07, v3;
	v3 =	vmul.f32 v2, v8;
	[tilespmem:s25+$0xFFFFFFA0] =	vst v5;
	v5 =	vmax.f32 v6, $0.0e+00  }
0xec: {  	v5 =	vadd.f32 $1.000000010e-07, v5;
	v6 =	vld [tilespmem:s23+$0xFFFFFFB0];
	[tilespmem:s23+$0xFFFFFFA0] =	vst v7  }
0xed: {  	v4 =	vmul.f32 v1, v4;
	v3 =	vmul.f32 $1.442695020e+00, v3;
	v7 =	vld [tilespmem:s17+$0xFFFFFFB0]  }
0xee: {  	v8 =	vmul.f32 v5, v9  }
0xef: {  	v4 =	vmul.f32 $1.442695020e+00, v4;
	(erf) = vpow2.f32 v3  }
0xf0: {  	v3 =	vmul.f32 $1.442695020e+00, v8  }
0xf1: {  	(erf) = vpow2.f32 v4  }
0xf2: {  	v4 =	vld [tilespmem:$0x7970];
	(erf) = vpow2.f32 v3;
	v3 =	vadd.f32 v7, v6;
	_ =	sdelay $0x1  }
0xf3: {  	v3 =	vmax.f32 v3, $0.0e+00  }
0xf4: {  	v3 =	vadd.f32 $1.000000010e-07, v3;
	_ =	sdelay $0x1  }
0xf5: {  	v4 =	vmul.f32 v3, v4  }
0xf6: {  	v8 =	vld [tilespmem:s22+$0xFFFFFF80];
	v7 =	vpop (erf)  }
0xf7: {  	v6 =	vld [tilespmem:s31+$0xFFFFFF80];
	v9 =	vmul.f32 v7, v2;
	v4 =	vmul.f32 $1.442695020e+00, v4  }
0xf8: {  	[tilespmem:s19+$0xFFFFFF30] =	vst v7;
	v2 =	vpop (erf)  }
0xf9: {  	s30 =	simm.s32 $0x5640;
	[tilespmem:s31+$0xFFFFFF30] =	vst v9;
	v7 =	vpop (erf);
	v9 =	vld [tilespmem:s31+$0xFFFFFF40];
	(erf) = vpow2.f32 v4  }
0xfa: {  	v4 =	vmul.f32 v7, v5;
	[tilespmem:s30+$0xFFFFFF00] =	vst v7;
	v7 =	vld [tilespmem:s22+$0xFFFFFF40];
	_ =	sdelay $0x1  }
0xfb: {  	v6 =	vadd.f32 v8, v6;
	v5 =	vld [tilespmem:$0x7940]  }
0xfc: {  	[tilespmem:s14+$0xFFFFFF00] =	vst v4;
	v4 =	vld [tilespmem:s14+$0xFFFFFF10]  }
0xfd: {  	v6 =	vmax.f32 v6, $0.0e+00;
	v8 =	vld [tilespmem:s26+$0xFFFFFF10]  }
0xfe: {  	v6 =	vadd.f32 $1.000000010e-07, v6;
	v7 =	vadd.f32 v7, v9  }
0xff: {  	v11 =	vld [tilespmem:s23+$0x0]  }
0x100: {  	v10 =	vmul.f32 v6, v5;
	v9 =	vld [tilespmem:s17+$0x0];
	v7 =	vmax.f32 v7, $0.0e+00  }
0x101: {  	v7 =	vadd.f32 $1.000000010e-07, v7;
	v12 =	vpop (erf)  }
0x102: {  	v10 =	vmul.f32 $1.442695020e+00, v10;
	v4 =	vadd.f32 v8, v4;
	v8 =	vld [tilespmem:$0x7950];
	v3 =	vmul.f32 v12, v3  }
0x103: {  	[tilespmem:s25+$0xFFFFFFB0] =	vst v12;
	v5 =	vmul.f32 v7, v5  }
0x104: {  	(erf) = vpow2.f32 v10;
	v4 =	vmax.f32 v4, $0.0e+00;
	[tilespmem:s23+$0xFFFFFFB0] =	vst v3  }
0x105: {  	v9 =	vadd.f32 v9, v11;
	v3 =	vadd.f32 $1.000000010e-07, v4;
	v5 =	vmul.f32 $1.442695020e+00, v5;
	v4 =	vld [tilespmem:$0x7940];
	_ =	sdelay $0x1  }
0x106: {  	v9 =	vmax.f32 v9, $0.0e+00;
	v8 =	vmul.f32 v3, v8;
	(erf) = vpow2.f32 v5  }
0x107: {  	v5 =	vadd.f32 $1.000000010e-07, v9  }
0x108: {  	v8 =	vmul.f32 $1.442695020e+00, v8  }
0x109: {  	v9 =	vmul.f32 v5, v4  }
0x10a: {  	(erf) = vpow2.f32 v8  }
0x10b: {  	v9 =	vmul.f32 $1.442695020e+00, v9  }
0x10c: {  	v10 =	vld [tilespmem:s23+$0xFFFFFFC0];
	v8 =	vpop (erf)  }
0x10d: {  	v6 =	vmul.f32 v8, v6;
	[tilespmem:s19+$0xFFFFFF80] =	vst v8;
	v8 =	vld [tilespmem:s17+$0xFFFFFFC0];
	(erf) = vpow2.f32 v9;
	_ =	sdelay $0x1  }
0x10e: {  	[tilespmem:s31+$0xFFFFFF80] =	vst v6;
	v6 =	vld [tilespmem:s31+$0xFFFFFF90];
	v11 =	vpop (erf)  }
0x10f: {  	v9 =	vld [tilespmem:s22+$0xFFFFFF90];
	v7 =	vmul.f32 v11, v7  }
0x110: {  	[tilespmem:s19+$0xFFFFFF40] =	vst v11  }
0x111: {  	[tilespmem:s31+$0xFFFFFF40] =	vst v7;
	v7 =	vadd.f32 v8, v10  }
0x112: {  	v12 =	vld [tilespmem:$0x7950];
	v11 =	vpop (erf)  }
0x113: {  	v8 =	vld [tilespmem:s22+$0xFFFFFF50];
	v3 =	vmul.f32 v11, v3  }
0x114: {  	[tilespmem:s30+$0xFFFFFF10] =	vst v11;
	v6 =	vadd.f32 v9, v6;
	v9 =	vld [tilespmem:s31+$0xFFFFFF50]  }
0x115: {  	v13 =	vld [tilespmem:$0x7950];
	[tilespmem:s14+$0xFFFFFF10] =	vst v3;
	v3 =	vmax.f32 v7, $0.0e+00;
	v7 =	vpop (erf)  }
0x116: {  	v10 =	vld [tilespmem:s14+$0xFFFFFF20];
	v3 =	vadd.f32 $1.000000010e-07, v3;
	v6 =	vmax.f32 v6, $0.0e+00;
	v5 =	vmul.f32 v7, v5  }
0x117: {  	v11 =	vld [tilespmem:s26+$0xFFFFFF20];
	[tilespmem:s25+$0x0] =	vst v7;
	v6 =	vadd.f32 $1.000000010e-07, v6  }
0x118: {  	v7 =	vld [tilespmem:s23+$0x10];
	v4 =	vmul.f32 v3, v4;
	[tilespmem:s23+$0x0] =	vst v5  }
0x119: {  	v5 =	vmul.f32 v6, v12;
	v8 =	vadd.f32 v8, v9;
	v9 =	vld [tilespmem:s17+$0x10]  }
0x11a: {  	v4 =	vmul.f32 $1.442695020e+00, v4  }
0x11b: {  	v5 =	vmul.f32 $1.442695020e+00, v5;
	v8 =	vmax.f32 v8, $0.0e+00  }
0x11c: {  	(erf) = vpow2.f32 v4;
	v4 =	vadd.f32 v11, v10;
	v10 =	vld [tilespmem:$0x7960];
	v8 =	vadd.f32 $1.000000010e-07, v8  }
0x11d: {  	(erf) = vpow2.f32 v5  }
0x11e: {  	v4 =	vmax.f32 v4, $0.0e+00;
	v5 =	vmul.f32 v8, v13;
	v7 =	vadd.f32 v9, v7;
	v9 =	vld [tilespmem:$0x7950]  }
0x11f: {  	v4 =	vadd.f32 $1.000000010e-07, v4  }
0x120: {  	v5 =	vmul.f32 $1.442695020e+00, v5;
	v7 =	vmax.f32 v7, $0.0e+00  }
0x121: {  	v10 =	vmul.f32 v4, v10;
	v7 =	vadd.f32 $1.000000010e-07, v7  }
0x122: {  	(erf) = vpow2.f32 v5  }
0x123: {  	v5 =	vmul.f32 $1.442695020e+00, v10;
	v9 =	vmul.f32 v7, v9;
	_ =	sdelay $0x1  }
0x124: {  	v10 =	vpop (erf);
	(erf) = vpow2.f32 v5  }
0x125: {  	v5 =	vmul.f32 $1.442695020e+00, v9;
	v3 =	vmul.f32 v10, v3  }
0x126: {  	[tilespmem:s25+$0xFFFFFFC0] =	vst v10;
	v9 =	vpop (erf)  }
0x127: {  	v10 =	vld [tilespmem:s23+$0xFFFFFFD0];
	(erf) = vpow2.f32 v5;
	[tilespmem:s23+$0xFFFFFFC0] =	vst v3;
	v6 =	vmul.f32 v9, v6  }
0x128: {  	[tilespmem:s19+$0xFFFFFF90] =	vst v9;
	v5 =	vld [tilespmem:s17+$0xFFFFFFD0]  }
0x129: {  	v3 =	vld [tilespmem:s31+$0xFFFFFFA0];
	[tilespmem:s31+$0xFFFFFF90] =	vst v6  }
0x12a: {  	v6 =	vld [tilespmem:s22+$0xFFFFFFA0];
	_ =	sdelay $0x1  }
0x12b: {  	v9 =	vpop (erf)  }
0x12c: {  	v8 =	vmul.f32 v9, v8;
	v5 =	vadd.f32 v5, v10;
	v10 =	vld [tilespmem:$0x7950]  }
0x12d: {  	[tilespmem:s19+$0xFFFFFF50] =	vst v9;
	v9 =	vpop (erf)  }
0x12e: {  	[tilespmem:s31+$0xFFFFFF50] =	vst v8;
	v4 =	vmul.f32 v9, v4;
	v5 =	vmax.f32 v5, $0.0e+00;
	v3 =	vadd.f32 v6, v3;
	v6 =	vld [tilespmem:$0x7960]  }
0x12f: {  	v11 =	vld [tilespmem:s31+$0xFFFFFF60];
	[tilespmem:s30+$0xFFFFFF20] =	vst v9;
	v9 =	vpop (erf);
	v5 =	vadd.f32 $1.000000010e-07, v5  }
0x130: {  	v8 =	vld [tilespmem:s22+$0xFFFFFF60];
	[tilespmem:s14+$0xFFFFFF20] =	vst v4;
	v4 =	vmul.f32 v9, v7;
	v3 =	vmax.f32 v3, $0.0e+00  }
0x131: {  	[tilespmem:s25+$0x10] =	vst v9;
	v9 =	vmul.f32 v5, v10;
	v10 =	vld [tilespmem:s26+$0xFFFFFF30];
	v7 =	vadd.f32 $1.000000010e-07, v3  }
0x132: {  	v3 =	vld [tilespmem:s14+$0xFFFFFF30];
	[tilespmem:s23+$0x10] =	vst v4  }
0x133: {  	v12 =	vld [tilespmem:s17+$0x20];
	v4 =	vmul.f32 v7, v6  }
0x134: {  	v9 =	vmul.f32 $1.442695020e+00, v9;
	v6 =	vld [tilespmem:s23+$0x20]  }
0x135: {  	v4 =	vmul.f32 $1.442695020e+00, v4  }
0x136: {  	v1 =	vmul.f32 v2, v1;
	[tilespmem:s25+$0xFFFFFF60] =	vst v2;
	v2 =	vadd.f32 v8, v11;
	v8 =	vld [tilespmem:$0x7960];
	(erf) = vpow2.f32 v9  }
0x137: {  	v9 =	vld [tilespmem:$0x7970];
	v3 =	vadd.f32 v10, v3;
	(erf) = vpow2.f32 v4  }
0x138: {  	[tilespmem:s23+$0xFFFFFF60] =	vst v1;
	v4 =	vld [tilespmem:$0x7960]  }
0x139: {  	s9 =	simm.s32 $0x3040;
	v10 =	vld [tilespmem:s17+$0xFFFFFF70];
	v1 =	vmax.f32 v3, $0.0e+00;
	v6 =	vadd.f32 v12, v6  }
0x13a: {  	v2 =	vmax.f32 v2, $0.0e+00;
	v12 =	vld [tilespmem:s9+$0xFFFFFF00];
	v11 =	vadd.f32 $1.000000010e-07, v1  }
0x13b: {  	s0 =	simm.s32 $0x840;
	v3 =	vadd.f32 $1.000000010e-07, v2;
	v1 =	vld [tilespmem:s23+$0xFFFFFF70];
	v2 =	vmax.f32 v6, $0.0e+00  }
0x13c: {  	v6 =	vmul.f32 v11, v9;
	v9 =	vld [tilespmem:s0+$0xFFFFFF00];
	v2 =	vadd.f32 $1.000000010e-07, v2  }
0x13d: {  	v4 =	vmul.f32 v3, v4  }
0x13e: {  	v6 =	vmul.f32 $1.442695020e+00, v6;
	v8 =	vmul.f32 v2, v8  }
0x13f: {  	v13 =	vpop (erf);
	v4 =	vmul.f32 $1.442695020e+00, v4  }
0x140: {  	v1 =	vadd.f32 v10, v1;
	(erf) = vpow2.f32 v6;
	v6 =	vmul.f32 $1.442695020e+00, v8;
	v8 =	vld [tilespmem:$0x7970];
	v14 =	vpop (erf)  }
0x141: {  	(erf) = vpow2.f32 v4;
	v4 =	vld [tilespmem:$0x7940];
	v9 =	vadd.f32 v12, v9;
	v7 =	vmul.f32 v14, v7  }
0x142: {  	[tilespmem:s19+$0xFFFFFFA0] =	vst v14  }
0x143: {  	v1 =	vmax.f32 v1, $0.0e+00;
	(erf) = vpow2.f32 v6;
	[tilespmem:s31+$0xFFFFFFA0] =	vst v7;
	v7 =	vmax.f32 v9, $0.0e+00  }
0x144: {  	v1 =	vadd.f32 $1.000000010e-07, v1;
	v6 =	vld [tilespmem:s31+$0xFFFFFFB0];
	v7 =	vadd.f32 $1.000000010e-07, v7  }
0x145: {  	v9 =	vld [tilespmem:s22+$0xFFFFFFB0]  }
0x146: {  	v8 =	vmul.f32 v1, v8;
	v4 =	vmul.f32 v7, v4  }
0x147: {  	v5 =	vmul.f32 v13, v5  }
0x148: {  	v10 =	vld [tilespmem:s14+$0xFFFFFF80];
	v8 =	vmul.f32 $1.442695020e+00, v8;
	v4 =	vmul.f32 $1.442695020e+00, v4  }
0x149: {  	v12 =	vld [tilespmem:s26+$0xFFFFFF80]  }
0x14a: {  	[tilespmem:s25+$0xFFFFFFD0] =	vst v13;
	v13 =	vpop (erf);
	(erf) = vpow2.f32 v8;
	v8 =	vld [tilespmem:$0x7970];
	v6 =	vadd.f32 v9, v6  }
0x14b: {  	[tilespmem:s23+$0xFFFFFFD0] =	vst v5;
	v9 =	vmul.f32 v13, v11;
	v5 =	vpop (erf)  }
0x14c: {  	[tilespmem:s30+$0xFFFFFF30] =	vst v13;
	(erf) = vpow2.f32 v4;
	v6 =	vmax.f32 v6, $0.0e+00;
	v4 =	vpop (erf)  }
0x14d: {  	[tilespmem:s14+$0xFFFFFF30] =	vst v9;
	v6 =	vadd.f32 $1.000000010e-07, v6;
	v2 =	vmul.f32 v4, v2  }
0x14e: {  	v11 =	vld [tilespmem:s17+$0xFFFFFFE0];
	[tilespmem:s25+$0x20] =	vst v4  }
0x14f: {  	v10 =	vadd.f32 v12, v10;
	v9 =	vld [tilespmem:$0x7940];
	[tilespmem:s23+$0x20] =	vst v2;
	v2 =	vmul.f32 v6, v8  }
0x150: {  	v4 =	vld [tilespmem:s23+$0xFFFFFFE0]  }
0x151: {  	v8 =	vmax.f32 v10, $0.0e+00;
	v10 =	vld [tilespmem:s23+$0x30];
	v13 =	vmul.f32 $1.442695020e+00, v2  }
0x152: {  	v8 =	vadd.f32 $1.000000010e-07, v8;
	v12 =	vld [tilespmem:s17+$0x30]  }
0x153: {  	v2 =	vpop (erf);
	(erf) = vpow2.f32 v13  }
0x154: {  	v14 =	vmul.f32 v8, v9  }
0x155: {  	v4 =	vadd.f32 v11, v4;
	v11 =	vld [tilespmem:$0x7960]  }
0x156: {  	s5 =	simm.s32 $0x5840;
	v15 =	vld [tilespmem:s14+$0xFFFFFF40];
	v14 =	vmul.f32 $1.442695020e+00, v14;
	v13 =	vpop (erf)  }
0x157: {  	v4 =	vmax.f32 v4, $0.0e+00;
	v10 =	vadd.f32 v12, v10;
	v7 =	vmul.f32 v13, v7;
	[tilespmem:s5+$0xFFFFFF00] =	vst v13;
	v13 =	vld [tilespmem:s26+$0xFFFFFF40]  }
0x158: {  	v12 =	vld [tilespmem:$0x7970];
	v4 =	vadd.f32 $1.000000010e-07, v4;
	(erf) = vpow2.f32 v14  }
0x159: {  	[tilespmem:s0+$0xFFFFFF00] =	vst v7;
	v7 =	vmax.f32 v10, $0.0e+00;
	v10 =	vld [tilespmem:s0+$0xFFFFFF10]  }
0x15a: {  	v11 =	vmul.f32 v4, v11;
	v14 =	vld [tilespmem:s9+$0xFFFFFF10]  }
0x15b: {  	v7 =	vadd.f32 $1.000000010e-07, v7  }
0x15c: {  	v11 =	vmul.f32 $1.442695020e+00, v11;
	v13 =	vadd.f32 v13, v15;
	v15 =	vpop (erf)  }
0x15d: {  	v16 =	vld [tilespmem:s31+$0x0];
	v12 =	vmul.f32 v7, v12;
	v6 =	vmul.f32 v15, v6  }
0x15e: {  	v17 =	vld [tilespmem:s22+$0x0];
	(erf) = vpow2.f32 v11  }
0x15f: {  	v12 =	vmul.f32 $1.442695020e+00, v12;
	v11 =	vmax.f32 v13, $0.0e+00;
	v13 =	vld [tilespmem:$0x7950];
	v10 =	vadd.f32 v14, v10  }
0x160: {  	[tilespmem:s19+$0xFFFFFFB0] =	vst v15;
	v11 =	vadd.f32 $1.000000010e-07, v11  }
0x161: {  	(erf) = vpow2.f32 v12;
	[tilespmem:s31+$0xFFFFFFB0] =	vst v6;
	v10 =	vmax.f32 v10, $0.0e+00;
	v6 =	vpop (erf)  }
0x162: {  	v9 =	vmul.f32 v11, v9;
	v10 =	vadd.f32 $1.000000010e-07, v10;
	v8 =	vmul.f32 v6, v8  }
0x163: {  	v12 =	vld [tilespmem:s31+$0xFFFFFFC0];
	[tilespmem:s30+$0xFFFFFF80] =	vst v6  }
0x164: {  	v14 =	vld [tilespmem:$0x7940];
	v6 =	vadd.f32 v17, v16;
	[tilespmem:s14+$0xFFFFFF80] =	vst v8;
	v8 =	vmul.f32 $1.442695020e+00, v9;
	v9 =	vmul.f32 v10, v13  }
0x165: {  	v15 =	vld [tilespmem:s22+$0xFFFFFFC0]  }
0x166: {  	v13 =	vld [tilespmem:s14+$0xFFFFFF90];
	v6 =	vmax.f32 v6, $0.0e+00;
	v9 =	vmul.f32 $1.442695020e+00, v9  }
0x167: {  	v16 =	vld [tilespmem:s26+$0xFFFFFF90];
	(erf) = vpow2.f32 v8  }
0x168: {  	v8 =	vadd.f32 $1.000000010e-07, v6  }
0x169: {  	v18 =	vld [tilespmem:s17+$0x80];
	v6 =	vpop (erf)  }
0x16a: {  	v17 =	vld [tilespmem:s23+$0x80];
	v19 =	vmul.f32 v8, v14;
	(erf) = vpow2.f32 v9;
	v9 =	vpop (erf)  }
0x16b: {  	v12 =	vadd.f32 v15, v12;
	v7 =	vmul.f32 v9, v7  }
0x16c: {  	v15 =	vmul.f32 $1.442695020e+00, v19;
	v13 =	vadd.f32 v16, v13;
	[tilespmem:s25+$0x30] =	vst v9;
	v9 =	vld [tilespmem:$0x7950]  }
0x16d: {  	[tilespmem:s23+$0x30] =	vst v7;
	v7 =	vmax.f32 v12, $0.0e+00  }
0x16e: {  	(erf) = vpow2.f32 v15;
	v13 =	vmax.f32 v13, $0.0e+00;
	v7 =	vadd.f32 $1.000000010e-07, v7  }
0x16f: {  	v15 =	vadd.f32 v18, v17;
	v13 =	vadd.f32 $1.000000010e-07, v13;
	v12 =	vld [tilespmem:$0x7940]  }
0x170: {  	v16 =	vpop (erf);
	v14 =	vmul.f32 v7, v14  }
0x171: {  	v15 =	vmax.f32 v15, $0.0e+00;
	v11 =	vmul.f32 v16, v11;
	v9 =	vmul.f32 v13, v9  }
0x172: {  	v17 =	vld [tilespmem:s23+$0x40];
	v15 =	vadd.f32 $1.000000010e-07, v15;
	[tilespmem:s30+$0xFFFFFF40] =	vst v16  }
0x173: {  	v16 =	vld [tilespmem:s17+$0x40];
	v18 =	vpop (erf);
	v14 =	vmul.f32 $1.442695020e+00, v14;
	[tilespmem:s14+$0xFFFFFF40] =	vst v11;
	v9 =	vmul.f32 $1.442695020e+00, v9  }
0x174: {  	v10 =	vmul.f32 v18, v10;
	[tilespmem:s5+$0xFFFFFF10] =	vst v18;
	v18 =	vld [tilespmem:s14+$0xFFFFFF50];
	v19 =	vmul.f32 v15, v12  }
0x175: {  	v11 =	vld [tilespmem:s26+$0xFFFFFF50]  }
0x176: {  	(erf) = vpow2.f32 v14;
	v14 =	vmul.f32 $1.442695020e+00, v19  }
0x177: {  	[tilespmem:s0+$0xFFFFFF10] =	vst v10;
	v10 =	vld [tilespmem:s0+$0xFFFFFF20];
	(erf) = vpow2.f32 v9;
	v9 =	vpop (erf)  }
0x178: {  	(erf) = vpow2.f32 v14;
	v14 =	vadd.f32 v16, v17;
	v16 =	vld [tilespmem:s9+$0xFFFFFF20];
	v8 =	vmul.f32 v9, v8  }
0x179: {  	[tilespmem:s19+$0x0] =	vst v9;
	v17 =	vld [tilespmem:$0x7950]  }
0x17a: {  	v9 =	vld [tilespmem:s31+$0x10];
	v14 =	vmax.f32 v14, $0.0e+00;
	[tilespmem:s31+$0x0] =	vst v8;
	v8 =	vadd.f32 v11, v18  }
0x17b: {  	v11 =	vadd.f32 $1.000000010e-07, v14;
	v14 =	vld [tilespmem:s22+$0x10]  }
0x17c: {  	v8 =	vmax.f32 v8, $0.0e+00  }
0x17d: {  	v12 =	vmul.f32 v11, v12;
	v10 =	vadd.f32 v16, v10;
	v16 =	vld [tilespmem:$0x7960];
	v8 =	vadd.f32 $1.000000010e-07, v8;
	_ =	sdelay $0x1  }
0x17e: {  	v18 =	vpop (erf);
	v12 =	vmul.f32 $1.442695020e+00, v12;
	v10 =	vmax.f32 v10, $0.0e+00;
	v17 =	vmul.f32 v8, v17  }
0x17f: {  	v19 =	vpop (erf);
	[tilespmem:s19+$0xFFFFFFC0] =	vst v18;
	v7 =	vmul.f32 v18, v7;
	v18 =	vld [tilespmem:$0x7950];
	v10 =	vadd.f32 $1.000000010e-07, v10;
	v9 =	vadd.f32 v14, v9  }
0x180: {  	v20 =	vpop (erf);
	(erf) = vpow2.f32 v12;
	v12 =	vmul.f32 $1.442695020e+00, v17  }
0x181: {  	v14 =	vld [tilespmem:s31+$0xFFFFFFD0];
	[tilespmem:s31+$0xFFFFFFC0] =	vst v7;
	v7 =	vmul.f32 v20, v15;
	v15 =	vmul.f32 v10, v16;
	v9 =	vmax.f32 v9, $0.0e+00  }
0x182: {  	v13 =	vmul.f32 v19, v13;
	[tilespmem:s25+$0x80] =	vst v20;
	v16 =	vld [tilespmem:s22+$0xFFFFFFD0];
	v9 =	vadd.f32 $1.000000010e-07, v9  }
0x183: {  	(erf) = vpow2.f32 v12;
	v12 =	vld [tilespmem:s23+$0x90];
	[tilespmem:s23+$0x80] =	vst v7;
	v7 =	vmul.f32 $1.442695020e+00, v15  }
0x184: {  	[tilespmem:s30+$0xFFFFFF90] =	vst v19;
	v15 =	vmul.f32 v9, v18;
	v17 =	vld [tilespmem:s17+$0x90]  }
0x185: {  	[tilespmem:s14+$0xFFFFFF90] =	vst v13;
	(erf) = vpow2.f32 v7  }
0x186: {  	v13 =	vld [tilespmem:s26+$0xFFFFFFA0];
	v7 =	vmul.f32 $1.442695020e+00, v15  }
0x187: {  	v18 =	vld [tilespmem:s14+$0xFFFFFFA0]  }
0x188: {  	v3 =	vmul.f32 v5, v3;
	v14 =	vadd.f32 v16, v14;
	v15 =	vld [tilespmem:$0x7950]  }
0x189: {  	v16 =	vld [tilespmem:$0x7950];
	v12 =	vadd.f32 v17, v12  }
0x18a: {  	s3 =	simm.s32 $0x3240;
	[tilespmem:s19+$0xFFFFFF60] =	vst v5;
	(erf) = vpow2.f32 v7;
	v14 =	vmax.f32 v14, $0.0e+00;
	v7 =	vpop (erf)  }
0x18b: {  	v21 =	vld [tilespmem:s3+$0xFFFFFF00];
	[tilespmem:s31+$0xFFFFFF60] =	vst v3;
	v5 =	vmul.f32 v7, v11;
	v11 =	vadd.f32 $1.000000010e-07, v14;
	v12 =	vmax.f32 v12, $0.0e+00  }
0x18c: {  	v13 =	vadd.f32 v13, v18;
	[tilespmem:s25+$0x40] =	vst v7;
	v3 =	vpop (erf);
	v14 =	vld [tilespmem:$0x7960];
	v12 =	vadd.f32 $1.000000010e-07, v12  }
0x18d: {  	v17 =	vld [tilespmem:s22+$0xFFFFFF70];
	[tilespmem:s23+$0x40] =	vst v5;
	v5 =	vmul.f32 v3, v8;
	v8 =	vmul.f32 v11, v15  }
0x18e: {  	v13 =	vmax.f32 v13, $0.0e+00;
	v7 =	vld [tilespmem:s23+$0x50];
	[tilespmem:s30+$0xFFFFFF50] =	vst v3;
	v3 =	vpop (erf);
	v16 =	vmul.f32 v12, v16  }
0x18f: {  	v18 =	vld [tilespmem:s17+$0x50];
	[tilespmem:s14+$0xFFFFFF50] =	vst v5;
	v5 =	vmul.f32 v3, v10;
	v10 =	vadd.f32 $1.000000010e-07, v13;
	v8 =	vmul.f32 $1.442695020e+00, v8  }
0x190: {  	v13 =	vld [tilespmem:$0x7950];
	[tilespmem:s5+$0xFFFFFF20] =	vst v3;
	v3 =	vmul.f32 $1.442695020e+00, v16  }
0x191: {  	[tilespmem:s0+$0xFFFFFF20] =	vst v5;
	v5 =	vmul.f32 v10, v14;
	(erf) = vpow2.f32 v8;
	v14 =	vld [tilespmem:s0+$0xFFFFFF30]  }
0x192: {  	(erf) = vpow2.f32 v3;
	v3 =	vld [tilespmem:s9+$0xFFFFFF30]  }
0x193: {  	v16 =	vld [tilespmem:s26+$0xFFFFFF60];
	v8 =	vpop (erf)  }
0x194: {  	v9 =	vmul.f32 v8, v9;
	[tilespmem:s19+$0x10] =	vst v8;
	v8 =	vld [tilespmem:s14+$0xFFFFFF60]  }
0x195: {  	v4 =	vmul.f32 v6, v4;
	[tilespmem:s25+$0xFFFFFFE0] =	vst v6;
	v5 =	vmul.f32 $1.442695020e+00, v5;
	v6 =	vadd.f32 v18, v7;
	v7 =	vld [tilespmem:s31+$0x20]  }
0x196: {  	[tilespmem:s31+$0x10] =	vst v9;
	v9 =	vld [tilespmem:$0x7970]  }
0x197: {  	[tilespmem:s23+$0xFFFFFFE0] =	vst v4;
	(erf) = vpow2.f32 v5;
	v4 =	vld [tilespmem:s22+$0x20];
	v3 =	vadd.f32 v3, v14  }
0x198: {  	v15 =	vld [tilespmem:s31+$0xFFFFFF70];
	v6 =	vmax.f32 v6, $0.0e+00  }
0x199: {  	v5 =	vld [tilespmem:s17+$0xFFFFFFF0];
	v6 =	vadd.f32 $1.000000010e-07, v6;
	v3 =	vmax.f32 v3, $0.0e+00  }
0x19a: {  	v14 =	vld [tilespmem:s23+$0xFFFFFFF0];
	v18 =	vpop (erf);
	v19 =	vadd.f32 $1.000000010e-07, v3  }
0x19b: {  	v13 =	vmul.f32 v6, v13;
	v8 =	vadd.f32 v16, v8;
	v16 =	vld [tilespmem:$0x7960];
	v20 =	vpop (erf)  }
0x19c: {  	s1 =	simm.s32 $0xA40;
	v4 =	vadd.f32 v4, v7;
	v7 =	vld [tilespmem:$0x7960];
	v12 =	vmul.f32 v20, v12;
	v9 =	vmul.f32 v19, v9  }
0x19d: {  	v15 =	vadd.f32 v17, v15;
	v3 =	vmax.f32 v8, $0.0e+00;
	v8 =	vmul.f32 $1.442695020e+00, v13;
	v13 =	vld [tilespmem:s1+$0xFFFFFF00]  }
0x19e: {  	v17 =	vld [tilespmem:$0x7970];
	v3 =	vadd.f32 $1.000000010e-07, v3;
	v4 =	vmax.f32 v4, $0.0e+00;
	v9 =	vmul.f32 $1.442695020e+00, v9  }
0x19f: {  	[tilespmem:s25+$0x90] =	vst v20;
	v20 =	vld [tilespmem:$0x7970];
	(erf) = vpow2.f32 v8;
	v8 =	vadd.f32 $1.000000010e-07, v4  }
0x1a0: {  	[tilespmem:s23+$0x90] =	vst v12;
	v4 =	vadd.f32 v5, v14;
	v5 =	vmul.f32 v3, v16;
	v14 =	vld [tilespmem:s23+$0xA0];
	v12 =	vpop (erf);
	(erf) = vpow2.f32 v9  }
0x1a1: {  	v16 =	vld [tilespmem:s17+$0xA0];
	v10 =	vmul.f32 v12, v10;
	v7 =	vmul.f32 v8, v7  }
0x1a2: {  	v9 =	vld [tilespmem:$0x7940];
	v4 =	vmax.f32 v4, $0.0e+00;
	v22 =	vmul.f32 $1.442695020e+00, v5;
	[tilespmem:s30+$0xFFFFFFA0] =	vst v12;
	v12 =	vadd.f32 v21, v13  }
0x1a3: {  	v5 =	vadd.f32 $1.000000010e-07, v4;
	[tilespmem:s14+$0xFFFFFFA0] =	vst v10;
	v7 =	vmul.f32 $1.442695020e+00, v7;
	v10 =	vmax.f32 v15, $0.0e+00  }
0x1a4: {  	v13 =	vld [tilespmem:s14+$0xFFFFFFB0];
	(erf) = vpow2.f32 v22;
	v12 =	vmax.f32 v12, $0.0e+00;
	v4 =	vadd.f32 $1.000000010e-07, v10  }
0x1a5: {  	v11 =	vmul.f32 v18, v11;
	v10 =	vld [tilespmem:s26+$0xFFFFFFB0];
	v12 =	vadd.f32 $1.000000010e-07, v12;
	(erf) = vpow2.f32 v7  }
0x1a6: {  	v14 =	vadd.f32 v16, v14;
	v7 =	vmul.f32 v5, v20;
	v16 =	vmul.f32 v4, v17  }
0x1a7: {  	[tilespmem:s19+$0xFFFFFFD0] =	vst v18;
	v15 =	vld [tilespmem:$0x7960];
	v9 =	vmul.f32 v12, v9  }
0x1a8: {  	[tilespmem:s31+$0xFFFFFFD0] =	vst v11;
	v11 =	vld [tilespmem:s9+$0xFFFFFF80];
	v14 =	vmax.f32 v14, $0.0e+00;
	v7 =	vmul.f32 $1.442695020e+00, v7;
	v16 =	vmul.f32 $1.442695020e+00, v16  }
0x1a9: {  	v20 =	vld [tilespmem:s0+$0xFFFFFF80];
	v14 =	vadd.f32 $1.000000010e-07, v14  }
0x1aa: {  	v17 =	vpop (erf);
	v9 =	vmul.f32 $1.442695020e+00, v9;
	(erf) = vpow2.f32 v7;
	v7 =	vld [tilespmem:$0x7970];
	v10 =	vadd.f32 v10, v13  }
0x1ab: {  	v6 =	vmul.f32 v17, v6;
	(erf) = vpow2.f32 v16  }
0x1ac: {  	[tilespmem:s25+$0x50] =	vst v17;
	v13 =	vmul.f32 v14, v15;
	v10 =	vmax.f32 v10, $0.0e+00;
	v16 =	vpop (erf);
	(erf) = vpow2.f32 v9  }
0x1ad: {  	v18 =	vld [tilespmem:s23+$0x60];
	[tilespmem:s23+$0x50] =	vst v6;
	v10 =	vadd.f32 $1.000000010e-07, v10;
	v6 =	vmul.f32 v16, v19;
	v17 =	vpop (erf)  }
0x1ae: {  	v15 =	vld [tilespmem:s22+$0xFFFFFFE0];
	v13 =	vmul.f32 $1.442695020e+00, v13;
	[tilespmem:s5+$0xFFFFFF30] =	vst v16;
	v16 =	vpop (erf)  }
0x1af: {  	v11 =	vadd.f32 v11, v20;
	v9 =	vld [tilespmem:s31+$0xFFFFFFE0];
	v7 =	vmul.f32 v10, v7;
	[tilespmem:s0+$0xFFFFFF30] =	vst v6;
	v6 =	vmul.f32 v16, v8  }
0x1b0: {  	v19 =	vld [tilespmem:s17+$0x60];
	[tilespmem:s19+$0x20] =	vst v16  }
0x1b1: {  	(erf) = vpow2.f32 v13;
	v8 =	vld [tilespmem:$0x7940];
	[tilespmem:s31+$0x20] =	vst v6;
	v6 =	vmax.f32 v11, $0.0e+00  }
0x1b2: {  	v16 =	vld [tilespmem:s31+$0x30];
	v11 =	vmul.f32 $1.442695020e+00, v7  }
0x1b3: {  	v7 =	vpop (erf);
	v32 =	vld [tilespmem:s22+$0x30]  }
0x1b4: {  	v13 =	vld [tilespmem:$0x7960];
	v20 =	vadd.f32 $1.000000010e-07, v6;
	v6 =	vpop (erf);
	(erf) = vpow2.f32 v11  }
0x1b5: {  	v33 =	vld [tilespmem:s0+$0xFFFFFF40];
	v9 =	vadd.f32 v15, v9;
	v24 =	vpop (erf)  }
0x1b6: {  	v15 =	vadd.f32 v19, v18;
	v11 =	vld [tilespmem:s9+$0xFFFFFF40];
	v23 =	vmul.f32 v20, v8;
	v12 =	vmul.f32 v24, v12  }
0x1b7: {  	s12 =	simm.s32 $0x5A40;
	v18 =	vld [tilespmem:$0x7960]  }
0x1b8: {  	v35 =	vld [tilespmem:$0x7970];
	v15 =	vmax.f32 v15, $0.0e+00;
	[tilespmem:s12+$0xFFFFFF00] =	vst v24;
	v19 =	vmul.f32 $1.442695020e+00, v23;
	v16 =	vadd.f32 v32, v16  }
0x1b9: {  	v9 =	vmax.f32 v9, $0.0e+00;
	v15 =	vadd.f32 $1.000000010e-07, v15;
	v24 =	vld [tilespmem:s1+$0xFFFFFF10];
	[tilespmem:s1+$0xFFFFFF00] =	vst v12  }
0x1ba: {  	v9 =	vadd.f32 $1.000000010e-07, v9;
	(erf) = vpow2.f32 v19;
	v19 =	vld [tilespmem:s3+$0xFFFFFF10];
	v16 =	vmax.f32 v16, $0.0e+00;
	v12 =	vpop (erf)  }
0x1bb: {  	v34 =	vld [tilespmem:s14+$0x0];
	v11 =	vadd.f32 v11, v33;
	v14 =	vmul.f32 v12, v14;
	[tilespmem:s25+$0xA0] =	vst v12;
	v12 =	vmul.f32 v15, v13  }
0x1bc: {  	v16 =	vadd.f32 $1.000000010e-07, v16;
	v13 =	vld [tilespmem:s26+$0x0]  }
0x1bd: {  	v11 =	vmax.f32 v11, $0.0e+00;
	[tilespmem:s23+$0xA0] =	vst v14;
	v14 =	vmul.f32 v9, v18;
	v18 =	vld [tilespmem:s23+$0xB0];
	v12 =	vmul.f32 $1.442695020e+00, v12;
	v36 =	vpop (erf)  }
0x1be: {  	v11 =	vadd.f32 $1.000000010e-07, v11;
	v25 =	vld [tilespmem:s17+$0xB0];
	v10 =	vmul.f32 v36, v10  }
0x1bf: {  	v21 =	vmul.f32 v16, v35;
	[tilespmem:s30+$0xFFFFFFB0] =	vst v36;
	(erf) = vpow2.f32 v12;
	v12 =	vadd.f32 v19, v24;
	v19 =	vld [tilespmem:$0x7950]  }
0x1c0: {  	v8 =	vmul.f32 v11, v8;
	v14 =	vmul.f32 $1.442695020e+00, v14;
	[tilespmem:s14+$0xFFFFFFB0] =	vst v10  }
0x1c1: {  	v21 =	vmul.f32 $1.442695020e+00, v21;
	v13 =	vadd.f32 v13, v34;
	v10 =	vmax.f32 v12, $0.0e+00;
	v12 =	vld [tilespmem:$0x7940]  }
0x1c2: {  	v8 =	vmul.f32 $1.442695020e+00, v8;
	(erf) = vpow2.f32 v14;
	v10 =	vadd.f32 $1.000000010e-07, v10  }
0x1c3: {  	(erf) = vpow2.f32 v21;
	v13 =	vmax.f32 v13, $0.0e+00;
	v18 =	vadd.f32 v25, v18  }
0x1c4: {  	v3 =	vmul.f32 v17, v3;
	[tilespmem:s30+$0xFFFFFF60] =	vst v17;
	v17 =	vld [tilespmem:s22+$0x80];
	v14 =	vpop (erf);
	v13 =	vadd.f32 $1.000000010e-07, v13;
	v19 =	vmul.f32 v10, v19  }
0x1c5: {  	v37 =	vld [tilespmem:$0x7970];
	(erf) = vpow2.f32 v8;
	v20 =	vmul.f32 v14, v20;
	v18 =	vmax.f32 v18, $0.0e+00  }
0x1c6: {  	v22 =	vld [tilespmem:s14+$0xFFFFFFC0];
	[tilespmem:s5+$0xFFFFFF80] =	vst v14;
	v14 =	vadd.f32 $1.000000010e-07, v18;
	v18 =	vmul.f32 $1.442695020e+00, v19;
	v19 =	vmul.f32 v13, v12  }
0x1c7: {  	v8 =	vld [tilespmem:s26+$0xFFFFFFC0]  }
0x1c8: {  	[tilespmem:s0+$0xFFFFFF80] =	vst v20;
	v20 =	vld [tilespmem:s0+$0xFFFFFF90];
	(erf) = vpow2.f32 v18;
	v18 =	vmul.f32 $1.442695020e+00, v19  }
0x1c9: {  	v19 =	vld [tilespmem:s31+$0x80]  }
0x1ca: {  	v39 =	vld [tilespmem:s9+$0xFFFFFF90];
	v21 =	vmul.f32 v14, v37;
	v38 =	vpop (erf)  }
0x1cb: {  	v40 =	vpop (erf)  }
0x1cc: {  	v21 =	vmul.f32 $1.442695020e+00, v21;
	(erf) = vpow2.f32 v18;
	v18 =	vpop (erf)  }
0x1cd: {  	[tilespmem:s14+$0xFFFFFF60] =	vst v3;
	v3 =	vadd.f32 v8, v22;
	v16 =	vmul.f32 v18, v16  }
0x1ce: {  	(erf) = vpow2.f32 v21;
	[tilespmem:s19+$0x30] =	vst v18;
	v17 =	vadd.f32 v17, v19  }
0x1cf: {  	v3 =	vmax.f32 v3, $0.0e+00;
	[tilespmem:s31+$0x30] =	vst v16;
	v16 =	vadd.f32 v39, v20;
	v20 =	vpop (erf)  }
0x1d0: {  	v3 =	vadd.f32 $1.000000010e-07, v3;
	v18 =	vld [tilespmem:$0x7950];
	v11 =	vmul.f32 v20, v11  }
0x1d1: {  	v41 =	vld [tilespmem:s31+$0x40];
	[tilespmem:s5+$0xFFFFFF40] =	vst v20  }
0x1d2: {  	v12 =	vmul.f32 v3, v12;
	v42 =	vld [tilespmem:$0x7940];
	[tilespmem:s0+$0xFFFFFF40] =	vst v11;
	v11 =	vmax.f32 v17, $0.0e+00;
	v17 =	vpop (erf)  }
0x1d3: {  	v19 =	vld [tilespmem:s22+$0x40];
	v10 =	vmul.f32 v17, v10  }
0x1d4: {  	v12 =	vmul.f32 $1.442695020e+00, v12;
	v16 =	vmax.f32 v16, $0.0e+00;
	v26 =	vld [tilespmem:s0+$0xFFFFFF50]  }
0x1d5: {  	v16 =	vadd.f32 $1.000000010e-07, v16;
	v43 =	vld [tilespmem:s9+$0xFFFFFF50];
	[tilespmem:s12+$0xFFFFFF10] =	vst v17;
	v17 =	vpop (erf)  }
0x1d6: {  	v11 =	vadd.f32 $1.000000010e-07, v11;
	v27 =	vld [tilespmem:$0x7950];
	(erf) = vpow2.f32 v12;
	[tilespmem:s30+$0x0] =	vst v17  }
0x1d7: {  	v18 =	vmul.f32 v16, v18;
	v44 =	vld [tilespmem:s1+$0xFFFFFF20];
	v13 =	vmul.f32 v17, v13;
	[tilespmem:s1+$0xFFFFFF10] =	vst v10;
	v10 =	vpop (erf)  }
0x1d8: {  	v12 =	vmul.f32 v11, v42;
	v14 =	vmul.f32 v10, v14;
	[tilespmem:s25+$0xB0] =	vst v10;
	v10 =	vld [tilespmem:s3+$0xFFFFFF20]  }
0x1d9: {  	v19 =	vadd.f32 v19, v41;
	v17 =	vld [tilespmem:s14+$0x10];
	v18 =	vmul.f32 $1.442695020e+00, v18  }
0x1da: {  	[tilespmem:s14+$0x0] =	vst v13;
	v45 =	vld [tilespmem:$0x7960];
	v12 =	vmul.f32 $1.442695020e+00, v12  }
0x1db: {  	(erf) = vpow2.f32 v18;
	v18 =	vmax.f32 v19, $0.0e+00;
	v19 =	vld [tilespmem:s26+$0x10]  }
0x1dc: {  	v18 =	vadd.f32 $1.000000010e-07, v18;
	(erf) = vpow2.f32 v12;
	v12 =	vld [tilespmem:s23+$0xC0];
	[tilespmem:s23+$0xB0] =	vst v14;
	v14 =	vadd.f32 v43, v26  }
0x1dd: {  	v13 =	vld [tilespmem:s17+$0xC0];
	v10 =	vadd.f32 v10, v44  }
0x1de: {  	v15 =	vmul.f32 v38, v15;
	v22 =	vmul.f32 v18, v42;
	v14 =	vmax.f32 v14, $0.0e+00  }
0x1df: {  	v46 =	vld [tilespmem:s14+$0xFFFFFF70];
	[tilespmem:s25+$0x60] =	vst v38;
	v14 =	vadd.f32 $1.000000010e-07, v14;
	v10 =	vmax.f32 v10, $0.0e+00  }
0x1e0: {  	v8 =	vld [tilespmem:s26+$0xFFFFFF70];
	[tilespmem:s23+$0x60] =	vst v15;
	v9 =	vmul.f32 v40, v9;
	v49 =	vpop (erf);
	v15 =	vmul.f32 $1.442695020e+00, v22;
	v10 =	vadd.f32 $1.000000010e-07, v10  }
0x1e1: {  	v47 =	vld [tilespmem:s17+$0x70];
	v3 =	vmul.f32 v49, v3;
	v48 =	vmul.f32 v14, v27  }
0x1e2: {  	[tilespmem:s19+$0xFFFFFFE0] =	vst v40;
	v17 =	vadd.f32 v19, v17;
	v12 =	vadd.f32 v13, v12;
	v13 =	vld [tilespmem:$0x7940];
	v19 =	vmul.f32 v10, v45  }
0x1e3: {  	v56 =	vld [tilespmem:$0x7970];
	[tilespmem:s31+$0xFFFFFFE0] =	vst v9;
	(erf) = vpow2.f32 v15;
	v15 =	vmul.f32 $1.442695020e+00, v48  }
0x1e4: {  	v50 =	vld [tilespmem:$0x7950];
	[tilespmem:s30+$0xFFFFFFC0] =	vst v49;
	v12 =	vmax.f32 v12, $0.0e+00;
	v19 =	vmul.f32 $1.442695020e+00, v19  }
0x1e5: {  	v51 =	vld [tilespmem:s14+$0xFFFFFFD0];
	[tilespmem:s14+$0xFFFFFFC0] =	vst v3;
	v9 =	vpop (erf);
	(erf) = vpow2.f32 v15;
	v12 =	vadd.f32 $1.000000010e-07, v12  }
0x1e6: {  	v53 =	vld [tilespmem:s26+$0xFFFFFFD0];
	v3 =	vpop (erf);
	v15 =	vmax.f32 v17, $0.0e+00;
	(erf) = vpow2.f32 v19  }
0x1e7: {  	v20 =	vld [tilespmem:s23+$0x70];
	v11 =	vmul.f32 v3, v11;
	[tilespmem:s19+$0x80] =	vst v3;
	v15 =	vadd.f32 $1.000000010e-07, v15;
	v3 =	vmul.f32 v12, v13  }
0x1e8: {  	v52 =	vld [tilespmem:s22+$0xFFFFFFF0];
	[tilespmem:s5+$0xFFFFFF90] =	vst v9;
	v9 =	vmul.f32 v9, v16  }
0x1e9: {  	v16 =	vld [tilespmem:s31+$0x90];
	[tilespmem:s31+$0x80] =	vst v11;
	v11 =	vmul.f32 v15, v50;
	v3 =	vmul.f32 $1.442695020e+00, v3  }
0x1ea: {  	[tilespmem:s0+$0xFFFFFF90] =	vst v9;
	v9 =	vld [tilespmem:s22+$0x90]  }
0x1eb: {  	v54 =	vld [tilespmem:$0x7950];
	v11 =	vmul.f32 $1.442695020e+00, v11;
	(erf) = vpow2.f32 v3;
	v3 =	vadd.f32 v53, v51  }
0x1ec: {  	v20 =	vadd.f32 v47, v20;
	v13 =	vld [tilespmem:s0+$0xFFFFFFA0];
	v55 =	vpop (erf)  }
0x1ed: {  	v19 =	vld [tilespmem:s9+$0xFFFFFFA0];
	v18 =	vmul.f32 v55, v18;
	(erf) = vpow2.f32 v11;
	v3 =	vmax.f32 v3, $0.0e+00  }
0x1ee: {  	v20 =	vmax.f32 v20, $0.0e+00;
	v17 =	vld [tilespmem:s31+$0xFFFFFFF0];
	[tilespmem:s19+$0x40] =	vst v55;
	v57 =	vpop (erf);
	v58 =	vadd.f32 $1.000000010e-07, v3  }
0x1ef: {  	[tilespmem:s31+$0x40] =	vst v18;
	v18 =	vld [tilespmem:$0x7950];
	v9 =	vadd.f32 v9, v16;
	v3 =	vadd.f32 $1.000000010e-07, v20;
	v14 =	vmul.f32 v57, v14;
	v59 =	vpop (erf)  }
0x1f0: {  	v11 =	vld [tilespmem:s31+$0x50];
	v21 =	vmul.f32 v58, v54;
	v10 =	vmul.f32 v59, v10  }
0x1f1: {  	v23 =	vadd.f32 v8, v46;
	v20 =	vld [tilespmem:s22+$0x50];
	[tilespmem:s5+$0xFFFFFF50] =	vst v57;
	v9 =	vmax.f32 v9, $0.0e+00;
	v8 =	vmul.f32 v3, v56  }
0x1f2: {  	v16 =	vld [tilespmem:$0x7960];
	v13 =	vadd.f32 v19, v13;
	v9 =	vadd.f32 $1.000000010e-07, v9;
	[tilespmem:s0+$0xFFFFFF50] =	vst v14;
	v21 =	vmul.f32 $1.442695020e+00, v21  }
0x1f3: {  	v19 =	vld [tilespmem:s0+$0xFFFFFF60];
	[tilespmem:s12+$0xFFFFFF20] =	vst v59;
	v8 =	vmul.f32 $1.442695020e+00, v8  }
0x1f4: {  	v13 =	vmax.f32 v13, $0.0e+00;
	v14 =	vld [tilespmem:$0x7950];
	v18 =	vmul.f32 v9, v18;
	[tilespmem:s1+$0xFFFFFF20] =	vst v10;
	v10 =	vpop (erf);
	(erf) = vpow2.f32 v21  }
0x1f5: {  	v62 =	vmul.f32 v2, v1;
	v60 =	vld [tilespmem:s9+$0xFFFFFF60];
	(erf) = vpow2.f32 v8;
	v8 =	vadd.f32 $1.000000010e-07, v13  }
0x1f6: {  	v11 =	vadd.f32 v20, v11;
	v20 =	vld [tilespmem:s1+$0xFFFFFF30];
	v12 =	vmul.f32 v10, v12;
	[tilespmem:s25+$0xC0] =	vst v10;
	v61 =	vpop (erf);
	v13 =	vmul.f32 $1.442695020e+00, v18  }
0x1f7: {  	v17 =	vadd.f32 v52, v17;
	v10 =	vld [tilespmem:s3+$0xFFFFFF30];
	v1 =	vmul.f32 v61, v15;
	[tilespmem:s30+$0x10] =	vst v61;
	v16 =	vmul.f32 v8, v16  }
0x1f8: {  	v63 =	vld [tilespmem:$0x7970];
	v15 =	vmax.f32 v23, $0.0e+00;
	[tilespmem:s23+$0xC0] =	vst v12;
	v12 =	vmul.f32 v7, v5;
	v5 =	vmax.f32 v11, $0.0e+00  }
0x1f9: {  	v11 =	vld [tilespmem:s23+$0xD0];
	(erf) = vpow2.f32 v13;
	[tilespmem:s14+$0x10] =	vst v1;
	v1 =	vadd.f32 $1.000000010e-07, v15;
	v15 =	vmul.f32 $1.442695020e+00, v16  }
0x1fa: {  	v5 =	vadd.f32 $1.000000010e-07, v5;
	v18 =	vld [tilespmem:s17+$0xD0]  }
0x1fb: {  	[tilespmem:s25+$0xFFFFFF70] =	vst v2;
	v2 =	vmax.f32 v17, $0.0e+00;
	v17 =	vld [tilespmem:s14+$0x20];
	(erf) = vpow2.f32 v15  }
0x1fc: {  	[tilespmem:s25+$0xFFFFFFF0] =	vst v7;
	v7 =	vadd.f32 v60, v19;
	v10 =	vadd.f32 v10, v20;
	v20 =	vld [tilespmem:s26+$0x20];
	v14 =	vmul.f32 v5, v14  }
0x1fd: {  	v4 =	vmul.f32 v6, v4;
	[tilespmem:s19+$0xFFFFFF70] =	vst v6;
	v2 =	vadd.f32 $1.000000010e-07, v2;
	v13 =	vld [tilespmem:$0x7960]  }
0x1fe: {  	[tilespmem:s23+$0xFFFFFFF0] =	vst v12;
	v6 =	vmax.f32 v7, $0.0e+00;
	v12 =	vmax.f32 v10, $0.0e+00;
	v10 =	vld [tilespmem:$0x7970];
	v14 =	vmul.f32 $1.442695020e+00, v14  }
0x1ff: {  	[tilespmem:s23+$0xFFFFFF70] =	vst v62;
	v7 =	vadd.f32 $1.000000010e-07, v12;
	v16 =	vpop (erf);
	v18 =	vadd.f32 v18, v11;
	v12 =	vld [tilespmem:$0x7950]  }
0x200: {  	s20 =	simm.s32 $0x10;
	[tilespmem:s31+$0xFFFFFF70] =	vst v4;
	v4 =	vadd.f32 $1.000000010e-07, v6;
	v11 =	vld [tilespmem:$0x7970];
	v15 =	vmul.f32 v16, v58;
	(erf) = vpow2.f32 v14  }
0x201: {  	s6 =	simm.s32 $0xC40;
	s2 =	simm.s32 $0x3240;
	s10 =	simm.s32 $0x5A40;
	[tilespmem:s30+$0xFFFFFFD0] =	vst v16;
	v14 =	vld [tilespmem:$0x7960];
	v6 =	vpop (erf);
	v16 =	vmul.f32 v7, v63;
	v17 =	vadd.f32 v20, v17;
	v18 =	vmax.f32 v18, $0.0e+00  }
.LBB2_5:
0x202: {  	v19 =	vld [tilespmem:s6+$0xFFFFFF00];
	s3 =	sadd.s32 $0x200, s3;
	v21 =	vmul.f32 v4, v13;
	[tilespmem:s14+$0xFFFFFFD0] =	vst v15;
	v15 =	vpop (erf);
	v3 =	vmul.f32 v6, v3;
	v18 =	vadd.f32 $1.000000010e-07, v18  }
0x203: {  	v20 =	vld [tilespmem:s3+$0xFFFFFF00];
	v16 =	vmul.f32 $1.442695020e+00, v16;
	v17 =	vmax.f32 v17, $0.0e+00;
	v9 =	vmul.f32 v15, v9;
	[tilespmem:s25+$0x70] =	vst v6  }
0x204: {  	v6 =	vmul.f32 $1.442695020e+00, v21;
	v13 =	vpop (erf);
	v21 =	vld [tilespmem:s26+$0xFFFFFFE0];
	v17 =	vadd.f32 $1.000000010e-07, v17;
	[tilespmem:s19+$0x90] =	vst v15;
	v12 =	vmul.f32 v18, v12  }
0x205: {  	(erf) = vpow2.f32 v16;
	v8 =	vmul.f32 v13, v8;
	[tilespmem:s31+$0x90] =	vst v9;
	v9 =	vld [tilespmem:s31+$0xA0]  }
0x206: {  	v16 =	vmul.f32 v17, v14;
	v15 =	vld [tilespmem:s22+$0xA0];
	[tilespmem:s23+$0x70] =	vst v3;
	v3 =	vmul.f32 $1.442695020e+00, v12  }
0x207: {  	v12 =	vld [tilespmem:$0x7940];
	[tilespmem:s5+$0xFFFFFFA0] =	vst v13;
	(erf) = vpow2.f32 v6;
	v6 =	vmul.f32 v2, v10  }
0x208: {  	v10 =	vadd.f32 v20, v19;
	[tilespmem:s0+$0xFFFFFFA0] =	vst v8;
	v8 =	vld [tilespmem:s0+$0xFFFFFFB0];
	v13 =	vmul.f32 $1.442695020e+00, v16;
	(erf) = vpow2.f32 v3  }
0x209: {  	v11 =	vmul.f32 v1, v11;
	v3 =	vld [tilespmem:s9+$0xFFFFFFB0];
	v6 =	vmul.f32 $1.442695020e+00, v6;
	v14 =	vpop (erf)  }
0x20a: {  	v10 =	vmax.f32 v10, $0.0e+00;
	v16 =	vld [tilespmem:s14+$0xFFFFFFE0];
	(erf) = vpow2.f32 v13;
	[tilespmem:s19+$0x50] =	vst v14;
	v5 =	vmul.f32 v14, v5  }
0x20b: {  	v14 =	vmul.f32 $1.442695020e+00, v11;
	v10 =	vadd.f32 $1.000000010e-07, v10;
	v9 =	vadd.f32 v15, v9;
	v13 =	vld [tilespmem:$0x7960]  }
0x20c: {  	[tilespmem:s31+$0x50] =	vst v5;
	v5 =	vld [tilespmem:s31+$0x60];
	(erf) = vpow2.f32 v6  }
0x20d: {  	v6 =	vmul.f32 v10, v12;
	v12 =	vld [tilespmem:s1+$0xFFFFFF80];
	(erf) = vpow2.f32 v14;
	v9 =	vmax.f32 v9, $0.0e+00  }
0x20e: {  	v11 =	vpop (erf);
	v3 =	vadd.f32 v3, v8;
	v8 =	vld [tilespmem:$0x7970];
	v9 =	vadd.f32 $1.000000010e-07, v9  }
0x20f: {  	s20 =	sadd.s32 $0x4, s20;
	v6 =	vmul.f32 $1.442695020e+00, v6;
	v14 =	vld [tilespmem:s2+$0xFFFFFF80];
	v20 =	vadd.f32 v21, v16  }
0x210: {  	p0 =	slt.u32 s20, $0x24;
	v7 =	vmul.f32 v11, v7;
	v3 =	vmax.f32 v3, $0.0e+00;
	v16 =	vpop (erf);
	v19 =	vld [tilespmem:s22+$0x60];
	v13 =	vmul.f32 v9, v13  }
0x211: {  	(erf) = vpow2.f32 v6;
	[tilespmem:s12+$0xFFFFFF30] =	vst v11;
	v6 =	vadd.f32 $1.000000010e-07, v3;
	v3 =	vmax.f32 v20, $0.0e+00;
	v11 =	vld [tilespmem:$0x7960];
	v15 =	vpop (erf)  }
0x212: {  	[tilespmem:s1+$0xFFFFFF30] =	vst v7;
	v7 =	vld [tilespmem:s1+$0xFFFFFF40];
	v3 =	vadd.f32 $1.000000010e-07, v3;
	v13 =	vmul.f32 $1.442695020e+00, v13;
	v18 =	vmul.f32 v15, v18  }
0x213: {  	v4 =	vmul.f32 v16, v4;
	v20 =	vld [tilespmem:$0x7940];
	v8 =	vmul.f32 v6, v8;
	v21 =	vpop (erf);
	[tilespmem:s25+$0xD0] =	vst v15  }
0x214: {  	v12 =	vadd.f32 v14, v12;
	v14 =	vmul.f32 v21, v17;
	(erf) = vpow2.f32 v13;
	[tilespmem:s23+$0xD0] =	vst v18;
	v13 =	vld [tilespmem:s23+$0xE0]  }
0x215: {  	[tilespmem:s30+$0x20] =	vst v21;
	v5 =	vadd.f32 v19, v5;
	v15 =	vpop (erf);
	v17 =	vld [tilespmem:s17+$0xE0]  }
0x216: {  	v8 =	vmul.f32 $1.442695020e+00, v8;
	v12 =	vmax.f32 v12, $0.0e+00;
	[tilespmem:s14+$0x20] =	vst v14;
	v14 =	vld [tilespmem:s14+$0x30];
	v18 =	vpop (erf);
	v2 =	vmul.f32 v15, v2  }
0x217: {  	v12 =	vadd.f32 $1.000000010e-07, v12;
	[tilespmem:s5+$0xFFFFFF60] =	vst v16;
	v1 =	vmul.f32 v18, v1;
	v16 =	vld [tilespmem:s26+$0x30];
	v5 =	vmax.f32 v5, $0.0e+00  }
0x218: {  	v19 =	vld [tilespmem:s2+$0xFFFFFF40];
	[tilespmem:s0+$0xFFFFFF60] =	vst v4;
	(erf) = vpow2.f32 v8;
	v4 =	vadd.f32 $1.000000010e-07, v5  }
0x219: {  	v5 =	vmul.f32 v12, v20;
	v8 =	vld [tilespmem:$0x7960];
	[tilespmem:s19+$0xFFFFFFF0] =	vst v15  }
0x21a: {  	v15 =	vpop (erf);
	[tilespmem:s31+$0xFFFFFFF0] =	vst v2;
	v2 =	vmul.f32 v4, v11;
	v11 =	vadd.f32 v17, v13;
	v13 =	vld [tilespmem:$0x7960]  }
0x21b: {  	s12 =	sadd.s32 $0x200, s12;
	v10 =	vmul.f32 v15, v10;
	v21 =	vmul.f32 $1.442695020e+00, v5;
	v17 =	vld [tilespmem:s0+$0x0];
	[tilespmem:s30+$0xFFFFFF70] =	vst v18  }
0x21c: {  	[tilespmem:s12+$0xFFFFFF00] =	vst v15;
	v14 =	vadd.f32 v16, v14;
	v15 =	vld [tilespmem:$0x7970];
	v2 =	vmul.f32 $1.442695020e+00, v2;
	v11 =	vmax.f32 v11, $0.0e+00  }
0x21d: {  	[tilespmem:s6+$0xFFFFFF00] =	vst v10;
	v10 =	vld [tilespmem:s6+$0xFFFFFF10];
	v7 =	vadd.f32 v19, v7;
	(erf) = vpow2.f32 v21;
	v5 =	vpop (erf);
	v11 =	vadd.f32 $1.000000010e-07, v11  }
0x21e: {  	v16 =	vld [tilespmem:s3+$0xFFFFFF10];
	[tilespmem:s14+$0xFFFFFF70] =	vst v1;
	v1 =	vmul.f32 v3, v8;
	v8 =	vmax.f32 v14, $0.0e+00;
	v9 =	vmul.f32 v5, v9  }
0x21f: {  	v7 =	vmax.f32 v7, $0.0e+00;
	v14 =	vld [tilespmem:s9+$0x0];
	v8 =	vadd.f32 $1.000000010e-07, v8;
	[tilespmem:s19+$0xA0] =	vst v5;
	v5 =	vmul.f32 v11, v13  }
0x220: {  	v7 =	vadd.f32 $1.000000010e-07, v7;
	v1 =	vmul.f32 $1.442695020e+00, v1;
	[tilespmem:s31+$0xA0] =	vst v9;
	v9 =	vld [tilespmem:s31+$0xB0];
	(erf) = vpow2.f32 v2  }
0x221: {  	v2 =	vpop (erf);
	v13 =	vmul.f32 v8, v15;
	v15 =	vld [tilespmem:s22+$0xB0];
	v5 =	vmul.f32 $1.442695020e+00, v5  }
0x222: {  	v18 =	vmul.f32 v7, v20;
	v19 =	vld [tilespmem:s9+$0xFFFFFF70];
	v6 =	vmul.f32 v2, v6  }
0x223: {  	v10 =	vadd.f32 v16, v10;
	v16 =	vld [tilespmem:$0x7950];
	[tilespmem:s5+$0xFFFFFFB0] =	vst v2;
	v2 =	vmul.f32 $1.442695020e+00, v13;
	(erf) = vpow2.f32 v5  }
0x224: {  	v5 =	vmul.f32 $1.442695020e+00, v18;
	[tilespmem:s0+$0xFFFFFFB0] =	vst v6;
	v6 =	vld [tilespmem:s0+$0xFFFFFFC0];
	(erf) = vpow2.f32 v1  }
0x225: {  	v13 =	vadd.f32 v14, v17;
	v18 =	vmax.f32 v10, $0.0e+00;
	v10 =	vld [tilespmem:$0x7940];
	(erf) = vpow2.f32 v2  }
0x226: {  	v14 =	vadd.f32 $1.000000010e-07, v18;
	(erf) = vpow2.f32 v5;
	v1 =	vpop (erf);
	v18 =	vadd.f32 v15, v9;
	v5 =	vld [tilespmem:$0x7970]  }
0x227: {  	v13 =	vmax.f32 v13, $0.0e+00;
	v9 =	vmul.f32 v1, v12;
	v12 =	vld [tilespmem:s9+$0xFFFFFFC0]  }
0x228: {  	v13 =	vadd.f32 $1.000000010e-07, v13;
	v15 =	vmul.f32 v14, v16;
	[tilespmem:s10+$0xFFFFFF80] =	vst v1;
	v1 =	vld [tilespmem:s0+$0xFFFFFF70];
	v17 =	vmax.f32 v18, $0.0e+00  }
0x229: {  	[tilespmem:s1+$0xFFFFFF80] =	vst v9;
	v9 =	vld [tilespmem:s1+$0xFFFFFF90];
	v16 =	vadd.f32 $1.000000010e-07, v17;
	v2 =	vpop (erf)  }
0x22a: {  	v15 =	vmul.f32 $1.442695020e+00, v15;
	v17 =	vld [tilespmem:s2+$0xFFFFFF90];
	v22 =	vmul.f32 v13, v10;
	[tilespmem:s19+$0x60] =	vst v2  }
0x22b: {  	v4 =	vmul.f32 v2, v4;
	v2 =	vld [tilespmem:s31+$0x70];
	v5 =	vmul.f32 v16, v5  }
0x22c: {  	(erf) = vpow2.f32 v15;
	v6 =	vadd.f32 v12, v6;
	v21 =	vmul.f32 $1.442695020e+00, v22;
	v15 =	vld [tilespmem:s14+$0x80];
	v18 =	vpop (erf)  }
0x22d: {  	v1 =	vadd.f32 v19, v1;
	v19 =	vld [tilespmem:s26+$0x80];
	v20 =	vpop (erf);
	[tilespmem:s31+$0x60] =	vst v4;
	v4 =	vmul.f32 $1.442695020e+00, v5;
	v5 =	vmul.f32 v18, v11  }
0x22e: {  	v11 =	vld [tilespmem:$0x7950];
	v6 =	vmax.f32 v6, $0.0e+00;
	(erf) = vpow2.f32 v21;
	v3 =	vmul.f32 v20, v3;
	v12 =	vpop (erf);
	[tilespmem:s25+$0xE0] =	vst v18  }
0x22f: {  	v9 =	vadd.f32 v17, v9;
	v17 =	vpop (erf);
	v8 =	vmul.f32 v12, v8;
	(erf) = vpow2.f32 v4;
	[tilespmem:s23+$0xE0] =	vst v5;
	v4 =	vld [tilespmem:s23+$0xF0]  }
0x230: {  	v1 =	vmax.f32 v1, $0.0e+00;
	v6 =	vadd.f32 $1.000000010e-07, v6;
	v5 =	vmul.f32 v17, v7;
	[tilespmem:s30+$0x30] =	vst v12;
	v7 =	vld [tilespmem:s17+$0xF0];
	s17 =	smov.u32 s22;
	s22 =	smov.u32 s26;
	s26 =	smov.u32 s9  }
0x231: {  	v1 =	vadd.f32 $1.000000010e-07, v1;
	s9 =	smov.u32 s2;
	s2 =	smov.u32 s3;
	v9 =	vmax.f32 v9, $0.0e+00;
	[tilespmem:s14+$0x30] =	vst v8;
	v8 =	vld [tilespmem:s14+$0x40]  }
0x232: {  	v10 =	vmul.f32 v6, v10;
	[tilespmem:s10+$0xFFFFFF40] =	vst v17;
	v9 =	vadd.f32 $1.000000010e-07, v9;
	v12 =	vld [tilespmem:$0x7940];
	v15 =	vadd.f32 v19, v15  }
0x233: {  	[tilespmem:s1+$0xFFFFFF40] =	vst v5;
	v5 =	vld [tilespmem:s22+$0x40]  }
0x234: {  	v19 =	vmul.f32 $1.442695020e+00, v10;
	v17 =	vld [tilespmem:s9+$0xFFFFFF50];
	v11 =	vmul.f32 v9, v11;
	[tilespmem:s30+$0xFFFFFFE0] =	vst v20;
	v15 =	vmax.f32 v15, $0.0e+00  }
0x235: {  	v18 =	vpop (erf);
	[tilespmem:s14+$0xFFFFFFE0] =	vst v3;
	v3 =	vadd.f32 $1.000000010e-07, v15;
	v4 =	vadd.f32 v7, v4;
	v7 =	vld [tilespmem:$0x7970]  }
0x236: {  	v14 =	vmul.f32 v18, v14;
	v15 =	vld [tilespmem:s1+$0xFFFFFF50];
	v11 =	vmul.f32 $1.442695020e+00, v11  }
0x237: {  	[tilespmem:s12+$0xFFFFFF10] =	vst v18;
	v18 =	vld [tilespmem:$0x7950];
	(erf) = vpow2.f32 v19;
	v10 =	vpop (erf);
	v19 =	vmul.f32 v3, v12;
	v4 =	vmax.f32 v4, $0.0e+00  }
0x238: {  	[tilespmem:s6+$0xFFFFFF10] =	vst v14;
	v14 =	vld [tilespmem:s6+$0xFFFFFF20];
	(erf) = vpow2.f32 v11;
	v5 =	vadd.f32 v5, v8;
	v8 =	vpop (erf);
	v4 =	vadd.f32 $1.000000010e-07, v4  }
0x239: {  	v11 =	vld [tilespmem:s3+$0xFFFFFF20];
	[tilespmem:s5+$0x0] =	vst v10;
	v19 =	vmul.f32 $1.442695020e+00, v19;
	v16 =	vmul.f32 v8, v16  }
0x23a: {  	v10 =	vmul.f32 v10, v13;
	v13 =	vld [tilespmem:s0+$0x10];
	v5 =	vmax.f32 v5, $0.0e+00;
	[tilespmem:s19+$0xB0] =	vst v8;
	v7 =	vmul.f32 v4, v7  }
0x23b: {  	v8 =	vadd.f32 v17, v15;
	v5 =	vadd.f32 $1.000000010e-07, v5;
	(erf) = vpow2.f32 v19;
	[tilespmem:s31+$0xB0] =	vst v16;
	v15 =	vld [tilespmem:s31+$0xC0]  }
0x23c: {  	[tilespmem:s0+$0x0] =	vst v10;
	v10 =	vld [tilespmem:s17+$0xC0];
	v7 =	vmul.f32 $1.442695020e+00, v7  }
0x23d: {  	v8 =	vmax.f32 v8, $0.0e+00;
	v16 =	vld [tilespmem:s26+$0x10];
	v12 =	vmul.f32 v5, v12  }
0x23e: {  	v11 =	vadd.f32 v11, v14;
	v14 =	vld [tilespmem:$0x7960];
	v8 =	vadd.f32 $1.000000010e-07, v8;
	(erf) = vpow2.f32 v7  }
0x23f: {  	v7 =	vmul.f32 $1.442695020e+00, v12;
	v12 =	vld [tilespmem:s17+$0x70]  }
0x240: {  	v11 =	vmax.f32 v11, $0.0e+00;
	v17 =	vmul.f32 v8, v18;
	v18 =	vpop (erf);
	v19 =	vld [tilespmem:s22+$0xFFFFFFF0]  }
0x241: {  	v11 =	vadd.f32 $1.000000010e-07, v11;
	v20 =	vpop (erf);
	[tilespmem:s5+$0xFFFFFFC0] =	vst v18;
	(erf) = vpow2.f32 v7;
	v7 =	vadd.f32 v10, v15;
	v10 =	vld [tilespmem:$0x7940]  }
0x242: {  	v6 =	vmul.f32 v18, v6;
	v21 =	vmul.f32 $1.442695020e+00, v17;
	v13 =	vadd.f32 v16, v13;
	v16 =	vld [tilespmem:$0x7950]  }
0x243: {  	v14 =	vmul.f32 v11, v14;
	v17 =	vld [tilespmem:s0+$0xFFFFFFD0];
	v7 =	vmax.f32 v7, $0.0e+00  }
0x244: {  	(erf) = vpow2.f32 v21;
	[tilespmem:s0+$0xFFFFFFC0] =	vst v6;
	v6 =	vmax.f32 v13, $0.0e+00;
	v13 =	vld [tilespmem:s14+$0xFFFFFFF0];
	v15 =	vpop (erf);
	v7 =	vadd.f32 $1.000000010e-07, v7  }
0x245: {  	v14 =	vmul.f32 $1.442695020e+00, v14;
	[tilespmem:s10+$0xFFFFFF90] =	vst v20;
	v18 =	vld [tilespmem:s26+$0xFFFFFFD0];
	v6 =	vadd.f32 $1.000000010e-07, v6;
	v3 =	vmul.f32 v15, v3  }
0x246: {  	v9 =	vmul.f32 v20, v9;
	v2 =	vadd.f32 v12, v2;
	v20 =	vld [tilespmem:s1+$0xFFFFFFA0];
	[tilespmem:s30+$0x80] =	vst v15;
	v10 =	vmul.f32 v7, v10  }
0x247: {  	(erf) = vpow2.f32 v14;
	v12 =	vmul.f32 v6, v16;
	[tilespmem:s14+$0x80] =	vst v3;
	v14 =	vld [tilespmem:s14+$0x90];
	v15 =	vpop (erf)  }
0x248: {  	v2 =	vmax.f32 v2, $0.0e+00;
	[tilespmem:s1+$0xFFFFFF90] =	vst v9;
	v9 =	vld [tilespmem:s22+$0x90];
	v10 =	vmul.f32 $1.442695020e+00, v10;
	v4 =	vmul.f32 v15, v4  }
0x249: {  	v3 =	vadd.f32 $1.000000010e-07, v2;
	v16 =	vld [tilespmem:s9+$0xFFFFFFA0];
	v13 =	vadd.f32 v19, v13;
	[tilespmem:s25+$0xF0] =	vst v15;
	s25 =	smov.u32 s19;
	s19 =	smov.u32 s30;
	s30 =	smov.u32 s5  }
0x24a: {  	s5 =	smov.u32 s10;
	s10 =	smov.u32 s12;
	v2 =	vadd.f32 v18, v17;
	v15 =	vld [tilespmem:$0x7950];
	v18 =	vmul.f32 $1.442695020e+00, v12;
	v17 =	vpop (erf);
	(erf) = vpow2.f32 v10;
	[tilespmem:s23+$0xF0] =	vst v4;
	s23 =	smov.u32 s31  }
0x24b: {  	s31 =	smov.u32 s14;
	s14 =	smov.u32 s0;
	s0 =	smov.u32 s1;
	v4 =	vmax.f32 v13, $0.0e+00;
	[tilespmem:s19+$0x40] =	vst v17;
	v5 =	vmul.f32 v17, v5;
	v10 =	vld [tilespmem:$0x7970]  }
0x24c: {  	s1 =	smov.u32 s6;
	v13 =	vmax.f32 v2, $0.0e+00;
	(erf) = vpow2.f32 v18;
	v2 =	vadd.f32 $1.000000010e-07, v4;
	v4 =	vld [tilespmem:s31+$0x50]  }
0x24d: {  	v12 =	vpop (erf);
	v17 =	vadd.f32 $1.000000010e-07, v13;
	[tilespmem:s31+$0x40] =	vst v5;
	v5 =	vadd.f32 v9, v14;
	v13 =	vld [tilespmem:$0x7950]  }
0x24e: {  	[tilespmem:s5+$0xFFFFFF50] =	vst v12;
	v8 =	vmul.f32 v12, v8;
	v9 =	vadd.f32 v16, v20;
	v12 =	vld [tilespmem:$0x7960]  }
0x24f: {  	v14 =	vmul.f32 v17, v15;
	v15 =	vld [tilespmem:s22+$0x50];
	v5 =	vmax.f32 v5, $0.0e+00  }
0x250: {  	v16 =	vpop (erf);
	[tilespmem:s0+$0xFFFFFF50] =	vst v8;
	v8 =	vmax.f32 v9, $0.0e+00;
	v18 =	vld [tilespmem:$0x7950];
	v9 =	vadd.f32 $1.000000010e-07, v5;
	v5 =	vmul.f32 v3, v10  }
0x251: {  	v10 =	vmul.f32 v16, v11;
	v11 =	vld [tilespmem:s9+$0xFFFFFF60];
	v8 =	vadd.f32 $1.000000010e-07, v8;
	v19 =	vmul.f32 $1.442695020e+00, v14  }
0x252: {  	[tilespmem:s12+$0xFFFFFF20] =	vst v16;
	v16 =	vld [tilespmem:s0+$0xFFFFFF60];
	v13 =	vmul.f32 v9, v13;
	v5 =	vmul.f32 $1.442695020e+00, v5  }
0x253: {  	[tilespmem:s6+$0xFFFFFF20] =	vst v10;
	v10 =	vld [tilespmem:s6+$0xFFFFFF30];
	v12 =	vmul.f32 v8, v12;
	(erf) = vpow2.f32 v19;
	v14 =	vpop (erf)  }
0x254: {  	v19 =	vld [tilespmem:s3+$0xFFFFFF30];
	v4 =	vadd.f32 v15, v4;
	v13 =	vmul.f32 $1.442695020e+00, v13;
	v7 =	vmul.f32 v14, v7  }
0x255: {  	v20 =	vld [tilespmem:$0x7970];
	v12 =	vmul.f32 $1.442695020e+00, v12;
	v15 =	vpop (erf);
	[tilespmem:s25+$0xC0] =	vst v14;
	(erf) = vpow2.f32 v5  }
0x256: {  	v6 =	vmul.f32 v15, v6;
	v4 =	vmax.f32 v4, $0.0e+00;
	(erf) = vpow2.f32 v13;
	[tilespmem:s23+$0xC0] =	vst v7;
	v14 =	vld [tilespmem:s23+$0xD0]  }
0x257: {  	v7 =	vadd.f32 v11, v16;
	[tilespmem:s30+$0x10] =	vst v15;
	v5 =	vadd.f32 $1.000000010e-07, v4;
	v11 =	vld [tilespmem:s17+$0xD0]  }
0x258: {  	(erf) = vpow2.f32 v12;
	[tilespmem:s14+$0x10] =	vst v6;
	v6 =	vld [tilespmem:s14+$0x20]  }
0x259: {  	v10 =	vadd.f32 v19, v10;
	v4 =	vmax.f32 v7, $0.0e+00;
	v19 =	vld [tilespmem:s26+$0x20];
	v7 =	vmul.f32 v5, v18  }
.Ltmp1:
0x25a: {  	v4 =	vadd.f32 $1.000000010e-07, v4;
	v13 =	vld [tilespmem:$0x7960];
	(pc) =	sbr.rel @p0 .LBB2_5-.Ltmp1, $4  }
0x25b: {  	v12 =	vmax.f32 v10, $0.0e+00;
	v10 =	vld [tilespmem:$0x7970];
	v16 =	vmul.f32 $1.442695020e+00, v7  }
0x25c: {  	v7 =	vadd.f32 $1.000000010e-07, v12;
	v15 =	vpop (erf);
	v18 =	vadd.f32 v11, v14;
	v12 =	vld [tilespmem:$0x7950]  }
0x25d: {  	v11 =	vld [tilespmem:$0x7970];
	[tilespmem:s30+$0xFFFFFFD0] =	vst v15;
	v15 =	vmul.f32 v15, v17;
	(erf) = vpow2.f32 v16  }
0x25e: {  	s6 =	sadd.s32 $0x200, s6;
	v16 =	vmul.f32 v7, v20;
	v17 =	vadd.f32 v19, v6;
	v14 =	vld [tilespmem:$0x7960];
	v18 =	vmax.f32 v18, $0.0e+00;
	v6 =	vpop (erf)  }
0x25f: {  	v19 =	vpop (erf)  }
0x260: {  	v9 =	vmul.f32 v19, v9  }
0x261: {  	v13 =	vmul.f32 v4, v13;
	v18 =	vadd.f32 $1.000000010e-07, v18;
	v17 =	vmax.f32 v17, $0.0e+00  }
0x262: {  	v16 =	vmul.f32 $1.442695020e+00, v16;
	v17 =	vadd.f32 $1.000000010e-07, v17  }
0x263: {  	[tilespmem:s19+$0x90] =	vst v19;
	v12 =	vmul.f32 v18, v12;
	v13 =	vmul.f32 $1.442695020e+00, v13  }
0x264: {  	(erf) = vpow2.f32 v16;
	[tilespmem:s31+$0x90] =	vst v9;
	v16 =	vld [tilespmem:s31+$0xA0];
	v14 =	vmul.f32 v17, v14;
	v9 =	vpop (erf)  }
0x265: {  	[tilespmem:s14+$0xFFFFFFD0] =	vst v15;
	v12 =	vmul.f32 $1.442695020e+00, v12;
	v15 =	vld [tilespmem:s22+$0xA0];
	v8 =	vmul.f32 v9, v8  }
0x266: {  	(erf) = vpow2.f32 v13;
	[tilespmem:s5+$0xFFFFFFA0] =	vst v9;
	v9 =	vmul.f32 $1.442695020e+00, v14  }
0x267: {  	(erf) = vpow2.f32 v12;
	[tilespmem:s0+$0xFFFFFFA0] =	vst v8;
	v8 =	vld [tilespmem:s0+$0xFFFFFFB0]  }
0x268: {  	(erf) = vpow2.f32 v9;
	v9 =	vld [tilespmem:s9+$0xFFFFFFB0]  }
0x269: {  	v19 =	vld [tilespmem:s1+$0xFFFFFF80]  }
0x26a: {  	v12 =	vld [tilespmem:s26+$0xFFFFFFE0];
	v13 =	vadd.f32 v15, v16;
	v15 =	vpop (erf)  }
0x26b: {  	v14 =	vld [tilespmem:$0x7960];
	v5 =	vmul.f32 v15, v5  }
0x26c: {  	v16 =	vld [tilespmem:s14+$0xFFFFFFE0];
	[tilespmem:s19+$0x50] =	vst v15  }
0x26d: {  	v10 =	vmul.f32 v2, v10;
	v13 =	vmax.f32 v13, $0.0e+00;
	[tilespmem:s31+$0x50] =	vst v5;
	v5 =	vadd.f32 v9, v8;
	v8 =	vld [tilespmem:s2+$0xFFFFFF80]  }
0x26e: {  	v11 =	vmul.f32 v1, v11;
	v20 =	vld [tilespmem:$0x7970];
	v15 =	vpop (erf);
	v13 =	vadd.f32 $1.000000010e-07, v13  }
0x26f: {  	v10 =	vmul.f32 $1.442695020e+00, v10;
	v21 =	vld [tilespmem:s31+$0x60];
	v7 =	vmul.f32 v15, v7;
	v9 =	vpop (erf)  }
0x270: {  	v11 =	vmul.f32 $1.442695020e+00, v11;
	[tilespmem:s12+$0xFFFFFF30] =	vst v15;
	v22 =	vld [tilespmem:s22+$0x60];
	v14 =	vmul.f32 v13, v14;
	v15 =	vpop (erf);
	v5 =	vmax.f32 v5, $0.0e+00  }
0x271: {  	(erf) = vpow2.f32 v10;
	v10 =	vld [tilespmem:$0x7960];
	[tilespmem:s1+$0xFFFFFF30] =	vst v7;
	v7 =	vmul.f32 v15, v18;
	v5 =	vadd.f32 $1.000000010e-07, v5  }
0x272: {  	(erf) = vpow2.f32 v11;
	v14 =	vmul.f32 $1.442695020e+00, v14;
	[tilespmem:s25+$0xD0] =	vst v15;
	v11 =	vld [tilespmem:$0x7940];
	v8 =	vadd.f32 v8, v19  }
0x273: {  	v29 =	vld [tilespmem:s2+$0xFFFFFF40];
	v18 =	vpop (erf);
	[tilespmem:s23+$0xD0] =	vst v7;
	v7 =	vmul.f32 v5, v20  }
0x274: {  	v15 =	vmul.f32 v18, v17;
	(erf) = vpow2.f32 v14;
	v14 =	vld [tilespmem:s23+$0xE0];
	v8 =	vmax.f32 v8, $0.0e+00  }
0x275: {  	[tilespmem:s30+$0x20] =	vst v18;
	v17 =	vld [tilespmem:s17+$0xE0];
	v7 =	vmul.f32 $1.442695020e+00, v7;
	v8 =	vadd.f32 $1.000000010e-07, v8  }
0x276: {  	v20 =	vadd.f32 v22, v21;
	[tilespmem:s14+$0x20] =	vst v15;
	v15 =	vld [tilespmem:s14+$0x30]  }
0x277: {  	v18 =	vld [tilespmem:s26+$0x30];
	(erf) = vpow2.f32 v7;
	v7 =	vadd.f32 v12, v16;
	v12 =	vmul.f32 v8, v11  }
0x278: {  	v19 =	vld [tilespmem:s1+$0xFFFFFF40];
	v20 =	vmax.f32 v20, $0.0e+00  }
0x279: {  	v20 =	vadd.f32 $1.000000010e-07, v20;
	v16 =	vld [tilespmem:$0x7960];
	v12 =	vmul.f32 $1.442695020e+00, v12  }
0x27a: {  	v14 =	vadd.f32 v17, v14;
	v17 =	vld [tilespmem:$0x7960];
	v7 =	vmax.f32 v7, $0.0e+00  }
0x27b: {  	v28 =	vpop (erf);
	v10 =	vmul.f32 v20, v10;
	v7 =	vadd.f32 $1.000000010e-07, v7  }
0x27c: {  	v23 =	vpop (erf);
	v15 =	vadd.f32 v18, v15;
	v18 =	vld [tilespmem:$0x7970];
	v14 =	vmax.f32 v14, $0.0e+00;
	(erf) = vpow2.f32 v12  }
0x27d: {  	v4 =	vmul.f32 v9, v4;
	v10 =	vmul.f32 $1.442695020e+00, v10;
	v14 =	vadd.f32 $1.000000010e-07, v14;
	v12 =	vpop (erf)  }
0x27e: {  	v24 =	vld [tilespmem:s0+$0x0];
	v16 =	vmul.f32 v7, v16;
	v15 =	vmax.f32 v15, $0.0e+00;
	v13 =	vmul.f32 v12, v13  }
0x27f: {  	v15 =	vadd.f32 $1.000000010e-07, v15;
	[tilespmem:s19+$0xA0] =	vst v12;
	v12 =	vmul.f32 v14, v17;
	v17 =	vadd.f32 v29, v19;
	v19 =	vld [tilespmem:s9+$0x0]  }
0x280: {  	(erf) = vpow2.f32 v10;
	v16 =	vmul.f32 $1.442695020e+00, v16;
	[tilespmem:s31+$0xA0] =	vst v13;
	v13 =	vld [tilespmem:s31+$0xB0]  }
0x281: {  	[tilespmem:s5+$0xFFFFFF60] =	vst v9;
	v18 =	vmul.f32 v15, v18;
	v30 =	vpop (erf);
	v12 =	vmul.f32 $1.442695020e+00, v12;
	v9 =	vmax.f32 v17, $0.0e+00;
	v10 =	vld [tilespmem:s22+$0xB0]  }
0x282: {  	[tilespmem:s0+$0xFFFFFF60] =	vst v4;
	v17 =	vmul.f32 v30, v5;
	v4 =	vadd.f32 $1.000000010e-07, v9  }
0x283: {  	[tilespmem:s5+$0xFFFFFFB0] =	vst v30;
	v9 =	vmul.f32 $1.442695020e+00, v18;
	(erf) = vpow2.f32 v12  }
0x284: {  	[tilespmem:s0+$0xFFFFFFB0] =	vst v17;
	v17 =	vld [tilespmem:s0+$0xFFFFFFC0];
	(erf) = vpow2.f32 v16;
	v11 =	vmul.f32 v4, v11  }
0x285: {  	[tilespmem:s25+$0x70] =	vst v6;
	v3 =	vmul.f32 v6, v3;
	v12 =	vadd.f32 v19, v24;
	(erf) = vpow2.f32 v9;
	v9 =	vld [tilespmem:$0x7940];
	v16 =	vpop (erf)  }
0x286: {  	v11 =	vmul.f32 $1.442695020e+00, v11;
	v8 =	vmul.f32 v16, v8;
	[tilespmem:s10+$0xFFFFFF80] =	vst v16;
	v10 =	vadd.f32 v10, v13;
	v13 =	vld [tilespmem:$0x7970]  }
0x287: {  	[tilespmem:s23+$0x70] =	vst v3;
	v6 =	vmax.f32 v12, $0.0e+00;
	v3 =	vld [tilespmem:s1+$0xFFFFFF90]  }
0x288: {  	v12 =	vadd.f32 $1.000000010e-07, v6;
	(erf) = vpow2.f32 v11;
	v11 =	vld [tilespmem:s9+$0xFFFFFFC0];
	[tilespmem:s1+$0xFFFFFF80] =	vst v8;
	v6 =	vmax.f32 v10, $0.0e+00  }
0x289: {  	v2 =	vmul.f32 v28, v2;
	v16 =	vld [tilespmem:s2+$0xFFFFFF90];
	v8 =	vadd.f32 $1.000000010e-07, v6  }
0x28a: {  	[tilespmem:s19+$0xFFFFFFF0] =	vst v28;
	v6 =	vmul.f32 v12, v9  }
0x28b: {  	[tilespmem:s31+$0xFFFFFFF0] =	vst v2;
	v10 =	vpop (erf);
	v2 =	vmul.f32 v8, v13  }
0x28c: {  	v31 =	vld [tilespmem:s26+$0x80];
	v18 =	vpop (erf);
	v19 =	vmul.f32 $1.442695020e+00, v6  }
0x28d: {  	v13 =	vld [tilespmem:s14+$0x80];
	v32 =	vpop (erf);
	v14 =	vmul.f32 v18, v14;
	v11 =	vadd.f32 v11, v17;
	v2 =	vmul.f32 $1.442695020e+00, v2  }
0x28e: {  	[tilespmem:s25+$0xE0] =	vst v18;
	v33 =	vpop (erf);
	(erf) = vpow2.f32 v19;
	v3 =	vadd.f32 v16, v3  }
0x28f: {  	v15 =	vmul.f32 v33, v15;
	[tilespmem:s23+$0xE0] =	vst v14;
	v14 =	vld [tilespmem:$0x7950];
	(erf) = vpow2.f32 v2;
	v2 =	vmax.f32 v11, $0.0e+00  }
0x290: {  	v5 =	vld [tilespmem:s9+$0xFFFFFF70];
	[tilespmem:s30+$0x30] =	vst v33;
	v2 =	vadd.f32 $1.000000010e-07, v2  }
0x291: {  	v6 =	vld [tilespmem:s0+$0xFFFFFF70];
	v3 =	vmax.f32 v3, $0.0e+00;
	[tilespmem:s14+$0x30] =	vst v15  }
0x292: {  	[tilespmem:s19+$0x60] =	vst v10;
	v13 =	vadd.f32 v31, v13;
	v3 =	vadd.f32 $1.000000010e-07, v3;
	v16 =	vld [tilespmem:$0x7940];
	v9 =	vmul.f32 v2, v9  }
0x293: {  	v1 =	vmul.f32 v23, v1;
	v18 =	vld [tilespmem:s31+$0x70]  }
0x294: {  	[tilespmem:s30+$0xFFFFFF70] =	vst v23;
	v11 =	vld [tilespmem:s23+$0xF0];
	v15 =	vpop (erf);
	v13 =	vmax.f32 v13, $0.0e+00;
	v14 =	vmul.f32 v3, v14;
	v9 =	vmul.f32 $1.442695020e+00, v9  }
0x295: {  	[tilespmem:s14+$0xFFFFFF70] =	vst v1;
	v7 =	vmul.f32 v32, v7;
	v17 =	vld [tilespmem:s14+$0x40];
	v1 =	vmul.f32 v15, v4;
	v13 =	vadd.f32 $1.000000010e-07, v13  }
0x296: {  	[tilespmem:s30+$0xFFFFFFE0] =	vst v32;
	v4 =	vld [tilespmem:s17+$0xF0];
	v14 =	vmul.f32 $1.442695020e+00, v14;
	(erf) = vpow2.f32 v9  }
0x297: {  	[tilespmem:s10+$0xFFFFFF40] =	vst v15;
	v15 =	vld [tilespmem:$0x7970];
	v19 =	vmul.f32 v13, v16  }
0x298: {  	v10 =	vmul.f32 v10, v20;
	[tilespmem:s14+$0xFFFFFFE0] =	vst v7;
	v7 =	vld [tilespmem:s1+$0xFFFFFF50]  }
0x299: {  	[tilespmem:s1+$0xFFFFFF40] =	vst v1;
	v1 =	vld [tilespmem:s26+$0x40];
	v9 =	vpop (erf);
	v19 =	vmul.f32 $1.442695020e+00, v19  }
0x29a: {  	[tilespmem:s31+$0x60] =	vst v10;
	v10 =	vld [tilespmem:s2+$0xFFFFFF50];
	(erf) = vpow2.f32 v14;
	v14 =	vpop (erf)  }
0x29b: {  	v20 =	vld [tilespmem:$0x7950];
	[tilespmem:s5+$0x0] =	vst v9;
	(erf) = vpow2.f32 v19;
	v8 =	vmul.f32 v14, v8  }
0x29c: {  	v4 =	vadd.f32 v4, v11;
	v9 =	vmul.f32 v9, v12;
	v34 =	vld [tilespmem:s0+$0x10];
	[tilespmem:s19+$0xB0] =	vst v14  }
0x29d: {  	[tilespmem:s31+$0xB0] =	vst v8;
	v8 =	vld [tilespmem:s31+$0xC0]  }
0x29e: {  	v4 =	vmax.f32 v4, $0.0e+00;
	[tilespmem:s0+$0x0] =	vst v9;
	v9 =	vld [tilespmem:s22+$0xC0]  }
0x29f: {  	v11 =	vadd.f32 v1, v17;
	v1 =	vadd.f32 $1.000000010e-07, v4;
	v4 =	vld [tilespmem:s9+$0x10];
	v12 =	vpop (erf)  }
0x2a0: {  	v2 =	vmul.f32 v12, v2;
	_ =	sdelay $0x1  }
0x2a1: {  	v7 =	vadd.f32 v10, v7;
	v10 =	vld [tilespmem:s22+$0x70]  }
0x2a2: {  	v11 =	vmax.f32 v11, $0.0e+00;
	v17 =	vld [tilespmem:$0x7940];
	[tilespmem:s5+$0xFFFFFFC0] =	vst v12;
	v12 =	vpop (erf)  }
0x2a3: {  	v11 =	vadd.f32 $1.000000010e-07, v11;
	v19 =	vld [tilespmem:$0x7950];
	[tilespmem:s0+$0xFFFFFFC0] =	vst v2;
	v2 =	vpop (erf)  }
0x2a4: {  	v15 =	vmul.f32 v1, v15;
	v7 =	vmax.f32 v7, $0.0e+00;
	v14 =	vld [tilespmem:s0+$0xFFFFFFD0];
	[tilespmem:s10+$0xFFFFFF90] =	vst v12;
	v13 =	vmul.f32 v2, v13  }
0x2a5: {  	v7 =	vadd.f32 $1.000000010e-07, v7;
	v16 =	vmul.f32 v11, v16;
	v8 =	vadd.f32 v9, v8;
	v9 =	vld [tilespmem:s9+$0xFFFFFFD0];
	[tilespmem:s30+$0x80] =	vst v2  }
0x2a6: {  	v15 =	vmul.f32 $1.442695020e+00, v15;
	v4 =	vadd.f32 v4, v34;
	v3 =	vmul.f32 v12, v3;
	v12 =	vld [tilespmem:s14+$0x90];
	[tilespmem:s14+$0x80] =	vst v13  }
0x2a7: {  	v8 =	vmax.f32 v8, $0.0e+00;
	v2 =	vmul.f32 $1.442695020e+00, v16;
	v16 =	vmul.f32 v7, v20;
	v13 =	vld [tilespmem:s26+$0x90]  }
0x2a8: {  	(erf) = vpow2.f32 v15;
	v4 =	vmax.f32 v4, $0.0e+00;
	v8 =	vadd.f32 $1.000000010e-07, v8  }
0x2a9: {  	[tilespmem:s1+$0xFFFFFF90] =	vst v3;
	v20 =	vld [tilespmem:s1+$0xFFFFFFA0];
	v4 =	vadd.f32 $1.000000010e-07, v4;
	(erf) = vpow2.f32 v2;
	v2 =	vmul.f32 $1.442695020e+00, v16  }
0x2aa: {  	v15 =	vld [tilespmem:s2+$0xFFFFFFA0];
	v3 =	vmul.f32 v8, v17;
	v9 =	vadd.f32 v9, v14  }
0x2ab: {  	v14 =	vmul.f32 v4, v19;
	(erf) = vpow2.f32 v2;
	v2 =	vadd.f32 v10, v18;
	v10 =	vld [tilespmem:$0x7950]  }
0x2ac: {  	v16 =	vld [tilespmem:$0x7970];
	v3 =	vmul.f32 $1.442695020e+00, v3;
	v12 =	vadd.f32 v13, v12  }
0x2ad: {  	v9 =	vmax.f32 v9, $0.0e+00;
	v14 =	vmul.f32 $1.442695020e+00, v14;
	v2 =	vmax.f32 v2, $0.0e+00;
	v13 =	vld [tilespmem:$0x7950]  }
0x2ae: {  	(erf) = vpow2.f32 v3;
	v9 =	vadd.f32 $1.000000010e-07, v9;
	v3 =	vmax.f32 v12, $0.0e+00  }
0x2af: {  	v2 =	vadd.f32 $1.000000010e-07, v2;
	(erf) = vpow2.f32 v14  }
0x2b0: {  	v10 =	vmul.f32 v9, v10;
	v12 =	vadd.f32 $1.000000010e-07, v3  }
0x2b1: {  	v14 =	vadd.f32 v15, v20;
	v15 =	vld [tilespmem:$0x7960];
	v16 =	vmul.f32 v2, v16;
	v3 =	vpop (erf)  }
0x2b2: {  	v10 =	vmul.f32 $1.442695020e+00, v10;
	v13 =	vmul.f32 v12, v13;
	v17 =	vpop (erf)  }
0x2b3: {  	v14 =	vmax.f32 v14, $0.0e+00;
	v16 =	vmul.f32 $1.442695020e+00, v16;
	v11 =	vmul.f32 v17, v11  }
0x2b4: {  	v20 =	vld [tilespmem:s14+$0xFFFFFFF0];
	v14 =	vadd.f32 $1.000000010e-07, v14;
	(erf) = vpow2.f32 v10;
	[tilespmem:s30+$0x40] =	vst v17;
	v17 =	vpop (erf);
	v10 =	vmul.f32 $1.442695020e+00, v13  }
0x2b5: {  	(erf) = vpow2.f32 v16;
	v13 =	vld [tilespmem:s14+$0x50];
	v7 =	vmul.f32 v17, v7;
	[tilespmem:s14+$0x40] =	vst v11  }
0x2b6: {  	[tilespmem:s10+$0xFFFFFF50] =	vst v17;
	v11 =	vmul.f32 v14, v15;
	(erf) = vpow2.f32 v10;
	v10 =	vld [tilespmem:s26+$0x50]  }
0x2b7: {  	v15 =	vpop (erf);
	[tilespmem:s1+$0xFFFFFF50] =	vst v7;
	v7 =	vld [tilespmem:$0x7950]  }
0x2b8: {  	v8 =	vmul.f32 v15, v8;
	v18 =	vpop (erf);
	[tilespmem:s19+$0xC0] =	vst v15;
	v15 =	vld [tilespmem:s1+$0xFFFFFF60];
	v11 =	vmul.f32 $1.442695020e+00, v11  }
0x2b9: {  	v17 =	vld [tilespmem:s2+$0xFFFFFF60];
	v4 =	vmul.f32 v18, v4;
	[tilespmem:s5+$0x10] =	vst v18  }
0x2ba: {  	[tilespmem:s31+$0xC0] =	vst v8;
	v8 =	vld [tilespmem:s31+$0xD0];
	(erf) = vpow2.f32 v11  }
0x2bb: {  	v11 =	vld [tilespmem:s22+$0xD0];
	[tilespmem:s0+$0x10] =	vst v4  }
0x2bc: {  	v19 =	vld [tilespmem:s9+$0x20];
	v10 =	vadd.f32 v10, v13  }
0x2bd: {  	v18 =	vpop (erf);
	v13 =	vld [tilespmem:s0+$0x20]  }
0x2be: {  	v16 =	vld [tilespmem:s26+$0xFFFFFFF0];
	v4 =	vpop (erf);
	v15 =	vadd.f32 v17, v15;
	v10 =	vmax.f32 v10, $0.0e+00  }
0x2bf: {  	v17 =	vld [tilespmem:$0x7960];
	v35 =	vpop (erf);
	v10 =	vadd.f32 $1.000000010e-07, v10  }
0x2c0: {  	v8 =	vadd.f32 v11, v8;
	v11 =	vld [tilespmem:$0x7950];
	v15 =	vmax.f32 v15, $0.0e+00;
	v12 =	vmul.f32 v35, v12  }
0x2c1: {  	v36 =	vld [tilespmem:$0x7960];
	[tilespmem:s30+$0x90] =	vst v35;
	v7 =	vmul.f32 v10, v7  }
0x2c2: {  	v13 =	vadd.f32 v19, v13;
	v8 =	vmax.f32 v8, $0.0e+00;
	v19 =	vld [tilespmem:s14+$0xA0];
	[tilespmem:s14+$0x90] =	vst v12;
	v12 =	vadd.f32 $1.000000010e-07, v15  }
0x2c3: {  	v5 =	vadd.f32 v5, v6;
	v8 =	vadd.f32 $1.000000010e-07, v8;
	v15 =	vpop (erf);
	v37 =	vld [tilespmem:s26+$0xA0];
	v7 =	vmul.f32 $1.442695020e+00, v7  }
0x2c4: {  	v38 =	vld [tilespmem:$0x7970];
	v13 =	vmax.f32 v13, $0.0e+00;
	v14 =	vmul.f32 v15, v14;
	v17 =	vmul.f32 v12, v17  }
0x2c5: {  	[tilespmem:s10+$0xFFFFFFA0] =	vst v15;
	v15 =	vld [tilespmem:$0x7970];
	v39 =	vadd.f32 $1.000000010e-07, v13;
	v6 =	vmul.f32 v8, v11;
	v11 =	vadd.f32 v16, v20  }
0x2c6: {  	(erf) = vpow2.f32 v7;
	v13 =	vld [tilespmem:s1+$0xFFFFFFB0];
	v7 =	vmul.f32 $1.442695020e+00, v17  }
0x2c7: {  	[tilespmem:s1+$0xFFFFFFA0] =	vst v14;
	v14 =	vmax.f32 v5, $0.0e+00;
	v16 =	vmul.f32 v39, v36;
	v5 =	vmax.f32 v11, $0.0e+00;
	v11 =	vld [tilespmem:$0x7960]  }
0x2c8: {  	v6 =	vmul.f32 $1.442695020e+00, v6;
	v17 =	vld [tilespmem:s2+$0xFFFFFFB0];
	(erf) = vpow2.f32 v7;
	v7 =	vadd.f32 v37, v19  }
0x2c9: {  	v5 =	vadd.f32 $1.000000010e-07, v5;
	v16 =	vmul.f32 $1.442695020e+00, v16  }
0x2ca: {  	(erf) = vpow2.f32 v6;
	v6 =	vadd.f32 $1.000000010e-07, v14;
	v7 =	vmax.f32 v7, $0.0e+00  }
0x2cb: {  	v14 =	vmul.f32 v5, v38;
	(erf) = vpow2.f32 v16;
	v16 =	vadd.f32 $1.000000010e-07, v7  }
0x2cc: {  	v7 =	vmul.f32 v6, v15  }
0x2cd: {  	v14 =	vmul.f32 $1.442695020e+00, v14;
	v13 =	vadd.f32 v17, v13;
	v11 =	vmul.f32 v16, v11  }
0x2ce: {  	v9 =	vmul.f32 v18, v9;
	v15 =	vld [tilespmem:$0x7970];
	v7 =	vmul.f32 $1.442695020e+00, v7  }
0x2cf: {  	[tilespmem:s5+$0xFFFFFFD0] =	vst v18;
	(erf) = vpow2.f32 v14;
	v13 =	vmax.f32 v13, $0.0e+00;
	v11 =	vmul.f32 $1.442695020e+00, v11  }
0x2d0: {  	[tilespmem:s0+$0xFFFFFFD0] =	vst v9;
	v17 =	vpop (erf);
	(erf) = vpow2.f32 v7  }
0x2d1: {  	v41 =	vld [tilespmem:$0x7960];
	v9 =	vmul.f32 v17, v10;
	v10 =	vadd.f32 $1.000000010e-07, v13;
	(erf) = vpow2.f32 v11  }
0x2d2: {  	v14 =	vld [tilespmem:s9+$0xFFFFFFE0];
	[tilespmem:s30+$0x50] =	vst v17;
	v13 =	vpop (erf)  }
0x2d3: {  	v11 =	vld [tilespmem:s0+$0xFFFFFFE0];
	[tilespmem:s14+$0x50] =	vst v9;
	v9 =	vmul.f32 v10, v15;
	v7 =	vpop (erf)  }
0x2d4: {  	v15 =	vld [tilespmem:s14+$0x60];
	v8 =	vmul.f32 v7, v8  }
0x2d5: {  	v17 =	vld [tilespmem:s26+$0x60];
	[tilespmem:s19+$0xD0] =	vst v7;
	v7 =	vmul.f32 $1.442695020e+00, v9  }
0x2d6: {  	v18 =	vpop (erf);
	v9 =	vld [tilespmem:$0x7960]  }
0x2d7: {  	v19 =	vmul.f32 v18, v39;
	v20 =	vld [tilespmem:s31+$0xE0];
	[tilespmem:s31+$0xD0] =	vst v8;
	(erf) = vpow2.f32 v7  }
0x2d8: {  	[tilespmem:s5+$0x20] =	vst v18;
	v18 =	vld [tilespmem:s22+$0xE0];
	v8 =	vpop (erf)  }
0x2d9: {  	[tilespmem:s0+$0x20] =	vst v19;
	v19 =	vld [tilespmem:s0+$0x30];
	v7 =	vpop (erf)  }
0x2da: {  	v40 =	vld [tilespmem:s9+$0x30];
	v42 =	vpop (erf)  }
0x2db: {  	v43 =	vld [tilespmem:$0x7960];
	v11 =	vadd.f32 v14, v11;
	v14 =	vadd.f32 v17, v15;
	v16 =	vmul.f32 v42, v16  }
0x2dc: {  	v15 =	vld [tilespmem:s1+$0x0];
	[tilespmem:s30+$0xA0] =	vst v42  }
0x2dd: {  	v17 =	vld [tilespmem:s2+$0x0];
	[tilespmem:s14+$0xA0] =	vst v16;
	v16 =	vmax.f32 v14, $0.0e+00  }
0x2de: {  	v44 =	vld [tilespmem:$0x7970];
	v18 =	vadd.f32 v18, v20  }
0x2df: {  	v11 =	vmax.f32 v11, $0.0e+00;
	v20 =	vld [tilespmem:s14+$0xB0];
	v19 =	vadd.f32 v40, v19  }
0x2e0: {  	v14 =	vadd.f32 $1.000000010e-07, v11;
	v18 =	vmax.f32 v18, $0.0e+00;
	v11 =	vadd.f32 $1.000000010e-07, v16;
	v23 =	vld [tilespmem:s26+$0xB0];
	v16 =	vpop (erf)  }
0x2e1: {  	v18 =	vadd.f32 $1.000000010e-07, v18;
	v10 =	vmul.f32 v16, v10  }
0x2e2: {  	v15 =	vadd.f32 v17, v15;
	v19 =	vmax.f32 v19, $0.0e+00;
	v9 =	vmul.f32 v11, v9;
	[tilespmem:s10+$0xFFFFFFB0] =	vst v16  }
0x2e3: {  	[tilespmem:s1+$0xFFFFFFB0] =	vst v10;
	v10 =	vadd.f32 $1.000000010e-07, v19;
	v19 =	vmul.f32 v18, v43  }
0x2e4: {  	v15 =	vmax.f32 v15, $0.0e+00;
	v16 =	vmul.f32 v14, v41;
	v9 =	vmul.f32 $1.442695020e+00, v9  }
0x2e5: {  	v17 =	vadd.f32 v23, v20;
	v45 =	vld [tilespmem:$0x7940];
	v21 =	vmul.f32 v10, v44;
	v19 =	vmul.f32 $1.442695020e+00, v19  }
0x2e6: {  	v16 =	vmul.f32 $1.442695020e+00, v16;
	v20 =	vld [tilespmem:$0x7970];
	(erf) = vpow2.f32 v9;
	v9 =	vadd.f32 $1.000000010e-07, v15  }
0x2e7: {  	v15 =	vmax.f32 v17, $0.0e+00;
	v17 =	vmul.f32 $1.442695020e+00, v21;
	(erf) = vpow2.f32 v19  }
0x2e8: {  	(erf) = vpow2.f32 v16  }
0x2e9: {  	v19 =	vadd.f32 $1.000000010e-07, v15;
	(erf) = vpow2.f32 v17  }
0x2ea: {  	v15 =	vmul.f32 v9, v45  }
0x2eb: {  	v16 =	vmul.f32 v19, v20  }
0x2ec: {  	v15 =	vmul.f32 $1.442695020e+00, v15  }
0x2ed: {  	v16 =	vmul.f32 $1.442695020e+00, v16  }
0x2ee: {  	(erf) = vpow2.f32 v15  }
0x2ef: {  	v17 =	vpop (erf);
	(erf) = vpow2.f32 v16  }
0x2f0: {  	v46 =	vpop (erf)  }
0x2f1: {  	v20 =	vld [tilespmem:s2+$0xFFFFFFC0];
	v15 =	vpop (erf)  }
0x2f2: {  	v16 =	vld [tilespmem:s1+$0xFFFFFFC0];
	v48 =	vpop (erf)  }
0x2f3: {  	v18 =	vmul.f32 v46, v18;
	v10 =	vmul.f32 v48, v10  }
0x2f4: {  	v47 =	vld [tilespmem:s0+$0x80];
	[tilespmem:s19+$0xE0] =	vst v46  }
0x2f5: {  	v49 =	vld [tilespmem:s9+$0x80];
	[tilespmem:s31+$0xE0] =	vst v18  }
0x2f6: {  	v18 =	vld [tilespmem:s31+$0xF0];
	[tilespmem:s5+$0x30] =	vst v48  }
0x2f7: {  	v16 =	vadd.f32 v20, v16;
	v20 =	vld [tilespmem:s22+$0xF0];
	[tilespmem:s0+$0x30] =	vst v10;
	v10 =	vpop (erf)  }
0x2f8: {  	v24 =	vld [tilespmem:s0+$0x40];
	v25 =	vpop (erf)  }
0x2f9: {  	v16 =	vmax.f32 v16, $0.0e+00;
	v50 =	vld [tilespmem:s9+$0x40];
	[tilespmem:s10+$0x0] =	vst v10;
	v19 =	vmul.f32 v25, v19  }
0x2fa: {  	v21 =	vadd.f32 v49, v47;
	v26 =	vld [tilespmem:$0x7940];
	v16 =	vadd.f32 $1.000000010e-07, v16;
	[tilespmem:s30+$0xB0] =	vst v25  }
0x2fb: {  	v9 =	vmul.f32 v10, v9;
	v10 =	vld [tilespmem:s14+$0xC0];
	[tilespmem:s14+$0xB0] =	vst v19  }
0x2fc: {  	v21 =	vmax.f32 v21, $0.0e+00;
	v19 =	vmul.f32 v16, v45;
	v52 =	vld [tilespmem:s26+$0xC0]  }
0x2fd: {  	v21 =	vadd.f32 $1.000000010e-07, v21;
	v18 =	vadd.f32 v20, v18;
	v20 =	vld [tilespmem:$0x7970]  }
0x2fe: {  	v51 =	vld [tilespmem:s1+$0x10];
	[tilespmem:s1+$0x0] =	vst v9;
	v23 =	vadd.f32 v50, v24;
	v19 =	vmul.f32 $1.442695020e+00, v19  }
0x2ff: {  	v27 =	vmul.f32 v21, v26;
	v53 =	vld [tilespmem:s2+$0x10];
	v9 =	vmax.f32 v18, $0.0e+00  }
0x300: {  	v9 =	vadd.f32 $1.000000010e-07, v9;
	(erf) = vpow2.f32 v19;
	v19 =	vmax.f32 v23, $0.0e+00  }
0x301: {  	v54 =	vld [tilespmem:$0x7940];
	v18 =	vmul.f32 $1.442695020e+00, v27;
	v19 =	vadd.f32 $1.000000010e-07, v19;
	v10 =	vadd.f32 v52, v10  }
0x302: {  	v20 =	vmul.f32 v9, v20  }
0x303: {  	(erf) = vpow2.f32 v18;
	v18 =	vmul.f32 v19, v26;
	v10 =	vmax.f32 v10, $0.0e+00  }
0x304: {  	v56 =	vld [tilespmem:$0x7950];
	v55 =	vadd.f32 v53, v51;
	v20 =	vmul.f32 $1.442695020e+00, v20;
	v57 =	vadd.f32 $1.000000010e-07, v10  }
0x305: {  	v10 =	vmul.f32 $1.442695020e+00, v18  }
0x306: {  	(erf) = vpow2.f32 v20;
	v18 =	vmax.f32 v55, $0.0e+00;
	v20 =	vmul.f32 v57, v54  }
0x307: {  	v11 =	vmul.f32 v17, v11;
	v18 =	vadd.f32 $1.000000010e-07, v18  }
0x308: {  	(erf) = vpow2.f32 v10;
	v20 =	vmul.f32 $1.442695020e+00, v20  }
0x309: {  	[tilespmem:s30+$0x60] =	vst v17;
	v58 =	vmul.f32 v18, v56;
	v10 =	vpop (erf)  }
0x30a: {  	[tilespmem:s14+$0x60] =	vst v11;
	v16 =	vmul.f32 v10, v16  }
0x30b: {  	v17 =	vld [tilespmem:s14+$0x70];
	[tilespmem:s10+$0xFFFFFFC0] =	vst v10;
	v10 =	vmul.f32 $1.442695020e+00, v58;
	(erf) = vpow2.f32 v20  }
0x30c: {  	v59 =	vld [tilespmem:s26+$0x70];
	v20 =	vpop (erf)  }
0x30d: {  	v11 =	vld [tilespmem:s1+$0xFFFFFFD0];
	[tilespmem:s1+$0xFFFFFFC0] =	vst v16;
	(erf) = vpow2.f32 v10;
	v16 =	vmul.f32 v20, v21  }
0x30e: {  	[tilespmem:s5+$0x80] =	vst v20;
	v20 =	vld [tilespmem:s2+$0xFFFFFFD0]  }
0x30f: {  	[tilespmem:s0+$0x80] =	vst v16;
	v16 =	vld [tilespmem:s0+$0x90]  }
0x310: {  	v10 =	vpop (erf);
	v60 =	vld [tilespmem:s9+$0x90]  }
0x311: {  	v63 =	vld [tilespmem:$0x7970];
	v62 =	vpop (erf)  }
0x312: {  	v61 =	vld [tilespmem:$0x7950];
	[tilespmem:s5+$0x40] =	vst v62;
	v19 =	vmul.f32 v62, v19  }
0x313: {  	v11 =	vadd.f32 v20, v11;
	v20 =	vld [tilespmem:s0+$0x50]  }
0x314: {  	v17 =	vadd.f32 v59, v17;
	[tilespmem:s0+$0x40] =	vst v19;
	v19 =	vld [tilespmem:$0x7950];
	v29 =	vpop (erf)  }
0x315: {  	v31 =	vld [tilespmem:s9+$0x50];
	v30 =	vmul.f32 v29, v57;
	v11 =	vmax.f32 v11, $0.0e+00;
	v16 =	vadd.f32 v60, v16  }
0x316: {  	v17 =	vmax.f32 v17, $0.0e+00;
	[tilespmem:s30+$0xC0] =	vst v29;
	v32 =	vpop (erf);
	v33 =	vadd.f32 $1.000000010e-07, v11  }
0x317: {  	v11 =	vadd.f32 $1.000000010e-07, v17;
	v17 =	vld [tilespmem:s14+$0xD0];
	v18 =	vmul.f32 v32, v18;
	[tilespmem:s14+$0xC0] =	vst v30;
	v16 =	vmax.f32 v16, $0.0e+00  }
0x318: {  	[tilespmem:s10+$0x10] =	vst v32;
	v35 =	vmul.f32 v33, v61;
	v36 =	vld [tilespmem:s26+$0xD0];
	v16 =	vadd.f32 $1.000000010e-07, v16  }
0x319: {  	v34 =	vld [tilespmem:$0x7950];
	[tilespmem:s1+$0x10] =	vst v18;
	v18 =	vmul.f32 v11, v63  }
0x31a: {  	v37 =	vld [tilespmem:s1+$0x20];
	v20 =	vadd.f32 v31, v20;
	v21 =	vmul.f32 $1.442695020e+00, v35;
	v19 =	vmul.f32 v16, v19  }
0x31b: {  	v38 =	vld [tilespmem:s2+$0x20];
	v18 =	vmul.f32 $1.442695020e+00, v18  }
0x31c: {  	v20 =	vmax.f32 v20, $0.0e+00;
	(erf) = vpow2.f32 v21;
	v19 =	vmul.f32 $1.442695020e+00, v19  }
0x31d: {  	(erf) = vpow2.f32 v18;
	v18 =	vadd.f32 $1.000000010e-07, v20;
	v17 =	vadd.f32 v36, v17;
	v20 =	vld [tilespmem:$0x7950];
	_ =	sdelay $0x1  }
0x31e: {  	(erf) = vpow2.f32 v19;
	v17 =	vmax.f32 v17, $0.0e+00  }
0x31f: {  	v40 =	vld [tilespmem:$0x7960];
	v19 =	vmul.f32 v18, v34;
	v39 =	vadd.f32 v38, v37;
	v17 =	vadd.f32 $1.000000010e-07, v17;
	_ =	sdelay $0x1  }
0x320: {  	v19 =	vmul.f32 $1.442695020e+00, v19;
	v21 =	vmax.f32 v39, $0.0e+00;
	v20 =	vmul.f32 v17, v20  }
0x321: {  	v12 =	vmul.f32 v13, v12;
	v21 =	vadd.f32 $1.000000010e-07, v21  }
0x322: {  	[tilespmem:s10+$0xFFFFFF60] =	vst v13;
	v14 =	vmul.f32 v15, v14;
	(erf) = vpow2.f32 v19  }
0x323: {  	[tilespmem:s1+$0xFFFFFF60] =	vst v12;
	v13 =	vmul.f32 v21, v40;
	v19 =	vmul.f32 $1.442695020e+00, v20  }
0x324: {  	v41 =	vld [tilespmem:s2+$0xFFFFFF70];
	v20 =	vpop (erf)  }
0x325: {  	v43 =	vld [tilespmem:$0x7970];
	[tilespmem:s5+$0xFFFFFFE0] =	vst v15;
	v13 =	vmul.f32 $1.442695020e+00, v13;
	(erf) = vpow2.f32 v19;
	v12 =	vpop (erf)  }
0x326: {  	v15 =	vld [tilespmem:s1+$0xFFFFFF70];
	[tilespmem:s0+$0xFFFFFFE0] =	vst v14;
	v14 =	vpop (erf)  }
0x327: {  	v19 =	vld [tilespmem:s9+$0xFFFFFFF0];
	(erf) = vpow2.f32 v13;
	v16 =	vmul.f32 v14, v16  }
0x328: {  	v13 =	vld [tilespmem:s0+$0xFFFFFFF0];
	[tilespmem:s5+$0x90] =	vst v14;
	v14 =	vmul.f32 v20, v33  }
0x329: {  	[tilespmem:s0+$0x90] =	vst v16;
	v16 =	vld [tilespmem:s0+$0xA0]  }
0x32a: {  	[tilespmem:s10+$0xFFFFFFD0] =	vst v20;
	v20 =	vld [tilespmem:s9+$0xA0]  }
0x32b: {  	v42 =	vld [tilespmem:$0x7970];
	[tilespmem:s1+$0xFFFFFFD0] =	vst v14  }
0x32c: {  	v44 =	vld [tilespmem:s2+$0xFFFFFFE0];
	v14 =	vpop (erf)  }
0x32d: {  	v45 =	vld [tilespmem:$0x7960];
	v13 =	vadd.f32 v19, v13;
	v18 =	vmul.f32 v14, v18  }
0x32e: {  	v15 =	vadd.f32 v41, v15;
	v19 =	vld [tilespmem:s1+$0xFFFFFFE0];
	[tilespmem:s5+$0x50] =	vst v14;
	v14 =	vpop (erf)  }
0x32f: {  	v13 =	vmax.f32 v13, $0.0e+00;
	[tilespmem:s0+$0x50] =	vst v18;
	v17 =	vmul.f32 v14, v17;
	v18 =	vld [tilespmem:s0+$0x60];
	v16 =	vadd.f32 v20, v16  }
0x330: {  	[tilespmem:s30+$0xD0] =	vst v14;
	v14 =	vmax.f32 v15, $0.0e+00;
	v13 =	vadd.f32 $1.000000010e-07, v13;
	v20 =	vpop (erf);
	v15 =	vld [tilespmem:s9+$0x60]  }
0x331: {  	v14 =	vadd.f32 $1.000000010e-07, v14;
	v21 =	vmul.f32 v20, v21;
	[tilespmem:s14+$0xD0] =	vst v17;
	v17 =	vld [tilespmem:s14+$0xE0];
	v16 =	vmax.f32 v16, $0.0e+00  }
0x332: {  	[tilespmem:s10+$0x20] =	vst v20;
	v20 =	vmul.f32 v13, v42;
	v46 =	vadd.f32 $1.000000010e-07, v16;
	v16 =	vld [tilespmem:s26+$0xE0]  }
0x333: {  	v47 =	vmul.f32 v14, v43;
	v48 =	vld [tilespmem:s1+$0x30];
	[tilespmem:s1+$0x20] =	vst v21  }
0x334: {  	v20 =	vmul.f32 $1.442695020e+00, v20;
	v49 =	vld [tilespmem:s2+$0x30]  }
0x335: {  	v21 =	vmul.f32 $1.442695020e+00, v47  }
0x336: {  	v22 =	vmul.f32 v46, v45;
	(erf) = vpow2.f32 v20;
	v20 =	vld [tilespmem:$0x7960];
	v15 =	vadd.f32 v15, v18  }
0x337: {  	v18 =	vadd.f32 v44, v19;
	v16 =	vadd.f32 v16, v17;
	v17 =	vld [tilespmem:$0x7960]  }
0x338: {  	v19 =	vld [tilespmem:$0x7960];
	(erf) = vpow2.f32 v21;
	v22 =	vmul.f32 $1.442695020e+00, v22;
	v15 =	vmax.f32 v15, $0.0e+00  }
0x339: {  	v50 =	vadd.f32 $1.000000010e-07, v15;
	v15 =	vadd.f32 v49, v48;
	v16 =	vmax.f32 v16, $0.0e+00  }
0x33a: {  	v18 =	vmax.f32 v18, $0.0e+00;
	(erf) = vpow2.f32 v22;
	v52 =	vadd.f32 $1.000000010e-07, v16  }
0x33b: {  	v51 =	vld [tilespmem:$0x7970];
	v53 =	vadd.f32 $1.000000010e-07, v18;
	v16 =	vmul.f32 v50, v20;
	v15 =	vmax.f32 v15, $0.0e+00  }
0x33c: {  	v18 =	vadd.f32 $1.000000010e-07, v15;
	v15 =	vmul.f32 v52, v17  }
0x33d: {  	v16 =	vmul.f32 $1.442695020e+00, v16;
	v17 =	vmul.f32 v53, v19  }
0x33e: {  	v15 =	vmul.f32 $1.442695020e+00, v15  }
0x33f: {  	v17 =	vmul.f32 $1.442695020e+00, v17  }
0x340: {  	v19 =	vmul.f32 v18, v51  }
0x341: {  	(erf) = vpow2.f32 v16;
	v16 =	vpop (erf)  }
0x342: {  	v19 =	vmul.f32 $1.442695020e+00, v19;
	(erf) = vpow2.f32 v15;
	v15 =	vpop (erf)  }
0x343: {  	(erf) = vpow2.f32 v17;
	v17 =	vpop (erf)  }
0x344: {  	(erf) = vpow2.f32 v19;
	v19 =	vmul.f32 v17, v46  }
0x345: {  	[tilespmem:s5+$0xA0] =	vst v17  }
0x346: {  	v17 =	vld [tilespmem:s0+$0xB0];
	[tilespmem:s0+$0xA0] =	vst v19  }
0x347: {  	v19 =	vld [tilespmem:s9+$0xB0];
	_ =	sdelay $0x2  }
0x348: {  	v54 =	vld [tilespmem:s1+$0x80];
	v20 =	vpop (erf)  }
0x349: {  	v56 =	vld [tilespmem:s2+$0x80];
	v55 =	vpop (erf)  }
0x34a: {  	v57 =	vpop (erf);
	v17 =	vadd.f32 v19, v17;
	v19 =	vld [tilespmem:$0x7970]  }
0x34b: {  	v28 =	vpop (erf)  }
0x34c: {  	v18 =	vmul.f32 v28, v18;
	v17 =	vmax.f32 v17, $0.0e+00  }
0x34d: {  	[tilespmem:s10+$0x30] =	vst v28;
	v17 =	vadd.f32 $1.000000010e-07, v17  }
0x34e: {  	[tilespmem:s1+$0x30] =	vst v18  }
0x34f: {  	v22 =	vadd.f32 v56, v54;
	v18 =	vld [tilespmem:$0x7940];
	v19 =	vmul.f32 v17, v19;
	_ =	sdelay $0x1  }
0x350: {  	v22 =	vmax.f32 v22, $0.0e+00;
	v19 =	vmul.f32 $1.442695020e+00, v19  }
0x351: {  	v22 =	vadd.f32 $1.000000010e-07, v22  }
0x352: {  	(erf) = vpow2.f32 v19  }
0x353: {  	v58 =	vmul.f32 v22, v18;
	_ =	sdelay $0x1  }
0x354: {  	v19 =	vmul.f32 $1.442695020e+00, v58;
	_ =	sdelay $0x1  }
0x355: {  	(erf) = vpow2.f32 v19  }
0x356: {  	[tilespmem:s5+$0x60] =	vst v20;
	v20 =	vmul.f32 v20, v50;
	_ =	sdelay $0x1  }
0x357: {  	v59 =	vld [tilespmem:s0+$0x70];
	[tilespmem:s0+$0x60] =	vst v20  }
0x358: {  	v32 =	vld [tilespmem:s9+$0x70];
	v19 =	vmul.f32 v55, v52;
	v61 =	vpop (erf)  }
0x359: {  	[tilespmem:s30+$0xE0] =	vst v55;
	v28 =	vld [tilespmem:s1+$0x40];
	v17 =	vmul.f32 v61, v17  }
0x35a: {  	[tilespmem:s14+$0xE0] =	vst v19;
	v19 =	vld [tilespmem:s14+$0xF0]  }
0x35b: {  	v60 =	vld [tilespmem:s26+$0xF0]  }
0x35c: {  	v62 =	vld [tilespmem:s2+$0x40];
	[tilespmem:s5+$0xB0] =	vst v61  }
0x35d: {  	v63 =	vld [tilespmem:$0x7970];
	[tilespmem:s0+$0xB0] =	vst v17;
	v17 =	vpop (erf)  }
0x35e: {  	v20 =	vld [tilespmem:s0+$0xC0];
	v22 =	vmul.f32 v17, v22  }
0x35f: {  	v29 =	vld [tilespmem:s9+$0xC0];
	[tilespmem:s10+$0x80] =	vst v17  }
0x360: {  	v17 =	vadd.f32 v60, v19;
	v19 =	vld [tilespmem:s1+$0x90];
	[tilespmem:s1+$0x80] =	vst v22  }
0x361: {  	v21 =	vadd.f32 v62, v28;
	v33 =	vld [tilespmem:s2+$0x90]  }
0x362: {  	v17 =	vmax.f32 v17, $0.0e+00  }
0x363: {  	v21 =	vmax.f32 v21, $0.0e+00;
	v17 =	vadd.f32 $1.000000010e-07, v17  }
0x364: {  	v21 =	vadd.f32 $1.000000010e-07, v21;
	v34 =	vld [tilespmem:$0x7940];
	v20 =	vadd.f32 v29, v20  }
0x365: {  	v35 =	vld [tilespmem:$0x7970];
	v22 =	vadd.f32 v32, v59;
	v26 =	vmul.f32 v17, v63  }
0x366: {  	v18 =	vmul.f32 v21, v18;
	v36 =	vld [tilespmem:$0x7950];
	v20 =	vmax.f32 v20, $0.0e+00;
	v19 =	vadd.f32 v33, v19  }
0x367: {  	v22 =	vmax.f32 v22, $0.0e+00;
	v20 =	vadd.f32 $1.000000010e-07, v20;
	v26 =	vmul.f32 $1.442695020e+00, v26  }
0x368: {  	v37 =	vmul.f32 $1.442695020e+00, v18;
	v18 =	vadd.f32 $1.000000010e-07, v22;
	v19 =	vmax.f32 v19, $0.0e+00  }
0x369: {  	v38 =	vmul.f32 v20, v34;
	(erf) = vpow2.f32 v26;
	v39 =	vadd.f32 $1.000000010e-07, v19  }
0x36a: {  	(erf) = vpow2.f32 v37;
	v19 =	vmul.f32 v18, v35  }
0x36b: {  	v22 =	vmul.f32 $1.442695020e+00, v38;
	v40 =	vmul.f32 v39, v36  }
0x36c: {  	v19 =	vmul.f32 $1.442695020e+00, v19  }
0x36d: {  	(erf) = vpow2.f32 v22;
	v41 =	vmul.f32 $1.442695020e+00, v40  }
0x36e: {  	(erf) = vpow2.f32 v19  }
0x36f: {  	(erf) = vpow2.f32 v41;
	_ =	sdelay $0x2  }
0x370: {  	v42 =	vmul.f32 v57, v53;
	v19 =	vpop (erf)  }
0x371: {  	[tilespmem:s10+$0xFFFFFFE0] =	vst v57;
	v43 =	vpop (erf)  }
0x372: {  	v47 =	vld [tilespmem:s1+$0xFFFFFFF0];
	[tilespmem:s1+$0xFFFFFFE0] =	vst v42;
	v21 =	vmul.f32 v43, v21  }
0x373: {  	v44 =	vld [tilespmem:s2+$0xFFFFFFF0];
	[tilespmem:s10+$0x40] =	vst v43  }
0x374: {  	v45 =	vld [tilespmem:s1+$0x50];
	v46 =	vpop (erf);
	[tilespmem:s1+$0x40] =	vst v21  }
0x375: {  	v48 =	vmul.f32 v46, v20;
	v49 =	vld [tilespmem:s2+$0x50];
	v20 =	vpop (erf)  }
0x376: {  	[tilespmem:s5+$0xC0] =	vst v46;
	v51 =	vld [tilespmem:$0x7950];
	v50 =	vpop (erf)  }
0x377: {  	v53 =	vld [tilespmem:s0+$0xD0];
	[tilespmem:s0+$0xC0] =	vst v48;
	v52 =	vmul.f32 v50, v39  }
0x378: {  	v54 =	vld [tilespmem:s9+$0xD0];
	[tilespmem:s10+$0x90] =	vst v50  }
0x379: {  	v55 =	vld [tilespmem:s1+$0xA0];
	[tilespmem:s1+$0x90] =	vst v52  }
0x37a: {  	v22 =	vadd.f32 v49, v45;
	v56 =	vld [tilespmem:s2+$0xA0];
	_ =	sdelay $0x1  }
0x37b: {  	v22 =	vmax.f32 v22, $0.0e+00  }
0x37c: {  	v57 =	vld [tilespmem:$0x7950];
	v24 =	vadd.f32 v54, v53;
	v22 =	vadd.f32 $1.000000010e-07, v22  }
0x37d: {  	v23 =	vadd.f32 v44, v47;
	v58 =	vld [tilespmem:$0x7970]  }
0x37e: {  	v59 =	vld [tilespmem:$0x7960];
	v24 =	vmax.f32 v24, $0.0e+00;
	v28 =	vmul.f32 v22, v51;
	v27 =	vadd.f32 v56, v55  }
0x37f: {  	v60 =	vmax.f32 v23, $0.0e+00;
	v61 =	vadd.f32 $1.000000010e-07, v24  }
0x380: {  	v21 =	vadd.f32 $1.000000010e-07, v60;
	v62 =	vmul.f32 $1.442695020e+00, v28;
	v27 =	vmax.f32 v27, $0.0e+00  }
0x381: {  	v26 =	vmul.f32 v61, v57;
	v27 =	vadd.f32 $1.000000010e-07, v27  }
0x382: {  	v63 =	vmul.f32 v21, v58;
	(erf) = vpow2.f32 v62  }
0x383: {  	v28 =	vmul.f32 $1.442695020e+00, v26;
	v29 =	vmul.f32 v27, v59  }
0x384: {  	v24 =	vmul.f32 $1.442695020e+00, v63  }
0x385: {  	(erf) = vpow2.f32 v28;
	v30 =	vmul.f32 $1.442695020e+00, v29  }
0x386: {  	(erf) = vpow2.f32 v24  }
0x387: {  	(erf) = vpow2.f32 v30;
	_ =	sdelay $0x4  }
0x388: {  	v31 =	vpop (erf)  }
0x389: {  	v22 =	vmul.f32 v31, v22  }
0x38a: {  	[tilespmem:s10+$0x50] =	vst v31;
	v32 =	vpop (erf)  }
0x38b: {  	v34 =	vld [tilespmem:s1+$0x60];
	[tilespmem:s1+$0x50] =	vst v22;
	v23 =	vmul.f32 v32, v61;
	v33 =	vpop (erf)  }
0x38c: {  	[tilespmem:s5+$0xD0] =	vst v32;
	v36 =	vld [tilespmem:s2+$0x60];
	v35 =	vpop (erf)  }
0x38d: {  	v38 =	vld [tilespmem:s0+$0xE0];
	[tilespmem:s0+$0xD0] =	vst v23;
	v37 =	vmul.f32 v35, v27  }
0x38e: {  	v39 =	vld [tilespmem:s9+$0xE0];
	[tilespmem:s10+$0xA0] =	vst v35  }
0x38f: {  	v40 =	vld [tilespmem:s1+$0xB0];
	[tilespmem:s1+$0xA0] =	vst v37  }
0x390: {  	v41 =	vld [tilespmem:s2+$0xB0];
	_ =	sdelay $0x1  }
0x391: {  	v42 =	vld [tilespmem:$0x7960];
	v25 =	vadd.f32 v36, v34  }
0x392: {  	v43 =	vld [tilespmem:$0x7960];
	v24 =	vadd.f32 v39, v38  }
0x393: {  	v25 =	vmax.f32 v25, $0.0e+00  }
0x394: {  	v44 =	vld [tilespmem:$0x7970];
	v25 =	vadd.f32 $1.000000010e-07, v25;
	v24 =	vmax.f32 v24, $0.0e+00;
	v23 =	vadd.f32 v41, v40  }
0x395: {  	v24 =	vadd.f32 $1.000000010e-07, v24  }
0x396: {  	v26 =	vmul.f32 v25, v42;
	v23 =	vmax.f32 v23, $0.0e+00  }
0x397: {  	v27 =	vmul.f32 v24, v43;
	v23 =	vadd.f32 $1.000000010e-07, v23  }
0x398: {  	v26 =	vmul.f32 $1.442695020e+00, v26  }
0x399: {  	v27 =	vmul.f32 $1.442695020e+00, v27;
	v28 =	vmul.f32 v23, v44  }
0x39a: {  	(erf) = vpow2.f32 v26  }
0x39b: {  	(erf) = vpow2.f32 v27;
	v45 =	vmul.f32 $1.442695020e+00, v28;
	_ =	sdelay $0x1  }
0x39c: {  	(erf) = vpow2.f32 v45;
	_ =	sdelay $0x5  }
0x39d: {  	v46 =	vpop (erf)  }
0x39e: {  	v27 =	vpop (erf)  }
0x39f: {  	v24 =	vmul.f32 v27, v24  }
0x3a0: {  	[tilespmem:s5+$0xE0] =	vst v27;
	v47 =	vpop (erf)  }
0x3a1: {  	v48 =	vld [tilespmem:s0+$0xF0];
	[tilespmem:s0+$0xE0] =	vst v24;
	v23 =	vmul.f32 v47, v23  }
0x3a2: {  	v49 =	vld [tilespmem:s9+$0xF0];
	[tilespmem:s10+$0xB0] =	vst v47  }
0x3a3: {  	v50 =	vld [tilespmem:s1+$0xC0];
	[tilespmem:s1+$0xB0] =	vst v23  }
0x3a4: {  	v51 =	vld [tilespmem:s2+$0xC0];
	_ =	sdelay $0x3  }
0x3a5: {  	v52 =	vld [tilespmem:$0x7970];
	v24 =	vadd.f32 v49, v48  }
0x3a6: {  	v53 =	vld [tilespmem:$0x7940];
	v23 =	vadd.f32 v51, v50  }
0x3a7: {  	v24 =	vmax.f32 v24, $0.0e+00  }
0x3a8: {  	v24 =	vadd.f32 $1.000000010e-07, v24;
	v23 =	vmax.f32 v23, $0.0e+00  }
0x3a9: {  	v23 =	vadd.f32 $1.000000010e-07, v23  }
0x3aa: {  	v27 =	vmul.f32 v24, v52  }
0x3ab: {  	v28 =	vmul.f32 v23, v53  }
0x3ac: {  	v27 =	vmul.f32 $1.442695020e+00, v27  }
0x3ad: {  	v28 =	vmul.f32 $1.442695020e+00, v28  }
0x3ae: {  	(erf) = vpow2.f32 v27  }
0x3af: {  	(erf) = vpow2.f32 v28;
	_ =	sdelay $0x7  }
0x3b0: {  	v25 =	vmul.f32 v46, v25;
	v54 =	vpop (erf)  }
0x3b1: {  	[tilespmem:s10+$0x60] =	vst v46;
	v28 =	vpop (erf)  }
0x3b2: {  	v55 =	vld [tilespmem:s1+$0x70];
	[tilespmem:s1+$0x60] =	vst v25;
	v23 =	vmul.f32 v28, v23  }
0x3b3: {  	v25 =	vld [tilespmem:s2+$0x70];
	[tilespmem:s10+$0xC0] =	vst v28  }
0x3b4: {  	v56 =	vld [tilespmem:s1+$0xD0];
	[tilespmem:s1+$0xC0] =	vst v23  }
0x3b5: {  	v28 =	vld [tilespmem:s2+$0xD0];
	_ =	sdelay $0x3  }
0x3b6: {  	v57 =	vld [tilespmem:$0x7970];
	v25 =	vadd.f32 v25, v55  }
0x3b7: {  	v58 =	vld [tilespmem:$0x7950];
	v23 =	vadd.f32 v28, v56  }
0x3b8: {  	v25 =	vmax.f32 v25, $0.0e+00  }
0x3b9: {  	v25 =	vadd.f32 $1.000000010e-07, v25;
	v23 =	vmax.f32 v23, $0.0e+00  }
0x3ba: {  	v23 =	vadd.f32 $1.000000010e-07, v23  }
0x3bb: {  	v27 =	vmul.f32 v25, v57  }
0x3bc: {  	v28 =	vmul.f32 v23, v58  }
0x3bd: {  	v27 =	vmul.f32 $1.442695020e+00, v27  }
0x3be: {  	v28 =	vmul.f32 $1.442695020e+00, v28  }
0x3bf: {  	(erf) = vpow2.f32 v27  }
0x3c0: {  	(erf) = vpow2.f32 v28;
	_ =	sdelay $0x7  }
0x3c1: {  	v27 =	vpop (erf)  }
0x3c2: {  	v28 =	vpop (erf)  }
0x3c3: {  	v23 =	vmul.f32 v28, v23  }
0x3c4: {  	[tilespmem:s10+$0xD0] =	vst v28  }
0x3c5: {  	v59 =	vld [tilespmem:s1+$0xE0];
	[tilespmem:s1+$0xD0] =	vst v23  }
0x3c6: {  	v28 =	vld [tilespmem:s2+$0xE0];
	_ =	sdelay $0x4  }
0x3c7: {  	v60 =	vld [tilespmem:$0x7960];
	v23 =	vadd.f32 v28, v59;
	_ =	sdelay $0x1  }
0x3c8: {  	v23 =	vmax.f32 v23, $0.0e+00  }
0x3c9: {  	v23 =	vadd.f32 $1.000000010e-07, v23;
	_ =	sdelay $0x1  }
0x3ca: {  	v28 =	vmul.f32 v23, v60;
	_ =	sdelay $0x1  }
0x3cb: {  	v28 =	vmul.f32 $1.442695020e+00, v28;
	_ =	sdelay $0x1  }
0x3cc: {  	(erf) = vpow2.f32 v28;
	_ =	sdelay $0x8  }
0x3cd: {  	v28 =	vpop (erf)  }
0x3ce: {  	[tilespmem:s25+$0xF0] =	vst v3;
	v23 =	vmul.f32 v28, v23  }
0x3cf: {  	v1 =	vmul.f32 v3, v1;
	[tilespmem:s10+$0xE0] =	vst v28  }
0x3d0: {  	v3 =	vld [tilespmem:s1+$0xF0];
	[tilespmem:s1+$0xE0] =	vst v23  }
0x3d1: {  	[tilespmem:s23+$0xF0] =	vst v1;
	v1 =	vmul.f32 v4, v2;
	v2 =	vld [tilespmem:s2+$0xF0]  }
0x3d2: {  	[tilespmem:s19+$0x70] =	vst v4  }
0x3d3: {  	[tilespmem:s31+$0x70] =	vst v1  }
0x3d4: {  	v1 =	vmul.f32 v8, v5;
	[tilespmem:s30+$0xFFFFFFF0] =	vst v8  }
0x3d5: {  	v4 =	vmul.f32 v7, v6;
	[tilespmem:s5+$0xFFFFFF70] =	vst v7  }
0x3d6: {  	[tilespmem:s14+$0xFFFFFFF0] =	vst v1;
	v1 =	vadd.f32 v2, v3;
	v2 =	vld [tilespmem:$0x7970]  }
0x3d7: {  	[tilespmem:s0+$0xFFFFFF70] =	vst v4  }
0x3d8: {  	[tilespmem:s19+$0xF0] =	vst v10;
	v1 =	vmax.f32 v1, $0.0e+00  }
0x3d9: {  	[tilespmem:s30+$0x70] =	vst v12;
	v1 =	vadd.f32 $1.000000010e-07, v1  }
0x3da: {  	[tilespmem:s5+$0xFFFFFFF0] =	vst v16;
	v4 =	vmul.f32 v15, v14  }
0x3db: {  	[tilespmem:s10+$0xFFFFFF70] =	vst v15;
	v2 =	vmul.f32 v1, v2  }
0x3dc: {  	[tilespmem:s1+$0xFFFFFF70] =	vst v4  }
0x3dd: {  	[tilespmem:s30+$0xF0] =	vst v19;
	v2 =	vmul.f32 $1.442695020e+00, v2  }
0x3de: {  	[tilespmem:s5+$0x70] =	vst v20;
	v3 =	vmul.f32 v10, v9  }
0x3df: {  	[tilespmem:s10+$0xFFFFFFF0] =	vst v33;
	(erf) = vpow2.f32 v2  }
0x3e0: {  	[tilespmem:s31+$0xF0] =	vst v3;
	v3 =	vmul.f32 v12, v11  }
0x3e1: {  	[tilespmem:s5+$0xF0] =	vst v54;
	v2 =	vmul.f32 v20, v18  }
0x3e2: {  	[tilespmem:s14+$0x70] =	vst v3;
	v3 =	vmul.f32 v16, v13  }
0x3e3: {  	[tilespmem:s0+$0x70] =	vst v2;
	v2 =	vmul.f32 v33, v21  }
0x3e4: {  	[tilespmem:s0+$0xFFFFFFF0] =	vst v3;
	v3 =	vmul.f32 v19, v17  }
0x3e5: {  	[tilespmem:s1+$0xFFFFFFF0] =	vst v2;
	v2 =	vmul.f32 v54, v24  }
0x3e6: {  	[tilespmem:s10+$0x70] =	vst v27  }
0x3e7: {  	[tilespmem:s0+$0xF0] =	vst v2;
	v2 =	vmul.f32 v27, v25  }
0x3e8: {  	[tilespmem:s14+$0xF0] =	vst v3;
	v3 =	vpop (erf)  }
0x3e9: {  	[tilespmem:s1+$0x70] =	vst v2;
	v1 =	vmul.f32 v3, v1  }
0x3ea: {  	[tilespmem:s10+$0xF0] =	vst v3  }
0x3eb: {  	s3 =	simm.s32 $0xA0;
	s9 =	rddreg [dreg:$0x3];
	s10 =	simm.s32 $0x140;
	[tilespmem:s1+$0xF0] =	vst v1  }
0x3ec: {  	[spmem:s9] =	stream.indirect.scatter.add.f32 [tilespmem:s10], [sflag:$0x5], $0x40, s3, s15, $0xb8;
	[tilespmem:$0x1F080] =	vst v63  }
0x3ed: {  	s31 =	sshll.u32 s29, $0x1;
	_ =	swait.ge [sflag:s11], $0x1400  }
0x3ee: {  	s12 =	smin.u32 s31, $0xF7;
	[sflag:s11] =	ssyncset.done $0x0  }
0x3ef: {  	s0 =	sadd.s32 $0x2, s12;
	[sflag:s11] =	ssyncadd.s32 $0xFFFFEC00  }
0x3f0: {  	s6 =	simm.s32 $0x5140;
	s14 =	smul.u32 $0x50, s0;
	s17 =	rddreg [dreg:$0x4]  }
0x3f1: {  	[spmem:s17] =	stream.indirect.scatter.add.f32 [tilespmem:s6], [sflag:$0x5], $0x40, s3, s15, $0xb8;
	[tilespmem:$0x1F080] =	vst v63  }
0x3f2: {  	s19 =	rddreg [dreg:$0xc];
	_ =	swait.ge [sflag:s11], $0x1400  }
0x3f3: {  	s1 =	sadd.s32 s19, s14;
	s20 =	rddreg [dreg:$0xe]  }
0x3f4: {  	s2 =	sadd.s32 s20, s1  }
0x3f5: {  	[sflag:s11] =	ssyncset.done $0x0;
	s2 =	sshrl.u32 s2, $0x3  }
0x3f6: {  	[sflag:s11] =	ssyncadd.s32 $0xFFFFEC00;
	s1 =	sshrl.u32 s1, $0x3;
	s2 =	sadd.s32 s18, s2  }
0x3f7: {  	[tilespmem:s4], [sflag:$0x3] =	stream.linear.gather [hbm4b:s2+s4], $0x50, $0x38;
	[tilespmem:$0x1F080] =	vst v63  }
0x3f8: {  	s1 =	sadd.s32 s16, s1  }
0x3f9: {  	[tilespmem:s3], [sflag:$0x3] =	stream.linear.gather [hbm4b:s1+s4], $0x50, $0x38;
	[tilespmem:$0x1F080] =	vst v63  }
0x3fa: {  	_ =	swait.ge [sflag:s13], $0x50  }
0x3fb: {  	[sflag:s13] =	ssyncset.done $0x0  }
0x3fc: {  	[sflag:s13] =	ssyncadd.s32 $0xFFFFFFB0  }
0x3fd: {  	s0 =	smul.u32 $0x28, s0;
	_ =	swait.ge [sflag:s13], $0x50  }
0x3fe: {  	[sflag:s13] =	ssyncset.done $0x0;
	s22 =	rddreg [dreg:$0x18]  }
0x3ff: {  	[sflag:s13] =	ssyncadd.s32 $0xFFFFFFB0;
	s0 =	sadd.s32 s22, s0  }
0x400: {  	[tilespmem:s10], [sflag:$0x1] =	stream.indirect.gather [hbm4b:s7+s15], $0x40, s4, s15, $0xb8;
	[tilespmem:$0x1F080] =	vst v63  }
0x401: {  	s23 =	rddreg [dreg:$0x10];
	s0 =	sshll.u32 s0, $0x7  }
0x402: {  	s0 =	sadd.s32 s23, s0  }
0x403: {  	s25 =	rddreg [dreg:$0x6];
	s0 =	sshrl.u32 s0, $0x3  }
0x404: {  	s26 =	simm.s32 $0x2940;
	s0 =	sadd.s32 s25, s0  }
0x405: {  	[tilespmem:s26], [sflag:$0x1] =	stream.linear.gather [hbm4b:s0+s4], $0x1400, $0x38;
	[tilespmem:$0x1F080] =	vst v63  }
0x406: {  	_ =	swait.ge [sflag:s28], $0x1400  }
0x407: {  	[sflag:s28] =	ssyncset.done $0x0  }
0x408: {  	[sflag:s28] =	ssyncadd.s32 $0xFFFFEC00  }
0x409: {  	_ =	swait.ge [sflag:s28], $0x1400  }
0x40a: {  	[sflag:s28] =	ssyncset.done $0x0  }
0x40b: {  	s23 =	simm.s32 $0x1730;
	[sflag:s28] =	ssyncadd.s32 $0xFFFFEC00  }
0x40c: {  	s10 =	simm.s32 $0x3F30;
	v1 =	vld [tilespmem:s23+$0xFFFFFE10]  }
0x40d: {  	v2 =	vld [tilespmem:s10+$0xFFFFFE10];
	_ =	sdelay $0x4  }
0x40e: {  	v3 =	vld [tilespmem:$0x7940];
	v1 =	vadd.f32 v2, v1;
	_ =	sdelay $0x1  }
0x40f: {  	v1 =	vmax.f32 v1, $0.0e+00  }
0x410: {  	v1 =	vadd.f32 $1.000000010e-07, v1;
	_ =	sdelay $0x1  }
0x411: {  	v2 =	vmul.f32 v1, v3;
	_ =	sdelay $0x1  }
0x412: {  	v2 =	vmul.f32 $1.442695020e+00, v2;
	_ =	sdelay $0x1  }
0x413: {  	(erf) = vpow2.f32 v2;
	_ =	sdelay $0x8  }
0x414: {  	v2 =	vpop (erf)  }
0x415: {  	s25 =	simm.s32 $0x6730;
	v1 =	vmul.f32 v2, v1  }
0x416: {  	[tilespmem:s25+$0xFFFFFE10] =	vst v2  }
0x417: {  	[tilespmem:s23+$0xFFFFFE10] =	vst v1;
	v1 =	vld [tilespmem:s23+$0xFFFFFE20]  }
0x418: {  	v2 =	vld [tilespmem:s10+$0xFFFFFE20];
	_ =	sdelay $0x4  }
0x419: {  	v1 =	vadd.f32 v2, v1;
	v2 =	vld [tilespmem:$0x7950];
	_ =	sdelay $0x1  }
0x41a: {  	v1 =	vmax.f32 v1, $0.0e+00  }
0x41b: {  	v1 =	vadd.f32 $1.000000010e-07, v1;
	_ =	sdelay $0x1  }
0x41c: {  	v2 =	vmul.f32 v1, v2;
	_ =	sdelay $0x1  }
0x41d: {  	v2 =	vmul.f32 $1.442695020e+00, v2;
	_ =	sdelay $0x1  }
0x41e: {  	(erf) = vpow2.f32 v2;
	_ =	sdelay $0x8  }
0x41f: {  	v2 =	vpop (erf)  }
0x420: {  	v1 =	vmul.f32 v2, v1  }
0x421: {  	[tilespmem:s25+$0xFFFFFE20] =	vst v2  }
0x422: {  	[tilespmem:s23+$0xFFFFFE20] =	vst v1;
	v1 =	vld [tilespmem:s23+$0xFFFFFE30]  }
0x423: {  	v2 =	vld [tilespmem:s10+$0xFFFFFE30];
	_ =	sdelay $0x4  }
0x424: {  	v1 =	vadd.f32 v2, v1;
	v2 =	vld [tilespmem:$0x7960];
	_ =	sdelay $0x1  }
0x425: {  	v1 =	vmax.f32 v1, $0.0e+00  }
0x426: {  	v1 =	vadd.f32 $1.000000010e-07, v1;
	_ =	sdelay $0x1  }
0x427: {  	v2 =	vmul.f32 v1, v2;
	_ =	sdelay $0x1  }
0x428: {  	v2 =	vmul.f32 $1.442695020e+00, v2;
	_ =	sdelay $0x1  }
0x429: {  	(erf) = vpow2.f32 v2;
	_ =	sdelay $0x8  }
0x42a: {  	v2 =	vpop (erf)  }
0x42b: {  	v1 =	vmul.f32 v2, v1  }
0x42c: {  	[tilespmem:s25+$0xFFFFFE30] =	vst v2  }
0x42d: {  	[tilespmem:s23+$0xFFFFFE30] =	vst v1;
	v1 =	vld [tilespmem:s23+$0xFFFFFE40]  }
0x42e: {  	v2 =	vld [tilespmem:s10+$0xFFFFFE40];
	_ =	sdelay $0x4  }
0x42f: {  	v3 =	vld [tilespmem:$0x7970];
	v1 =	vadd.f32 v2, v1;
	_ =	sdelay $0x1  }
0x430: {  	v1 =	vmax.f32 v1, $0.0e+00  }
0x431: {  	s1 =	simm.s32 $0x4130;
	v1 =	vadd.f32 $1.000000010e-07, v1  }
0x432: {  	s19 =	simm.s32 $0x1930;
	v4 =	vld [tilespmem:s1+$0xFFFFFE10]  }
0x433: {  	v2 =	vld [tilespmem:s19+$0xFFFFFE10];
	v3 =	vmul.f32 v1, v3;
	_ =	sdelay $0x1  }
0x434: {  	v3 =	vmul.f32 $1.442695020e+00, v3;
	_ =	sdelay $0x1  }
0x435: {  	(erf) = vpow2.f32 v3  }
0x436: {  	v2 =	vadd.f32 v4, v2;
	v3 =	vld [tilespmem:$0x7940];
	_ =	sdelay $0x1  }
0x437: {  	v2 =	vmax.f32 v2, $0.0e+00  }
0x438: {  	v2 =	vadd.f32 $1.000000010e-07, v2;
	_ =	sdelay $0x1  }
0x439: {  	v3 =	vmul.f32 v2, v3  }
0x43a: {  	v5 =	vld [tilespmem:s10+$0xFFFFFE90]  }
0x43b: {  	v4 =	vld [tilespmem:s23+$0xFFFFFE90];
	v3 =	vmul.f32 $1.442695020e+00, v3  }
0x43c: {  	v6 =	vpop (erf)  }
0x43d: {  	(erf) = vpow2.f32 v3;
	v1 =	vmul.f32 v6, v1  }
0x43e: {  	[tilespmem:s25+$0xFFFFFE40] =	vst v6  }
0x43f: {  	[tilespmem:s23+$0xFFFFFE40] =	vst v1  }
0x440: {  	v3 =	vadd.f32 v5, v4;
	v1 =	vld [tilespmem:$0x7940];
	_ =	sdelay $0x1  }
0x441: {  	v3 =	vmax.f32 v3, $0.0e+00  }
0x442: {  	v3 =	vadd.f32 $1.000000010e-07, v3;
	_ =	sdelay $0x1  }
0x443: {  	v4 =	vmul.f32 v3, v1  }
0x444: {  	v6 =	vld [tilespmem:s23+$0xFFFFFE50];
	v5 =	vpop (erf)  }
0x445: {  	s14 =	simm.s32 $0x6930;
	v7 =	vld [tilespmem:s10+$0xFFFFFE50];
	v2 =	vmul.f32 v5, v2;
	v4 =	vmul.f32 $1.442695020e+00, v4  }
0x446: {  	[tilespmem:s14+$0xFFFFFE10] =	vst v5  }
0x447: {  	[tilespmem:s19+$0xFFFFFE10] =	vst v2;
	v2 =	vld [tilespmem:s19+$0xFFFFFE20];
	(erf) = vpow2.f32 v4  }
0x448: {  	v4 =	vld [tilespmem:s1+$0xFFFFFE20];
	_ =	sdelay $0x1  }
0x449: {  	v5 =	vadd.f32 v7, v6;
	_ =	sdelay $0x1  }
0x44a: {  	v5 =	vmax.f32 v5, $0.0e+00  }
0x44b: {  	v5 =	vadd.f32 $1.000000010e-07, v5;
	v2 =	vadd.f32 v4, v2;
	v4 =	vld [tilespmem:$0x7950];
	_ =	sdelay $0x1  }
0x44c: {  	v1 =	vmul.f32 v5, v1;
	v2 =	vmax.f32 v2, $0.0e+00  }
0x44d: {  	v2 =	vadd.f32 $1.000000010e-07, v2;
	v6 =	vpop (erf)  }
0x44e: {  	v1 =	vmul.f32 $1.442695020e+00, v1;
	v3 =	vmul.f32 v6, v3  }
0x44f: {  	v4 =	vmul.f32 v2, v4;
	[tilespmem:s25+$0xFFFFFE90] =	vst v6  }
0x450: {  	(erf) = vpow2.f32 v1;
	v1 =	vld [tilespmem:s23+$0xFFFFFEA0];
	[tilespmem:s23+$0xFFFFFE90] =	vst v3  }
0x451: {  	v3 =	vmul.f32 $1.442695020e+00, v4;
	v4 =	vld [tilespmem:s10+$0xFFFFFEA0];
	_ =	sdelay $0x1  }
0x452: {  	(erf) = vpow2.f32 v3;
	_ =	sdelay $0x2  }
0x453: {  	v3 =	vld [tilespmem:$0x7950];
	v1 =	vadd.f32 v4, v1;
	_ =	sdelay $0x1  }
0x454: {  	v1 =	vmax.f32 v1, $0.0e+00  }
0x455: {  	v1 =	vadd.f32 $1.000000010e-07, v1  }
0x456: {  	v4 =	vpop (erf)  }
0x457: {  	v5 =	vmul.f32 v4, v5;
	v3 =	vmul.f32 v1, v3  }
0x458: {  	[tilespmem:s25+$0xFFFFFE50] =	vst v4;
	v4 =	vpop (erf)  }
0x459: {  	v6 =	vld [tilespmem:s23+$0xFFFFFE60];
	[tilespmem:s23+$0xFFFFFE50] =	vst v5;
	v2 =	vmul.f32 v4, v2;
	v3 =	vmul.f32 $1.442695020e+00, v3  }
0x45a: {  	v5 =	vld [tilespmem:s10+$0xFFFFFE60];
	[tilespmem:s14+$0xFFFFFE20] =	vst v4  }
0x45b: {  	[tilespmem:s19+$0xFFFFFE20] =	vst v2;
	v2 =	vld [tilespmem:s19+$0xFFFFFE30];
	(erf) = vpow2.f32 v3  }
0x45c: {  	v3 =	vld [tilespmem:s1+$0xFFFFFE30];
	_ =	sdelay $0x3  }
0x45d: {  	v4 =	vld [tilespmem:$0x7950];
	v5 =	vadd.f32 v5, v6  }
0x45e: {  	v2 =	vadd.f32 v3, v2;
	v3 =	vld [tilespmem:$0x7960]  }
0x45f: {  	v5 =	vmax.f32 v5, $0.0e+00  }
0x460: {  	v5 =	vadd.f32 $1.000000010e-07, v5;
	v2 =	vmax.f32 v2, $0.0e+00  }
0x461: {  	v2 =	vadd.f32 $1.000000010e-07, v2;
	v6 =	vpop (erf)  }
0x462: {  	v4 =	vmul.f32 v5, v4;
	v1 =	vmul.f32 v6, v1  }
0x463: {  	v3 =	vmul.f32 v2, v3;
	[tilespmem:s25+$0xFFFFFEA0] =	vst v6  }
0x464: {  	v4 =	vmul.f32 $1.442695020e+00, v4;
	v6 =	vld [tilespmem:s23+$0xFFFFFEB0];
	[tilespmem:s23+$0xFFFFFEA0] =	vst v1  }
0x465: {  	v3 =	vmul.f32 $1.442695020e+00, v3;
	v1 =	vld [tilespmem:s10+$0xFFFFFEB0]  }
0x466: {  	(erf) = vpow2.f32 v4  }
0x467: {  	(erf) = vpow2.f32 v3;
	_ =	sdelay $0x2  }
0x468: {  	v3 =	vld [tilespmem:$0x7960];
	v1 =	vadd.f32 v1, v6;
	_ =	sdelay $0x1  }
0x469: {  	v1 =	vmax.f32 v1, $0.0e+00  }
0x46a: {  	v1 =	vadd.f32 $1.000000010e-07, v1;
	_ =	sdelay $0x1  }
0x46b: {  	v4 =	vpop (erf);
	v3 =	vmul.f32 v1, v3  }
0x46c: {  	v5 =	vmul.f32 v4, v5;
	[tilespmem:s25+$0xFFFFFE60] =	vst v4;
	v4 =	vpop (erf)  }
0x46d: {  	s5 =	simm.s32 $0x4330;
	v2 =	vmul.f32 v4, v2;
	v3 =	vmul.f32 $1.442695020e+00, v3  }
0x46e: {  	v7 =	vld [tilespmem:s5+$0xFFFFFE10];
	[tilespmem:s14+$0xFFFFFE30] =	vst v4  }
0x46f: {  	[tilespmem:s19+$0xFFFFFE30] =	vst v2;
	v2 =	vld [tilespmem:s19+$0xFFFFFE40];
	(erf) = vpow2.f32 v3  }
0x470: {  	v3 =	vld [tilespmem:s1+$0xFFFFFE40]  }
0x471: {  	[tilespmem:s23+$0xFFFFFE60] =	vst v5;
	v5 =	vld [tilespmem:s23+$0xFFFFFE70]  }
0x472: {  	s30 =	simm.s32 $0x1B30;
	v4 =	vld [tilespmem:s10+$0xFFFFFE70]  }
0x473: {  	v6 =	vld [tilespmem:s30+$0xFFFFFE10];
	_ =	sdelay $0x1  }
0x474: {  	v8 =	vld [tilespmem:$0x7970];
	v2 =	vadd.f32 v3, v2;
	_ =	sdelay $0x1  }
0x475: {  	v3 =	vadd.f32 v4, v5;
	v4 =	vld [tilespmem:$0x7960];
	v2 =	vmax.f32 v2, $0.0e+00  }
0x476: {  	v9 =	vld [tilespmem:$0x7940];
	v6 =	vadd.f32 v7, v6;
	v2 =	vadd.f32 $1.000000010e-07, v2;
	v5 =	vpop (erf)  }
0x477: {  	v3 =	vmax.f32 v3, $0.0e+00;
	v7 =	vmul.f32 v5, v1  }
0x478: {  	v1 =	vadd.f32 $1.000000010e-07, v3;
	v3 =	vmul.f32 v2, v8;
	[tilespmem:s25+$0xFFFFFEB0] =	vst v5;
	v5 =	vmax.f32 v6, $0.0e+00  }
0x479: {  	v5 =	vadd.f32 $1.000000010e-07, v5;
	v6 =	vld [tilespmem:s23+$0xFFFFFEC0];
	[tilespmem:s23+$0xFFFFFEB0] =	vst v7  }
0x47a: {  	v4 =	vmul.f32 v1, v4;
	v3 =	vmul.f32 $1.442695020e+00, v3;
	v7 =	vld [tilespmem:s10+$0xFFFFFEC0]  }
0x47b: {  	v8 =	vmul.f32 v5, v9  }
0x47c: {  	v4 =	vmul.f32 $1.442695020e+00, v4;
	(erf) = vpow2.f32 v3  }
0x47d: {  	v3 =	vmul.f32 $1.442695020e+00, v8  }
0x47e: {  	(erf) = vpow2.f32 v4  }
0x47f: {  	v4 =	vld [tilespmem:$0x7970];
	(erf) = vpow2.f32 v3;
	v3 =	vadd.f32 v7, v6;
	_ =	sdelay $0x1  }
0x480: {  	v3 =	vmax.f32 v3, $0.0e+00  }
0x481: {  	v3 =	vadd.f32 $1.000000010e-07, v3;
	_ =	sdelay $0x1  }
0x482: {  	v4 =	vmul.f32 v3, v4  }
0x483: {  	v8 =	vld [tilespmem:s1+$0xFFFFFE90];
	v7 =	vpop (erf)  }
0x484: {  	v6 =	vld [tilespmem:s19+$0xFFFFFE90];
	v9 =	vmul.f32 v7, v2;
	v4 =	vmul.f32 $1.442695020e+00, v4  }
0x485: {  	[tilespmem:s14+$0xFFFFFE40] =	vst v7;
	v2 =	vpop (erf)  }
0x486: {  	s0 =	simm.s32 $0x6B30;
	[tilespmem:s19+$0xFFFFFE40] =	vst v9;
	v7 =	vpop (erf);
	v9 =	vld [tilespmem:s19+$0xFFFFFE50];
	(erf) = vpow2.f32 v4  }
0x487: {  	v4 =	vmul.f32 v7, v5;
	[tilespmem:s0+$0xFFFFFE10] =	vst v7;
	v7 =	vld [tilespmem:s1+$0xFFFFFE50];
	_ =	sdelay $0x1  }
0x488: {  	v6 =	vadd.f32 v8, v6;
	v5 =	vld [tilespmem:$0x7940]  }
0x489: {  	[tilespmem:s30+$0xFFFFFE10] =	vst v4;
	v4 =	vld [tilespmem:s30+$0xFFFFFE20]  }
0x48a: {  	v6 =	vmax.f32 v6, $0.0e+00;
	v8 =	vld [tilespmem:s5+$0xFFFFFE20]  }
0x48b: {  	v6 =	vadd.f32 $1.000000010e-07, v6;
	v7 =	vadd.f32 v7, v9  }
0x48c: {  	v11 =	vld [tilespmem:s23+$0xFFFFFF10]  }
0x48d: {  	v10 =	vmul.f32 v6, v5;
	v9 =	vld [tilespmem:s10+$0xFFFFFF10];
	v7 =	vmax.f32 v7, $0.0e+00  }
0x48e: {  	v7 =	vadd.f32 $1.000000010e-07, v7;
	v12 =	vpop (erf)  }
0x48f: {  	v10 =	vmul.f32 $1.442695020e+00, v10;
	v4 =	vadd.f32 v8, v4;
	v8 =	vld [tilespmem:$0x7950];
	v3 =	vmul.f32 v12, v3  }
0x490: {  	[tilespmem:s25+$0xFFFFFEC0] =	vst v12;
	v5 =	vmul.f32 v7, v5  }
0x491: {  	(erf) = vpow2.f32 v10;
	v4 =	vmax.f32 v4, $0.0e+00;
	[tilespmem:s23+$0xFFFFFEC0] =	vst v3  }
0x492: {  	v9 =	vadd.f32 v9, v11;
	v3 =	vadd.f32 $1.000000010e-07, v4;
	v5 =	vmul.f32 $1.442695020e+00, v5;
	v4 =	vld [tilespmem:$0x7940];
	_ =	sdelay $0x1  }
0x493: {  	v9 =	vmax.f32 v9, $0.0e+00;
	v8 =	vmul.f32 v3, v8;
	(erf) = vpow2.f32 v5  }
0x494: {  	v5 =	vadd.f32 $1.000000010e-07, v9  }
0x495: {  	v8 =	vmul.f32 $1.442695020e+00, v8  }
0x496: {  	v9 =	vmul.f32 v5, v4  }
0x497: {  	(erf) = vpow2.f32 v8  }
0x498: {  	v9 =	vmul.f32 $1.442695020e+00, v9  }
0x499: {  	v10 =	vld [tilespmem:s23+$0xFFFFFED0];
	v8 =	vpop (erf)  }
0x49a: {  	v6 =	vmul.f32 v8, v6;
	[tilespmem:s14+$0xFFFFFE90] =	vst v8;
	v8 =	vld [tilespmem:s10+$0xFFFFFED0];
	(erf) = vpow2.f32 v9;
	_ =	sdelay $0x1  }
0x49b: {  	[tilespmem:s19+$0xFFFFFE90] =	vst v6;
	v6 =	vld [tilespmem:s19+$0xFFFFFEA0];
	v11 =	vpop (erf)  }
0x49c: {  	v9 =	vld [tilespmem:s1+$0xFFFFFEA0];
	v7 =	vmul.f32 v11, v7  }
0x49d: {  	[tilespmem:s14+$0xFFFFFE50] =	vst v11  }
0x49e: {  	[tilespmem:s19+$0xFFFFFE50] =	vst v7;
	v7 =	vadd.f32 v8, v10  }
0x49f: {  	v12 =	vld [tilespmem:$0x7950];
	v11 =	vpop (erf)  }
0x4a0: {  	v8 =	vld [tilespmem:s1+$0xFFFFFE60];
	v3 =	vmul.f32 v11, v3  }
0x4a1: {  	[tilespmem:s0+$0xFFFFFE20] =	vst v11;
	v6 =	vadd.f32 v9, v6;
	v9 =	vld [tilespmem:s19+$0xFFFFFE60]  }
0x4a2: {  	v13 =	vld [tilespmem:$0x7950];
	[tilespmem:s30+$0xFFFFFE20] =	vst v3;
	v3 =	vmax.f32 v7, $0.0e+00;
	v7 =	vpop (erf)  }
0x4a3: {  	v10 =	vld [tilespmem:s30+$0xFFFFFE30];
	v3 =	vadd.f32 $1.000000010e-07, v3;
	v6 =	vmax.f32 v6, $0.0e+00;
	v5 =	vmul.f32 v7, v5  }
0x4a4: {  	v11 =	vld [tilespmem:s5+$0xFFFFFE30];
	[tilespmem:s25+$0xFFFFFF10] =	vst v7;
	v6 =	vadd.f32 $1.000000010e-07, v6  }
0x4a5: {  	v7 =	vld [tilespmem:s23+$0xFFFFFF20];
	v4 =	vmul.f32 v3, v4;
	[tilespmem:s23+$0xFFFFFF10] =	vst v5  }
0x4a6: {  	v5 =	vmul.f32 v6, v12;
	v8 =	vadd.f32 v8, v9;
	v9 =	vld [tilespmem:s10+$0xFFFFFF20]  }
0x4a7: {  	v4 =	vmul.f32 $1.442695020e+00, v4  }
0x4a8: {  	v5 =	vmul.f32 $1.442695020e+00, v5;
	v8 =	vmax.f32 v8, $0.0e+00  }
0x4a9: {  	(erf) = vpow2.f32 v4;
	v4 =	vadd.f32 v11, v10;
	v10 =	vld [tilespmem:$0x7960];
	v8 =	vadd.f32 $1.000000010e-07, v8  }
0x4aa: {  	(erf) = vpow2.f32 v5  }
0x4ab: {  	v4 =	vmax.f32 v4, $0.0e+00;
	v5 =	vmul.f32 v8, v13;
	v7 =	vadd.f32 v9, v7;
	v9 =	vld [tilespmem:$0x7950]  }
0x4ac: {  	v4 =	vadd.f32 $1.000000010e-07, v4  }
0x4ad: {  	v5 =	vmul.f32 $1.442695020e+00, v5;
	v7 =	vmax.f32 v7, $0.0e+00  }
0x4ae: {  	v10 =	vmul.f32 v4, v10;
	v7 =	vadd.f32 $1.000000010e-07, v7  }
0x4af: {  	(erf) = vpow2.f32 v5  }
0x4b0: {  	v5 =	vmul.f32 $1.442695020e+00, v10;
	v9 =	vmul.f32 v7, v9;
	_ =	sdelay $0x1  }
0x4b1: {  	v10 =	vpop (erf);
	(erf) = vpow2.f32 v5  }
0x4b2: {  	v5 =	vmul.f32 $1.442695020e+00, v9;
	v3 =	vmul.f32 v10, v3  }
0x4b3: {  	[tilespmem:s25+$0xFFFFFED0] =	vst v10;
	v9 =	vpop (erf)  }
0x4b4: {  	v10 =	vld [tilespmem:s23+$0xFFFFFEE0];
	(erf) = vpow2.f32 v5;
	[tilespmem:s23+$0xFFFFFED0] =	vst v3;
	v6 =	vmul.f32 v9, v6  }
0x4b5: {  	[tilespmem:s14+$0xFFFFFEA0] =	vst v9;
	v5 =	vld [tilespmem:s10+$0xFFFFFEE0]  }
0x4b6: {  	v3 =	vld [tilespmem:s19+$0xFFFFFEB0];
	[tilespmem:s19+$0xFFFFFEA0] =	vst v6  }
0x4b7: {  	v6 =	vld [tilespmem:s1+$0xFFFFFEB0];
	_ =	sdelay $0x1  }
0x4b8: {  	v9 =	vpop (erf)  }
0x4b9: {  	v8 =	vmul.f32 v9, v8;
	v5 =	vadd.f32 v5, v10;
	v10 =	vld [tilespmem:$0x7950]  }
0x4ba: {  	[tilespmem:s14+$0xFFFFFE60] =	vst v9;
	v9 =	vpop (erf)  }
0x4bb: {  	[tilespmem:s19+$0xFFFFFE60] =	vst v8;
	v4 =	vmul.f32 v9, v4;
	v5 =	vmax.f32 v5, $0.0e+00;
	v3 =	vadd.f32 v6, v3;
	v6 =	vld [tilespmem:$0x7960]  }
0x4bc: {  	v11 =	vld [tilespmem:s19+$0xFFFFFE70];
	[tilespmem:s0+$0xFFFFFE30] =	vst v9;
	v9 =	vpop (erf);
	v5 =	vadd.f32 $1.000000010e-07, v5  }
0x4bd: {  	v8 =	vld [tilespmem:s1+$0xFFFFFE70];
	[tilespmem:s30+$0xFFFFFE30] =	vst v4;
	v4 =	vmul.f32 v9, v7;
	v3 =	vmax.f32 v3, $0.0e+00  }
0x4be: {  	[tilespmem:s25+$0xFFFFFF20] =	vst v9;
	v9 =	vmul.f32 v5, v10;
	v10 =	vld [tilespmem:s5+$0xFFFFFE40];
	v7 =	vadd.f32 $1.000000010e-07, v3  }
0x4bf: {  	v3 =	vld [tilespmem:s30+$0xFFFFFE40];
	[tilespmem:s23+$0xFFFFFF20] =	vst v4  }
0x4c0: {  	v12 =	vld [tilespmem:s10+$0xFFFFFF30];
	v4 =	vmul.f32 v7, v6  }
0x4c1: {  	v9 =	vmul.f32 $1.442695020e+00, v9;
	v6 =	vld [tilespmem:s23+$0xFFFFFF30]  }
0x4c2: {  	v4 =	vmul.f32 $1.442695020e+00, v4  }
0x4c3: {  	v1 =	vmul.f32 v2, v1;
	[tilespmem:s25+$0xFFFFFE70] =	vst v2;
	v2 =	vadd.f32 v8, v11;
	v8 =	vld [tilespmem:$0x7960];
	(erf) = vpow2.f32 v9  }
0x4c4: {  	v9 =	vld [tilespmem:$0x7970];
	v3 =	vadd.f32 v10, v3;
	(erf) = vpow2.f32 v4  }
0x4c5: {  	[tilespmem:s23+$0xFFFFFE70] =	vst v1;
	v4 =	vld [tilespmem:$0x7960]  }
0x4c6: {  	s22 =	simm.s32 $0x4530;
	v10 =	vld [tilespmem:s10+$0xFFFFFE80];
	v1 =	vmax.f32 v3, $0.0e+00;
	v6 =	vadd.f32 v12, v6  }
0x4c7: {  	v2 =	vmax.f32 v2, $0.0e+00;
	v12 =	vld [tilespmem:s22+$0xFFFFFE10];
	v11 =	vadd.f32 $1.000000010e-07, v1  }
0x4c8: {  	s26 =	simm.s32 $0x1D30;
	v3 =	vadd.f32 $1.000000010e-07, v2;
	v1 =	vld [tilespmem:s23+$0xFFFFFE80];
	v2 =	vmax.f32 v6, $0.0e+00  }
0x4c9: {  	v6 =	vmul.f32 v11, v9;
	v9 =	vld [tilespmem:s26+$0xFFFFFE10];
	v2 =	vadd.f32 $1.000000010e-07, v2  }
0x4ca: {  	v4 =	vmul.f32 v3, v4  }
0x4cb: {  	v6 =	vmul.f32 $1.442695020e+00, v6;
	v8 =	vmul.f32 v2, v8  }
0x4cc: {  	v13 =	vpop (erf);
	v4 =	vmul.f32 $1.442695020e+00, v4  }
0x4cd: {  	v1 =	vadd.f32 v10, v1;
	(erf) = vpow2.f32 v6;
	v6 =	vmul.f32 $1.442695020e+00, v8;
	v8 =	vld [tilespmem:$0x7970];
	v14 =	vpop (erf)  }
0x4ce: {  	(erf) = vpow2.f32 v4;
	v4 =	vld [tilespmem:$0x7940];
	v9 =	vadd.f32 v12, v9;
	v7 =	vmul.f32 v14, v7  }
0x4cf: {  	[tilespmem:s14+$0xFFFFFEB0] =	vst v14  }
0x4d0: {  	v1 =	vmax.f32 v1, $0.0e+00;
	(erf) = vpow2.f32 v6;
	[tilespmem:s19+$0xFFFFFEB0] =	vst v7;
	v7 =	vmax.f32 v9, $0.0e+00  }
0x4d1: {  	v1 =	vadd.f32 $1.000000010e-07, v1;
	v6 =	vld [tilespmem:s19+$0xFFFFFEC0];
	v7 =	vadd.f32 $1.000000010e-07, v7  }
0x4d2: {  	v9 =	vld [tilespmem:s1+$0xFFFFFEC0]  }
0x4d3: {  	v8 =	vmul.f32 v1, v8;
	v4 =	vmul.f32 v7, v4  }
0x4d4: {  	v5 =	vmul.f32 v13, v5  }
0x4d5: {  	v10 =	vld [tilespmem:s30+$0xFFFFFE90];
	v8 =	vmul.f32 $1.442695020e+00, v8;
	v4 =	vmul.f32 $1.442695020e+00, v4  }
0x4d6: {  	v12 =	vld [tilespmem:s5+$0xFFFFFE90]  }
0x4d7: {  	[tilespmem:s25+$0xFFFFFEE0] =	vst v13;
	v13 =	vpop (erf);
	(erf) = vpow2.f32 v8;
	v8 =	vld [tilespmem:$0x7970];
	v6 =	vadd.f32 v9, v6  }
0x4d8: {  	[tilespmem:s23+$0xFFFFFEE0] =	vst v5;
	v9 =	vmul.f32 v13, v11;
	v5 =	vpop (erf)  }
0x4d9: {  	[tilespmem:s0+$0xFFFFFE40] =	vst v13;
	(erf) = vpow2.f32 v4;
	v6 =	vmax.f32 v6, $0.0e+00;
	v4 =	vpop (erf)  }
0x4da: {  	[tilespmem:s30+$0xFFFFFE40] =	vst v9;
	v6 =	vadd.f32 $1.000000010e-07, v6;
	v2 =	vmul.f32 v4, v2  }
0x4db: {  	v11 =	vld [tilespmem:s10+$0xFFFFFEF0];
	[tilespmem:s25+$0xFFFFFF30] =	vst v4  }
0x4dc: {  	v10 =	vadd.f32 v12, v10;
	v9 =	vld [tilespmem:$0x7940];
	[tilespmem:s23+$0xFFFFFF30] =	vst v2;
	v2 =	vmul.f32 v6, v8  }
0x4dd: {  	v4 =	vld [tilespmem:s23+$0xFFFFFEF0]  }
0x4de: {  	v8 =	vmax.f32 v10, $0.0e+00;
	v10 =	vld [tilespmem:s23+$0xFFFFFF40];
	v13 =	vmul.f32 $1.442695020e+00, v2  }
0x4df: {  	v8 =	vadd.f32 $1.000000010e-07, v8;
	v12 =	vld [tilespmem:s10+$0xFFFFFF40]  }
0x4e0: {  	v2 =	vpop (erf);
	(erf) = vpow2.f32 v13  }
0x4e1: {  	v14 =	vmul.f32 v8, v9  }
0x4e2: {  	v4 =	vadd.f32 v11, v4;
	v11 =	vld [tilespmem:$0x7960]  }
0x4e3: {  	s9 =	simm.s32 $0x6D30;
	v15 =	vld [tilespmem:s30+$0xFFFFFE50];
	v14 =	vmul.f32 $1.442695020e+00, v14;
	v13 =	vpop (erf)  }
0x4e4: {  	v4 =	vmax.f32 v4, $0.0e+00;
	v10 =	vadd.f32 v12, v10;
	v7 =	vmul.f32 v13, v7;
	[tilespmem:s9+$0xFFFFFE10] =	vst v13;
	v13 =	vld [tilespmem:s5+$0xFFFFFE50]  }
0x4e5: {  	v12 =	vld [tilespmem:$0x7970];
	v4 =	vadd.f32 $1.000000010e-07, v4;
	(erf) = vpow2.f32 v14  }
0x4e6: {  	[tilespmem:s26+$0xFFFFFE10] =	vst v7;
	v7 =	vmax.f32 v10, $0.0e+00;
	v10 =	vld [tilespmem:s26+$0xFFFFFE20]  }
0x4e7: {  	v11 =	vmul.f32 v4, v11;
	v14 =	vld [tilespmem:s22+$0xFFFFFE20]  }
0x4e8: {  	v7 =	vadd.f32 $1.000000010e-07, v7  }
0x4e9: {  	v11 =	vmul.f32 $1.442695020e+00, v11;
	v13 =	vadd.f32 v13, v15;
	v15 =	vpop (erf)  }
0x4ea: {  	v16 =	vld [tilespmem:s19+$0xFFFFFF10];
	v12 =	vmul.f32 v7, v12;
	v6 =	vmul.f32 v15, v6  }
0x4eb: {  	v17 =	vld [tilespmem:s1+$0xFFFFFF10];
	(erf) = vpow2.f32 v11  }
0x4ec: {  	v12 =	vmul.f32 $1.442695020e+00, v12;
	v11 =	vmax.f32 v13, $0.0e+00;
	v13 =	vld [tilespmem:$0x7950];
	v10 =	vadd.f32 v14, v10  }
0x4ed: {  	[tilespmem:s14+$0xFFFFFEC0] =	vst v15;
	v11 =	vadd.f32 $1.000000010e-07, v11  }
0x4ee: {  	(erf) = vpow2.f32 v12;
	[tilespmem:s19+$0xFFFFFEC0] =	vst v6;
	v10 =	vmax.f32 v10, $0.0e+00;
	v6 =	vpop (erf)  }
0x4ef: {  	v12 =	vld [tilespmem:s19+$0xFFFFFED0];
	v9 =	vmul.f32 v11, v9;
	v10 =	vadd.f32 $1.000000010e-07, v10;
	v8 =	vmul.f32 v6, v8  }
0x4f0: {  	v14 =	vld [tilespmem:$0x7940];
	[tilespmem:s0+$0xFFFFFE90] =	vst v6  }
0x4f1: {  	v15 =	vld [tilespmem:s1+$0xFFFFFED0];
	v6 =	vadd.f32 v17, v16;
	[tilespmem:s30+$0xFFFFFE90] =	vst v8;
	v8 =	vmul.f32 $1.442695020e+00, v9;
	v9 =	vmul.f32 v10, v13  }
0x4f2: {  	v13 =	vld [tilespmem:s30+$0xFFFFFEA0]  }
0x4f3: {  	v6 =	vmax.f32 v6, $0.0e+00;
	v16 =	vld [tilespmem:s5+$0xFFFFFEA0];
	v9 =	vmul.f32 $1.442695020e+00, v9  }
0x4f4: {  	(erf) = vpow2.f32 v8;
	v8 =	vadd.f32 $1.000000010e-07, v6  }
0x4f5: {  	v18 =	vld [tilespmem:s10+$0xFFFFFF90]  }
0x4f6: {  	v17 =	vld [tilespmem:s23+$0xFFFFFF90];
	v6 =	vpop (erf);
	v19 =	vmul.f32 v8, v14  }
0x4f7: {  	v12 =	vadd.f32 v15, v12;
	(erf) = vpow2.f32 v9;
	v9 =	vpop (erf)  }
0x4f8: {  	v15 =	vmul.f32 $1.442695020e+00, v19;
	v13 =	vadd.f32 v16, v13;
	v7 =	vmul.f32 v9, v7;
	[tilespmem:s25+$0xFFFFFF40] =	vst v9;
	v9 =	vld [tilespmem:$0x7950];
	_ =	sdelay $0x1  }
0x4f9: {  	(erf) = vpow2.f32 v15;
	v13 =	vmax.f32 v13, $0.0e+00;
	[tilespmem:s23+$0xFFFFFF40] =	vst v7  }
0x4fa: {  	v15 =	vadd.f32 v18, v17;
	v7 =	vmax.f32 v12, $0.0e+00;
	v13 =	vadd.f32 $1.000000010e-07, v13;
	v12 =	vld [tilespmem:$0x7940]  }
0x4fb: {  	v7 =	vadd.f32 $1.000000010e-07, v7  }
0x4fc: {  	v15 =	vmax.f32 v15, $0.0e+00;
	v16 =	vpop (erf);
	v9 =	vmul.f32 v13, v9  }
0x4fd: {  	v17 =	vld [tilespmem:s23+$0xFFFFFF50];
	v15 =	vadd.f32 $1.000000010e-07, v15;
	v14 =	vmul.f32 v7, v14;
	v11 =	vmul.f32 v16, v11  }
0x4fe: {  	[tilespmem:s0+$0xFFFFFE50] =	vst v16;
	v16 =	vld [tilespmem:s10+$0xFFFFFF50];
	v9 =	vmul.f32 $1.442695020e+00, v9  }
0x4ff: {  	v18 =	vpop (erf);
	v14 =	vmul.f32 $1.442695020e+00, v14;
	[tilespmem:s30+$0xFFFFFE50] =	vst v11;
	v19 =	vmul.f32 v15, v12  }
0x500: {  	v10 =	vmul.f32 v18, v10;
	[tilespmem:s9+$0xFFFFFE20] =	vst v18;
	v18 =	vld [tilespmem:s30+$0xFFFFFE60]  }
0x501: {  	v11 =	vld [tilespmem:s5+$0xFFFFFE60];
	(erf) = vpow2.f32 v14;
	v14 =	vmul.f32 $1.442695020e+00, v19  }
0x502: {  	[tilespmem:s26+$0xFFFFFE20] =	vst v10;
	v10 =	vld [tilespmem:s26+$0xFFFFFE30];
	(erf) = vpow2.f32 v9;
	v9 =	vpop (erf)  }
0x503: {  	(erf) = vpow2.f32 v14;
	v14 =	vadd.f32 v16, v17;
	v16 =	vld [tilespmem:s22+$0xFFFFFE30];
	v8 =	vmul.f32 v9, v8  }
0x504: {  	[tilespmem:s14+$0xFFFFFF10] =	vst v9;
	v17 =	vld [tilespmem:$0x7950]  }
0x505: {  	v9 =	vld [tilespmem:s19+$0xFFFFFF20];
	v14 =	vmax.f32 v14, $0.0e+00;
	[tilespmem:s19+$0xFFFFFF10] =	vst v8  }
0x506: {  	v8 =	vadd.f32 v11, v18;
	v11 =	vadd.f32 $1.000000010e-07, v14;
	v14 =	vld [tilespmem:s1+$0xFFFFFF20];
	_ =	sdelay $0x1  }
0x507: {  	v8 =	vmax.f32 v8, $0.0e+00;
	v12 =	vmul.f32 v11, v12;
	v10 =	vadd.f32 v16, v10  }
0x508: {  	v16 =	vld [tilespmem:$0x7960];
	v8 =	vadd.f32 $1.000000010e-07, v8  }
0x509: {  	v18 =	vpop (erf);
	v12 =	vmul.f32 $1.442695020e+00, v12;
	v10 =	vmax.f32 v10, $0.0e+00  }
0x50a: {  	[tilespmem:s14+$0xFFFFFED0] =	vst v18;
	v7 =	vmul.f32 v18, v7;
	v18 =	vld [tilespmem:$0x7950];
	v17 =	vmul.f32 v8, v17;
	v9 =	vadd.f32 v14, v9  }
0x50b: {  	v19 =	vpop (erf);
	v10 =	vadd.f32 $1.000000010e-07, v10  }
0x50c: {  	v20 =	vpop (erf);
	(erf) = vpow2.f32 v12;
	v12 =	vmul.f32 $1.442695020e+00, v17;
	v9 =	vmax.f32 v9, $0.0e+00  }
0x50d: {  	v14 =	vld [tilespmem:s19+$0xFFFFFEE0];
	[tilespmem:s19+$0xFFFFFED0] =	vst v7;
	v7 =	vmul.f32 v20, v15;
	v15 =	vmul.f32 v10, v16;
	v9 =	vadd.f32 $1.000000010e-07, v9  }
0x50e: {  	v13 =	vmul.f32 v19, v13;
	[tilespmem:s25+$0xFFFFFF90] =	vst v20;
	v16 =	vld [tilespmem:s1+$0xFFFFFEE0];
	(erf) = vpow2.f32 v12  }
0x50f: {  	v12 =	vld [tilespmem:s23+$0xFFFFFFA0];
	[tilespmem:s23+$0xFFFFFF90] =	vst v7;
	v7 =	vmul.f32 $1.442695020e+00, v15;
	v15 =	vmul.f32 v9, v18  }
0x510: {  	[tilespmem:s0+$0xFFFFFEA0] =	vst v19;
	v17 =	vld [tilespmem:s10+$0xFFFFFFA0]  }
0x511: {  	[tilespmem:s30+$0xFFFFFEA0] =	vst v13;
	(erf) = vpow2.f32 v7;
	v7 =	vmul.f32 $1.442695020e+00, v15  }
0x512: {  	v13 =	vld [tilespmem:s5+$0xFFFFFEB0]  }
0x513: {  	v3 =	vmul.f32 v5, v3;
	v14 =	vadd.f32 v16, v14;
	v15 =	vld [tilespmem:$0x7950]  }
0x514: {  	v18 =	vld [tilespmem:s30+$0xFFFFFEB0]  }
0x515: {  	[tilespmem:s14+$0xFFFFFE70] =	vst v5;
	v16 =	vld [tilespmem:$0x7950];
	(erf) = vpow2.f32 v7;
	v14 =	vmax.f32 v14, $0.0e+00;
	v12 =	vadd.f32 v17, v12;
	v7 =	vpop (erf)  }
0x516: {  	[tilespmem:s19+$0xFFFFFE70] =	vst v3;
	v5 =	vmul.f32 v7, v11;
	v11 =	vadd.f32 $1.000000010e-07, v14  }
0x517: {  	v17 =	vld [tilespmem:s1+$0xFFFFFE80];
	[tilespmem:s25+$0xFFFFFF50] =	vst v7;
	v12 =	vmax.f32 v12, $0.0e+00;
	v3 =	vpop (erf)  }
0x518: {  	v14 =	vld [tilespmem:$0x7960];
	v12 =	vadd.f32 $1.000000010e-07, v12;
	[tilespmem:s23+$0xFFFFFF50] =	vst v5;
	v5 =	vmul.f32 v3, v8;
	v8 =	vmul.f32 v11, v15  }
0x519: {  	v13 =	vadd.f32 v13, v18;
	v7 =	vld [tilespmem:s23+$0xFFFFFF60]  }
0x51a: {  	[tilespmem:s0+$0xFFFFFE60] =	vst v3;
	v15 =	vld [tilespmem:s19+$0xFFFFFE80];
	v16 =	vmul.f32 v12, v16;
	v8 =	vmul.f32 $1.442695020e+00, v8  }
0x51b: {  	v13 =	vmax.f32 v13, $0.0e+00;
	v3 =	vpop (erf);
	v18 =	vld [tilespmem:s10+$0xFFFFFF60];
	[tilespmem:s30+$0xFFFFFE60] =	vst v5  }
0x51c: {  	v5 =	vmul.f32 v3, v10;
	v10 =	vadd.f32 $1.000000010e-07, v13;
	v13 =	vld [tilespmem:$0x7950];
	[tilespmem:s9+$0xFFFFFE30] =	vst v3;
	v3 =	vmul.f32 $1.442695020e+00, v16  }
0x51d: {  	v16 =	vld [tilespmem:s5+$0xFFFFFE70];
	(erf) = vpow2.f32 v8  }
0x51e: {  	[tilespmem:s26+$0xFFFFFE30] =	vst v5;
	v5 =	vmul.f32 v10, v14;
	v14 =	vld [tilespmem:s26+$0xFFFFFE40];
	(erf) = vpow2.f32 v3;
	v8 =	vpop (erf)  }
0x51f: {  	[tilespmem:s25+$0xFFFFFEF0] =	vst v6;
	v3 =	vld [tilespmem:s22+$0xFFFFFE40];
	v9 =	vmul.f32 v8, v9  }
0x520: {  	v4 =	vmul.f32 v6, v4;
	[tilespmem:s14+$0xFFFFFF20] =	vst v8;
	v8 =	vld [tilespmem:s30+$0xFFFFFE70]  }
0x521: {  	v5 =	vmul.f32 $1.442695020e+00, v5;
	v6 =	vadd.f32 v18, v7;
	v7 =	vld [tilespmem:s19+$0xFFFFFF30];
	[tilespmem:s19+$0xFFFFFF20] =	vst v9  }
0x522: {  	[tilespmem:s23+$0xFFFFFEF0] =	vst v4;
	v4 =	vld [tilespmem:s1+$0xFFFFFF30]  }
0x523: {  	(erf) = vpow2.f32 v5;
	v5 =	vmax.f32 v6, $0.0e+00;
	v6 =	vld [tilespmem:$0x7970]  }
0x524: {  	v9 =	vld [tilespmem:s10+$0xFFFFFF00];
	v18 =	vadd.f32 $1.000000010e-07, v5;
	v3 =	vadd.f32 v3, v14  }
0x525: {  	v14 =	vld [tilespmem:s23+$0xFFFFFF00]  }
0x526: {  	v5 =	vadd.f32 v16, v8;
	v8 =	vmul.f32 v18, v13;
	v13 =	vld [tilespmem:$0x7960];
	v3 =	vmax.f32 v3, $0.0e+00;
	v16 =	vpop (erf)  }
0x527: {  	s12 =	simm.s32 $0x4730;
	v19 =	vadd.f32 $1.000000010e-07, v3;
	v3 =	vadd.f32 v4, v7;
	v4 =	vld [tilespmem:$0x7960];
	v7 =	vpop (erf)  }
0x528: {  	s17 =	simm.s32 $0x1F30;
	v61 =	vld [tilespmem:s12+$0xFFFFFE10];
	v5 =	vmax.f32 v5, $0.0e+00;
	v8 =	vmul.f32 $1.442695020e+00, v8;
	v12 =	vmul.f32 v7, v12  }
0x529: {  	v20 =	vld [tilespmem:s17+$0xFFFFFE10];
	v15 =	vadd.f32 v17, v15;
	v5 =	vadd.f32 $1.000000010e-07, v5;
	v3 =	vmax.f32 v3, $0.0e+00  }
0x52a: {  	v17 =	vld [tilespmem:$0x7970];
	v6 =	vmul.f32 v19, v6;
	(erf) = vpow2.f32 v8;
	v8 =	vadd.f32 $1.000000010e-07, v3  }
0x52b: {  	[tilespmem:s25+$0xFFFFFFA0] =	vst v7;
	v7 =	vld [tilespmem:$0x7970];
	v3 =	vadd.f32 v9, v14;
	v9 =	vmul.f32 v5, v13  }
0x52c: {  	v6 =	vmul.f32 $1.442695020e+00, v6;
	[tilespmem:s23+$0xFFFFFFA0] =	vst v12;
	v13 =	vld [tilespmem:s23+$0xFFFFFFB0];
	v12 =	vpop (erf);
	v4 =	vmul.f32 v8, v4  }
0x52d: {  	v14 =	vld [tilespmem:s10+$0xFFFFFFB0];
	v9 =	vmul.f32 $1.442695020e+00, v9;
	v10 =	vmul.f32 v12, v10  }
0x52e: {  	v15 =	vmax.f32 v15, $0.0e+00;
	(erf) = vpow2.f32 v6;
	v6 =	vld [tilespmem:$0x7940];
	v3 =	vmax.f32 v3, $0.0e+00;
	[tilespmem:s0+$0xFFFFFEB0] =	vst v12  }
0x52f: {  	v12 =	vadd.f32 v61, v20;
	(erf) = vpow2.f32 v9;
	v9 =	vld [tilespmem:s30+$0xFFFFFEC0];
	[tilespmem:s30+$0xFFFFFEB0] =	vst v10;
	v10 =	vmul.f32 $1.442695020e+00, v4  }
0x530: {  	v4 =	vadd.f32 $1.000000010e-07, v3;
	v3 =	vadd.f32 $1.000000010e-07, v15;
	v15 =	vld [tilespmem:s5+$0xFFFFFEC0]  }
0x531: {  	v12 =	vmax.f32 v12, $0.0e+00;
	(erf) = vpow2.f32 v10  }
0x532: {  	v11 =	vmul.f32 v16, v11;
	v7 =	vmul.f32 v4, v7;
	v10 =	vadd.f32 $1.000000010e-07, v12  }
0x533: {  	[tilespmem:s14+$0xFFFFFEE0] =	vst v16;
	v12 =	vadd.f32 v14, v13;
	v13 =	vld [tilespmem:$0x7960];
	v14 =	vmul.f32 v3, v17  }
0x534: {  	[tilespmem:s19+$0xFFFFFEE0] =	vst v11;
	v11 =	vld [tilespmem:s22+$0xFFFFFE90];
	v7 =	vmul.f32 $1.442695020e+00, v7;
	v6 =	vmul.f32 v10, v6  }
0x535: {  	v20 =	vld [tilespmem:s26+$0xFFFFFE90];
	v12 =	vmax.f32 v12, $0.0e+00;
	v14 =	vmul.f32 $1.442695020e+00, v14;
	v9 =	vadd.f32 v15, v9  }
0x536: {  	v17 =	vpop (erf);
	v12 =	vadd.f32 $1.000000010e-07, v12;
	(erf) = vpow2.f32 v7;
	v7 =	vld [tilespmem:$0x7970];
	v6 =	vmul.f32 $1.442695020e+00, v6  }
0x537: {  	v18 =	vmul.f32 v17, v18;
	(erf) = vpow2.f32 v14;
	v9 =	vmax.f32 v9, $0.0e+00  }
0x538: {  	[tilespmem:s25+$0xFFFFFF60] =	vst v17;
	v15 =	vpop (erf);
	v13 =	vmul.f32 v12, v13;
	(erf) = vpow2.f32 v6  }
0x539: {  	v16 =	vld [tilespmem:s19+$0xFFFFFEF0];
	[tilespmem:s9+$0xFFFFFE40] =	vst v15;
	v6 =	vmul.f32 v15, v19;
	v17 =	vpop (erf);
	v15 =	vadd.f32 $1.000000010e-07, v9  }
0x53a: {  	[tilespmem:s23+$0xFFFFFF60] =	vst v18;
	v18 =	vld [tilespmem:s23+$0xFFFFFF70];
	v13 =	vmul.f32 $1.442695020e+00, v13;
	v9 =	vpop (erf)  }
0x53b: {  	v11 =	vadd.f32 v11, v20;
	v14 =	vld [tilespmem:s1+$0xFFFFFEF0];
	[tilespmem:s26+$0xFFFFFE40] =	vst v6;
	v7 =	vmul.f32 v15, v7;
	v6 =	vmul.f32 v9, v8  }
0x53c: {  	v19 =	vld [tilespmem:s10+$0xFFFFFF70];
	[tilespmem:s14+$0xFFFFFF30] =	vst v9  }
0x53d: {  	(erf) = vpow2.f32 v13;
	v8 =	vld [tilespmem:$0x7940];
	[tilespmem:s19+$0xFFFFFF30] =	vst v6;
	v6 =	vmax.f32 v11, $0.0e+00  }
0x53e: {  	v9 =	vmul.f32 $1.442695020e+00, v7;
	v11 =	vld [tilespmem:s19+$0xFFFFFF40]  }
0x53f: {  	v7 =	vpop (erf);
	v62 =	vld [tilespmem:s1+$0xFFFFFF40]  }
0x540: {  	v63 =	vld [tilespmem:s26+$0xFFFFFE50];
	v20 =	vadd.f32 $1.000000010e-07, v6;
	v6 =	vpop (erf);
	(erf) = vpow2.f32 v9  }
0x541: {  	v13 =	vld [tilespmem:$0x7960];
	v14 =	vadd.f32 v14, v16;
	v29 =	vpop (erf)  }
0x542: {  	v28 =	vld [tilespmem:s22+$0xFFFFFE50];
	v16 =	vadd.f32 v19, v18;
	v9 =	vmul.f32 v20, v8;
	v10 =	vmul.f32 v29, v10  }
0x543: {  	s20 =	simm.s32 $0x6F30;
	v18 =	vld [tilespmem:$0x7960]  }
0x544: {  	v16 =	vmax.f32 v16, $0.0e+00;
	v30 =	vld [tilespmem:$0x7970];
	v9 =	vmul.f32 $1.442695020e+00, v9;
	[tilespmem:s20+$0xFFFFFE10] =	vst v29;
	v11 =	vadd.f32 v62, v11  }
0x545: {  	v14 =	vmax.f32 v14, $0.0e+00;
	v16 =	vadd.f32 $1.000000010e-07, v16;
	v24 =	vld [tilespmem:s17+$0xFFFFFE20];
	[tilespmem:s17+$0xFFFFFE10] =	vst v10  }
0x546: {  	(erf) = vpow2.f32 v9;
	v9 =	vadd.f32 $1.000000010e-07, v14;
	v14 =	vld [tilespmem:s12+$0xFFFFFE20];
	v11 =	vmax.f32 v11, $0.0e+00;
	v10 =	vpop (erf)  }
0x547: {  	v31 =	vld [tilespmem:s5+$0xFFFFFF10];
	v12 =	vmul.f32 v10, v12;
	[tilespmem:s25+$0xFFFFFFB0] =	vst v10;
	v10 =	vmul.f32 v16, v13;
	v13 =	vadd.f32 v28, v63  }
0x548: {  	v19 =	vld [tilespmem:s30+$0xFFFFFF10];
	v11 =	vadd.f32 $1.000000010e-07, v11  }
0x549: {  	[tilespmem:s23+$0xFFFFFFB0] =	vst v12;
	v12 =	vmul.f32 v9, v18;
	v10 =	vmul.f32 $1.442695020e+00, v10;
	v13 =	vmax.f32 v13, $0.0e+00;
	v32 =	vpop (erf)  }
0x54a: {  	v21 =	vmul.f32 v11, v30;
	v18 =	vld [tilespmem:s23+$0xFFFFFFC0];
	v13 =	vadd.f32 $1.000000010e-07, v13;
	v15 =	vmul.f32 v32, v15  }
0x54b: {  	[tilespmem:s0+$0xFFFFFEC0] =	vst v32;
	v12 =	vmul.f32 $1.442695020e+00, v12;
	(erf) = vpow2.f32 v10;
	v10 =	vadd.f32 v14, v24;
	v14 =	vld [tilespmem:$0x7950]  }
0x54c: {  	v33 =	vld [tilespmem:s10+$0xFFFFFFC0];
	v21 =	vmul.f32 $1.442695020e+00, v21;
	v8 =	vmul.f32 v13, v8;
	[tilespmem:s30+$0xFFFFFEC0] =	vst v15  }
0x54d: {  	v15 =	vadd.f32 v31, v19;
	(erf) = vpow2.f32 v12;
	v10 =	vmax.f32 v10, $0.0e+00;
	v12 =	vld [tilespmem:$0x7940]  }
0x54e: {  	v10 =	vadd.f32 $1.000000010e-07, v10  }
0x54f: {  	(erf) = vpow2.f32 v21;
	v8 =	vmul.f32 $1.442695020e+00, v8;
	v15 =	vmax.f32 v15, $0.0e+00  }
0x550: {  	v5 =	vmul.f32 v17, v5;
	[tilespmem:s0+$0xFFFFFE70] =	vst v17;
	v17 =	vld [tilespmem:s1+$0xFFFFFF90];
	v19 =	vpop (erf);
	v15 =	vadd.f32 $1.000000010e-07, v15;
	v14 =	vmul.f32 v10, v14  }
0x551: {  	v34 =	vld [tilespmem:$0x7970];
	v20 =	vmul.f32 v19, v20;
	v18 =	vadd.f32 v33, v18;
	(erf) = vpow2.f32 v8  }
0x552: {  	v35 =	vld [tilespmem:s30+$0xFFFFFED0];
	[tilespmem:s9+$0xFFFFFE90] =	vst v19;
	v14 =	vmul.f32 $1.442695020e+00, v14;
	v19 =	vmul.f32 v15, v12  }
0x553: {  	v8 =	vld [tilespmem:s5+$0xFFFFFED0];
	v18 =	vmax.f32 v18, $0.0e+00  }
0x554: {  	[tilespmem:s26+$0xFFFFFE90] =	vst v20;
	v20 =	vld [tilespmem:s26+$0xFFFFFEA0];
	v18 =	vadd.f32 $1.000000010e-07, v18;
	(erf) = vpow2.f32 v14;
	v14 =	vmul.f32 $1.442695020e+00, v19  }
0x555: {  	v19 =	vld [tilespmem:s19+$0xFFFFFF90]  }
0x556: {  	v37 =	vld [tilespmem:s22+$0xFFFFFEA0];
	v21 =	vmul.f32 v18, v34;
	v36 =	vpop (erf)  }
0x557: {  	v38 =	vpop (erf)  }
0x558: {  	v21 =	vmul.f32 $1.442695020e+00, v21;
	(erf) = vpow2.f32 v14;
	v14 =	vpop (erf)  }
0x559: {  	[tilespmem:s30+$0xFFFFFE70] =	vst v5;
	v11 =	vmul.f32 v14, v11  }
0x55a: {  	v5 =	vadd.f32 v8, v35;
	(erf) = vpow2.f32 v21;
	[tilespmem:s14+$0xFFFFFF40] =	vst v14;
	v17 =	vadd.f32 v17, v19  }
0x55b: {  	[tilespmem:s19+$0xFFFFFF40] =	vst v11;
	v11 =	vadd.f32 v37, v20;
	v20 =	vpop (erf)  }
0x55c: {  	v5 =	vmax.f32 v5, $0.0e+00;
	v14 =	vld [tilespmem:$0x7950];
	v13 =	vmul.f32 v20, v13  }
0x55d: {  	v5 =	vadd.f32 $1.000000010e-07, v5;
	v39 =	vld [tilespmem:s19+$0xFFFFFF50];
	[tilespmem:s9+$0xFFFFFE50] =	vst v20  }
0x55e: {  	v40 =	vld [tilespmem:$0x7940];
	[tilespmem:s26+$0xFFFFFE50] =	vst v13;
	v13 =	vmax.f32 v17, $0.0e+00;
	v17 =	vpop (erf)  }
0x55f: {  	v12 =	vmul.f32 v5, v12;
	v19 =	vld [tilespmem:s1+$0xFFFFFF50];
	v11 =	vmax.f32 v11, $0.0e+00;
	v10 =	vmul.f32 v17, v10  }
0x560: {  	v42 =	vld [tilespmem:s26+$0xFFFFFE60];
	v11 =	vadd.f32 $1.000000010e-07, v11  }
0x561: {  	v12 =	vmul.f32 $1.442695020e+00, v12;
	v41 =	vld [tilespmem:s22+$0xFFFFFE60];
	v13 =	vadd.f32 $1.000000010e-07, v13  }
0x562: {  	[tilespmem:s20+$0xFFFFFE20] =	vst v17;
	v17 =	vpop (erf);
	v43 =	vld [tilespmem:$0x7950];
	v14 =	vmul.f32 v11, v14  }
0x563: {  	(erf) = vpow2.f32 v12;
	v44 =	vld [tilespmem:s17+$0xFFFFFE30];
	v12 =	vmul.f32 v13, v40;
	[tilespmem:s17+$0xFFFFFE20] =	vst v10;
	v10 =	vpop (erf)  }
0x564: {  	v14 =	vmul.f32 $1.442695020e+00, v14;
	v18 =	vmul.f32 v10, v18;
	[tilespmem:s25+$0xFFFFFFC0] =	vst v10;
	v10 =	vld [tilespmem:s12+$0xFFFFFE30]  }
0x565: {  	[tilespmem:s0+$0xFFFFFF10] =	vst v17;
	v19 =	vadd.f32 v19, v39;
	v45 =	vld [tilespmem:$0x7960];
	v12 =	vmul.f32 $1.442695020e+00, v12  }
0x566: {  	(erf) = vpow2.f32 v14;
	v14 =	vmul.f32 v17, v15;
	v15 =	vld [tilespmem:s30+$0xFFFFFF20]  }
0x567: {  	v17 =	vmax.f32 v19, $0.0e+00;
	(erf) = vpow2.f32 v12;
	v12 =	vld [tilespmem:s23+$0xFFFFFFD0];
	[tilespmem:s23+$0xFFFFFFC0] =	vst v18  }
0x568: {  	v17 =	vadd.f32 $1.000000010e-07, v17;
	v18 =	vadd.f32 v41, v42;
	[tilespmem:s30+$0xFFFFFF10] =	vst v14;
	v14 =	vld [tilespmem:s10+$0xFFFFFFD0]  }
0x569: {  	v19 =	vld [tilespmem:s5+$0xFFFFFF20];
	v10 =	vadd.f32 v10, v44  }
0x56a: {  	v16 =	vmul.f32 v36, v16;
	v22 =	vmul.f32 v17, v40;
	v18 =	vmax.f32 v18, $0.0e+00  }
0x56b: {  	v46 =	vld [tilespmem:s30+$0xFFFFFE80];
	[tilespmem:s25+$0xFFFFFF70] =	vst v36;
	v18 =	vadd.f32 $1.000000010e-07, v18;
	v10 =	vmax.f32 v10, $0.0e+00  }
0x56c: {  	v8 =	vld [tilespmem:s5+$0xFFFFFE80];
	[tilespmem:s23+$0xFFFFFF70] =	vst v16;
	v9 =	vmul.f32 v38, v9;
	v49 =	vpop (erf);
	v16 =	vmul.f32 $1.442695020e+00, v22;
	v10 =	vadd.f32 $1.000000010e-07, v10  }
0x56d: {  	v47 =	vld [tilespmem:s10+$0xFFFFFF80];
	v5 =	vmul.f32 v49, v5;
	v48 =	vmul.f32 v18, v43  }
0x56e: {  	[tilespmem:s14+$0xFFFFFEF0] =	vst v38;
	v12 =	vadd.f32 v14, v12;
	v14 =	vld [tilespmem:$0x7940];
	v15 =	vadd.f32 v19, v15;
	v19 =	vmul.f32 v10, v45  }
0x56f: {  	v56 =	vld [tilespmem:$0x7970];
	[tilespmem:s19+$0xFFFFFEF0] =	vst v9;
	(erf) = vpow2.f32 v16;
	v16 =	vmul.f32 $1.442695020e+00, v48  }
0x570: {  	v50 =	vld [tilespmem:$0x7950];
	[tilespmem:s0+$0xFFFFFED0] =	vst v49;
	v12 =	vmax.f32 v12, $0.0e+00;
	v19 =	vmul.f32 $1.442695020e+00, v19  }
0x571: {  	v51 =	vld [tilespmem:s30+$0xFFFFFEE0];
	[tilespmem:s30+$0xFFFFFED0] =	vst v5;
	v9 =	vpop (erf);
	(erf) = vpow2.f32 v16;
	v12 =	vadd.f32 $1.000000010e-07, v12  }
0x572: {  	v53 =	vld [tilespmem:s5+$0xFFFFFEE0];
	v5 =	vpop (erf);
	(erf) = vpow2.f32 v19  }
0x573: {  	v20 =	vld [tilespmem:s23+$0xFFFFFF80];
	v15 =	vmax.f32 v15, $0.0e+00;
	v13 =	vmul.f32 v5, v13;
	[tilespmem:s14+$0xFFFFFF90] =	vst v5;
	v5 =	vmul.f32 v12, v14  }
0x574: {  	v54 =	vld [tilespmem:$0x7950];
	[tilespmem:s9+$0xFFFFFEA0] =	vst v9;
	v9 =	vmul.f32 v9, v11;
	v15 =	vadd.f32 $1.000000010e-07, v15  }
0x575: {  	[tilespmem:s19+$0xFFFFFF90] =	vst v13;
	v14 =	vld [tilespmem:s19+$0xFFFFFFA0];
	v5 =	vmul.f32 $1.442695020e+00, v5  }
0x576: {  	[tilespmem:s26+$0xFFFFFEA0] =	vst v9;
	v13 =	vmul.f32 v15, v50;
	v9 =	vld [tilespmem:s1+$0xFFFFFFA0]  }
0x577: {  	v11 =	vld [tilespmem:s26+$0xFFFFFEB0];
	(erf) = vpow2.f32 v5;
	v5 =	vadd.f32 v53, v51  }
0x578: {  	v19 =	vld [tilespmem:s22+$0xFFFFFEB0];
	v13 =	vmul.f32 $1.442695020e+00, v13  }
0x579: {  	v52 =	vld [tilespmem:s1+$0xFFFFFF00];
	v20 =	vadd.f32 v47, v20;
	v55 =	vpop (erf);
	v5 =	vmax.f32 v5, $0.0e+00  }
0x57a: {  	v16 =	vld [tilespmem:s19+$0xFFFFFF00];
	[tilespmem:s14+$0xFFFFFF50] =	vst v55;
	v17 =	vmul.f32 v55, v17;
	(erf) = vpow2.f32 v13;
	v57 =	vpop (erf);
	v58 =	vadd.f32 $1.000000010e-07, v5  }
0x57b: {  	v20 =	vmax.f32 v20, $0.0e+00;
	v13 =	vld [tilespmem:s19+$0xFFFFFF60];
	v9 =	vadd.f32 v9, v14;
	v18 =	vmul.f32 v57, v18;
	v59 =	vpop (erf)  }
0x57c: {  	[tilespmem:s19+$0xFFFFFF50] =	vst v17;
	v17 =	vld [tilespmem:$0x7950];
	v5 =	vadd.f32 $1.000000010e-07, v20;
	v21 =	vmul.f32 v58, v54;
	v10 =	vmul.f32 v59, v10  }
0x57d: {  	v23 =	vadd.f32 v8, v46;
	v11 =	vadd.f32 v19, v11;
	v20 =	vld [tilespmem:s1+$0xFFFFFF60];
	[tilespmem:s9+$0xFFFFFE60] =	vst v57  }
0x57e: {  	v14 =	vld [tilespmem:$0x7960];
	v8 =	vmax.f32 v9, $0.0e+00;
	v22 =	vmul.f32 v5, v56;
	[tilespmem:s26+$0xFFFFFE60] =	vst v18;
	v9 =	vmul.f32 $1.442695020e+00, v21  }
0x57f: {  	v8 =	vadd.f32 $1.000000010e-07, v8;
	v19 =	vld [tilespmem:s26+$0xFFFFFE70];
	[tilespmem:s20+$0xFFFFFE30] =	vst v59  }
0x580: {  	v18 =	vld [tilespmem:$0x7950];
	v61 =	vmul.f32 $1.442695020e+00, v22;
	[tilespmem:s17+$0xFFFFFE30] =	vst v10;
	v10 =	vpop (erf);
	(erf) = vpow2.f32 v9;
	v9 =	vmax.f32 v11, $0.0e+00  }
0x581: {  	v62 =	vmul.f32 v2, v1;
	v60 =	vld [tilespmem:s22+$0xFFFFFE70];
	v11 =	vmul.f32 v8, v17;
	v9 =	vadd.f32 $1.000000010e-07, v9  }
0x582: {  	v13 =	vadd.f32 v20, v13;
	v20 =	vld [tilespmem:s17+$0xFFFFFE40];
	v12 =	vmul.f32 v10, v12;
	(erf) = vpow2.f32 v61  }
0x583: {  	v16 =	vadd.f32 v52, v16;
	[tilespmem:s25+$0xFFFFFFD0] =	vst v10;
	v10 =	vld [tilespmem:s12+$0xFFFFFE40];
	v17 =	vpop (erf);
	v11 =	vmul.f32 $1.442695020e+00, v11;
	v14 =	vmul.f32 v9, v14  }
0x584: {  	v63 =	vld [tilespmem:$0x7970];
	v1 =	vmul.f32 v17, v15;
	[tilespmem:s23+$0xFFFFFFD0] =	vst v12;
	v12 =	vmul.f32 v7, v4;
	v4 =	vmax.f32 v13, $0.0e+00  }
0x585: {  	[tilespmem:s25+$0xFFFFFE80] =	vst v2;
	v15 =	vld [tilespmem:s23+$0xFFFFFFE0];
	v4 =	vadd.f32 $1.000000010e-07, v4;
	(erf) = vpow2.f32 v11;
	v14 =	vmul.f32 $1.442695020e+00, v14  }
0x586: {  	v2 =	vmax.f32 v16, $0.0e+00;
	[tilespmem:s0+$0xFFFFFF20] =	vst v17;
	v17 =	vld [tilespmem:s10+$0xFFFFFFE0]  }
0x587: {  	[tilespmem:s30+$0xFFFFFF20] =	vst v1;
	v11 =	vld [tilespmem:s30+$0xFFFFFF30];
	v16 =	vmul.f32 v4, v18;
	v18 =	vadd.f32 v60, v19;
	(erf) = vpow2.f32 v14  }
0x588: {  	[tilespmem:s25+$0xFFFFFF00] =	vst v7;
	v3 =	vmul.f32 v6, v3;
	v13 =	vmax.f32 v23, $0.0e+00;
	v10 =	vadd.f32 v10, v20;
	v20 =	vld [tilespmem:s5+$0xFFFFFF30]  }
0x589: {  	[tilespmem:s14+$0xFFFFFE80] =	vst v6;
	v1 =	vadd.f32 $1.000000010e-07, v13;
	v13 =	vld [tilespmem:$0x7960]  }
0x58a: {  	[tilespmem:s19+$0xFFFFFE80] =	vst v3;
	v2 =	vadd.f32 $1.000000010e-07, v2;
	v7 =	vld [tilespmem:$0x7970];
	v10 =	vmax.f32 v10, $0.0e+00;
	v16 =	vmul.f32 $1.442695020e+00, v16  }
0x58b: {  	[tilespmem:s23+$0xFFFFFF00] =	vst v12;
	v12 =	vld [tilespmem:$0x7950];
	v14 =	vmax.f32 v18, $0.0e+00;
	v6 =	vadd.f32 $1.000000010e-07, v10;
	v19 =	vadd.f32 v17, v15;
	v18 =	vpop (erf)  }
0x58c: {  	s8 =	smov.u32 s7;
	s6 =	simm.s32 $0x10;
	[tilespmem:s23+$0xFFFFFE80] =	vst v62;
	v3 =	vadd.f32 $1.000000010e-07, v14;
	v10 =	vld [tilespmem:$0x7970];
	(erf) = vpow2.f32 v16;
	v14 =	vmul.f32 v18, v58  }
0x58d: {  	s2 =	simm.s32 $0x6F30;
	s3 =	simm.s32 $0x4730;
	s7 =	simm.s32 $0x2130;
	v15 =	vld [tilespmem:$0x7960];
	[tilespmem:s0+$0xFFFFFEE0] =	vst v18;
	v16 =	vmul.f32 v6, v63;
	v17 =	vadd.f32 v20, v11;
	v18 =	vmax.f32 v19, $0.0e+00;
	v11 =	vpop (erf)  }
.LBB2_7:
0x58e: {  	v19 =	vld [tilespmem:s7+$0xFFFFFE10];
	s12 =	sadd.s32 $0x200, s12;
	v21 =	vmul.f32 v3, v13;
	[tilespmem:s30+$0xFFFFFEE0] =	vst v14;
	v14 =	vpop (erf);
	v5 =	vmul.f32 v11, v5;
	v18 =	vadd.f32 $1.000000010e-07, v18  }
0x58f: {  	v20 =	vld [tilespmem:s12+$0xFFFFFE10];
	v16 =	vmul.f32 $1.442695020e+00, v16;
	v17 =	vmax.f32 v17, $0.0e+00;
	v8 =	vmul.f32 v14, v8;
	[tilespmem:s25+$0xFFFFFF80] =	vst v11  }
0x590: {  	v11 =	vmul.f32 $1.442695020e+00, v21;
	v13 =	vpop (erf);
	v21 =	vld [tilespmem:s5+$0xFFFFFEF0];
	v17 =	vadd.f32 $1.000000010e-07, v17;
	[tilespmem:s14+$0xFFFFFFA0] =	vst v14;
	v12 =	vmul.f32 v18, v12  }
0x591: {  	(erf) = vpow2.f32 v16;
	v9 =	vmul.f32 v13, v9;
	[tilespmem:s19+$0xFFFFFFA0] =	vst v8;
	v8 =	vld [tilespmem:s19+$0xFFFFFFB0]  }
0x592: {  	v16 =	vmul.f32 v17, v15;
	v15 =	vld [tilespmem:s1+$0xFFFFFFB0];
	[tilespmem:s23+$0xFFFFFF80] =	vst v5;
	v5 =	vmul.f32 $1.442695020e+00, v12  }
0x593: {  	v7 =	vmul.f32 v2, v7;
	v12 =	vld [tilespmem:$0x7940];
	[tilespmem:s9+$0xFFFFFEB0] =	vst v13;
	(erf) = vpow2.f32 v11  }
0x594: {  	v11 =	vadd.f32 v20, v19;
	[tilespmem:s26+$0xFFFFFEB0] =	vst v9;
	v9 =	vld [tilespmem:s26+$0xFFFFFEC0];
	v13 =	vmul.f32 $1.442695020e+00, v16;
	(erf) = vpow2.f32 v5  }
0x595: {  	v10 =	vmul.f32 v1, v10;
	v7 =	vmul.f32 $1.442695020e+00, v7;
	v5 =	vld [tilespmem:s22+$0xFFFFFEC0];
	v14 =	vpop (erf)  }
0x596: {  	v11 =	vmax.f32 v11, $0.0e+00;
	v16 =	vld [tilespmem:s30+$0xFFFFFEF0];
	(erf) = vpow2.f32 v13;
	[tilespmem:s14+$0xFFFFFF60] =	vst v14;
	v4 =	vmul.f32 v14, v4  }
0x597: {  	v19 =	vmul.f32 $1.442695020e+00, v10;
	v11 =	vadd.f32 $1.000000010e-07, v11;
	v8 =	vadd.f32 v15, v8;
	v13 =	vld [tilespmem:$0x7960]  }
0x598: {  	[tilespmem:s19+$0xFFFFFF60] =	vst v4;
	v14 =	vld [tilespmem:s19+$0xFFFFFF70];
	(erf) = vpow2.f32 v7  }
0x599: {  	v4 =	vmul.f32 v11, v12;
	v7 =	vld [tilespmem:s17+$0xFFFFFE90];
	(erf) = vpow2.f32 v19;
	v8 =	vmax.f32 v8, $0.0e+00  }
0x59a: {  	v10 =	vpop (erf);
	v5 =	vadd.f32 v5, v9;
	v9 =	vld [tilespmem:$0x7970];
	v8 =	vadd.f32 $1.000000010e-07, v8  }
0x59b: {  	s6 =	sadd.s32 $0x4, s6;
	v4 =	vmul.f32 $1.442695020e+00, v4;
	v12 =	vld [tilespmem:s3+$0xFFFFFE90];
	v20 =	vadd.f32 v21, v16  }
0x59c: {  	p0 =	slt.u32 s6, $0x24;
	v6 =	vmul.f32 v10, v6;
	v5 =	vmax.f32 v5, $0.0e+00;
	v16 =	vpop (erf);
	v19 =	vld [tilespmem:s1+$0xFFFFFF70];
	v13 =	vmul.f32 v8, v13  }
0x59d: {  	(erf) = vpow2.f32 v4;
	[tilespmem:s20+$0xFFFFFE40] =	vst v10;
	v5 =	vadd.f32 $1.000000010e-07, v5;
	v4 =	vmax.f32 v20, $0.0e+00;
	v10 =	vld [tilespmem:$0x7960];
	v15 =	vpop (erf)  }
0x59e: {  	[tilespmem:s17+$0xFFFFFE40] =	vst v6;
	v6 =	vld [tilespmem:s17+$0xFFFFFE50];
	v4 =	vadd.f32 $1.000000010e-07, v4;
	v13 =	vmul.f32 $1.442695020e+00, v13;
	v18 =	vmul.f32 v15, v18  }
0x59f: {  	v3 =	vmul.f32 v16, v3;
	v20 =	vld [tilespmem:$0x7940];
	v9 =	vmul.f32 v5, v9;
	v21 =	vpop (erf);
	[tilespmem:s25+$0xFFFFFFE0] =	vst v15  }
0x5a0: {  	v7 =	vadd.f32 v12, v7;
	v12 =	vmul.f32 v21, v17;
	(erf) = vpow2.f32 v13;
	[tilespmem:s23+$0xFFFFFFE0] =	vst v18;
	v13 =	vld [tilespmem:s23+$0xFFFFFFF0]  }
0x5a1: {  	[tilespmem:s0+$0xFFFFFF30] =	vst v21;
	v14 =	vadd.f32 v19, v14;
	v15 =	vpop (erf);
	v17 =	vld [tilespmem:s10+$0xFFFFFFF0]  }
0x5a2: {  	v9 =	vmul.f32 $1.442695020e+00, v9;
	v7 =	vmax.f32 v7, $0.0e+00;
	[tilespmem:s30+$0xFFFFFF30] =	vst v12;
	v12 =	vld [tilespmem:s30+$0xFFFFFF40];
	v18 =	vpop (erf);
	v2 =	vmul.f32 v15, v2  }
0x5a3: {  	v7 =	vadd.f32 $1.000000010e-07, v7;
	[tilespmem:s9+$0xFFFFFE70] =	vst v16;
	v1 =	vmul.f32 v18, v1;
	v16 =	vld [tilespmem:s5+$0xFFFFFF40];
	v14 =	vmax.f32 v14, $0.0e+00  }
0x5a4: {  	v19 =	vld [tilespmem:s3+$0xFFFFFE50];
	[tilespmem:s26+$0xFFFFFE70] =	vst v3;
	(erf) = vpow2.f32 v9;
	v3 =	vadd.f32 $1.000000010e-07, v14  }
0x5a5: {  	v9 =	vmul.f32 v7, v20;
	v14 =	vld [tilespmem:$0x7960];
	[tilespmem:s14+$0xFFFFFF00] =	vst v15  }
0x5a6: {  	v15 =	vpop (erf);
	[tilespmem:s19+$0xFFFFFF00] =	vst v2;
	v2 =	vmul.f32 v3, v10;
	v10 =	vadd.f32 v17, v13;
	v13 =	vld [tilespmem:$0x7960]  }
0x5a7: {  	s20 =	sadd.s32 $0x200, s20;
	v11 =	vmul.f32 v15, v11;
	v21 =	vmul.f32 $1.442695020e+00, v9;
	v17 =	vld [tilespmem:s26+$0xFFFFFF10];
	[tilespmem:s0+$0xFFFFFE80] =	vst v18  }
0x5a8: {  	[tilespmem:s20+$0xFFFFFE10] =	vst v15;
	v12 =	vadd.f32 v16, v12;
	v15 =	vld [tilespmem:$0x7970];
	v2 =	vmul.f32 $1.442695020e+00, v2;
	v10 =	vmax.f32 v10, $0.0e+00  }
0x5a9: {  	[tilespmem:s7+$0xFFFFFE10] =	vst v11;
	v11 =	vld [tilespmem:s7+$0xFFFFFE20];
	v6 =	vadd.f32 v19, v6;
	(erf) = vpow2.f32 v21;
	v9 =	vpop (erf);
	v10 =	vadd.f32 $1.000000010e-07, v10  }
0x5aa: {  	v16 =	vld [tilespmem:s12+$0xFFFFFE20];
	[tilespmem:s30+$0xFFFFFE80] =	vst v1;
	v1 =	vmul.f32 v4, v14;
	v12 =	vmax.f32 v12, $0.0e+00;
	v8 =	vmul.f32 v9, v8  }
0x5ab: {  	v6 =	vmax.f32 v6, $0.0e+00;
	v14 =	vld [tilespmem:s22+$0xFFFFFF10];
	v12 =	vadd.f32 $1.000000010e-07, v12;
	[tilespmem:s14+$0xFFFFFFB0] =	vst v9;
	v9 =	vmul.f32 v10, v13  }
0x5ac: {  	v6 =	vadd.f32 $1.000000010e-07, v6;
	v1 =	vmul.f32 $1.442695020e+00, v1;
	[tilespmem:s19+$0xFFFFFFB0] =	vst v8;
	v8 =	vld [tilespmem:s19+$0xFFFFFFC0];
	(erf) = vpow2.f32 v2  }
0x5ad: {  	v2 =	vpop (erf);
	v13 =	vmul.f32 v12, v15;
	v15 =	vld [tilespmem:s1+$0xFFFFFFC0];
	v9 =	vmul.f32 $1.442695020e+00, v9  }
0x5ae: {  	v18 =	vmul.f32 v6, v20;
	v19 =	vld [tilespmem:s22+$0xFFFFFE80];
	v5 =	vmul.f32 v2, v5  }
0x5af: {  	v11 =	vadd.f32 v16, v11;
	v16 =	vld [tilespmem:$0x7950];
	[tilespmem:s9+$0xFFFFFEC0] =	vst v2;
	v2 =	vmul.f32 $1.442695020e+00, v13;
	(erf) = vpow2.f32 v9  }
0x5b0: {  	v9 =	vmul.f32 $1.442695020e+00, v18;
	[tilespmem:s26+$0xFFFFFEC0] =	vst v5;
	v5 =	vld [tilespmem:s26+$0xFFFFFED0];
	(erf) = vpow2.f32 v1  }
0x5b1: {  	v13 =	vadd.f32 v14, v17;
	v18 =	vmax.f32 v11, $0.0e+00;
	v11 =	vld [tilespmem:$0x7940];
	(erf) = vpow2.f32 v2  }
0x5b2: {  	v14 =	vadd.f32 $1.000000010e-07, v18;
	(erf) = vpow2.f32 v9;
	v1 =	vpop (erf);
	v18 =	vadd.f32 v15, v8;
	v8 =	vld [tilespmem:$0x7970]  }
0x5b3: {  	v13 =	vmax.f32 v13, $0.0e+00;
	v7 =	vmul.f32 v1, v7;
	v9 =	vld [tilespmem:s22+$0xFFFFFED0]  }
0x5b4: {  	v13 =	vadd.f32 $1.000000010e-07, v13;
	v15 =	vmul.f32 v14, v16;
	[tilespmem:s2+$0xFFFFFE90] =	vst v1;
	v1 =	vld [tilespmem:s26+$0xFFFFFE80];
	v17 =	vmax.f32 v18, $0.0e+00  }
0x5b5: {  	[tilespmem:s17+$0xFFFFFE90] =	vst v7;
	v7 =	vld [tilespmem:s17+$0xFFFFFEA0];
	v16 =	vadd.f32 $1.000000010e-07, v17;
	v2 =	vpop (erf)  }
0x5b6: {  	v15 =	vmul.f32 $1.442695020e+00, v15;
	v17 =	vld [tilespmem:s3+$0xFFFFFEA0];
	v22 =	vmul.f32 v13, v11;
	[tilespmem:s14+$0xFFFFFF70] =	vst v2  }
0x5b7: {  	v3 =	vmul.f32 v2, v3;
	v2 =	vld [tilespmem:s19+$0xFFFFFF80];
	v8 =	vmul.f32 v16, v8  }
0x5b8: {  	(erf) = vpow2.f32 v15;
	v5 =	vadd.f32 v9, v5;
	v21 =	vmul.f32 $1.442695020e+00, v22;
	v15 =	vld [tilespmem:s30+$0xFFFFFF90];
	v18 =	vpop (erf)  }
0x5b9: {  	v1 =	vadd.f32 v19, v1;
	v19 =	vld [tilespmem:s5+$0xFFFFFF90];
	v20 =	vpop (erf);
	[tilespmem:s19+$0xFFFFFF70] =	vst v3;
	v3 =	vmul.f32 $1.442695020e+00, v8;
	v8 =	vmul.f32 v18, v10  }
0x5ba: {  	v10 =	vld [tilespmem:$0x7950];
	v5 =	vmax.f32 v5, $0.0e+00;
	(erf) = vpow2.f32 v21;
	v4 =	vmul.f32 v20, v4;
	v9 =	vpop (erf);
	[tilespmem:s25+$0xFFFFFFF0] =	vst v18  }
0x5bb: {  	v7 =	vadd.f32 v17, v7;
	v17 =	vpop (erf);
	v12 =	vmul.f32 v9, v12;
	(erf) = vpow2.f32 v3;
	[tilespmem:s23+$0xFFFFFFF0] =	vst v8;
	v3 =	vld [tilespmem:s23+$0x0]  }
0x5bc: {  	v1 =	vmax.f32 v1, $0.0e+00;
	v5 =	vadd.f32 $1.000000010e-07, v5;
	v6 =	vmul.f32 v17, v6;
	[tilespmem:s0+$0xFFFFFF40] =	vst v9;
	v8 =	vld [tilespmem:s10+$0x0];
	s10 =	smov.u32 s1;
	s1 =	smov.u32 s5;
	s5 =	smov.u32 s22  }
0x5bd: {  	v1 =	vadd.f32 $1.000000010e-07, v1;
	s22 =	smov.u32 s3;
	s3 =	smov.u32 s12;
	v7 =	vmax.f32 v7, $0.0e+00;
	[tilespmem:s30+$0xFFFFFF40] =	vst v12;
	v9 =	vld [tilespmem:s30+$0xFFFFFF50]  }
0x5be: {  	v11 =	vmul.f32 v5, v11;
	[tilespmem:s2+$0xFFFFFE50] =	vst v17;
	v7 =	vadd.f32 $1.000000010e-07, v7;
	v12 =	vld [tilespmem:$0x7940];
	v15 =	vadd.f32 v19, v15  }
0x5bf: {  	[tilespmem:s17+$0xFFFFFE50] =	vst v6;
	v6 =	vld [tilespmem:s1+$0xFFFFFF50]  }
0x5c0: {  	v19 =	vmul.f32 $1.442695020e+00, v11;
	v17 =	vld [tilespmem:s22+$0xFFFFFE60];
	v10 =	vmul.f32 v7, v10;
	[tilespmem:s0+$0xFFFFFEF0] =	vst v20;
	v15 =	vmax.f32 v15, $0.0e+00  }
0x5c1: {  	v18 =	vpop (erf);
	[tilespmem:s30+$0xFFFFFEF0] =	vst v4;
	v4 =	vadd.f32 $1.000000010e-07, v15;
	v3 =	vadd.f32 v8, v3;
	v8 =	vld [tilespmem:$0x7970]  }
0x5c2: {  	v14 =	vmul.f32 v18, v14;
	v15 =	vld [tilespmem:s17+$0xFFFFFE60];
	v10 =	vmul.f32 $1.442695020e+00, v10  }
0x5c3: {  	[tilespmem:s20+$0xFFFFFE20] =	vst v18;
	v18 =	vld [tilespmem:$0x7950];
	(erf) = vpow2.f32 v19;
	v11 =	vpop (erf);
	v19 =	vmul.f32 v4, v12;
	v3 =	vmax.f32 v3, $0.0e+00  }
0x5c4: {  	[tilespmem:s7+$0xFFFFFE20] =	vst v14;
	v14 =	vld [tilespmem:s7+$0xFFFFFE30];
	(erf) = vpow2.f32 v10;
	v6 =	vadd.f32 v6, v9;
	v9 =	vpop (erf);
	v3 =	vadd.f32 $1.000000010e-07, v3  }
0x5c5: {  	v10 =	vld [tilespmem:s12+$0xFFFFFE30];
	[tilespmem:s9+$0xFFFFFF10] =	vst v11;
	v19 =	vmul.f32 $1.442695020e+00, v19;
	v16 =	vmul.f32 v9, v16  }
0x5c6: {  	v11 =	vmul.f32 v11, v13;
	v13 =	vld [tilespmem:s26+$0xFFFFFF20];
	v6 =	vmax.f32 v6, $0.0e+00;
	[tilespmem:s14+$0xFFFFFFC0] =	vst v9;
	v8 =	vmul.f32 v3, v8  }
0x5c7: {  	v9 =	vadd.f32 v17, v15;
	v6 =	vadd.f32 $1.000000010e-07, v6;
	(erf) = vpow2.f32 v19;
	[tilespmem:s19+$0xFFFFFFC0] =	vst v16;
	v15 =	vld [tilespmem:s19+$0xFFFFFFD0]  }
0x5c8: {  	[tilespmem:s26+$0xFFFFFF10] =	vst v11;
	v11 =	vld [tilespmem:s10+$0xFFFFFFD0];
	v8 =	vmul.f32 $1.442695020e+00, v8  }
0x5c9: {  	v9 =	vmax.f32 v9, $0.0e+00;
	v16 =	vld [tilespmem:s5+$0xFFFFFF20];
	v12 =	vmul.f32 v6, v12  }
0x5ca: {  	v10 =	vadd.f32 v10, v14;
	v14 =	vld [tilespmem:$0x7960];
	v9 =	vadd.f32 $1.000000010e-07, v9;
	(erf) = vpow2.f32 v8  }
0x5cb: {  	v8 =	vmul.f32 $1.442695020e+00, v12;
	v12 =	vld [tilespmem:s10+$0xFFFFFF80]  }
0x5cc: {  	v10 =	vmax.f32 v10, $0.0e+00;
	v17 =	vmul.f32 v9, v18;
	v18 =	vpop (erf);
	v19 =	vld [tilespmem:s1+$0xFFFFFF00]  }
0x5cd: {  	v10 =	vadd.f32 $1.000000010e-07, v10;
	v20 =	vpop (erf);
	[tilespmem:s9+$0xFFFFFED0] =	vst v18;
	(erf) = vpow2.f32 v8;
	v8 =	vadd.f32 v11, v15;
	v11 =	vld [tilespmem:$0x7940]  }
0x5ce: {  	v5 =	vmul.f32 v18, v5;
	v21 =	vmul.f32 $1.442695020e+00, v17;
	v13 =	vadd.f32 v16, v13;
	v16 =	vld [tilespmem:$0x7950]  }
0x5cf: {  	v14 =	vmul.f32 v10, v14;
	v17 =	vld [tilespmem:s26+$0xFFFFFEE0];
	v8 =	vmax.f32 v8, $0.0e+00  }
0x5d0: {  	(erf) = vpow2.f32 v21;
	[tilespmem:s26+$0xFFFFFED0] =	vst v5;
	v5 =	vmax.f32 v13, $0.0e+00;
	v13 =	vld [tilespmem:s30+$0xFFFFFF00];
	v15 =	vpop (erf);
	v18 =	vadd.f32 $1.000000010e-07, v8  }
0x5d1: {  	v8 =	vmul.f32 $1.442695020e+00, v14;
	[tilespmem:s2+$0xFFFFFEA0] =	vst v20;
	v14 =	vld [tilespmem:s5+$0xFFFFFEE0];
	v21 =	vadd.f32 $1.000000010e-07, v5;
	v4 =	vmul.f32 v15, v4  }
0x5d2: {  	v2 =	vadd.f32 v12, v2;
	v5 =	vmul.f32 v20, v7;
	v7 =	vld [tilespmem:s17+$0xFFFFFEB0];
	[tilespmem:s0+$0xFFFFFF90] =	vst v15;
	v11 =	vmul.f32 v18, v11  }
0x5d3: {  	(erf) = vpow2.f32 v8;
	v8 =	vmul.f32 v21, v16;
	[tilespmem:s30+$0xFFFFFF90] =	vst v4;
	v4 =	vld [tilespmem:s30+$0xFFFFFFA0];
	v12 =	vpop (erf)  }
0x5d4: {  	v2 =	vmax.f32 v2, $0.0e+00;
	[tilespmem:s17+$0xFFFFFEA0] =	vst v5;
	v15 =	vld [tilespmem:s1+$0xFFFFFFA0];
	v11 =	vmul.f32 $1.442695020e+00, v11;
	v3 =	vmul.f32 v12, v3  }
0x5d5: {  	v5 =	vadd.f32 $1.000000010e-07, v2;
	v16 =	vld [tilespmem:s22+$0xFFFFFEB0];
	v13 =	vadd.f32 v19, v13;
	[tilespmem:s25+$0x0] =	vst v12;
	s25 =	smov.u32 s14;
	s14 =	smov.u32 s0;
	s0 =	smov.u32 s9  }
0x5d6: {  	s9 =	smov.u32 s2;
	s2 =	smov.u32 s20;
	v2 =	vadd.f32 v14, v17;
	v12 =	vld [tilespmem:$0x7950];
	v17 =	vmul.f32 $1.442695020e+00, v8;
	v14 =	vpop (erf);
	(erf) = vpow2.f32 v11;
	[tilespmem:s23+$0x0] =	vst v3;
	s23 =	smov.u32 s19  }
0x5d7: {  	s19 =	smov.u32 s30;
	s30 =	smov.u32 s26;
	s26 =	smov.u32 s17;
	v3 =	vmax.f32 v13, $0.0e+00;
	[tilespmem:s14+$0xFFFFFF50] =	vst v14;
	v6 =	vmul.f32 v14, v6;
	v11 =	vld [tilespmem:$0x7970]  }
0x5d8: {  	s17 =	smov.u32 s7;
	v13 =	vmax.f32 v2, $0.0e+00;
	(erf) = vpow2.f32 v17;
	v2 =	vadd.f32 $1.000000010e-07, v3;
	v3 =	vld [tilespmem:s19+$0xFFFFFF60]  }
0x5d9: {  	v8 =	vpop (erf);
	v14 =	vadd.f32 $1.000000010e-07, v13;
	[tilespmem:s19+$0xFFFFFF50] =	vst v6;
	v4 =	vadd.f32 v15, v4;
	v6 =	vld [tilespmem:$0x7950]  }
0x5da: {  	[tilespmem:s9+$0xFFFFFE60] =	vst v8;
	v8 =	vmul.f32 v8, v9;
	v7 =	vadd.f32 v16, v7;
	v13 =	vld [tilespmem:$0x7960]  }
0x5db: {  	v12 =	vmul.f32 v14, v12;
	v15 =	vld [tilespmem:s1+$0xFFFFFF60];
	v4 =	vmax.f32 v4, $0.0e+00  }
0x5dc: {  	v16 =	vpop (erf);
	[tilespmem:s26+$0xFFFFFE60] =	vst v8;
	v7 =	vmax.f32 v7, $0.0e+00;
	v17 =	vld [tilespmem:$0x7950];
	v8 =	vadd.f32 $1.000000010e-07, v4;
	v4 =	vmul.f32 v5, v11  }
0x5dd: {  	v10 =	vmul.f32 v16, v10;
	v11 =	vld [tilespmem:s22+$0xFFFFFE70];
	v9 =	vadd.f32 $1.000000010e-07, v7;
	v19 =	vmul.f32 $1.442695020e+00, v12  }
0x5de: {  	[tilespmem:s20+$0xFFFFFE30] =	vst v16;
	v12 =	vld [tilespmem:s26+$0xFFFFFE70];
	v6 =	vmul.f32 v8, v6;
	v4 =	vmul.f32 $1.442695020e+00, v4  }
0x5df: {  	[tilespmem:s7+$0xFFFFFE30] =	vst v10;
	v10 =	vld [tilespmem:s7+$0xFFFFFE40];
	v13 =	vmul.f32 v9, v13;
	(erf) = vpow2.f32 v19;
	v7 =	vpop (erf)  }
0x5e0: {  	v16 =	vld [tilespmem:s12+$0xFFFFFE40];
	v3 =	vadd.f32 v15, v3;
	v6 =	vmul.f32 $1.442695020e+00, v6;
	v15 =	vmul.f32 v7, v18  }
0x5e1: {  	v18 =	vld [tilespmem:$0x7970];
	v13 =	vmul.f32 $1.442695020e+00, v13;
	v19 =	vpop (erf);
	[tilespmem:s25+$0xFFFFFFD0] =	vst v7;
	(erf) = vpow2.f32 v4  }
0x5e2: {  	v7 =	vmul.f32 v19, v21;
	v3 =	vmax.f32 v3, $0.0e+00;
	(erf) = vpow2.f32 v6;
	[tilespmem:s23+$0xFFFFFFD0] =	vst v15;
	v15 =	vld [tilespmem:s23+$0xFFFFFFE0]  }
0x5e3: {  	v6 =	vadd.f32 v11, v12;
	[tilespmem:s0+$0xFFFFFF20] =	vst v19;
	v4 =	vadd.f32 $1.000000010e-07, v3;
	v11 =	vld [tilespmem:s10+$0xFFFFFFE0]  }
0x5e4: {  	(erf) = vpow2.f32 v13;
	[tilespmem:s30+$0xFFFFFF20] =	vst v7;
	v19 =	vld [tilespmem:s30+$0xFFFFFF30]  }
0x5e5: {  	v7 =	vadd.f32 v16, v10;
	v3 =	vmax.f32 v6, $0.0e+00;
	v20 =	vld [tilespmem:s5+$0xFFFFFF30];
	v6 =	vmul.f32 v4, v17  }
.Ltmp2:
0x5e6: {  	v3 =	vadd.f32 $1.000000010e-07, v3;
	v13 =	vld [tilespmem:$0x7960];
	(pc) =	sbr.rel @p0 .LBB2_7-.Ltmp2, $4  }
0x5e7: {  	v10 =	vmax.f32 v7, $0.0e+00;
	v7 =	vld [tilespmem:$0x7970];
	v16 =	vmul.f32 $1.442695020e+00, v6  }
0x5e8: {  	v6 =	vadd.f32 $1.000000010e-07, v10;
	v17 =	vpop (erf);
	v21 =	vadd.f32 v11, v15;
	v12 =	vld [tilespmem:$0x7950]  }
0x5e9: {  	v10 =	vld [tilespmem:$0x7970];
	[tilespmem:s0+$0xFFFFFEE0] =	vst v17;
	v14 =	vmul.f32 v17, v14;
	(erf) = vpow2.f32 v16  }
0x5ea: {  	s7 =	sadd.s32 $0x200, s7;
	v16 =	vmul.f32 v6, v18;
	v17 =	vadd.f32 v20, v19;
	v15 =	vld [tilespmem:$0x7960];
	v18 =	vmax.f32 v21, $0.0e+00;
	v11 =	vpop (erf)  }
0x5eb: {  	v18 =	vadd.f32 $1.000000010e-07, v18  }
0x5ec: {  	v13 =	vmul.f32 v3, v13;
	v19 =	vpop (erf);
	v16 =	vmul.f32 $1.442695020e+00, v16;
	v17 =	vmax.f32 v17, $0.0e+00  }
0x5ed: {  	v8 =	vmul.f32 v19, v8;
	v17 =	vadd.f32 $1.000000010e-07, v17;
	v12 =	vmul.f32 v18, v12  }
0x5ee: {  	[tilespmem:s14+$0xFFFFFFA0] =	vst v19;
	v13 =	vmul.f32 $1.442695020e+00, v13;
	(erf) = vpow2.f32 v16  }
0x5ef: {  	v51 =	vpop (erf);
	v52 =	vld [tilespmem:s19+$0xFFFFFFB0];
	[tilespmem:s19+$0xFFFFFFA0] =	vst v8;
	v15 =	vmul.f32 v17, v15;
	v12 =	vmul.f32 $1.442695020e+00, v12  }
0x5f0: {  	v9 =	vmul.f32 v51, v9;
	(erf) = vpow2.f32 v13;
	v54 =	vld [tilespmem:s1+$0xFFFFFFB0]  }
0x5f1: {  	[tilespmem:s9+$0xFFFFFEB0] =	vst v51;
	v53 =	vmul.f32 $1.442695020e+00, v15;
	(erf) = vpow2.f32 v12  }
0x5f2: {  	v55 =	vld [tilespmem:s26+$0xFFFFFEC0];
	[tilespmem:s26+$0xFFFFFEB0] =	vst v9  }
0x5f3: {  	v56 =	vld [tilespmem:s22+$0xFFFFFEC0];
	(erf) = vpow2.f32 v53  }
0x5f4: {  	v59 =	vld [tilespmem:s17+$0xFFFFFE90]  }
0x5f5: {  	v58 =	vld [tilespmem:$0x7960];
	v8 =	vadd.f32 v54, v52  }
0x5f6: {  	v61 =	vld [tilespmem:s3+$0xFFFFFE90];
	v7 =	vmul.f32 v2, v7;
	v57 =	vpop (erf)  }
0x5f7: {  	[tilespmem:s30+$0xFFFFFEE0] =	vst v14;
	v63 =	vld [tilespmem:s30+$0xFFFFFEF0];
	v10 =	vmul.f32 v1, v10;
	v4 =	vmul.f32 v57, v4;
	v8 =	vmax.f32 v8, $0.0e+00  }
0x5f8: {  	v7 =	vmul.f32 $1.442695020e+00, v7;
	v20 =	vld [tilespmem:$0x7970];
	[tilespmem:s14+$0xFFFFFF60] =	vst v57;
	v9 =	vadd.f32 v56, v55;
	v60 =	vpop (erf);
	v24 =	vadd.f32 $1.000000010e-07, v8  }
0x5f9: {  	v14 =	vld [tilespmem:s5+$0xFFFFFEF0];
	v10 =	vmul.f32 $1.442695020e+00, v10;
	[tilespmem:s19+$0xFFFFFF60] =	vst v4;
	v6 =	vmul.f32 v60, v6;
	v62 =	vpop (erf)  }
0x5fa: {  	v21 =	vld [tilespmem:s19+$0xFFFFFF70];
	(erf) = vpow2.f32 v7;
	[tilespmem:s20+$0xFFFFFE40] =	vst v60;
	v9 =	vmax.f32 v9, $0.0e+00;
	v16 =	vmul.f32 v24, v58;
	v25 =	vpop (erf)  }
0x5fb: {  	v27 =	vld [tilespmem:s1+$0xFFFFFF70];
	v9 =	vadd.f32 $1.000000010e-07, v9;
	[tilespmem:s17+$0xFFFFFE40] =	vst v6;
	v26 =	vmul.f32 v25, v18  }
0x5fc: {  	(erf) = vpow2.f32 v10;
	[tilespmem:s25+$0xFFFFFFE0] =	vst v25;
	v29 =	vld [tilespmem:$0x7940];
	v31 =	vmul.f32 $1.442695020e+00, v16;
	v28 =	vpop (erf)  }
0x5fd: {  	v32 =	vmul.f32 v9, v20;
	v33 =	vld [tilespmem:s23+$0xFFFFFFF0];
	v30 =	vmul.f32 v28, v17;
	[tilespmem:s23+$0xFFFFFFE0] =	vst v26  }
0x5fe: {  	v12 =	vadd.f32 v61, v59;
	[tilespmem:s0+$0xFFFFFF30] =	vst v28;
	(erf) = vpow2.f32 v31;
	v34 =	vld [tilespmem:s10+$0xFFFFFFF0]  }
0x5ff: {  	v36 =	vmul.f32 $1.442695020e+00, v32;
	v37 =	vld [tilespmem:s30+$0xFFFFFF40];
	[tilespmem:s30+$0xFFFFFF30] =	vst v30  }
0x600: {  	v5 =	vmul.f32 v11, v5;
	v14 =	vadd.f32 v14, v63;
	v35 =	vmax.f32 v12, $0.0e+00;
	v38 =	vld [tilespmem:s5+$0xFFFFFF40]  }
0x601: {  	[tilespmem:s25+$0xFFFFFF80] =	vst v11;
	v39 =	vld [tilespmem:$0x7960];
	v6 =	vadd.f32 $1.000000010e-07, v35;
	v7 =	vadd.f32 v27, v21;
	(erf) = vpow2.f32 v36  }
0x602: {  	v42 =	vld [tilespmem:$0x7960];
	[tilespmem:s23+$0xFFFFFF80] =	vst v5;
	v40 =	vmax.f32 v14, $0.0e+00;
	v43 =	vmul.f32 v62, v3  }
0x603: {  	[tilespmem:s9+$0xFFFFFE70] =	vst v62;
	v7 =	vmax.f32 v7, $0.0e+00;
	v45 =	vpop (erf);
	v44 =	vld [tilespmem:$0x7960];
	v41 =	vmul.f32 v6, v29;
	v13 =	vadd.f32 v34, v33  }
0x604: {  	v3 =	vadd.f32 $1.000000010e-07, v40;
	v48 =	vld [tilespmem:s17+$0xFFFFFE50];
	[tilespmem:s26+$0xFFFFFE70] =	vst v43;
	v7 =	vadd.f32 $1.000000010e-07, v7;
	v2 =	vmul.f32 v45, v2  }
0x605: {  	[tilespmem:s14+$0xFFFFFF00] =	vst v45;
	v47 =	vld [tilespmem:$0x7970];
	v11 =	vmul.f32 $1.442695020e+00, v41;
	v49 =	vpop (erf);
	v46 =	vadd.f32 v38, v37;
	v13 =	vmax.f32 v13, $0.0e+00  }
0x606: {  	v52 =	vld [tilespmem:s3+$0xFFFFFE50];
	v50 =	vmul.f32 v7, v39;
	[tilespmem:s19+$0xFFFFFF00] =	vst v2;
	v1 =	vmul.f32 v49, v1;
	v51 =	vadd.f32 $1.000000010e-07, v13  }
0x607: {  	v2 =	vmul.f32 v3, v42;
	(erf) = vpow2.f32 v11;
	[tilespmem:s0+$0xFFFFFE80] =	vst v49;
	v54 =	vpop (erf);
	v5 =	vmax.f32 v46, $0.0e+00  }
0x608: {  	[tilespmem:s30+$0xFFFFFE80] =	vst v1;
	v1 =	vmul.f32 v54, v24;
	v5 =	vadd.f32 $1.000000010e-07, v5;
	v17 =	vmul.f32 v51, v44  }
0x609: {  	v53 =	vld [tilespmem:s26+$0xFFFFFF10];
	v10 =	vmul.f32 $1.442695020e+00, v50;
	v2 =	vmul.f32 $1.442695020e+00, v2;
	[tilespmem:s14+$0xFFFFFFB0] =	vst v54  }
0x60a: {  	v57 =	vld [tilespmem:s22+$0xFFFFFF10];
	v55 =	vpop (erf);
	[tilespmem:s19+$0xFFFFFFB0] =	vst v1;
	v12 =	vmul.f32 v5, v47;
	v56 =	vmul.f32 $1.442695020e+00, v17  }
0x60b: {  	v60 =	vadd.f32 v52, v48;
	v1 =	vmul.f32 v55, v9;
	(erf) = vpow2.f32 v10  }
0x60c: {  	[tilespmem:s9+$0xFFFFFEC0] =	vst v55;
	v58 =	vld [tilespmem:s19+$0xFFFFFFC0];
	v59 =	vmul.f32 $1.442695020e+00, v12;
	(erf) = vpow2.f32 v56  }
0x60d: {  	v61 =	vld [tilespmem:s1+$0xFFFFFFC0];
	[tilespmem:s26+$0xFFFFFEC0] =	vst v1;
	v1 =	vmax.f32 v60, $0.0e+00;
	(erf) = vpow2.f32 v2  }
0x60e: {  	v24 =	vld [tilespmem:$0x7970];
	v1 =	vadd.f32 $1.000000010e-07, v1;
	(erf) = vpow2.f32 v59  }
0x60f: {  	v63 =	vld [tilespmem:$0x7940]  }
0x610: {  	v27 =	vld [tilespmem:s22+$0xFFFFFED0];
	v25 =	vmul.f32 v1, v29  }
0x611: {  	v23 =	vadd.f32 v57, v53;
	v2 =	vld [tilespmem:s26+$0xFFFFFED0];
	v62 =	vpop (erf)  }
0x612: {  	v32 =	vld [tilespmem:s30+$0xFFFFFF90];
	v6 =	vmul.f32 v62, v6;
	v26 =	vadd.f32 v61, v58;
	v4 =	vmul.f32 $1.442695020e+00, v25  }
0x613: {  	v28 =	vmax.f32 v23, $0.0e+00;
	v35 =	vld [tilespmem:s5+$0xFFFFFF90];
	[tilespmem:s2+$0xFFFFFE90] =	vst v62  }
0x614: {  	v29 =	vld [tilespmem:s17+$0xFFFFFEA0];
	[tilespmem:s17+$0xFFFFFE90] =	vst v6;
	v6 =	vadd.f32 $1.000000010e-07, v28;
	v8 =	vmax.f32 v26, $0.0e+00;
	v30 =	vpop (erf)  }
0x615: {  	v31 =	vld [tilespmem:s3+$0xFFFFFEA0];
	v8 =	vadd.f32 $1.000000010e-07, v8;
	v33 =	vpop (erf)  }
0x616: {  	v34 =	vmul.f32 v6, v63;
	v2 =	vadd.f32 v27, v2;
	(erf) = vpow2.f32 v4;
	v4 =	vpop (erf)  }
0x617: {  	v14 =	vmul.f32 v8, v24;
	v36 =	vpop (erf)  }
0x618: {  	v37 =	vmul.f32 $1.442695020e+00, v34;
	v2 =	vmax.f32 v2, $0.0e+00;
	v5 =	vmul.f32 v36, v5  }
0x619: {  	v2 =	vadd.f32 $1.000000010e-07, v2;
	v14 =	vmul.f32 $1.442695020e+00, v14;
	[tilespmem:s0+$0xFFFFFF40] =	vst v36  }
0x61a: {  	v40 =	vadd.f32 v35, v32;
	v38 =	vld [tilespmem:$0x7950];
	(erf) = vpow2.f32 v37;
	v39 =	vadd.f32 v31, v29;
	[tilespmem:s30+$0xFFFFFF40] =	vst v5  }
0x61b: {  	v10 =	vmul.f32 v2, v63;
	(erf) = vpow2.f32 v14;
	v5 =	vld [tilespmem:$0x7940]  }
0x61c: {  	v41 =	vmax.f32 v40, $0.0e+00;
	[tilespmem:s14+$0xFFFFFF70] =	vst v30;
	v11 =	vmul.f32 v33, v51;
	v9 =	vmax.f32 v39, $0.0e+00  }
0x61d: {  	v7 =	vmul.f32 v30, v7;
	[tilespmem:s25+$0xFFFFFFF0] =	vst v33;
	v9 =	vadd.f32 $1.000000010e-07, v9;
	v10 =	vmul.f32 $1.442695020e+00, v10  }
0x61e: {  	v43 =	vld [tilespmem:s19+$0xFFFFFF80];
	[tilespmem:s23+$0xFFFFFFF0] =	vst v11;
	v11 =	vadd.f32 $1.000000010e-07, v41  }
0x61f: {  	[tilespmem:s19+$0xFFFFFF70] =	vst v7;
	v17 =	vld [tilespmem:s23+$0x0];
	v45 =	vmul.f32 v9, v38;
	(erf) = vpow2.f32 v10  }
0x620: {  	v62 =	vld [tilespmem:s1+$0xFFFFFF80];
	v46 =	vmul.f32 v11, v5  }
0x621: {  	v42 =	vld [tilespmem:s10+$0x0];
	v44 =	vpop (erf);
	v48 =	vmul.f32 $1.442695020e+00, v45  }
0x622: {  	v47 =	vld [tilespmem:s30+$0xFFFFFF50];
	v1 =	vmul.f32 v44, v1;
	v49 =	vmul.f32 $1.442695020e+00, v46  }
0x623: {  	v52 =	vld [tilespmem:$0x7970];
	[tilespmem:s2+$0xFFFFFE50] =	vst v44;
	v51 =	vpop (erf);
	(erf) = vpow2.f32 v48  }
0x624: {  	[tilespmem:s17+$0xFFFFFE50] =	vst v1;
	v1 =	vld [tilespmem:s5+$0xFFFFFF50];
	v53 =	vpop (erf);
	(erf) = vpow2.f32 v49  }
0x625: {  	v54 =	vld [tilespmem:s17+$0xFFFFFE60];
	v8 =	vmul.f32 v53, v8  }
0x626: {  	v50 =	vld [tilespmem:s3+$0xFFFFFE60];
	[tilespmem:s14+$0xFFFFFFC0] =	vst v53  }
0x627: {  	v6 =	vmul.f32 v51, v6;
	v57 =	vld [tilespmem:s19+$0xFFFFFFD0];
	[tilespmem:s19+$0xFFFFFFC0] =	vst v8  }
0x628: {  	v12 =	vadd.f32 v42, v17;
	[tilespmem:s9+$0xFFFFFF10] =	vst v51;
	v61 =	vpop (erf);
	v59 =	vld [tilespmem:s1+$0xFFFFFFD0]  }
0x629: {  	v56 =	vld [tilespmem:s26+$0xFFFFFF20];
	[tilespmem:s26+$0xFFFFFF10] =	vst v6;
	v58 =	vadd.f32 v1, v47;
	v2 =	vmul.f32 v61, v2  }
0x62a: {  	v12 =	vmax.f32 v12, $0.0e+00;
	v60 =	vld [tilespmem:s22+$0xFFFFFF20]  }
0x62b: {  	v55 =	vld [tilespmem:$0x7950];
	v1 =	vadd.f32 $1.000000010e-07, v12;
	v10 =	vadd.f32 v50, v54;
	v13 =	vmax.f32 v58, $0.0e+00  }
0x62c: {  	[tilespmem:s9+$0xFFFFFED0] =	vst v61;
	v26 =	vld [tilespmem:$0x7940];
	v63 =	vadd.f32 $1.000000010e-07, v13;
	v24 =	vpop (erf)  }
0x62d: {  	v25 =	vld [tilespmem:s26+$0xFFFFFEE0];
	v15 =	vmul.f32 v1, v52;
	v10 =	vmax.f32 v10, $0.0e+00;
	[tilespmem:s26+$0xFFFFFED0] =	vst v2;
	v6 =	vadd.f32 v59, v57;
	v2 =	vpop (erf)  }
0x62e: {  	v10 =	vadd.f32 $1.000000010e-07, v10;
	v28 =	vld [tilespmem:s22+$0xFFFFFEE0];
	v5 =	vmul.f32 v63, v5;
	v11 =	vmul.f32 v2, v11  }
0x62f: {  	v27 =	vld [tilespmem:$0x7950];
	v15 =	vmul.f32 $1.442695020e+00, v15;
	v7 =	vadd.f32 v60, v56;
	v6 =	vmax.f32 v6, $0.0e+00;
	[tilespmem:s0+$0xFFFFFF90] =	vst v2  }
0x630: {  	v9 =	vmul.f32 v24, v9;
	v6 =	vadd.f32 $1.000000010e-07, v6;
	v2 =	vmul.f32 $1.442695020e+00, v5;
	v31 =	vld [tilespmem:s30+$0xFFFFFFA0];
	[tilespmem:s30+$0xFFFFFF90] =	vst v11  }
0x631: {  	v29 =	vmul.f32 v10, v55;
	(erf) = vpow2.f32 v15;
	v33 =	vmax.f32 v7, $0.0e+00;
	v32 =	vld [tilespmem:s5+$0xFFFFFFA0]  }
0x632: {  	v35 =	vld [tilespmem:$0x7950];
	[tilespmem:s2+$0xFFFFFEA0] =	vst v24;
	v5 =	vadd.f32 $1.000000010e-07, v33;
	v34 =	vmul.f32 v6, v26;
	(erf) = vpow2.f32 v2  }
0x633: {  	v30 =	vld [tilespmem:s17+$0xFFFFFEB0];
	[tilespmem:s17+$0xFFFFFEA0] =	vst v9;
	v8 =	vadd.f32 v28, v25;
	v2 =	vmul.f32 $1.442695020e+00, v29  }
0x634: {  	v9 =	vld [tilespmem:s3+$0xFFFFFEB0];
	v36 =	vmul.f32 v5, v27;
	v7 =	vmul.f32 $1.442695020e+00, v34  }
0x635: {  	v37 =	vld [tilespmem:$0x7970];
	v8 =	vmax.f32 v8, $0.0e+00;
	(erf) = vpow2.f32 v2;
	v2 =	vadd.f32 v62, v43  }
0x636: {  	v38 =	vld [tilespmem:$0x7950];
	v15 =	vmul.f32 $1.442695020e+00, v36;
	(erf) = vpow2.f32 v7;
	v11 =	vadd.f32 v32, v31  }
0x637: {  	v41 =	vmul.f32 v4, v3;
	v7 =	vadd.f32 $1.000000010e-07, v8;
	v2 =	vmax.f32 v2, $0.0e+00  }
0x638: {  	(erf) = vpow2.f32 v15;
	v2 =	vadd.f32 $1.000000010e-07, v2;
	v39 =	vmax.f32 v11, $0.0e+00  }
0x639: {  	[tilespmem:s0+$0xFFFFFEF0] =	vst v4;
	v42 =	vld [tilespmem:$0x7960];
	v9 =	vadd.f32 v9, v30;
	v40 =	vmul.f32 v7, v35;
	v8 =	vadd.f32 $1.000000010e-07, v39  }
0x63a: {  	[tilespmem:s30+$0xFFFFFEF0] =	vst v41;
	v3 =	vpop (erf);
	v16 =	vmul.f32 v2, v37  }
0x63b: {  	v14 =	vld [tilespmem:s5+$0xFFFFFF00];
	v9 =	vmax.f32 v9, $0.0e+00;
	v11 =	vmul.f32 $1.442695020e+00, v40;
	v43 =	vpop (erf);
	v13 =	vmul.f32 v8, v38  }
0x63c: {  	v44 =	vld [tilespmem:s22+$0xFFFFFE80];
	v9 =	vadd.f32 $1.000000010e-07, v9;
	v46 =	vmul.f32 $1.442695020e+00, v16;
	v45 =	vmul.f32 v43, v63  }
0x63d: {  	v47 =	vld [tilespmem:s26+$0xFFFFFE80];
	[tilespmem:s0+$0xFFFFFF50] =	vst v43;
	(erf) = vpow2.f32 v11;
	v49 =	vmul.f32 $1.442695020e+00, v13  }
0x63e: {  	v51 =	vmul.f32 v9, v42;
	v48 =	vpop (erf);
	v50 =	vld [tilespmem:s30+$0xFFFFFF60];
	(erf) = vpow2.f32 v46;
	[tilespmem:s30+$0xFFFFFF50] =	vst v45  }
0x63f: {  	v10 =	vmul.f32 v48, v10;
	[tilespmem:s2+$0xFFFFFE60] =	vst v48;
	v53 =	vpop (erf);
	v52 =	vld [tilespmem:s5+$0xFFFFFF60];
	(erf) = vpow2.f32 v49  }
0x640: {  	[tilespmem:s14+$0xFFFFFFD0] =	vst v53;
	v57 =	vld [tilespmem:s17+$0xFFFFFE70]  }
0x641: {  	v4 =	vmul.f32 $1.442695020e+00, v51;
	v6 =	vmul.f32 v53, v6;
	v56 =	vpop (erf);
	[tilespmem:s17+$0xFFFFFE60] =	vst v10;
	v58 =	vld [tilespmem:s19+$0xFFFFFFE0]  }
0x642: {  	v5 =	vmul.f32 v56, v5;
	[tilespmem:s9+$0xFFFFFF20] =	vst v56;
	v55 =	vld [tilespmem:s3+$0xFFFFFE70]  }
0x643: {  	[tilespmem:s19+$0xFFFFFFD0] =	vst v6;
	v61 =	vld [tilespmem:s26+$0xFFFFFF30];
	(erf) = vpow2.f32 v4  }
0x644: {  	v59 =	vld [tilespmem:s1+$0xFFFFFFE0];
	[tilespmem:s26+$0xFFFFFF20] =	vst v5  }
0x645: {  	v63 =	vld [tilespmem:s22+$0xFFFFFF30]  }
0x646: {  	v24 =	vld [tilespmem:s30+$0xFFFFFF00];
	v62 =	vpop (erf)  }
0x647: {  	v54 =	vld [tilespmem:$0x7950];
	v60 =	vadd.f32 v52, v50;
	v4 =	vpop (erf)  }
0x648: {  	v27 =	vld [tilespmem:$0x7960];
	v12 =	vadd.f32 v55, v57;
	v25 =	vpop (erf)  }
0x649: {  	v28 =	vld [tilespmem:$0x7950];
	v5 =	vmax.f32 v60, $0.0e+00;
	v6 =	vadd.f32 v59, v58;
	v8 =	vmul.f32 v25, v8  }
0x64a: {  	v29 =	vld [tilespmem:$0x7960];
	v26 =	vadd.f32 $1.000000010e-07, v5;
	v12 =	vmax.f32 v12, $0.0e+00;
	v30 =	vadd.f32 v63, v61;
	[tilespmem:s0+$0xFFFFFFA0] =	vst v25  }
0x64b: {  	v12 =	vadd.f32 $1.000000010e-07, v12;
	v6 =	vmax.f32 v6, $0.0e+00;
	v32 =	vld [tilespmem:s30+$0xFFFFFFB0];
	[tilespmem:s30+$0xFFFFFFA0] =	vst v8  }
0x64c: {  	v10 =	vmul.f32 v26, v54;
	v22 =	vadd.f32 $1.000000010e-07, v6;
	v31 =	vpop (erf);
	v8 =	vmax.f32 v30, $0.0e+00;
	v34 =	vld [tilespmem:s5+$0xFFFFFFB0]  }
0x64d: {  	v23 =	vld [tilespmem:$0x7970];
	v5 =	vmul.f32 v12, v27;
	v33 =	vmul.f32 v31, v9;
	v8 =	vadd.f32 $1.000000010e-07, v8  }
0x64e: {  	v36 =	vld [tilespmem:$0x7970];
	v37 =	vadd.f32 v14, v24;
	v10 =	vmul.f32 $1.442695020e+00, v10;
	[tilespmem:s2+$0xFFFFFEB0] =	vst v31;
	v17 =	vmul.f32 v22, v28  }
0x64f: {  	v35 =	vadd.f32 v44, v47;
	v5 =	vmul.f32 $1.442695020e+00, v5;
	v38 =	vld [tilespmem:s17+$0xFFFFFEC0];
	[tilespmem:s17+$0xFFFFFEB0] =	vst v33;
	v39 =	vmul.f32 v8, v29  }
0x650: {  	v6 =	vmax.f32 v37, $0.0e+00;
	(erf) = vpow2.f32 v10;
	v17 =	vmul.f32 $1.442695020e+00, v17;
	v40 =	vld [tilespmem:s3+$0xFFFFFEC0]  }
0x651: {  	v41 =	vld [tilespmem:$0x7960];
	(erf) = vpow2.f32 v5;
	v14 =	vmul.f32 $1.442695020e+00, v39;
	v9 =	vadd.f32 v34, v32  }
0x652: {  	v11 =	vmax.f32 v35, $0.0e+00;
	v6 =	vadd.f32 $1.000000010e-07, v6;
	(erf) = vpow2.f32 v17  }
0x653: {  	v5 =	vadd.f32 $1.000000010e-07, v11;
	(erf) = vpow2.f32 v14;
	v9 =	vmax.f32 v9, $0.0e+00  }
0x654: {  	v42 =	vmul.f32 v6, v23;
	v9 =	vadd.f32 $1.000000010e-07, v9  }
0x655: {  	v44 =	vld [tilespmem:$0x7970];
	v43 =	vmul.f32 v5, v36;
	v10 =	vadd.f32 v40, v38  }
0x656: {  	v11 =	vmul.f32 $1.442695020e+00, v42;
	v45 =	vmul.f32 v9, v41  }
0x657: {  	v7 =	vmul.f32 v62, v7;
	v14 =	vmul.f32 $1.442695020e+00, v43;
	v10 =	vmax.f32 v10, $0.0e+00  }
0x658: {  	[tilespmem:s9+$0xFFFFFEE0] =	vst v62;
	(erf) = vpow2.f32 v11;
	v10 =	vadd.f32 $1.000000010e-07, v10;
	v47 =	vmul.f32 $1.442695020e+00, v45  }
0x659: {  	v50 =	vld [tilespmem:s26+$0xFFFFFEF0];
	[tilespmem:s26+$0xFFFFFEE0] =	vst v7;
	v46 =	vpop (erf);
	(erf) = vpow2.f32 v14  }
0x65a: {  	v49 =	vld [tilespmem:s22+$0xFFFFFEF0];
	v13 =	vpop (erf);
	v52 =	vmul.f32 v10, v44;
	(erf) = vpow2.f32 v47  }
0x65b: {  	v63 =	vld [tilespmem:$0x7960];
	v48 =	vmul.f32 v46, v26;
	v51 =	vpop (erf)  }
0x65c: {  	v31 =	vld [tilespmem:s3+$0xFFFFFF10];
	[tilespmem:s0+$0xFFFFFF60] =	vst v46;
	v57 =	vmul.f32 $1.442695020e+00, v52;
	v56 =	vpop (erf)  }
0x65d: {  	v30 =	vld [tilespmem:s17+$0xFFFFFF10];
	[tilespmem:s30+$0xFFFFFF60] =	vst v48;
	v54 =	vmul.f32 v51, v22;
	v8 =	vmul.f32 v56, v8  }
0x65e: {  	v53 =	vld [tilespmem:s30+$0xFFFFFF70];
	[tilespmem:s14+$0xFFFFFFE0] =	vst v51;
	(erf) = vpow2.f32 v57  }
0x65f: {  	v55 =	vld [tilespmem:s5+$0xFFFFFF70];
	[tilespmem:s19+$0xFFFFFFE0] =	vst v54  }
0x660: {  	v59 =	vld [tilespmem:s19+$0xFFFFFFF0];
	[tilespmem:s9+$0xFFFFFF30] =	vst v56  }
0x661: {  	v60 =	vld [tilespmem:s1+$0xFFFFFFF0];
	[tilespmem:s26+$0xFFFFFF30] =	vst v8;
	v8 =	vpop (erf)  }
0x662: {  	v61 =	vld [tilespmem:s26+$0xFFFFFF40];
	v7 =	vpop (erf)  }
0x663: {  	v62 =	vld [tilespmem:s22+$0xFFFFFF40];
	v28 =	vpop (erf)  }
0x664: {  	v58 =	vld [tilespmem:$0x7960];
	v29 =	vadd.f32 v55, v53;
	v9 =	vmul.f32 v28, v9  }
0x665: {  	v11 =	vadd.f32 v49, v50;
	v24 =	vld [tilespmem:$0x7960];
	[tilespmem:s0+$0xFFFFFFB0] =	vst v28  }
0x666: {  	v33 =	vmax.f32 v29, $0.0e+00;
	v17 =	vadd.f32 v60, v59;
	v34 =	vld [tilespmem:s30+$0xFFFFFFC0];
	[tilespmem:s30+$0xFFFFFFB0] =	vst v9  }
0x667: {  	v32 =	vmax.f32 v11, $0.0e+00;
	v11 =	vadd.f32 $1.000000010e-07, v33;
	v35 =	vpop (erf);
	v23 =	vld [tilespmem:s5+$0xFFFFFFC0]  }
0x668: {  	v36 =	vld [tilespmem:$0x7970];
	v17 =	vmax.f32 v17, $0.0e+00;
	v20 =	vadd.f32 v62, v61;
	v10 =	vmul.f32 v35, v10  }
0x669: {  	v16 =	vadd.f32 v31, v30;
	v17 =	vadd.f32 $1.000000010e-07, v17;
	[tilespmem:s2+$0xFFFFFEC0] =	vst v35  }
0x66a: {  	v14 =	vadd.f32 $1.000000010e-07, v32;
	v37 =	vmul.f32 v11, v58;
	v20 =	vmax.f32 v20, $0.0e+00;
	[tilespmem:s17+$0xFFFFFEC0] =	vst v10  }
0x66b: {  	v16 =	vmax.f32 v16, $0.0e+00;
	v40 =	vmul.f32 v17, v24;
	v39 =	vadd.f32 $1.000000010e-07, v20;
	v41 =	vld [tilespmem:$0x7940]  }
0x66c: {  	v38 =	vmul.f32 v14, v63;
	v9 =	vmul.f32 $1.442695020e+00, v37;
	v43 =	vld [tilespmem:$0x7970];
	v42 =	vadd.f32 v23, v34  }
0x66d: {  	v44 =	vadd.f32 $1.000000010e-07, v16;
	v20 =	vmul.f32 $1.442695020e+00, v40;
	v21 =	vmul.f32 v39, v36  }
0x66e: {  	v15 =	vmul.f32 $1.442695020e+00, v38;
	(erf) = vpow2.f32 v9;
	v45 =	vmax.f32 v42, $0.0e+00  }
0x66f: {  	(erf) = vpow2.f32 v20;
	v46 =	vmul.f32 $1.442695020e+00, v21;
	v16 =	vadd.f32 $1.000000010e-07, v45  }
0x670: {  	(erf) = vpow2.f32 v15;
	v47 =	vmul.f32 v44, v41  }
0x671: {  	(erf) = vpow2.f32 v46;
	v48 =	vmul.f32 v16, v43  }
0x672: {  	v15 =	vmul.f32 $1.442695020e+00, v47  }
0x673: {  	v18 =	vmul.f32 $1.442695020e+00, v48  }
0x674: {  	(erf) = vpow2.f32 v15  }
0x675: {  	(erf) = vpow2.f32 v18  }
0x676: {  	v53 =	vld [tilespmem:s26+$0xFFFFFF90]  }
0x677: {  	v55 =	vld [tilespmem:s22+$0xFFFFFF90];
	v50 =	vpop (erf)  }
0x678: {  	v49 =	vld [tilespmem:s17+$0xFFFFFED0];
	v52 =	vpop (erf)  }
0x679: {  	v51 =	vld [tilespmem:s3+$0xFFFFFED0];
	v15 =	vpop (erf);
	v17 =	vmul.f32 v52, v17  }
0x67a: {  	[tilespmem:s14+$0xFFFFFFF0] =	vst v52;
	v54 =	vpop (erf)  }
0x67b: {  	v56 =	vld [tilespmem:s19+$0x0];
	[tilespmem:s19+$0xFFFFFFF0] =	vst v17;
	v10 =	vmul.f32 v54, v39  }
0x67c: {  	v17 =	vld [tilespmem:s1+$0x0];
	[tilespmem:s9+$0xFFFFFF40] =	vst v54  }
0x67d: {  	v24 =	vld [tilespmem:s26+$0xFFFFFF50];
	[tilespmem:s26+$0xFFFFFF40] =	vst v10;
	v57 =	vpop (erf)  }
0x67e: {  	v21 =	vadd.f32 v55, v53;
	v18 =	vadd.f32 v51, v49;
	v58 =	vld [tilespmem:s22+$0xFFFFFF50];
	v25 =	vpop (erf)  }
0x67f: {  	v63 =	vld [tilespmem:$0x7970];
	v16 =	vmul.f32 v25, v16  }
0x680: {  	v21 =	vmax.f32 v21, $0.0e+00;
	v18 =	vmax.f32 v18, $0.0e+00;
	v26 =	vld [tilespmem:$0x7940];
	[tilespmem:s0+$0xFFFFFFC0] =	vst v25  }
0x681: {  	v18 =	vadd.f32 $1.000000010e-07, v18;
	v9 =	vmul.f32 v57, v44;
	v17 =	vadd.f32 v17, v56;
	v61 =	vld [tilespmem:s30+$0xFFFFFFD0];
	[tilespmem:s30+$0xFFFFFFC0] =	vst v16  }
0x682: {  	v21 =	vadd.f32 $1.000000010e-07, v21;
	[tilespmem:s2+$0xFFFFFF10] =	vst v57;
	v62 =	vld [tilespmem:s5+$0xFFFFFFD0]  }
0x683: {  	v60 =	vmul.f32 v18, v41;
	v59 =	vld [tilespmem:s17+$0xFFFFFF20];
	[tilespmem:s17+$0xFFFFFF10] =	vst v9;
	v31 =	vmax.f32 v17, $0.0e+00;
	v23 =	vadd.f32 v58, v24  }
0x684: {  	v30 =	vld [tilespmem:s3+$0xFFFFFF20];
	v9 =	vadd.f32 $1.000000010e-07, v31  }
0x685: {  	v27 =	vmul.f32 v21, v26;
	v16 =	vmul.f32 $1.442695020e+00, v60;
	v33 =	vmax.f32 v23, $0.0e+00  }
0x686: {  	v20 =	vmul.f32 v9, v63;
	v17 =	vadd.f32 $1.000000010e-07, v33  }
0x687: {  	v32 =	vmul.f32 $1.442695020e+00, v27;
	v34 =	vld [tilespmem:$0x7940];
	(erf) = vpow2.f32 v16;
	v10 =	vadd.f32 v62, v61  }
0x688: {  	v20 =	vmul.f32 $1.442695020e+00, v20;
	v35 =	vmul.f32 v17, v26  }
0x689: {  	v37 =	vld [tilespmem:$0x7950];
	v36 =	vadd.f32 v30, v59;
	(erf) = vpow2.f32 v32;
	v10 =	vmax.f32 v10, $0.0e+00  }
0x68a: {  	v39 =	vmul.f32 $1.442695020e+00, v35;
	v38 =	vadd.f32 $1.000000010e-07, v10  }
0x68b: {  	v40 =	vmax.f32 v36, $0.0e+00;
	(erf) = vpow2.f32 v20  }
0x68c: {  	v16 =	vadd.f32 $1.000000010e-07, v40;
	(erf) = vpow2.f32 v39;
	v41 =	vmul.f32 v38, v34  }
0x68d: {  	v11 =	vmul.f32 v50, v11  }
0x68e: {  	[tilespmem:s0+$0xFFFFFF70] =	vst v50;
	v43 =	vmul.f32 v16, v37;
	v20 =	vmul.f32 $1.442695020e+00, v41  }
0x68f: {  	[tilespmem:s30+$0xFFFFFF70] =	vst v11  }
0x690: {  	v49 =	vld [tilespmem:s5+$0xFFFFFF80];
	v45 =	vmul.f32 $1.442695020e+00, v43;
	v42 =	vpop (erf);
	(erf) = vpow2.f32 v20  }
0x691: {  	v55 =	vld [tilespmem:$0x7970];
	v18 =	vmul.f32 v42, v18  }
0x692: {  	v44 =	vld [tilespmem:s30+$0xFFFFFF80];
	[tilespmem:s2+$0xFFFFFED0] =	vst v42;
	v47 =	vpop (erf);
	(erf) = vpow2.f32 v45  }
0x693: {  	v46 =	vld [tilespmem:s17+$0xFFFFFEE0];
	v48 =	vmul.f32 v47, v21;
	[tilespmem:s17+$0xFFFFFED0] =	vst v18  }
0x694: {  	[tilespmem:s9+$0xFFFFFF90] =	vst v47;
	v10 =	vpop (erf);
	v50 =	vld [tilespmem:s3+$0xFFFFFEE0]  }
0x695: {  	v51 =	vld [tilespmem:s26+$0xFFFFFFA0];
	[tilespmem:s26+$0xFFFFFF90] =	vst v48;
	v54 =	vpop (erf)  }
0x696: {  	v52 =	vld [tilespmem:s22+$0xFFFFFFA0];
	v17 =	vmul.f32 v54, v17  }
0x697: {  	v53 =	vld [tilespmem:$0x7950];
	[tilespmem:s9+$0xFFFFFF50] =	vst v54  }
0x698: {  	v56 =	vld [tilespmem:s26+$0xFFFFFF60];
	[tilespmem:s26+$0xFFFFFF50] =	vst v17  }
0x699: {  	v11 =	vadd.f32 v50, v46;
	v60 =	vld [tilespmem:s22+$0xFFFFFF60];
	v57 =	vpop (erf)  }
0x69a: {  	v19 =	vadd.f32 v49, v44;
	v58 =	vld [tilespmem:$0x7950];
	v59 =	vmul.f32 v57, v38  }
0x69b: {  	v63 =	vld [tilespmem:$0x7950];
	v18 =	vadd.f32 v52, v51;
	v11 =	vmax.f32 v11, $0.0e+00;
	v61 =	vpop (erf);
	[tilespmem:s0+$0xFFFFFFD0] =	vst v57  }
0x69c: {  	v19 =	vmax.f32 v19, $0.0e+00;
	v62 =	vadd.f32 $1.000000010e-07, v11;
	v16 =	vmul.f32 v61, v16;
	v29 =	vld [tilespmem:s30+$0xFFFFFFE0];
	[tilespmem:s30+$0xFFFFFFD0] =	vst v59  }
0x69d: {  	v11 =	vadd.f32 $1.000000010e-07, v19;
	v18 =	vmax.f32 v18, $0.0e+00;
	[tilespmem:s2+$0xFFFFFF20] =	vst v61;
	v31 =	vld [tilespmem:s5+$0xFFFFFFE0]  }
0x69e: {  	v18 =	vadd.f32 $1.000000010e-07, v18;
	v30 =	vmul.f32 v62, v53;
	v20 =	vadd.f32 v60, v56;
	v33 =	vld [tilespmem:s17+$0xFFFFFF30];
	[tilespmem:s17+$0xFFFFFF20] =	vst v16  }
0x69f: {  	v32 =	vmul.f32 v11, v55;
	v34 =	vld [tilespmem:s3+$0xFFFFFF30]  }
0x6a0: {  	v17 =	vmul.f32 v18, v58;
	v21 =	vmul.f32 $1.442695020e+00, v30;
	v20 =	vmax.f32 v20, $0.0e+00  }
0x6a1: {  	v16 =	vmul.f32 $1.442695020e+00, v32;
	v35 =	vadd.f32 $1.000000010e-07, v20  }
0x6a2: {  	v17 =	vmul.f32 $1.442695020e+00, v17;
	v36 =	vld [tilespmem:$0x7950];
	(erf) = vpow2.f32 v21;
	v19 =	vadd.f32 v31, v29  }
0x6a3: {  	(erf) = vpow2.f32 v16;
	v37 =	vmul.f32 v35, v63  }
0x6a4: {  	v39 =	vld [tilespmem:$0x7960];
	(erf) = vpow2.f32 v17;
	v38 =	vadd.f32 v34, v33;
	v19 =	vmax.f32 v19, $0.0e+00  }
0x6a5: {  	v19 =	vadd.f32 $1.000000010e-07, v19  }
0x6a6: {  	v17 =	vmul.f32 $1.442695020e+00, v37;
	v21 =	vmax.f32 v38, $0.0e+00  }
0x6a7: {  	v21 =	vadd.f32 $1.000000010e-07, v21;
	v20 =	vmul.f32 v19, v36  }
0x6a8: {  	v12 =	vmul.f32 v13, v12;
	(erf) = vpow2.f32 v17  }
0x6a9: {  	[tilespmem:s2+$0xFFFFFE70] =	vst v13;
	v40 =	vmul.f32 v21, v39;
	v41 =	vmul.f32 $1.442695020e+00, v20  }
0x6aa: {  	[tilespmem:s17+$0xFFFFFE70] =	vst v12;
	v14 =	vmul.f32 v15, v14;
	v44 =	vld [tilespmem:s17+$0xFFFFFE80]  }
0x6ab: {  	[tilespmem:s9+$0xFFFFFEF0] =	vst v15;
	v43 =	vld [tilespmem:s3+$0xFFFFFE80];
	v42 =	vpop (erf);
	v13 =	vmul.f32 $1.442695020e+00, v40;
	(erf) = vpow2.f32 v41  }
0x6ac: {  	[tilespmem:s26+$0xFFFFFEF0] =	vst v14;
	v47 =	vld [tilespmem:s26+$0xFFFFFF00];
	v12 =	vpop (erf)  }
0x6ad: {  	v48 =	vld [tilespmem:$0x7970];
	v45 =	vpop (erf);
	(erf) = vpow2.f32 v13  }
0x6ae: {  	v46 =	vld [tilespmem:s22+$0xFFFFFF00];
	v18 =	vmul.f32 v45, v18  }
0x6af: {  	v52 =	vld [tilespmem:$0x7970];
	[tilespmem:s9+$0xFFFFFFA0] =	vst v45  }
0x6b0: {  	v49 =	vmul.f32 v42, v62;
	v50 =	vld [tilespmem:s26+$0xFFFFFFB0];
	[tilespmem:s26+$0xFFFFFFA0] =	vst v18  }
0x6b1: {  	[tilespmem:s2+$0xFFFFFEE0] =	vst v42;
	v51 =	vld [tilespmem:s22+$0xFFFFFFB0]  }
0x6b2: {  	v55 =	vld [tilespmem:s17+$0xFFFFFEF0];
	[tilespmem:s17+$0xFFFFFEE0] =	vst v49;
	v53 =	vpop (erf)  }
0x6b3: {  	v54 =	vld [tilespmem:s3+$0xFFFFFEF0];
	v13 =	vadd.f32 v46, v47;
	v16 =	vmul.f32 v53, v35  }
0x6b4: {  	[tilespmem:s9+$0xFFFFFF60] =	vst v53;
	v57 =	vld [tilespmem:$0x7960];
	v56 =	vpop (erf)  }
0x6b5: {  	v15 =	vadd.f32 v43, v44;
	v13 =	vmax.f32 v13, $0.0e+00;
	v59 =	vld [tilespmem:s26+$0xFFFFFF70];
	[tilespmem:s26+$0xFFFFFF60] =	vst v16;
	v58 =	vmul.f32 v56, v19  }
0x6b6: {  	v14 =	vadd.f32 $1.000000010e-07, v13;
	v61 =	vld [tilespmem:s22+$0xFFFFFF70];
	v18 =	vadd.f32 v51, v50;
	v60 =	vpop (erf);
	[tilespmem:s0+$0xFFFFFFE0] =	vst v56  }
0x6b7: {  	v15 =	vmax.f32 v15, $0.0e+00;
	v21 =	vmul.f32 v60, v21;
	v63 =	vld [tilespmem:s30+$0xFFFFFFF0];
	[tilespmem:s30+$0xFFFFFFE0] =	vst v58  }
0x6b8: {  	v13 =	vadd.f32 $1.000000010e-07, v15;
	v27 =	vmul.f32 v14, v48;
	v62 =	vmax.f32 v18, $0.0e+00;
	[tilespmem:s2+$0xFFFFFF30] =	vst v60;
	v29 =	vld [tilespmem:s5+$0xFFFFFFF0]  }
0x6b9: {  	v28 =	vadd.f32 $1.000000010e-07, v62;
	v31 =	vld [tilespmem:s17+$0xFFFFFF40];
	[tilespmem:s17+$0xFFFFFF30] =	vst v21  }
0x6ba: {  	v30 =	vmul.f32 v13, v52;
	v18 =	vmul.f32 $1.442695020e+00, v27;
	v32 =	vld [tilespmem:s3+$0xFFFFFF40]  }
0x6bb: {  	v19 =	vadd.f32 v61, v59;
	v22 =	vmul.f32 v28, v57  }
0x6bc: {  	v33 =	vld [tilespmem:$0x7960];
	(erf) = vpow2.f32 v18;
	v21 =	vmul.f32 $1.442695020e+00, v30  }
0x6bd: {  	v19 =	vmax.f32 v19, $0.0e+00;
	v34 =	vld [tilespmem:$0x7960];
	v22 =	vmul.f32 $1.442695020e+00, v22;
	v15 =	vadd.f32 v29, v63  }
0x6be: {  	v35 =	vld [tilespmem:$0x7960];
	v17 =	vadd.f32 v54, v55;
	v19 =	vadd.f32 $1.000000010e-07, v19;
	(erf) = vpow2.f32 v21  }
0x6bf: {  	v37 =	vld [tilespmem:$0x7970];
	(erf) = vpow2.f32 v22;
	v36 =	vadd.f32 v32, v31;
	v15 =	vmax.f32 v15, $0.0e+00  }
0x6c0: {  	v17 =	vmax.f32 v17, $0.0e+00;
	v38 =	vadd.f32 $1.000000010e-07, v15  }
0x6c1: {  	v25 =	vadd.f32 $1.000000010e-07, v17;
	v39 =	vmul.f32 v19, v33;
	v40 =	vmax.f32 v36, $0.0e+00  }
0x6c2: {  	v17 =	vadd.f32 $1.000000010e-07, v40;
	v16 =	vmul.f32 v38, v34  }
0x6c3: {  	v41 =	vmul.f32 v25, v35;
	v15 =	vmul.f32 $1.442695020e+00, v39  }
0x6c4: {  	v42 =	vmul.f32 v17, v37;
	v43 =	vmul.f32 $1.442695020e+00, v16  }
0x6c5: {  	v18 =	vmul.f32 $1.442695020e+00, v41;
	(erf) = vpow2.f32 v15  }
0x6c6: {  	v21 =	vmul.f32 $1.442695020e+00, v42;
	v16 =	vpop (erf);
	(erf) = vpow2.f32 v43  }
0x6c7: {  	v15 =	vpop (erf);
	(erf) = vpow2.f32 v18  }
0x6c8: {  	v44 =	vpop (erf);
	(erf) = vpow2.f32 v21;
	_ =	sdelay $0x2  }
0x6c9: {  	v20 =	vmul.f32 v44, v28  }
0x6ca: {  	[tilespmem:s9+$0xFFFFFFB0] =	vst v44  }
0x6cb: {  	v18 =	vld [tilespmem:s26+$0xFFFFFFC0];
	[tilespmem:s26+$0xFFFFFFB0] =	vst v20  }
0x6cc: {  	v45 =	vpop (erf);
	v20 =	vld [tilespmem:s22+$0xFFFFFFC0]  }
0x6cd: {  	v46 =	vld [tilespmem:s17+$0xFFFFFF90];
	v47 =	vpop (erf)  }
0x6ce: {  	v48 =	vld [tilespmem:s3+$0xFFFFFF90];
	v49 =	vpop (erf)  }
0x6cf: {  	v28 =	vpop (erf)  }
0x6d0: {  	v17 =	vmul.f32 v28, v17  }
0x6d1: {  	v50 =	vld [tilespmem:$0x7970];
	v18 =	vadd.f32 v20, v18;
	[tilespmem:s2+$0xFFFFFF40] =	vst v28  }
0x6d2: {  	[tilespmem:s17+$0xFFFFFF40] =	vst v17  }
0x6d3: {  	v22 =	vadd.f32 v48, v46;
	v18 =	vmax.f32 v18, $0.0e+00;
	v52 =	vld [tilespmem:$0x7940]  }
0x6d4: {  	v51 =	vadd.f32 $1.000000010e-07, v18  }
0x6d5: {  	v22 =	vmax.f32 v22, $0.0e+00  }
0x6d6: {  	v22 =	vadd.f32 $1.000000010e-07, v22;
	v20 =	vmul.f32 v51, v50;
	_ =	sdelay $0x1  }
0x6d7: {  	v20 =	vmul.f32 $1.442695020e+00, v20;
	v53 =	vmul.f32 v22, v52;
	_ =	sdelay $0x1  }
0x6d8: {  	(erf) = vpow2.f32 v20;
	v54 =	vmul.f32 $1.442695020e+00, v53;
	_ =	sdelay $0x1  }
0x6d9: {  	(erf) = vpow2.f32 v54  }
0x6da: {  	v19 =	vmul.f32 v45, v19  }
0x6db: {  	[tilespmem:s9+$0xFFFFFF70] =	vst v45  }
0x6dc: {  	v56 =	vld [tilespmem:s26+$0xFFFFFF80];
	[tilespmem:s26+$0xFFFFFF70] =	vst v19  }
0x6dd: {  	v63 =	vld [tilespmem:s22+$0xFFFFFF80];
	v55 =	vmul.f32 v47, v38;
	[tilespmem:s0+$0xFFFFFFF0] =	vst v47  }
0x6de: {  	v57 =	vld [tilespmem:s30+$0x0]  }
0x6df: {  	[tilespmem:s30+$0xFFFFFFF0] =	vst v55;
	v28 =	vld [tilespmem:s17+$0xFFFFFF50]  }
0x6e0: {  	v20 =	vld [tilespmem:s5+$0x0];
	v58 =	vpop (erf)  }
0x6e1: {  	v59 =	vld [tilespmem:s3+$0xFFFFFF50];
	v17 =	vmul.f32 v58, v51  }
0x6e2: {  	v60 =	vld [tilespmem:$0x7970];
	[tilespmem:s9+$0xFFFFFFC0] =	vst v58;
	v61 =	vpop (erf)  }
0x6e3: {  	v62 =	vld [tilespmem:s26+$0xFFFFFFD0];
	[tilespmem:s26+$0xFFFFFFC0] =	vst v17;
	v22 =	vmul.f32 v61, v22  }
0x6e4: {  	v29 =	vld [tilespmem:s22+$0xFFFFFFD0];
	[tilespmem:s2+$0xFFFFFF90] =	vst v61  }
0x6e5: {  	v31 =	vadd.f32 v20, v57;
	v32 =	vld [tilespmem:s17+$0xFFFFFFA0];
	[tilespmem:s17+$0xFFFFFF90] =	vst v22  }
0x6e6: {  	v21 =	vadd.f32 v59, v28;
	v33 =	vld [tilespmem:s3+$0xFFFFFFA0]  }
0x6e7: {  	v17 =	vmax.f32 v31, $0.0e+00  }
0x6e8: {  	v21 =	vmax.f32 v21, $0.0e+00;
	v17 =	vadd.f32 $1.000000010e-07, v17  }
0x6e9: {  	v21 =	vadd.f32 $1.000000010e-07, v21;
	v34 =	vld [tilespmem:$0x7940];
	v19 =	vadd.f32 v29, v62  }
0x6ea: {  	v35 =	vld [tilespmem:$0x7970];
	v26 =	vmul.f32 v17, v60;
	v22 =	vadd.f32 v63, v56  }
0x6eb: {  	v18 =	vmul.f32 v21, v52;
	v36 =	vld [tilespmem:$0x7950];
	v19 =	vmax.f32 v19, $0.0e+00;
	v20 =	vadd.f32 v33, v32  }
0x6ec: {  	v26 =	vmul.f32 $1.442695020e+00, v26;
	v22 =	vmax.f32 v22, $0.0e+00;
	v19 =	vadd.f32 $1.000000010e-07, v19  }
0x6ed: {  	v37 =	vmul.f32 $1.442695020e+00, v18;
	v18 =	vadd.f32 $1.000000010e-07, v22;
	v20 =	vmax.f32 v20, $0.0e+00  }
0x6ee: {  	(erf) = vpow2.f32 v26;
	v38 =	vmul.f32 v19, v34;
	v39 =	vadd.f32 $1.000000010e-07, v20  }
0x6ef: {  	(erf) = vpow2.f32 v37;
	v40 =	vmul.f32 v18, v35  }
0x6f0: {  	v22 =	vmul.f32 $1.442695020e+00, v38;
	v41 =	vmul.f32 v39, v36  }
0x6f1: {  	v20 =	vmul.f32 $1.442695020e+00, v40  }
0x6f2: {  	(erf) = vpow2.f32 v22;
	v42 =	vmul.f32 $1.442695020e+00, v41  }
0x6f3: {  	(erf) = vpow2.f32 v20  }
0x6f4: {  	(erf) = vpow2.f32 v42;
	_ =	sdelay $0x2  }
0x6f5: {  	v43 =	vmul.f32 v49, v25;
	v20 =	vpop (erf)  }
0x6f6: {  	[tilespmem:s2+$0xFFFFFEF0] =	vst v49;
	v44 =	vpop (erf)  }
0x6f7: {  	v48 =	vld [tilespmem:s17+$0xFFFFFF00];
	[tilespmem:s17+$0xFFFFFEF0] =	vst v43;
	v21 =	vmul.f32 v44, v21  }
0x6f8: {  	v45 =	vld [tilespmem:s3+$0xFFFFFF00];
	[tilespmem:s2+$0xFFFFFF50] =	vst v44  }
0x6f9: {  	v46 =	vld [tilespmem:s17+$0xFFFFFF60];
	[tilespmem:s17+$0xFFFFFF50] =	vst v21;
	v47 =	vpop (erf)  }
0x6fa: {  	v50 =	vld [tilespmem:s3+$0xFFFFFF60];
	v49 =	vmul.f32 v47, v19;
	v19 =	vpop (erf)  }
0x6fb: {  	v52 =	vld [tilespmem:$0x7950];
	[tilespmem:s9+$0xFFFFFFD0] =	vst v47;
	v51 =	vpop (erf)  }
0x6fc: {  	v54 =	vld [tilespmem:s26+$0xFFFFFFE0];
	[tilespmem:s26+$0xFFFFFFD0] =	vst v49;
	v53 =	vmul.f32 v51, v39  }
0x6fd: {  	v55 =	vld [tilespmem:s22+$0xFFFFFFE0];
	[tilespmem:s2+$0xFFFFFFA0] =	vst v51  }
0x6fe: {  	v56 =	vld [tilespmem:s17+$0xFFFFFFB0];
	[tilespmem:s17+$0xFFFFFFA0] =	vst v53  }
0x6ff: {  	v22 =	vadd.f32 v50, v46;
	v57 =	vld [tilespmem:s3+$0xFFFFFFB0];
	_ =	sdelay $0x1  }
0x700: {  	v22 =	vmax.f32 v22, $0.0e+00  }
0x701: {  	v58 =	vld [tilespmem:$0x7950];
	v22 =	vadd.f32 $1.000000010e-07, v22;
	v24 =	vadd.f32 v55, v54  }
0x702: {  	v23 =	vadd.f32 v45, v48;
	v59 =	vld [tilespmem:$0x7970]  }
0x703: {  	v28 =	vmul.f32 v22, v52;
	v60 =	vld [tilespmem:$0x7960];
	v24 =	vmax.f32 v24, $0.0e+00;
	v27 =	vadd.f32 v57, v56  }
0x704: {  	v61 =	vmax.f32 v23, $0.0e+00;
	v62 =	vadd.f32 $1.000000010e-07, v24  }
0x705: {  	v21 =	vadd.f32 $1.000000010e-07, v61;
	v63 =	vmul.f32 $1.442695020e+00, v28;
	v27 =	vmax.f32 v27, $0.0e+00  }
0x706: {  	v26 =	vmul.f32 v62, v58;
	v27 =	vadd.f32 $1.000000010e-07, v27  }
0x707: {  	v28 =	vmul.f32 v21, v59;
	(erf) = vpow2.f32 v63  }
0x708: {  	v30 =	vmul.f32 $1.442695020e+00, v26;
	v31 =	vmul.f32 v27, v60  }
0x709: {  	v24 =	vmul.f32 $1.442695020e+00, v28  }
0x70a: {  	(erf) = vpow2.f32 v30;
	v32 =	vmul.f32 $1.442695020e+00, v31  }
0x70b: {  	(erf) = vpow2.f32 v24  }
0x70c: {  	(erf) = vpow2.f32 v32;
	_ =	sdelay $0x4  }
0x70d: {  	v33 =	vpop (erf)  }
0x70e: {  	v22 =	vmul.f32 v33, v22  }
0x70f: {  	[tilespmem:s2+$0xFFFFFF60] =	vst v33;
	v34 =	vpop (erf)  }
0x710: {  	v36 =	vld [tilespmem:s17+$0xFFFFFF70];
	[tilespmem:s17+$0xFFFFFF60] =	vst v22;
	v23 =	vmul.f32 v34, v62;
	v35 =	vpop (erf)  }
0x711: {  	v38 =	vld [tilespmem:s3+$0xFFFFFF70];
	[tilespmem:s9+$0xFFFFFFE0] =	vst v34;
	v37 =	vpop (erf)  }
0x712: {  	v40 =	vld [tilespmem:s26+$0xFFFFFFF0];
	[tilespmem:s26+$0xFFFFFFE0] =	vst v23;
	v39 =	vmul.f32 v37, v27  }
0x713: {  	v41 =	vld [tilespmem:s22+$0xFFFFFFF0];
	[tilespmem:s2+$0xFFFFFFB0] =	vst v37  }
0x714: {  	v42 =	vld [tilespmem:s17+$0xFFFFFFC0];
	[tilespmem:s17+$0xFFFFFFB0] =	vst v39  }
0x715: {  	v43 =	vld [tilespmem:s3+$0xFFFFFFC0];
	_ =	sdelay $0x1  }
0x716: {  	v44 =	vld [tilespmem:$0x7960];
	v25 =	vadd.f32 v38, v36  }
0x717: {  	v45 =	vld [tilespmem:$0x7960];
	v24 =	vadd.f32 v41, v40  }
0x718: {  	v25 =	vmax.f32 v25, $0.0e+00  }
0x719: {  	v25 =	vadd.f32 $1.000000010e-07, v25;
	v46 =	vld [tilespmem:$0x7970];
	v24 =	vmax.f32 v24, $0.0e+00;
	v23 =	vadd.f32 v43, v42  }
0x71a: {  	v24 =	vadd.f32 $1.000000010e-07, v24  }
0x71b: {  	v26 =	vmul.f32 v25, v44;
	v23 =	vmax.f32 v23, $0.0e+00  }
0x71c: {  	v27 =	vmul.f32 v24, v45;
	v23 =	vadd.f32 $1.000000010e-07, v23  }
0x71d: {  	v26 =	vmul.f32 $1.442695020e+00, v26  }
0x71e: {  	v27 =	vmul.f32 $1.442695020e+00, v27;
	v28 =	vmul.f32 v23, v46  }
0x71f: {  	(erf) = vpow2.f32 v26  }
0x720: {  	(erf) = vpow2.f32 v27;
	v47 =	vmul.f32 $1.442695020e+00, v28;
	_ =	sdelay $0x1  }
0x721: {  	(erf) = vpow2.f32 v47;
	_ =	sdelay $0x5  }
0x722: {  	v48 =	vpop (erf)  }
0x723: {  	v27 =	vpop (erf)  }
0x724: {  	v24 =	vmul.f32 v27, v24  }
0x725: {  	[tilespmem:s9+$0xFFFFFFF0] =	vst v27;
	v49 =	vpop (erf)  }
0x726: {  	v50 =	vld [tilespmem:s26+$0x0];
	[tilespmem:s26+$0xFFFFFFF0] =	vst v24;
	v23 =	vmul.f32 v49, v23  }
0x727: {  	v24 =	vld [tilespmem:s22+$0x0];
	[tilespmem:s2+$0xFFFFFFC0] =	vst v49  }
0x728: {  	v51 =	vld [tilespmem:s17+$0xFFFFFFD0];
	[tilespmem:s17+$0xFFFFFFC0] =	vst v23  }
0x729: {  	v52 =	vld [tilespmem:s3+$0xFFFFFFD0];
	_ =	sdelay $0x3  }
0x72a: {  	v53 =	vld [tilespmem:$0x7970];
	v24 =	vadd.f32 v24, v50  }
0x72b: {  	v54 =	vld [tilespmem:$0x7940];
	v23 =	vadd.f32 v52, v51  }
0x72c: {  	v24 =	vmax.f32 v24, $0.0e+00  }
0x72d: {  	v24 =	vadd.f32 $1.000000010e-07, v24;
	v23 =	vmax.f32 v23, $0.0e+00  }
0x72e: {  	v23 =	vadd.f32 $1.000000010e-07, v23  }
0x72f: {  	v27 =	vmul.f32 v24, v53  }
0x730: {  	v28 =	vmul.f32 v23, v54  }
0x731: {  	v27 =	vmul.f32 $1.442695020e+00, v27  }
0x732: {  	v28 =	vmul.f32 $1.442695020e+00, v28  }
0x733: {  	(erf) = vpow2.f32 v27  }
0x734: {  	(erf) = vpow2.f32 v28;
	_ =	sdelay $0x7  }
0x735: {  	v25 =	vmul.f32 v48, v25;
	v55 =	vpop (erf)  }
0x736: {  	[tilespmem:s2+$0xFFFFFF70] =	vst v48;
	v28 =	vpop (erf)  }
0x737: {  	v56 =	vld [tilespmem:s17+$0xFFFFFF80];
	[tilespmem:s17+$0xFFFFFF70] =	vst v25;
	v23 =	vmul.f32 v28, v23  }
0x738: {  	v25 =	vld [tilespmem:s3+$0xFFFFFF80];
	[tilespmem:s2+$0xFFFFFFD0] =	vst v28  }
0x739: {  	v57 =	vld [tilespmem:s17+$0xFFFFFFE0];
	[tilespmem:s17+$0xFFFFFFD0] =	vst v23  }
0x73a: {  	v28 =	vld [tilespmem:s3+$0xFFFFFFE0];
	_ =	sdelay $0x3  }
0x73b: {  	v58 =	vld [tilespmem:$0x7970];
	v25 =	vadd.f32 v25, v56  }
0x73c: {  	v59 =	vld [tilespmem:$0x7950];
	v23 =	vadd.f32 v28, v57  }
0x73d: {  	v25 =	vmax.f32 v25, $0.0e+00  }
0x73e: {  	v25 =	vadd.f32 $1.000000010e-07, v25;
	v23 =	vmax.f32 v23, $0.0e+00  }
0x73f: {  	v23 =	vadd.f32 $1.000000010e-07, v23  }
0x740: {  	v27 =	vmul.f32 v25, v58  }
0x741: {  	v28 =	vmul.f32 v23, v59  }
0x742: {  	v27 =	vmul.f32 $1.442695020e+00, v27  }
0x743: {  	v28 =	vmul.f32 $1.442695020e+00, v28  }
0x744: {  	(erf) = vpow2.f32 v27  }
0x745: {  	(erf) = vpow2.f32 v28;
	_ =	sdelay $0x7  }
0x746: {  	v27 =	vpop (erf)  }
0x747: {  	v28 =	vpop (erf)  }
0x748: {  	v23 =	vmul.f32 v28, v23  }
0x749: {  	[tilespmem:s2+$0xFFFFFFE0] =	vst v28  }
0x74a: {  	v60 =	vld [tilespmem:s17+$0xFFFFFFF0];
	[tilespmem:s17+$0xFFFFFFE0] =	vst v23  }
0x74b: {  	v28 =	vld [tilespmem:s3+$0xFFFFFFF0];
	_ =	sdelay $0x4  }
0x74c: {  	v61 =	vld [tilespmem:$0x7960];
	v23 =	vadd.f32 v28, v60;
	_ =	sdelay $0x1  }
0x74d: {  	v23 =	vmax.f32 v23, $0.0e+00  }
0x74e: {  	v23 =	vadd.f32 $1.000000010e-07, v23;
	_ =	sdelay $0x1  }
0x74f: {  	v28 =	vmul.f32 v23, v61;
	_ =	sdelay $0x1  }
0x750: {  	v28 =	vmul.f32 $1.442695020e+00, v28;
	_ =	sdelay $0x1  }
0x751: {  	(erf) = vpow2.f32 v28;
	_ =	sdelay $0x8  }
0x752: {  	v28 =	vpop (erf)  }
0x753: {  	[tilespmem:s25+$0x0] =	vst v3;
	v23 =	vmul.f32 v28, v23  }
0x754: {  	v1 =	vmul.f32 v3, v1;
	[tilespmem:s2+$0xFFFFFFF0] =	vst v28  }
0x755: {  	v28 =	vld [tilespmem:s17+$0x0];
	[tilespmem:s17+$0xFFFFFFF0] =	vst v23  }
0x756: {  	[tilespmem:s23+$0x0] =	vst v1;
	v1 =	vmul.f32 v4, v2;
	v23 =	vld [tilespmem:s3+$0x0]  }
0x757: {  	[tilespmem:s14+$0xFFFFFF80] =	vst v4  }
0x758: {  	[tilespmem:s19+$0xFFFFFF80] =	vst v1  }
0x759: {  	[tilespmem:s0+$0xFFFFFF00] =	vst v8;
	v2 =	vmul.f32 v10, v9  }
0x75a: {  	[tilespmem:s14+$0x0] =	vst v10  }
0x75b: {  	[tilespmem:s19+$0x0] =	vst v2;
	v2 =	vmul.f32 v8, v6;
	v3 =	vld [tilespmem:$0x7970];
	v1 =	vadd.f32 v23, v28  }
0x75c: {  	[tilespmem:s9+$0xFFFFFE80] =	vst v7  }
0x75d: {  	[tilespmem:s30+$0xFFFFFF00] =	vst v2;
	v1 =	vmax.f32 v1, $0.0e+00  }
0x75e: {  	[tilespmem:s0+$0xFFFFFF80] =	vst v12;
	v1 =	vadd.f32 $1.000000010e-07, v1  }
0x75f: {  	[tilespmem:s9+$0xFFFFFF00] =	vst v16  }
0x760: {  	[tilespmem:s2+$0xFFFFFE80] =	vst v15;
	v2 =	vmul.f32 v20, v17;
	v3 =	vmul.f32 v1, v3  }
0x761: {  	[tilespmem:s0+$0x0] =	vst v20  }
0x762: {  	[tilespmem:s30+$0x0] =	vst v2;
	v2 =	vmul.f32 $1.442695020e+00, v3  }
0x763: {  	[tilespmem:s9+$0xFFFFFF80] =	vst v19;
	v62 =	vmul.f32 v12, v11  }
0x764: {  	[tilespmem:s2+$0xFFFFFF00] =	vst v35;
	v63 =	vmul.f32 v35, v21;
	(erf) = vpow2.f32 v2  }
0x765: {  	[tilespmem:s30+$0xFFFFFF80] =	vst v62  }
0x766: {  	[tilespmem:s17+$0xFFFFFF00] =	vst v63;
	v2 =	vmul.f32 v7, v5  }
0x767: {  	[tilespmem:s9+$0x0] =	vst v55;
	v3 =	vmul.f32 v16, v14  }
0x768: {  	[tilespmem:s26+$0xFFFFFE80] =	vst v2;
	v2 =	vmul.f32 v19, v18  }
0x769: {  	[tilespmem:s26+$0xFFFFFF00] =	vst v3;
	v3 =	vmul.f32 v55, v24  }
0x76a: {  	[tilespmem:s26+$0xFFFFFF80] =	vst v2;
	v2 =	vmul.f32 v15, v13  }
0x76b: {  	[tilespmem:s2+$0xFFFFFF80] =	vst v27  }
0x76c: {  	[tilespmem:s17+$0xFFFFFE80] =	vst v2;
	v2 =	vmul.f32 v27, v25  }
0x76d: {  	[tilespmem:s26+$0x0] =	vst v3;
	v3 =	vpop (erf)  }
0x76e: {  	[tilespmem:s17+$0xFFFFFF80] =	vst v2;
	v1 =	vmul.f32 v3, v1  }
0x76f: {  	[tilespmem:s2+$0x0] =	vst v3  }
0x770: {  	s20 =	rddreg [dreg:$0x3];
	s14 =	simm.s32 $0x1540;
	s22 =	simm.s32 $0xF0;
	[tilespmem:s17+$0x0] =	vst v1  }
0x771: {  	[spmem:s20] =	stream.indirect.scatter.add.f32 [tilespmem:s14], [sflag:$0x5], $0x40, s22, s15, $0xb8;
	[tilespmem:$0x1F080] =	vst v63  }
0x772: {  	_ =	swait.ge [sflag:s11], $0x1400  }
0x773: {  	[sflag:s11] =	ssyncset.done $0x0  }
0x774: {  	s23 =	smin.u32 s31, $0xF6;
	[sflag:s11] =	ssyncadd.s32 $0xFFFFEC00  }
0x775: {  	s0 =	smul.u32 $0x50, s23;
	s26 =	simm.s32 $0x6540;
	s25 =	rddreg [dreg:$0x4]  }
0x776: {  	[spmem:s25] =	stream.indirect.scatter.add.f32 [tilespmem:s26], [sflag:$0x5], $0x40, s22, s15, $0xb8;
	[tilespmem:$0x1F080] =	vst v63  }
0x777: {  	s30 =	rddreg [dreg:$0x1f];
	_ =	swait.ge [sflag:s11], $0x1400  }
0x778: {  	s29 =	sadd.s32 $0x1, s29;
	s0 =	sadd.s32 s0, s30;
	s31 =	rddreg [dreg:$0xe]  }
0x779: {  	p0 =	sne.s32 s29, $0x7D;
	s1 =	sadd.s32 s31, s0  }
.Ltmp3:
0x77a: {  	[sflag:s11] =	ssyncset.done $0x0;
	s1 =	sshrl.u32 s1, $0x3;
	(pc) =	sbr.rel @p0 .LBB2_4-.Ltmp3, $4  }
0x77b: {  	[sflag:s11] =	ssyncadd.s32 $0xFFFFEC00;
	s0 =	sshrl.u32 s0, $0x3;
	s1 =	sadd.s32 s18, s1  }
0x77c: {  	[tilespmem:s15], [sflag:$0x4] =	stream.linear.gather [hbm4b:s1+s4], $0x50, $0x38;
	[tilespmem:$0x1F080] =	vst v63  }
0x77d: {  	s12 =	simm.s32 $0xF0;
	s7 =	smov.u32 s8;
	s0 =	sadd.s32 s16, s0  }
0x77e: {  	[tilespmem:s22], [sflag:$0x4] =	stream.linear.gather [hbm4b:s0+s4], $0x50, $0x38;
	[tilespmem:$0x1F080] =	vst v63  }
0x77f: {  	_ =	swait.ge [sflag:s24], $0x1400  }
0x780: {  	[sflag:s24] =	ssyncset.done $0x0  }
0x781: {  	[sflag:s24] =	ssyncadd.s32 $0xFFFFEC00  }
0x782: {  	_ =	swait.ge [sflag:s24], $0x1400  }
0x783: {  	[sflag:s24] =	ssyncset.done $0x0  }
0x784: {  	[sflag:s24] =	ssyncadd.s32 $0xFFFFEC00  }
0x785: {  	_ =	swait.ge [sflag:s21], $0x50  }
0x786: {  	[sflag:s21] =	ssyncset.done $0x0  }
0x787: {  	[sflag:s21] =	ssyncadd.s32 $0xFFFFFFB0  }
0x788: {  	_ =	swait.ge [sflag:s21], $0x50  }
0x789: {  	[sflag:s21] =	ssyncset.done $0x0  }
0x78a: {  	[sflag:s21] =	ssyncadd.s32 $0xFFFFFFB0  }
0x78b: {  	s0 =	simm.s32 $0x0;
	[bflag:$0x0] =	sbarrier.arrive $0xFFFF  }
0x78c: {  	s10 =	simm.s32 $0x7980;
	s17 =	simm.s32 $0x98C0;
	s8 =	rddreg [dreg:$0x1b]  }
0x78d: {  	s19 =	simm.s32 $0x40;
	s20 =	simm.s32 $0x80;
	s9 =	rddreg [dreg:$0x1d]  }
.LBB2_10:
0x78e: {  	s1 =	smul.u32 $0x7D, s0;
	_ =	sdelay $0x1  }
0x78f: {  	s1 =	sadd.s32 s9, s1  }
0x790: {  	s3 =	rddreg [dreg:$0x3];
	s2 =	sshll.u32 s1, $0x6  }
0x791: {  	s3 =	sadd.s32 s2, s3  }
0x792: {  	[tilespmem:s10], [sflag:$0x5] =	stream.linear.gather [spmem:s3], $0x1F40, $0x38;
	[tilespmem:$0x1F080] =	vst v63  }
0x793: {  	_ =	swait.ge [sflag:s11], $0x1F40  }
0x794: {  	[sflag:s11] =	ssyncset.done $0x0  }
0x795: {  	[sflag:s11] =	ssyncadd.s32 $0xFFFFE0C0  }
0x796: {  	s31 =	rddreg [dreg:$0x4]  }
0x797: {  	s2 =	sadd.s32 s2, s31  }
0x798: {  	[tilespmem:s17], [sflag:$0x5] =	stream.linear.gather [spmem:s2], $0x1F40, $0x38;
	[tilespmem:$0x1F080] =	vst v63  }
0x799: {  	_ =	swait.ge [sflag:s11], $0x1F40  }
0x79a: {  	[sflag:s11] =	ssyncset.done $0x0  }
0x79b: {  	s5 =	simm.s32 $0x0;
	[sflag:s11] =	ssyncadd.s32 $0xFFFFE0C0  }
0x79c: {  	v1 =	vld [tilespmem:s5+$0x98C0]  }
0x79d: {  	v2 =	vld [tilespmem:s5+$0x98D0]  }
0x79e: {  	v3 =	vld [tilespmem:s5+$0x98E0];
	_ =	sdelay $0x1  }
0x79f: {  	v4 =	vld [tilespmem:s5+$0x98F0]  }
0x7a0: {  	v1 =	vadd.f32 $1.000000020e-16, v1  }
0x7a1: {  	s2 =	simm.s32 $0x40;
	v2 =	vadd.f32 $1.000000020e-16, v2  }
0x7a2: {  	v3 =	vadd.f32 $1.000000020e-16, v3;
	(erf) = vrcp.f32 v1;
	v1 =	vld [tilespmem:s2+$0x98C0]  }
0x7a3: {  	(erf) = vrcp.f32 v2;
	v2 =	vld [tilespmem:s2+$0x98D0]  }
0x7a4: {  	v4 =	vadd.f32 $1.000000020e-16, v4;
	(erf) = vrcp.f32 v3;
	v3 =	vld [tilespmem:s2+$0x98E0];
	_ =	sdelay $0x1  }
0x7a5: {  	v5 =	vld [tilespmem:s2+$0x98F0];
	(erf) = vrcp.f32 v4;
	_ =	sdelay $0x1  }
0x7a6: {  	v6 =	vld [tilespmem:s5+$0x7980];
	v7 =	vadd.f32 $1.000000020e-16, v1;
	v4 =	vadd.f32 $1.000000020e-16, v2  }
0x7a7: {  	v8 =	vld [tilespmem:s5+$0x7990];
	v9 =	vadd.f32 $1.000000020e-16, v3  }
0x7a8: {  	v1 =	vld [tilespmem:s5+$0x79A0];
	(erf) = vrcp.f32 v7  }
0x7a9: {  	s3 =	simm.s32 $0x80;
	v3 =	vld [tilespmem:s5+$0x79B0];
	v7 =	vadd.f32 $1.000000020e-16, v5;
	(erf) = vrcp.f32 v4  }
0x7aa: {  	v2 =	vld [tilespmem:s3+$0x98C0];
	v4 =	vpop (erf);
	(erf) = vrcp.f32 v9  }
0x7ab: {  	v5 =	vld [tilespmem:s3+$0x98D0];
	v6 =	vmul.f32 v4, v6;
	v9 =	vpop (erf);
	(erf) = vrcp.f32 v7  }
0x7ac: {  	s6 =	simm.s32 $0x300;
	v4 =	vld [tilespmem:s3+$0x98E0];
	v7 =	vmul.f32 v9, v8;
	v8 =	vpop (erf)  }
.LBB2_11:
0x7ad: {  	p0 =	sne.s32 s6, $0x7C00;
	v9 =	vld [tilespmem:s3+$0x98F0];
	[tilespmem:s5+$0x7980] =	vst v6;
	v1 =	vmul.f32 v8, v1;
	v6 =	vpop (erf)  }
0x7ae: {  	v8 =	vld [tilespmem:s2+$0x7980];
	[tilespmem:s5+$0x7990] =	vst v7;
	v3 =	vmul.f32 v6, v3  }
0x7af: {  	v2 =	vadd.f32 $1.000000020e-16, v2;
	v7 =	vld [tilespmem:s2+$0x7990];
	[tilespmem:s5+$0x79A0] =	vst v1  }
.Ltmp4:
0x7b0: {  	v5 =	vadd.f32 $1.000000020e-16, v5;
	v1 =	vld [tilespmem:s2+$0x79A0];
	[tilespmem:s5+$0x79B0] =	vst v3;
	s5 =	smov.u32 s2;
	s2 =	smov.u32 s3;
	(pc) =	sbr.rel @p0 .LBB2_11-.Ltmp4, $4  }
0x7b1: {  	s3 =	sshra.s32 s6, $0x2;
	v4 =	vadd.f32 $1.000000020e-16, v4;
	(erf) = vrcp.f32 v2;
	v3 =	vld [tilespmem:s5+$0x79B0]  }
0x7b2: {  	v2 =	vld [tilespmem:s3+$0x98C0];
	v9 =	vadd.f32 $1.000000020e-16, v9;
	(erf) = vrcp.f32 v5;
	v6 =	vpop (erf)  }
0x7b3: {  	v5 =	vld [tilespmem:s3+$0x98D0];
	(erf) = vrcp.f32 v4;
	v6 =	vmul.f32 v6, v8;
	v8 =	vpop (erf)  }
0x7b4: {  	s6 =	sadd.s32 $0x100, s6;
	v4 =	vld [tilespmem:s3+$0x98E0];
	(erf) = vrcp.f32 v9;
	v7 =	vmul.f32 v8, v7;
	v8 =	vpop (erf)  }
0x7b5: {  	v9 =	vld [tilespmem:s3+$0x98F0];
	[tilespmem:s5+$0x7980] =	vst v6  }
0x7b6: {  	v1 =	vmul.f32 v8, v1;
	v6 =	vld [tilespmem:s2+$0x7980]  }
0x7b7: {  	[tilespmem:s5+$0x7990] =	vst v7  }
0x7b8: {  	v55 =	vpop (erf);
	v56 =	vld [tilespmem:s2+$0x7990];
	[tilespmem:s5+$0x79A0] =	vst v1;
	v1 =	vadd.f32 $1.000000020e-16, v2  }
0x7b9: {  	v3 =	vmul.f32 v55, v3  }
0x7ba: {  	(erf) = vrcp.f32 v1;
	v57 =	vpop (erf)  }
0x7bb: {  	v2 =	vld [tilespmem:s2+$0x79A0];
	v5 =	vadd.f32 $1.000000020e-16, v5;
	[tilespmem:s5+$0x79B0] =	vst v3;
	v3 =	vmul.f32 v57, v6  }
0x7bc: {  	v4 =	vadd.f32 $1.000000020e-16, v4;
	v1 =	vld [tilespmem:s2+$0x79B0]  }
0x7bd: {  	v59 =	vadd.f32 $1.000000020e-16, v9;
	(erf) = vrcp.f32 v5  }
0x7be: {  	v58 =	vpop (erf);
	(erf) = vrcp.f32 v4;
	[tilespmem:s2+$0x7980] =	vst v3  }
0x7bf: {  	v60 =	vmul.f32 v58, v56;
	v61 =	vld [tilespmem:s3+$0x7980];
	v3 =	vpop (erf);
	(erf) = vrcp.f32 v59  }
0x7c0: {  	v2 =	vmul.f32 v3, v2;
	v3 =	vpop (erf)  }
0x7c1: {  	[tilespmem:s2+$0x7990] =	vst v60;
	v1 =	vmul.f32 v3, v1  }
0x7c2: {  	v5 =	vld [tilespmem:s3+$0x7990];
	[tilespmem:s2+$0x79A0] =	vst v2  }
0x7c3: {  	v3 =	vpop (erf);
	v2 =	vld [tilespmem:s3+$0x79A0];
	[tilespmem:s2+$0x79B0] =	vst v1  }
0x7c4: {  	v3 =	vmul.f32 v3, v61;
	v1 =	vld [tilespmem:s3+$0x79B0];
	_ =	sdelay $0x1  }
0x7c5: {  	v62 =	vpop (erf)  }
0x7c6: {  	v4 =	vmul.f32 v62, v5;
	v63 =	vpop (erf)  }
0x7c7: {  	[tilespmem:s3+$0x7980] =	vst v3;
	v2 =	vmul.f32 v63, v2;
	v3 =	vpop (erf)  }
0x7c8: {  	s0 =	sadd.s32 $0x1, s0;
	[tilespmem:s3+$0x7990] =	vst v4;
	v1 =	vmul.f32 v3, v1  }
0x7c9: {  	s1 =	sshll.u32 s1, $0x4;
	p0 =	sne.s32 s0, $0x5;
	[tilespmem:s3+$0x79A0] =	vst v2  }
.Ltmp5:
0x7ca: {  	s1 =	sadd.s32 s1, s8;
	[tilespmem:s3+$0x79B0] =	vst v1;
	(pc) =	sbr.rel @p0 .LBB2_10-.Ltmp5, $4  }
0x7cb: {  	[hbm4b:s1+s19] =	stream.strided.scatter [tilespmem:s10], [sflag:$0x5], $0x1F40, s20, s19, $0x38;
	[tilespmem:$0x1F080] =	vst v63  }
0x7cc: {  	_ =	swait.ge [sflag:s11], $0x1F40  }
0x7cd: {  	[sflag:s11] =	ssyncset.done $0x0  }
0x7ce: {  	[sflag:s11] =	ssyncadd.s32 $0xFFFFE0C0  }
0x7cf: {  	s1 =	sld [smem:$0x7FD];
	_ =	sdelay $0x2  }
0x7d0: {  	s0 =	rddreg [dreg:$0x1c];
	s1 =	sadd.s32 $0x1, s1  }
0x7d1: {  	p0 =	sne.s32 s1, s0  }
.Ltmp6:
0x7d2: {  	_ = 	snop;
	(pc) =	sbr.rel @p0 .LBB2_1-.Ltmp6, $1  }
0x7d3: {  	_ =	sdelay $0x3  }
0x7d4: {  	_ =	sfence.sel $0x180000  }
0x7d5: {  	[bflag:$0x0] =	sbarrier.arrive $0xFFFF  }
0x7d6: {  	_ =	strace $0x90000047  }
0x7d7: {  	s0 =	stileid.u32;
	[bflag:$0x2] =	sbarrier.arrive $0xFFFF  }
0x7d8: {  	p0 =	sne.s32 s0, $0x0;
	s0 =	rddreg [dreg:$0x5]  }
0x7d9: {  	s0 =	sadd.s32 @!p0 $0x100000, s0  }
0x7da: {  	[sflag:s0] =	ssyncadd.tile.s32 @!p0 $0x1;
	_ =	shalt  }
.Lfunc_end2:
_tile_overlayer_lowered:
.L_overlay_start_2:
0x7db: {  	(tag) =	ssettag $0x2  }
0x7dc: {  	s0 =	rddreg [dreg:$0x0];
	s2 =	stileid.u32  }
0x7dd: {  	s1 =	rddreg [dreg:$0x1];
	p0 =	sne.s32 s2, $0x0  }
0x7de: {  	s3 =	rddreg [dreg:$0x2];
	[bflag:$0x3] =	sbarrier.arrive $0xFFFF;
	s2 =	simm.s32 @!p0 $0x1C05  }
0x7df: {  	[timem:s3], [sflag:s2] =	dma.local @!p0 [hbm:s0], s1  }
0x7e0: {  	s0 =	simm.s32 @!p0 $0x5  }
0x7e1: {  	_ =	swait.ge @!p0 [sflag:s0], s1  }
0x7e2: {  	s1 =	ssub.s32 @!p0 $0x0, s1;
	[sflag:s0] =	ssyncset.done @!p0 $0x0  }
0x7e3: {  	[sflag:s0] =	ssyncadd.s32 @!p0 s1  }
0x7e4: {  	[bflag:$0x3] =	sbarrier.arrive $0xFFFF  }
0x7e5: {  	_ =	shalt  }

</sc_bundles>
